<compile_context>
chip_gen: v7x
topology: tpu7x:2x2x1
jax: 0.10.2.dev20260603
libtpu: 0.0.44.dev20260713+nightly
codegen_flags: <defaults>
</compile_context>

<pallas_src>
import jax
import jax.numpy as jnp
from jax import lax
from jax.experimental import pallas as pl
from jax.experimental.pallas import tpu as pltpu
from jax.experimental.pallas import tpu_sc as plsc

N_NODES = 10000
N_EDGES = 320000
D_FEAT = 128
DEG_W = 8
NC, NS = 2, 16
NW = NC * NS
CHUNK = 128
N_CHUNKS = N_EDGES // CHUNK
CH_PER_TILE = N_CHUNKS // NW
N_TAIL = N_CHUNKS - CH_PER_TILE * NW
SEC_CHUNKS = 6
N_SEC = CH_PER_TILE // SEC_CHUNKS
ROWS_PER_TILE = N_NODES // NS


def _sc_body(x_hbm, ei_hbm, zeros_hbm, zerod_hbm, ones_hbm,
             out_hbm, deg_hbm,
             isec0, isec1, rows0_v, rows1_v, ones_v,
             acc_sh, deg_sh, isem0, isem1, gsem0, gsem1, osem):
    c = lax.axis_index("c")
    s = lax.axis_index("s")
    wid = c * NS + s
    base = wid * CH_PER_TILE

    isecs, isems = (isec0, isec1), (isem0, isem1)
    bufs, gsems = (rows0_v, rows1_v), (gsem0, gsem1)

    pltpu.async_copy(ei_hbm.at[pl.ds(base, SEC_CHUNKS)], isec0, isem0)
    pltpu.sync_copy(ones_hbm, ones_v)
    row0 = pl.multiple_of(s * ROWS_PER_TILE, 8)
    pltpu.sync_copy(zeros_hbm, acc_sh.at[pl.ds(row0, ROWS_PER_TILE)])
    pltpu.sync_copy(zerod_hbm, deg_sh.at[pl.ds(row0, ROWS_PER_TILE)])
    plsc.subcore_barrier()

    pltpu.make_async_copy(ei_hbm.at[pl.ds(base, SEC_CHUNKS)],
                          isec0, isem0).wait()
    pltpu.async_copy(x_hbm.at[isec0.at[0, 0]], rows0_v, gsem0)
    pltpu.async_copy(x_hbm.at[isec0.at[1, 0]], rows1_v, gsem1)

    for sec in range(N_SEC):
        ib = isecs[sec % 2]
        nb = (sec + 1) % 2
        if sec + 1 < N_SEC:
            pltpu.async_copy(
                ei_hbm.at[pl.ds(base + (sec + 1) * SEC_CHUNKS, SEC_CHUNKS)],
                isecs[nb], isems[nb])

        def body(j, carry):
            for b in (0, 1):
                k = 2 * j + b
                pltpu.make_async_copy(x_hbm.at[ib.at[k, 0]],
                                      bufs[b], gsems[b]).wait()
                pltpu.sync_copy(bufs[b], acc_sh.at[ib.at[k, 1]], add=True)
                pltpu.async_copy(x_hbm.at[ib.at[k + 2, 0]], bufs[b], gsems[b])
                pltpu.sync_copy(ones_v, deg_sh.at[ib.at[k, 1]], add=True)
            return carry

        lax.fori_loop(0, SEC_CHUNKS // 2 - 1, body, 0)

        for b in (0, 1):
            k = SEC_CHUNKS - 2 + b
            pltpu.make_async_copy(x_hbm.at[ib.at[k, 0]],
                                  bufs[b], gsems[b]).wait()
            pltpu.sync_copy(bufs[b], acc_sh.at[ib.at[k, 1]], add=True)
            if sec + 1 < N_SEC:
                if b == 0:
                    pltpu.make_async_copy(
                        ei_hbm.at[pl.ds(base + (sec + 1) * SEC_CHUNKS,
                                        SEC_CHUNKS)],
                        isecs[nb], isems[nb]).wait()
                pltpu.async_copy(x_hbm.at[isecs[nb].at[b, 0]],
                                 bufs[b], gsems[b])
            pltpu.sync_copy(ones_v, deg_sh.at[ib.at[k, 1]], add=True)

    pltpu.sync_copy(ei_hbm.at[pl.ds(NW * CH_PER_TILE, N_TAIL)],
                    isec0.at[pl.ds(0, N_TAIL)])
    cxl = wid // 8
    off = pl.multiple_of((wid % 8) * 16, 8)
    pltpu.async_copy(x_hbm.at[isec0.at[cxl, 0, pl.ds(off, 16)]],
                     rows0_v.at[pl.ds(0, 16)], gsem0).wait()
    pltpu.sync_copy(rows0_v.at[pl.ds(0, 16)],
                    acc_sh.at[isec0.at[cxl, 1, pl.ds(off, 16)]], add=True)
    pltpu.sync_copy(ones_v.at[pl.ds(0, 16)],
                    deg_sh.at[isec0.at[cxl, 1, pl.ds(off, 16)]], add=True)

    plsc.subcore_barrier()

    orow = pl.multiple_of(c * N_NODES + s * ROWS_PER_TILE, 8)
    pltpu.sync_copy(acc_sh.at[pl.ds(row0, ROWS_PER_TILE)],
                    out_hbm.at[pl.ds(orow, ROWS_PER_TILE)])
    ocol = pl.multiple_of(c * DEG_W, 8)
    pltpu.sync_copy(deg_sh.at[pl.ds(row0, ROWS_PER_TILE)],
                    deg_hbm.at[pl.ds(row0, ROWS_PER_TILE), pl.ds(ocol, DEG_W)])


_sc_call = pl.kernel(
    _sc_body,
    out_type=(
        jax.ShapeDtypeStruct((2 * N_NODES, D_FEAT), jnp.float32),
        jax.ShapeDtypeStruct((N_NODES, D_FEAT), jnp.float32),
    ),
    mesh=plsc.VectorSubcoreMesh(core_axis_name="c", subcore_axis_name="s"),
    compiler_params=pltpu.CompilerParams(use_tc_tiling_on_sc=False),
    scratch_types=(
        pltpu.VMEM((SEC_CHUNKS, 2, CHUNK), jnp.int32),
        pltpu.VMEM((SEC_CHUNKS, 2, CHUNK), jnp.int32),
        pltpu.VMEM((CHUNK, D_FEAT), jnp.float32),
        pltpu.VMEM((CHUNK, D_FEAT), jnp.float32),
        pltpu.VMEM((CHUNK, DEG_W), jnp.float32),
        pltpu.VMEM_SHARED((N_NODES, D_FEAT), jnp.float32),
        pltpu.VMEM_SHARED((N_NODES, DEG_W), jnp.float32),
        pltpu.SemaphoreType.DMA,
        pltpu.SemaphoreType.DMA,
        pltpu.SemaphoreType.DMA,
        pltpu.SemaphoreType.DMA,
        pltpu.SemaphoreType.DMA,
    ),
)


_BLK = 2000


def _combine_body(a_ref, b_ref, dd_ref, o_ref):
    s = a_ref[...] + b_ref[...]
    d = dd_ref[:, :1] + dd_ref[:, DEG_W:DEG_W + 1]
    o_ref[...] = s / jnp.maximum(d, 1e-8)


_SHIFT = N_NODES // _BLK

_combine = pl.pallas_call(
    _combine_body,
    grid=(N_NODES // _BLK,),
    in_specs=[
        pl.BlockSpec((_BLK, D_FEAT), lambda i: (i, 0)),
        pl.BlockSpec((_BLK, D_FEAT), lambda i: (i + _SHIFT, 0)),
        pl.BlockSpec((_BLK, D_FEAT), lambda i: (i, 0)),
    ],
    out_specs=pl.BlockSpec((_BLK, D_FEAT), lambda i: (i, 0)),
    out_shape=jax.ShapeDtypeStruct((N_NODES, D_FEAT), jnp.float32),
)


import numpy as _np

_ZEROS = _np.zeros((ROWS_PER_TILE, D_FEAT), _np.float32)
_ZEROD = _np.zeros((ROWS_PER_TILE, DEG_W), _np.float32)
_ONES = _np.ones((CHUNK, DEG_W), _np.float32)


@jax.jit
def kernel(x, edge_index):
    ei = jnp.transpose(
        edge_index.astype(jnp.int32).reshape(2, N_CHUNKS, CHUNK), (1, 0, 2))
    p, d = _sc_call(x, ei, _ZEROS, _ZEROD, _ONES)
    return _combine(p, p, d)

# --- scband reference (transcript-rebuilt; emitter-appended) ---
"""Pipeline reference for scband-message-passing-15040975470795 (READ-ONLY COPY).

The authoritative reference and input builder live on the scoring server;
editing this copy changes nothing except your own understanding.
"""

import jax, jax.numpy as jnp
import numpy as np

N_NODES = 10000
N_EDGES = 320000
D_FEAT = 128


def setup_inputs(seed: int = 0) -> dict:
    key = jax.random.key(seed)
    k1, k2 = jax.random.split(key)
    x = jax.random.normal(k1, (N_NODES, D_FEAT), dtype=jnp.float32)
    edge_index = jax.random.randint(k2, (2, N_EDGES), 0, N_NODES, dtype=jnp.int32)
    return {"x": x, "edge_index": edge_index}


def reference(x, edge_index):
    # MessagePassing.propagate with default message (x_j) and 'mean' aggregator.
    # Convention: edge_index[0] = source j, edge_index[1] = target i.
    src = edge_index[0]
    dst = edge_index[1].astype(jnp.int32)
    num_nodes = x.shape[0]
    # message: gather source node features per edge
    messages = jnp.take(x, src, axis=0)  # [E, F]
    # aggregate (mean): segment_sum of messages / segment_sum of ones, with epsilon clamp
    ones = jnp.ones((messages.shape[0], 1), dtype=messages.dtype)
    degree = jax.ops.segment_sum(ones, dst, num_segments=num_nodes)
    aggregated_sum = jax.ops.segment_sum(messages, dst, num_segments=num_nodes)
    degree = jnp.maximum(degree, jnp.asarray(1e-08, dtype=degree.dtype))
    aggregated_mean = aggregated_sum / degree
    # update: identity
    return aggregated_mean

if __name__ == "__main__":
    import jax
    _d = setup_inputs()
    print(jax.jit(kernel)(*tuple(_d.values())))

</pallas_src>

<mosaic_0001>
#map = affine_map<(d0, d1) -> (0, 0)>
#map1 = affine_map<(d0, d1) -> (0, 0, 0)>
module attributes {stable_mosaic.version = 14 : i64} {
  func.func @_sc_body(%arg0: i32, %arg1: i32, %arg2: memref<10000x128xf32, #tpu.memory_space<hbm>>, %arg3: memref<2500x2x128xi32, #tpu.memory_space<hbm>>, %arg4: memref<625x128xf32, #tpu.memory_space<hbm>>, %arg5: memref<625x8xf32, #tpu.memory_space<hbm>>, %arg6: memref<128x8xf32, #tpu.memory_space<hbm>>, %arg7: memref<20000x128xf32, #tpu.memory_space<hbm>>, %arg8: memref<10000x128xf32, #tpu.memory_space<hbm>>, %arg9: memref<6x2x128xi32, #tpu.memory_space<vmem>>, %arg10: memref<6x2x128xi32, #tpu.memory_space<vmem>>, %arg11: memref<128x128xf32, #tpu.memory_space<vmem>>, %arg12: memref<128x128xf32, #tpu.memory_space<vmem>>, %arg13: memref<128x8xf32, #tpu.memory_space<vmem>>, %arg14: memref<10000x128xf32, #tpu.memory_space<vmem_shared>>, %arg15: memref<10000x8xf32, #tpu.memory_space<vmem_shared>>, %arg16: memref<!tpu.dma_semaphore, #tpu.memory_space<semaphore_mem>>, %arg17: memref<!tpu.dma_semaphore, #tpu.memory_space<semaphore_mem>>, %arg18: memref<!tpu.dma_semaphore, #tpu.memory_space<semaphore_mem>>, %arg19: memref<!tpu.dma_semaphore, #tpu.memory_space<semaphore_mem>>, %arg20: memref<!tpu.dma_semaphore, #tpu.memory_space<semaphore_mem>>) attributes {dimension_semantics = [#tpu.dimension_semantics<core_parallel>, #tpu.dimension_semantics<subcore_parallel>], iteration_bounds = array<i64: 2, 16>, scalar_prefetch = 0 : i64, scratch_operands = 12 : i64, tpu.core_type = #tpu.core_type<sc_vector_subcore>, window_params = [{transform_indices = #map}, {transform_indices = #map1}, {transform_indices = #map}, {transform_indices = #map}, {transform_indices = #map}, {transform_indices = #map}, {transform_indices = #map}]} {
    %mul3A = arith.constant 16 : i32
    %mul3A_0 = arith.muli %arg0, %mul3A : i32
    %add3A = arith.addi %mul3A_0, %arg1 : i32
    %mul3A_1 = arith.constant 78 : i32
    %mul3A_2 = arith.muli %add3A, %mul3A_1 : i32
    %dma_start3A = arith.constant 0 : i32
    %dma_start3A_3 = arith.constant 0 : i32
    %dma_start3A_4 = tpu.memref_slice %arg3[%mul3A_2, %dma_start3A, %dma_start3A_3] : memref<2500x2x128xi32, #tpu.memory_space<hbm>> -> memref<6x2x128xi32, #tpu.memory_space<hbm>>
    %dma_start3A_5 = arith.constant 0 : i32
    %dma_start3A_6 = arith.constant 0 : i32
    %dma_start3A_7 = tpu.memref_slice %arg3[%mul3A_2, %dma_start3A_5, %dma_start3A_6] : memref<2500x2x128xi32, #tpu.memory_space<hbm>> -> memref<6x2x128xi32, #tpu.memory_space<hbm>>
    tpu.enqueue_dma source(%dma_start3A_7 : memref<6x2x128xi32, #tpu.memory_space<hbm>>) target(%arg9 : memref<6x2x128xi32, #tpu.memory_space<vmem>>) target_semaphore(%arg16 : memref<!tpu.dma_semaphore, #tpu.memory_space<semaphore_mem>>)
    "tpu.region"() ({
      %run_scoped3A_866 = tpu.sem_alloc : memref<!tpu.dma_semaphore, #tpu.memory_space<semaphore_mem>>
      tpu.enqueue_dma source(%arg6 : memref<128x8xf32, #tpu.memory_space<hbm>>) target(%arg13 : memref<128x8xf32, #tpu.memory_space<vmem>>) target_semaphore(%run_scoped3A_866 : memref<!tpu.dma_semaphore, #tpu.memory_space<semaphore_mem>>)
      tpu.wait_dma2 semaphore(%run_scoped3A_866 : memref<!tpu.dma_semaphore, #tpu.memory_space<semaphore_mem>>) src(%arg6 : memref<128x8xf32, #tpu.memory_space<hbm>>) dst(%arg13 : memref<128x8xf32, #tpu.memory_space<vmem>>)
      tpu.yield
    }) : () -> ()
    %mul3A_8 = arith.constant 625 : i32
    %mul3A_9 = arith.muli %arg1, %mul3A_8 : i32
    %multiple_of3A = tpu.assume_multiple %mul3A_9, 8 : i32
    "tpu.region"() ({
      %run_scoped3A_866 = tpu.sem_alloc : memref<!tpu.dma_semaphore, #tpu.memory_space<semaphore_mem>>
      %dma_start3A_867 = arith.constant 0 : i32
      %dma_start3A_868 = tpu.memref_slice %arg14[%multiple_of3A, %dma_start3A_867] : memref<10000x128xf32, #tpu.memory_space<vmem_shared>> -> memref<625x128xf32, #tpu.memory_space<vmem_shared>>
      tpu.enqueue_dma source(%arg4 : memref<625x128xf32, #tpu.memory_space<hbm>>) target(%dma_start3A_868 : memref<625x128xf32, #tpu.memory_space<vmem_shared>>) target_semaphore(%run_scoped3A_866 : memref<!tpu.dma_semaphore, #tpu.memory_space<semaphore_mem>>)
      %dma_wait3A_869 = arith.constant 0 : i32
      %dma_wait3A_870 = tpu.memref_slice %arg14[%multiple_of3A, %dma_wait3A_869] : memref<10000x128xf32, #tpu.memory_space<vmem_shared>> -> memref<625x128xf32, #tpu.memory_space<vmem_shared>>
      tpu.wait_dma2 semaphore(%run_scoped3A_866 : memref<!tpu.dma_semaphore, #tpu.memory_space<semaphore_mem>>) src(%arg4 : memref<625x128xf32, #tpu.memory_space<hbm>>) dst(%dma_wait3A_870 : memref<625x128xf32, #tpu.memory_space<vmem_shared>>)
      tpu.yield
    }) : () -> ()
    "tpu.region"() ({
      %run_scoped3A_866 = tpu.sem_alloc : memref<!tpu.dma_semaphore, #tpu.memory_space<semaphore_mem>>
      %dma_start3A_867 = arith.constant 0 : i32
      %dma_start3A_868 = tpu.memref_slice %arg15[%multiple_of3A, %dma_start3A_867] : memref<10000x8xf32, #tpu.memory_space<vmem_shared>> -> memref<625x8xf32, #tpu.memory_space<vmem_shared>>
      tpu.enqueue_dma source(%arg5 : memref<625x8xf32, #tpu.memory_space<hbm>>) target(%dma_start3A_868 : memref<625x8xf32, #tpu.memory_space<vmem_shared>>) target_semaphore(%run_scoped3A_866 : memref<!tpu.dma_semaphore, #tpu.memory_space<semaphore_mem>>)
      %dma_wait3A_869 = arith.constant 0 : i32
      %dma_wait3A_870 = tpu.memref_slice %arg15[%multiple_of3A, %dma_wait3A_869] : memref<10000x8xf32, #tpu.memory_space<vmem_shared>> -> memref<625x8xf32, #tpu.memory_space<vmem_shared>>
      tpu.wait_dma2 semaphore(%run_scoped3A_866 : memref<!tpu.dma_semaphore, #tpu.memory_space<semaphore_mem>>) src(%arg5 : memref<625x8xf32, #tpu.memory_space<hbm>>) dst(%dma_wait3A_870 : memref<625x8xf32, #tpu.memory_space<vmem_shared>>)
      tpu.yield
    }) : () -> ()
    %barrier3A = arith.constant 0 : index
    tpu.barrier barrier_id(%barrier3A)
    %dma_wait3A = arith.constant 0 : i32
    %dma_wait3A_10 = arith.constant 0 : i32
    %dma_wait3A_11 = tpu.memref_slice %arg3[%mul3A_2, %dma_wait3A, %dma_wait3A_10] : memref<2500x2x128xi32, #tpu.memory_space<hbm>> -> memref<6x2x128xi32, #tpu.memory_space<hbm>>
    %dma_wait3A_12 = arith.constant 0 : i32
    %dma_wait3A_13 = arith.constant 0 : i32
    %dma_wait3A_14 = tpu.memref_slice %arg3[%mul3A_2, %dma_wait3A_12, %dma_wait3A_13] : memref<2500x2x128xi32, #tpu.memory_space<hbm>> -> memref<6x2x128xi32, #tpu.memory_space<hbm>>
    tpu.wait_dma2 semaphore(%arg16 : memref<!tpu.dma_semaphore, #tpu.memory_space<semaphore_mem>>) src(%dma_wait3A_14 : memref<6x2x128xi32, #tpu.memory_space<hbm>>) dst(%arg9 : memref<6x2x128xi32, #tpu.memory_space<vmem>>)
    %dma_start3A_15 = arith.constant 0 : i32
    %dma_start3A_16 = arith.constant 0 : i32
    %dma_start3A_17 = arith.constant 0 : i32
    %dma_start3A_18 = tpu.memref_slice %arg9[%dma_start3A_15, %dma_start3A_16, %dma_start3A_17] : memref<6x2x128xi32, #tpu.memory_space<vmem>> -> memref<1x1x128xi32, #tpu.memory_space<vmem>>
    %dma_start3A_19 = tpu.memref_squeeze %dma_start3A_18 : memref<1x1x128xi32, #tpu.memory_space<vmem>> -> memref<128xi32, #tpu.memory_space<vmem>>
    %dma_start3A_20 = arith.constant 0 : i32
    %dma_start3A_21 = arith.constant 0 : i32
    %dma_start3A_22 = tpu.memref_slice %arg2[%dma_start3A_20, %dma_start3A_21] : memref<10000x128xf32, #tpu.memory_space<hbm>> -> memref<10000x128xf32, #tpu.memory_space<hbm>>
    tpu.enqueue_indirect_dma source(%dma_start3A_22 : memref<10000x128xf32, #tpu.memory_space<hbm>>) target(%arg11 : memref<128x128xf32, #tpu.memory_space<vmem>>) offsets(%dma_start3A_19 : memref<128xi32, #tpu.memory_space<vmem>>) semaphore(%arg18 : memref<!tpu.dma_semaphore, #tpu.memory_space<semaphore_mem>>)
    %dma_start3A_23 = arith.constant 1 : i32
    %dma_start3A_24 = arith.constant 0 : i32
    %dma_start3A_25 = arith.constant 0 : i32
    %dma_start3A_26 = tpu.memref_slice %arg9[%dma_start3A_23, %dma_start3A_24, %dma_start3A_25] : memref<6x2x128xi32, #tpu.memory_space<vmem>> -> memref<1x1x128xi32, #tpu.memory_space<vmem>>
    %dma_start3A_27 = tpu.memref_squeeze %dma_start3A_26 : memref<1x1x128xi32, #tpu.memory_space<vmem>> -> memref<128xi32, #tpu.memory_space<vmem>>
    %dma_start3A_28 = arith.constant 0 : i32
    %dma_start3A_29 = arith.constant 0 : i32
    %dma_start3A_30 = tpu.memref_slice %arg2[%dma_start3A_28, %dma_start3A_29] : memref<10000x128xf32, #tpu.memory_space<hbm>> -> memref<10000x128xf32, #tpu.memory_space<hbm>>
    tpu.enqueue_indirect_dma source(%dma_start3A_30 : memref<10000x128xf32, #tpu.memory_space<hbm>>) target(%arg12 : memref<128x128xf32, #tpu.memory_space<vmem>>) offsets(%dma_start3A_27 : memref<128xi32, #tpu.memory_space<vmem>>) semaphore(%arg19 : memref<!tpu.dma_semaphore, #tpu.memory_space<semaphore_mem>>)
    %add3A_31 = arith.constant 6 : i32
    %add3A_32 = arith.addi %mul3A_2, %add3A_31 : i32
    %dma_start3A_33 = arith.constant 0 : i32
    %dma_start3A_34 = arith.constant 0 : i32
    %dma_start3A_35 = tpu.memref_slice %arg3[%add3A_32, %dma_start3A_33, %dma_start3A_34] : memref<2500x2x128xi32, #tpu.memory_space<hbm>> -> memref<6x2x128xi32, #tpu.memory_space<hbm>>
    %dma_start3A_36 = arith.constant 0 : i32
    %dma_start3A_37 = arith.constant 0 : i32
    %dma_start3A_38 = tpu.memref_slice %arg3[%add3A_32, %dma_start3A_36, %dma_start3A_37] : memref<2500x2x128xi32, #tpu.memory_space<hbm>> -> memref<6x2x128xi32, #tpu.memory_space<hbm>>
    tpu.enqueue_dma source(%dma_start3A_38 : memref<6x2x128xi32, #tpu.memory_space<hbm>>) target(%arg10 : memref<6x2x128xi32, #tpu.memory_space<vmem>>) target_semaphore(%arg17 : memref<!tpu.dma_semaphore, #tpu.memory_space<semaphore_mem>>)
    %scan3A = arith.constant 0 : i32
    %scan3A_39 = arith.constant 0 : i32
    %scan3A_40 = arith.constant 2 : i32
    %scan3A_41 = arith.addi %scan3A_39, %scan3A_40 : i32
    %scan3A_42 = arith.constant 1 : i32
    scf.for %scan3A_866 = %scan3A_39 to %scan3A_41 step %scan3A_42  : i32 {
      %mul3A_867 = arith.constant 2 : i32
      %mul3A_868 = arith.muli %mul3A_867, %scan3A_866 : i32
      %add3A_869 = arith.constant 0 : i32
      %add3A_870 = arith.addi %mul3A_868, %add3A_869 : i32
      %dma_wait3A_871 = arith.constant 0 : i32
      %dma_wait3A_872 = arith.constant 0 : i32
      %dma_wait3A_873 = tpu.memref_slice %arg9[%add3A_870, %dma_wait3A_871, %dma_wait3A_872] : memref<6x2x128xi32, #tpu.memory_space<vmem>> -> memref<1x1x128xi32, #tpu.memory_space<vmem>>
      %dma_wait3A_874 = tpu.memref_squeeze %dma_wait3A_873 : memref<1x1x128xi32, #tpu.memory_space<vmem>> -> memref<128xi32, #tpu.memory_space<vmem>>
      %dma_wait3A_875 = arith.constant 0 : i32
      %dma_wait3A_876 = arith.constant 0 : i32
      %dma_wait3A_877 = tpu.memref_slice %arg2[%dma_wait3A_875, %dma_wait3A_876] : memref<10000x128xf32, #tpu.memory_space<hbm>> -> memref<10000x128xf32, #tpu.memory_space<hbm>>
      tpu.wait_indirect_dma semaphore(%arg18 : memref<!tpu.dma_semaphore, #tpu.memory_space<semaphore_mem>>) src(%dma_wait3A_877 : memref<10000x128xf32, #tpu.memory_space<hbm>>) dst(%arg11 : memref<128x128xf32, #tpu.memory_space<vmem>>)
      %run_scoped3A_878 = arith.constant 1 : i32
      "tpu.region"() ({
        %run_scoped3A_911 = tpu.sem_alloc : memref<!tpu.dma_semaphore, #tpu.memory_space<semaphore_mem>>
        %dma_start3A_912 = arith.constant 0 : i32
        %dma_start3A_913 = tpu.memref_slice %arg9[%add3A_870, %run_scoped3A_878, %dma_start3A_912] : memref<6x2x128xi32, #tpu.memory_space<vmem>> -> memref<1x1x128xi32, #tpu.memory_space<vmem>>
        %dma_start3A_914 = tpu.memref_squeeze %dma_start3A_913 : memref<1x1x128xi32, #tpu.memory_space<vmem>> -> memref<128xi32, #tpu.memory_space<vmem>>
        %dma_start3A_915 = arith.constant 0 : i32
        %dma_start3A_916 = arith.constant 0 : i32
        %dma_start3A_917 = tpu.memref_slice %arg14[%dma_start3A_915, %dma_start3A_916] : memref<10000x128xf32, #tpu.memory_space<vmem_shared>> -> memref<10000x128xf32, #tpu.memory_space<vmem_shared>>
        tpu.enqueue_indirect_dma source(%arg11 : memref<128x128xf32, #tpu.memory_space<vmem>>) target(%dma_start3A_917 : memref<10000x128xf32, #tpu.memory_space<vmem_shared>>) offsets(%dma_start3A_914 : memref<128xi32, #tpu.memory_space<vmem>>) semaphore(%run_scoped3A_911 : memref<!tpu.dma_semaphore, #tpu.memory_space<semaphore_mem>>) {add = true}
        %dma_wait3A_918 = arith.constant 0 : i32
        %dma_wait3A_919 = tpu.memref_slice %arg9[%add3A_870, %run_scoped3A_878, %dma_wait3A_918] : memref<6x2x128xi32, #tpu.memory_space<vmem>> -> memref<1x1x128xi32, #tpu.memory_space<vmem>>
        %dma_wait3A_920 = tpu.memref_squeeze %dma_wait3A_919 : memref<1x1x128xi32, #tpu.memory_space<vmem>> -> memref<128xi32, #tpu.memory_space<vmem>>
        %dma_wait3A_921 = arith.constant 0 : i32
        %dma_wait3A_922 = arith.constant 0 : i32
        %dma_wait3A_923 = tpu.memref_slice %arg14[%dma_wait3A_921, %dma_wait3A_922] : memref<10000x128xf32, #tpu.memory_space<vmem_shared>> -> memref<10000x128xf32, #tpu.memory_space<vmem_shared>>
        tpu.wait_indirect_dma semaphore(%run_scoped3A_911 : memref<!tpu.dma_semaphore, #tpu.memory_space<semaphore_mem>>) src(%arg11 : memref<128x128xf32, #tpu.memory_space<vmem>>) dst(%dma_wait3A_923 : memref<10000x128xf32, #tpu.memory_space<vmem_shared>>)
        tpu.yield
      }) : () -> ()
      %add3A_879 = arith.constant 2 : i32
      %add3A_880 = arith.addi %add3A_870, %add3A_879 : i32
      %dma_start3A_881 = arith.constant 0 : i32
      %dma_start3A_882 = arith.constant 0 : i32
      %dma_start3A_883 = tpu.memref_slice %arg9[%add3A_880, %dma_start3A_881, %dma_start3A_882] : memref<6x2x128xi32, #tpu.memory_space<vmem>> -> memref<1x1x128xi32, #tpu.memory_space<vmem>>
      %dma_start3A_884 = tpu.memref_squeeze %dma_start3A_883 : memref<1x1x128xi32, #tpu.memory_space<vmem>> -> memref<128xi32, #tpu.memory_space<vmem>>
      %dma_start3A_885 = arith.constant 0 : i32
      %dma_start3A_886 = arith.constant 0 : i32
      %dma_start3A_887 = tpu.memref_slice %arg2[%dma_start3A_885, %dma_start3A_886] : memref<10000x128xf32, #tpu.memory_space<hbm>> -> memref<10000x128xf32, #tpu.memory_space<hbm>>
      tpu.enqueue_indirect_dma source(%dma_start3A_887 : memref<10000x128xf32, #tpu.memory_space<hbm>>) target(%arg11 : memref<128x128xf32, #tpu.memory_space<vmem>>) offsets(%dma_start3A_884 : memref<128xi32, #tpu.memory_space<vmem>>) semaphore(%arg18 : memref<!tpu.dma_semaphore, #tpu.memory_space<semaphore_mem>>)
      %run_scoped3A_888 = arith.constant 1 : i32
      "tpu.region"() ({
        %run_scoped3A_911 = tpu.sem_alloc : memref<!tpu.dma_semaphore, #tpu.memory_space<semaphore_mem>>
        %dma_start3A_912 = arith.constant 0 : i32
        %dma_start3A_913 = tpu.memref_slice %arg9[%add3A_870, %run_scoped3A_888, %dma_start3A_912] : memref<6x2x128xi32, #tpu.memory_space<vmem>> -> memref<1x1x128xi32, #tpu.memory_space<vmem>>
        %dma_start3A_914 = tpu.memref_squeeze %dma_start3A_913 : memref<1x1x128xi32, #tpu.memory_space<vmem>> -> memref<128xi32, #tpu.memory_space<vmem>>
        %dma_start3A_915 = arith.constant 0 : i32
        %dma_start3A_916 = arith.constant 0 : i32
        %dma_start3A_917 = tpu.memref_slice %arg15[%dma_start3A_915, %dma_start3A_916] : memref<10000x8xf32, #tpu.memory_space<vmem_shared>> -> memref<10000x8xf32, #tpu.memory_space<vmem_shared>>
        tpu.enqueue_indirect_dma source(%arg13 : memref<128x8xf32, #tpu.memory_space<vmem>>) target(%dma_start3A_917 : memref<10000x8xf32, #tpu.memory_space<vmem_shared>>) offsets(%dma_start3A_914 : memref<128xi32, #tpu.memory_space<vmem>>) semaphore(%run_scoped3A_911 : memref<!tpu.dma_semaphore, #tpu.memory_space<semaphore_mem>>) {add = true}
        %dma_wait3A_918 = arith.constant 0 : i32
        %dma_wait3A_919 = tpu.memref_slice %arg9[%add3A_870, %run_scoped3A_888, %dma_wait3A_918] : memref<6x2x128xi32, #tpu.memory_space<vmem>> -> memref<1x1x128xi32, #tpu.memory_space<vmem>>
        %dma_wait3A_920 = tpu.memref_squeeze %dma_wait3A_919 : memref<1x1x128xi32, #tpu.memory_space<vmem>> -> memref<128xi32, #tpu.memory_space<vmem>>
        %dma_wait3A_921 = arith.constant 0 : i32
        %dma_wait3A_922 = arith.constant 0 : i32
        %dma_wait3A_923 = tpu.memref_slice %arg15[%dma_wait3A_921, %dma_wait3A_922] : memref<10000x8xf32, #tpu.memory_space<vmem_shared>> -> memref<10000x8xf32, #tpu.memory_space<vmem_shared>>
        tpu.wait_indirect_dma semaphore(%run_scoped3A_911 : memref<!tpu.dma_semaphore, #tpu.memory_space<semaphore_mem>>) src(%arg13 : memref<128x8xf32, #tpu.memory_space<vmem>>) dst(%dma_wait3A_923 : memref<10000x8xf32, #tpu.memory_space<vmem_shared>>)
        tpu.yield
      }) : () -> ()
      %mul3A_889 = arith.constant 2 : i32
      %mul3A_890 = arith.muli %mul3A_889, %scan3A_866 : i32
      %add3A_891 = arith.constant 1 : i32
      %add3A_892 = arith.addi %mul3A_890, %add3A_891 : i32
      %dma_wait3A_893 = arith.constant 0 : i32
      %dma_wait3A_894 = arith.constant 0 : i32
      %dma_wait3A_895 = tpu.memref_slice %arg9[%add3A_892, %dma_wait3A_893, %dma_wait3A_894] : memref<6x2x128xi32, #tpu.memory_space<vmem>> -> memref<1x1x128xi32, #tpu.memory_space<vmem>>
      %dma_wait3A_896 = tpu.memref_squeeze %dma_wait3A_895 : memref<1x1x128xi32, #tpu.memory_space<vmem>> -> memref<128xi32, #tpu.memory_space<vmem>>
      %dma_wait3A_897 = arith.constant 0 : i32
      %dma_wait3A_898 = arith.constant 0 : i32
      %dma_wait3A_899 = tpu.memref_slice %arg2[%dma_wait3A_897, %dma_wait3A_898] : memref<10000x128xf32, #tpu.memory_space<hbm>> -> memref<10000x128xf32, #tpu.memory_space<hbm>>
      tpu.wait_indirect_dma semaphore(%arg19 : memref<!tpu.dma_semaphore, #tpu.memory_space<semaphore_mem>>) src(%dma_wait3A_899 : memref<10000x128xf32, #tpu.memory_space<hbm>>) dst(%arg12 : memref<128x128xf32, #tpu.memory_space<vmem>>)
      %run_scoped3A_900 = arith.constant 1 : i32
      "tpu.region"() ({
        %run_scoped3A_911 = tpu.sem_alloc : memref<!tpu.dma_semaphore, #tpu.memory_space<semaphore_mem>>
        %dma_start3A_912 = arith.constant 0 : i32
        %dma_start3A_913 = tpu.memref_slice %arg9[%add3A_892, %run_scoped3A_900, %dma_start3A_912] : memref<6x2x128xi32, #tpu.memory_space<vmem>> -> memref<1x1x128xi32, #tpu.memory_space<vmem>>
        %dma_start3A_914 = tpu.memref_squeeze %dma_start3A_913 : memref<1x1x128xi32, #tpu.memory_space<vmem>> -> memref<128xi32, #tpu.memory_space<vmem>>
        %dma_start3A_915 = arith.constant 0 : i32
        %dma_start3A_916 = arith.constant 0 : i32
        %dma_start3A_917 = tpu.memref_slice %arg14[%dma_start3A_915, %dma_start3A_916] : memref<10000x128xf32, #tpu.memory_space<vmem_shared>> -> memref<10000x128xf32, #tpu.memory_space<vmem_shared>>
        tpu.enqueue_indirect_dma source(%arg12 : memref<128x128xf32, #tpu.memory_space<vmem>>) target(%dma_start3A_917 : memref<10000x128xf32, #tpu.memory_space<vmem_shared>>) offsets(%dma_start3A_914 : memref<128xi32, #tpu.memory_space<vmem>>) semaphore(%run_scoped3A_911 : memref<!tpu.dma_semaphore, #tpu.memory_space<semaphore_mem>>) {add = true}
        %dma_wait3A_918 = arith.constant 0 : i32
        %dma_wait3A_919 = tpu.memref_slice %arg9[%add3A_892, %run_scoped3A_900, %dma_wait3A_918] : memref<6x2x128xi32, #tpu.memory_space<vmem>> -> memref<1x1x128xi32, #tpu.memory_space<vmem>>
        %dma_wait3A_920 = tpu.memref_squeeze %dma_wait3A_919 : memref<1x1x128xi32, #tpu.memory_space<vmem>> -> memref<128xi32, #tpu.memory_space<vmem>>
        %dma_wait3A_921 = arith.constant 0 : i32
        %dma_wait3A_922 = arith.constant 0 : i32
        %dma_wait3A_923 = tpu.memref_slice %arg14[%dma_wait3A_921, %dma_wait3A_922] : memref<10000x128xf32, #tpu.memory_space<vmem_shared>> -> memref<10000x128xf32, #tpu.memory_space<vmem_shared>>
        tpu.wait_indirect_dma semaphore(%run_scoped3A_911 : memref<!tpu.dma_semaphore, #tpu.memory_space<semaphore_mem>>) src(%arg12 : memref<128x128xf32, #tpu.memory_space<vmem>>) dst(%dma_wait3A_923 : memref<10000x128xf32, #tpu.memory_space<vmem_shared>>)
        tpu.yield
      }) : () -> ()
      %add3A_901 = arith.constant 2 : i32
      %add3A_902 = arith.addi %add3A_892, %add3A_901 : i32
      %dma_start3A_903 = arith.constant 0 : i32
      %dma_start3A_904 = arith.constant 0 : i32
      %dma_start3A_905 = tpu.memref_slice %arg9[%add3A_902, %dma_start3A_903, %dma_start3A_904] : memref<6x2x128xi32, #tpu.memory_space<vmem>> -> memref<1x1x128xi32, #tpu.memory_space<vmem>>
      %dma_start3A_906 = tpu.memref_squeeze %dma_start3A_905 : memref<1x1x128xi32, #tpu.memory_space<vmem>> -> memref<128xi32, #tpu.memory_space<vmem>>
      %dma_start3A_907 = arith.constant 0 : i32
      %dma_start3A_908 = arith.constant 0 : i32
      %dma_start3A_909 = tpu.memref_slice %arg2[%dma_start3A_907, %dma_start3A_908] : memref<10000x128xf32, #tpu.memory_space<hbm>> -> memref<10000x128xf32, #tpu.memory_space<hbm>>
      tpu.enqueue_indirect_dma source(%dma_start3A_909 : memref<10000x128xf32, #tpu.memory_space<hbm>>) target(%arg12 : memref<128x128xf32, #tpu.memory_space<vmem>>) offsets(%dma_start3A_906 : memref<128xi32, #tpu.memory_space<vmem>>) semaphore(%arg19 : memref<!tpu.dma_semaphore, #tpu.memory_space<semaphore_mem>>)
      %run_scoped3A_910 = arith.constant 1 : i32
      "tpu.region"() ({
        %run_scoped3A_911 = tpu.sem_alloc : memref<!tpu.dma_semaphore, #tpu.memory_space<semaphore_mem>>
        %dma_start3A_912 = arith.constant 0 : i32
        %dma_start3A_913 = tpu.memref_slice %arg9[%add3A_892, %run_scoped3A_910, %dma_start3A_912] : memref<6x2x128xi32, #tpu.memory_space<vmem>> -> memref<1x1x128xi32, #tpu.memory_space<vmem>>
        %dma_start3A_914 = tpu.memref_squeeze %dma_start3A_913 : memref<1x1x128xi32, #tpu.memory_space<vmem>> -> memref<128xi32, #tpu.memory_space<vmem>>
        %dma_start3A_915 = arith.constant 0 : i32
        %dma_start3A_916 = arith.constant 0 : i32
        %dma_start3A_917 = tpu.memref_slice %arg15[%dma_start3A_915, %dma_start3A_916] : memref<10000x8xf32, #tpu.memory_space<vmem_shared>> -> memref<10000x8xf32, #tpu.memory_space<vmem_shared>>
        tpu.enqueue_indirect_dma source(%arg13 : memref<128x8xf32, #tpu.memory_space<vmem>>) target(%dma_start3A_917 : memref<10000x8xf32, #tpu.memory_space<vmem_shared>>) offsets(%dma_start3A_914 : memref<128xi32, #tpu.memory_space<vmem>>) semaphore(%run_scoped3A_911 : memref<!tpu.dma_semaphore, #tpu.memory_space<semaphore_mem>>) {add = true}
        %dma_wait3A_918 = arith.constant 0 : i32
        %dma_wait3A_919 = tpu.memref_slice %arg9[%add3A_892, %run_scoped3A_910, %dma_wait3A_918] : memref<6x2x128xi32, #tpu.memory_space<vmem>> -> memref<1x1x128xi32, #tpu.memory_space<vmem>>
        %dma_wait3A_920 = tpu.memref_squeeze %dma_wait3A_919 : memref<1x1x128xi32, #tpu.memory_space<vmem>> -> memref<128xi32, #tpu.memory_space<vmem>>
        %dma_wait3A_921 = arith.constant 0 : i32
        %dma_wait3A_922 = arith.constant 0 : i32
        %dma_wait3A_923 = tpu.memref_slice %arg15[%dma_wait3A_921, %dma_wait3A_922] : memref<10000x8xf32, #tpu.memory_space<vmem_shared>> -> memref<10000x8xf32, #tpu.memory_space<vmem_shared>>
        tpu.wait_indirect_dma semaphore(%run_scoped3A_911 : memref<!tpu.dma_semaphore, #tpu.memory_space<semaphore_mem>>) src(%arg13 : memref<128x8xf32, #tpu.memory_space<vmem>>) dst(%dma_wait3A_923 : memref<10000x8xf32, #tpu.memory_space<vmem_shared>>)
        tpu.yield
      }) : () -> ()
    }
    %scan3A_43 = arith.constant 2 : i32
    %dma_wait3A_44 = arith.constant 4 : i32
    %dma_wait3A_45 = arith.constant 0 : i32
    %dma_wait3A_46 = arith.constant 0 : i32
    %dma_wait3A_47 = tpu.memref_slice %arg9[%dma_wait3A_44, %dma_wait3A_45, %dma_wait3A_46] : memref<6x2x128xi32, #tpu.memory_space<vmem>> -> memref<1x1x128xi32, #tpu.memory_space<vmem>>
    %dma_wait3A_48 = tpu.memref_squeeze %dma_wait3A_47 : memref<1x1x128xi32, #tpu.memory_space<vmem>> -> memref<128xi32, #tpu.memory_space<vmem>>
    %dma_wait3A_49 = arith.constant 0 : i32
    %dma_wait3A_50 = arith.constant 0 : i32
    %dma_wait3A_51 = tpu.memref_slice %arg2[%dma_wait3A_49, %dma_wait3A_50] : memref<10000x128xf32, #tpu.memory_space<hbm>> -> memref<10000x128xf32, #tpu.memory_space<hbm>>
    tpu.wait_indirect_dma semaphore(%arg18 : memref<!tpu.dma_semaphore, #tpu.memory_space<semaphore_mem>>) src(%dma_wait3A_51 : memref<10000x128xf32, #tpu.memory_space<hbm>>) dst(%arg11 : memref<128x128xf32, #tpu.memory_space<vmem>>)
    %run_scoped3A = arith.constant 4 : i32
    %run_scoped3A_52 = arith.constant 1 : i32
    "tpu.region"() ({
      %run_scoped3A_866 = tpu.sem_alloc : memref<!tpu.dma_semaphore, #tpu.memory_space<semaphore_mem>>
      %dma_start3A_867 = arith.constant 0 : i32
      %dma_start3A_868 = tpu.memref_slice %arg9[%run_scoped3A, %run_scoped3A_52, %dma_start3A_867] : memref<6x2x128xi32, #tpu.memory_space<vmem>> -> memref<1x1x128xi32, #tpu.memory_space<vmem>>
      %dma_start3A_869 = tpu.memref_squeeze %dma_start3A_868 : memref<1x1x128xi32, #tpu.memory_space<vmem>> -> memref<128xi32, #tpu.memory_space<vmem>>
      %dma_start3A_870 = arith.constant 0 : i32
      %dma_start3A_871 = arith.constant 0 : i32
      %dma_start3A_872 = tpu.memref_slice %arg14[%dma_start3A_870, %dma_start3A_871] : memref<10000x128xf32, #tpu.memory_space<vmem_shared>> -> memref<10000x128xf32, #tpu.memory_space<vmem_shared>>
      tpu.enqueue_indirect_dma source(%arg11 : memref<128x128xf32, #tpu.memory_space<vmem>>) target(%dma_start3A_872 : memref<10000x128xf32, #tpu.memory_space<vmem_shared>>) offsets(%dma_start3A_869 : memref<128xi32, #tpu.memory_space<vmem>>) semaphore(%run_scoped3A_866 : memref<!tpu.dma_semaphore, #tpu.memory_space<semaphore_mem>>) {add = true}
      %dma_wait3A_873 = arith.constant 0 : i32
      %dma_wait3A_874 = tpu.memref_slice %arg9[%run_scoped3A, %run_scoped3A_52, %dma_wait3A_873] : memref<6x2x128xi32, #tpu.memory_space<vmem>> -> memref<1x1x128xi32, #tpu.memory_space<vmem>>
      %dma_wait3A_875 = tpu.memref_squeeze %dma_wait3A_874 : memref<1x1x128xi32, #tpu.memory_space<vmem>> -> memref<128xi32, #tpu.memory_space<vmem>>
      %dma_wait3A_876 = arith.constant 0 : i32
      %dma_wait3A_877 = arith.constant 0 : i32
      %dma_wait3A_878 = tpu.memref_slice %arg14[%dma_wait3A_876, %dma_wait3A_877] : memref<10000x128xf32, #tpu.memory_space<vmem_shared>> -> memref<10000x128xf32, #tpu.memory_space<vmem_shared>>
      tpu.wait_indirect_dma semaphore(%run_scoped3A_866 : memref<!tpu.dma_semaphore, #tpu.memory_space<semaphore_mem>>) src(%arg11 : memref<128x128xf32, #tpu.memory_space<vmem>>) dst(%dma_wait3A_878 : memref<10000x128xf32, #tpu.memory_space<vmem_shared>>)
      tpu.yield
    }) : () -> ()
    %add3A_53 = arith.constant 6 : i32
    %add3A_54 = arith.addi %mul3A_2, %add3A_53 : i32
    %dma_wait3A_55 = arith.constant 0 : i32
    %dma_wait3A_56 = arith.constant 0 : i32
    %dma_wait3A_57 = tpu.memref_slice %arg3[%add3A_54, %dma_wait3A_55, %dma_wait3A_56] : memref<2500x2x128xi32, #tpu.memory_space<hbm>> -> memref<6x2x128xi32, #tpu.memory_space<hbm>>
    %dma_wait3A_58 = arith.constant 0 : i32
    %dma_wait3A_59 = arith.constant 0 : i32
    %dma_wait3A_60 = tpu.memref_slice %arg3[%add3A_54, %dma_wait3A_58, %dma_wait3A_59] : memref<2500x2x128xi32, #tpu.memory_space<hbm>> -> memref<6x2x128xi32, #tpu.memory_space<hbm>>
    tpu.wait_dma2 semaphore(%arg17 : memref<!tpu.dma_semaphore, #tpu.memory_space<semaphore_mem>>) src(%dma_wait3A_60 : memref<6x2x128xi32, #tpu.memory_space<hbm>>) dst(%arg10 : memref<6x2x128xi32, #tpu.memory_space<vmem>>)
    %dma_start3A_61 = arith.constant 0 : i32
    %dma_start3A_62 = arith.constant 0 : i32
    %dma_start3A_63 = arith.constant 0 : i32
    %dma_start3A_64 = tpu.memref_slice %arg10[%dma_start3A_61, %dma_start3A_62, %dma_start3A_63] : memref<6x2x128xi32, #tpu.memory_space<vmem>> -> memref<1x1x128xi32, #tpu.memory_space<vmem>>
    %dma_start3A_65 = tpu.memref_squeeze %dma_start3A_64 : memref<1x1x128xi32, #tpu.memory_space<vmem>> -> memref<128xi32, #tpu.memory_space<vmem>>
    %dma_start3A_66 = arith.constant 0 : i32
    %dma_start3A_67 = arith.constant 0 : i32
    %dma_start3A_68 = tpu.memref_slice %arg2[%dma_start3A_66, %dma_start3A_67] : memref<10000x128xf32, #tpu.memory_space<hbm>> -> memref<10000x128xf32, #tpu.memory_space<hbm>>
    tpu.enqueue_indirect_dma source(%dma_start3A_68 : memref<10000x128xf32, #tpu.memory_space<hbm>>) target(%arg11 : memref<128x128xf32, #tpu.memory_space<vmem>>) offsets(%dma_start3A_65 : memref<128xi32, #tpu.memory_space<vmem>>) semaphore(%arg18 : memref<!tpu.dma_semaphore, #tpu.memory_space<semaphore_mem>>)
    %run_scoped3A_69 = arith.constant 4 : i32
    %run_scoped3A_70 = arith.constant 1 : i32
    "tpu.region"() ({
      %run_scoped3A_866 = tpu.sem_alloc : memref<!tpu.dma_semaphore, #tpu.memory_space<semaphore_mem>>
      %dma_start3A_867 = arith.constant 0 : i32
      %dma_start3A_868 = tpu.memref_slice %arg9[%run_scoped3A_69, %run_scoped3A_70, %dma_start3A_867] : memref<6x2x128xi32, #tpu.memory_space<vmem>> -> memref<1x1x128xi32, #tpu.memory_space<vmem>>
      %dma_start3A_869 = tpu.memref_squeeze %dma_start3A_868 : memref<1x1x128xi32, #tpu.memory_space<vmem>> -> memref<128xi32, #tpu.memory_space<vmem>>
      %dma_start3A_870 = arith.constant 0 : i32
      %dma_start3A_871 = arith.constant 0 : i32
      %dma_start3A_872 = tpu.memref_slice %arg15[%dma_start3A_870, %dma_start3A_871] : memref<10000x8xf32, #tpu.memory_space<vmem_shared>> -> memref<10000x8xf32, #tpu.memory_space<vmem_shared>>
      tpu.enqueue_indirect_dma source(%arg13 : memref<128x8xf32, #tpu.memory_space<vmem>>) target(%dma_start3A_872 : memref<10000x8xf32, #tpu.memory_space<vmem_shared>>) offsets(%dma_start3A_869 : memref<128xi32, #tpu.memory_space<vmem>>) semaphore(%run_scoped3A_866 : memref<!tpu.dma_semaphore, #tpu.memory_space<semaphore_mem>>) {add = true}
      %dma_wait3A_873 = arith.constant 0 : i32
      %dma_wait3A_874 = tpu.memref_slice %arg9[%run_scoped3A_69, %run_scoped3A_70, %dma_wait3A_873] : memref<6x2x128xi32, #tpu.memory_space<vmem>> -> memref<1x1x128xi32, #tpu.memory_space<vmem>>
      %dma_wait3A_875 = tpu.memref_squeeze %dma_wait3A_874 : memref<1x1x128xi32, #tpu.memory_space<vmem>> -> memref<128xi32, #tpu.memory_space<vmem>>
      %dma_wait3A_876 = arith.constant 0 : i32
      %dma_wait3A_877 = arith.constant 0 : i32
      %dma_wait3A_878 = tpu.memref_slice %arg15[%dma_wait3A_876, %dma_wait3A_877] : memref<10000x8xf32, #tpu.memory_space<vmem_shared>> -> memref<10000x8xf32, #tpu.memory_space<vmem_shared>>
      tpu.wait_indirect_dma semaphore(%run_scoped3A_866 : memref<!tpu.dma_semaphore, #tpu.memory_space<semaphore_mem>>) src(%arg13 : memref<128x8xf32, #tpu.memory_space<vmem>>) dst(%dma_wait3A_878 : memref<10000x8xf32, #tpu.memory_space<vmem_shared>>)
      tpu.yield
    }) : () -> ()
    %dma_wait3A_71 = arith.constant 5 : i32
    %dma_wait3A_72 = arith.constant 0 : i32
    %dma_wait3A_73 = arith.constant 0 : i32
    %dma_wait3A_74 = tpu.memref_slice %arg9[%dma_wait3A_71, %dma_wait3A_72, %dma_wait3A_73] : memref<6x2x128xi32, #tpu.memory_space<vmem>> -> memref<1x1x128xi32, #tpu.memory_space<vmem>>
    %dma_wait3A_75 = tpu.memref_squeeze %dma_wait3A_74 : memref<1x1x128xi32, #tpu.memory_space<vmem>> -> memref<128xi32, #tpu.memory_space<vmem>>
    %dma_wait3A_76 = arith.constant 0 : i32
    %dma_wait3A_77 = arith.constant 0 : i32
    %dma_wait3A_78 = tpu.memref_slice %arg2[%dma_wait3A_76, %dma_wait3A_77] : memref<10000x128xf32, #tpu.memory_space<hbm>> -> memref<10000x128xf32, #tpu.memory_space<hbm>>
    tpu.wait_indirect_dma semaphore(%arg19 : memref<!tpu.dma_semaphore, #tpu.memory_space<semaphore_mem>>) src(%dma_wait3A_78 : memref<10000x128xf32, #tpu.memory_space<hbm>>) dst(%arg12 : memref<128x128xf32, #tpu.memory_space<vmem>>)
    %run_scoped3A_79 = arith.constant 5 : i32
    %run_scoped3A_80 = arith.constant 1 : i32
    "tpu.region"() ({
      %run_scoped3A_866 = tpu.sem_alloc : memref<!tpu.dma_semaphore, #tpu.memory_space<semaphore_mem>>
      %dma_start3A_867 = arith.constant 0 : i32
      %dma_start3A_868 = tpu.memref_slice %arg9[%run_scoped3A_79, %run_scoped3A_80, %dma_start3A_867] : memref<6x2x128xi32, #tpu.memory_space<vmem>> -> memref<1x1x128xi32, #tpu.memory_space<vmem>>
      %dma_start3A_869 = tpu.memref_squeeze %dma_start3A_868 : memref<1x1x128xi32, #tpu.memory_space<vmem>> -> memref<128xi32, #tpu.memory_space<vmem>>
      %dma_start3A_870 = arith.constant 0 : i32
      %dma_start3A_871 = arith.constant 0 : i32
      %dma_start3A_872 = tpu.memref_slice %arg14[%dma_start3A_870, %dma_start3A_871] : memref<10000x128xf32, #tpu.memory_space<vmem_shared>> -> memref<10000x128xf32, #tpu.memory_space<vmem_shared>>
      tpu.enqueue_indirect_dma source(%arg12 : memref<128x128xf32, #tpu.memory_space<vmem>>) target(%dma_start3A_872 : memref<10000x128xf32, #tpu.memory_space<vmem_shared>>) offsets(%dma_start3A_869 : memref<128xi32, #tpu.memory_space<vmem>>) semaphore(%run_scoped3A_866 : memref<!tpu.dma_semaphore, #tpu.memory_space<semaphore_mem>>) {add = true}
      %dma_wait3A_873 = arith.constant 0 : i32
      %dma_wait3A_874 = tpu.memref_slice %arg9[%run_scoped3A_79, %run_scoped3A_80, %dma_wait3A_873] : memref<6x2x128xi32, #tpu.memory_space<vmem>> -> memref<1x1x128xi32, #tpu.memory_space<vmem>>
      %dma_wait3A_875 = tpu.memref_squeeze %dma_wait3A_874 : memref<1x1x128xi32, #tpu.memory_space<vmem>> -> memref<128xi32, #tpu.memory_space<vmem>>
      %dma_wait3A_876 = arith.constant 0 : i32
      %dma_wait3A_877 = arith.constant 0 : i32
      %dma_wait3A_878 = tpu.memref_slice %arg14[%dma_wait3A_876, %dma_wait3A_877] : memref<10000x128xf32, #tpu.memory_space<vmem_shared>> -> memref<10000x128xf32, #tpu.memory_space<vmem_shared>>
      tpu.wait_indirect_dma semaphore(%run_scoped3A_866 : memref<!tpu.dma_semaphore, #tpu.memory_space<semaphore_mem>>) src(%arg12 : memref<128x128xf32, #tpu.memory_space<vmem>>) dst(%dma_wait3A_878 : memref<10000x128xf32, #tpu.memory_space<vmem_shared>>)
      tpu.yield
    }) : () -> ()
    %dma_start3A_81 = arith.constant 1 : i32
    %dma_start3A_82 = arith.constant 0 : i32
    %dma_start3A_83 = arith.constant 0 : i32
    %dma_start3A_84 = tpu.memref_slice %arg10[%dma_start3A_81, %dma_start3A_82, %dma_start3A_83] : memref<6x2x128xi32, #tpu.memory_space<vmem>> -> memref<1x1x128xi32, #tpu.memory_space<vmem>>
    %dma_start3A_85 = tpu.memref_squeeze %dma_start3A_84 : memref<1x1x128xi32, #tpu.memory_space<vmem>> -> memref<128xi32, #tpu.memory_space<vmem>>
    %dma_start3A_86 = arith.constant 0 : i32
    %dma_start3A_87 = arith.constant 0 : i32
    %dma_start3A_88 = tpu.memref_slice %arg2[%dma_start3A_86, %dma_start3A_87] : memref<10000x128xf32, #tpu.memory_space<hbm>> -> memref<10000x128xf32, #tpu.memory_space<hbm>>
    tpu.enqueue_indirect_dma source(%dma_start3A_88 : memref<10000x128xf32, #tpu.memory_space<hbm>>) target(%arg12 : memref<128x128xf32, #tpu.memory_space<vmem>>) offsets(%dma_start3A_85 : memref<128xi32, #tpu.memory_space<vmem>>) semaphore(%arg19 : memref<!tpu.dma_semaphore, #tpu.memory_space<semaphore_mem>>)
    %run_scoped3A_89 = arith.constant 5 : i32
    %run_scoped3A_90 = arith.constant 1 : i32
    "tpu.region"() ({
      %run_scoped3A_866 = tpu.sem_alloc : memref<!tpu.dma_semaphore, #tpu.memory_space<semaphore_mem>>
      %dma_start3A_867 = arith.constant 0 : i32
      %dma_start3A_868 = tpu.memref_slice %arg9[%run_scoped3A_89, %run_scoped3A_90, %dma_start3A_867] : memref<6x2x128xi32, #tpu.memory_space<vmem>> -> memref<1x1x128xi32, #tpu.memory_space<vmem>>
      %dma_start3A_869 = tpu.memref_squeeze %dma_start3A_868 : memref<1x1x128xi32, #tpu.memory_space<vmem>> -> memref<128xi32, #tpu.memory_space<vmem>>
      %dma_start3A_870 = arith.constant 0 : i32
      %dma_start3A_871 = arith.constant 0 : i32
      %dma_start3A_872 = tpu.memref_slice %arg15[%dma_start3A_870, %dma_start3A_871] : memref<10000x8xf32, #tpu.memory_space<vmem_shared>> -> memref<10000x8xf32, #tpu.memory_space<vmem_shared>>
      tpu.enqueue_indirect_dma source(%arg13 : memref<128x8xf32, #tpu.memory_space<vmem>>) target(%dma_start3A_872 : memref<10000x8xf32, #tpu.memory_space<vmem_shared>>) offsets(%dma_start3A_869 : memref<128xi32, #tpu.memory_space<vmem>>) semaphore(%run_scoped3A_866 : memref<!tpu.dma_semaphore, #tpu.memory_space<semaphore_mem>>) {add = true}
      %dma_wait3A_873 = arith.constant 0 : i32
      %dma_wait3A_874 = tpu.memref_slice %arg9[%run_scoped3A_89, %run_scoped3A_90, %dma_wait3A_873] : memref<6x2x128xi32, #tpu.memory_space<vmem>> -> memref<1x1x128xi32, #tpu.memory_space<vmem>>
      %dma_wait3A_875 = tpu.memref_squeeze %dma_wait3A_874 : memref<1x1x128xi32, #tpu.memory_space<vmem>> -> memref<128xi32, #tpu.memory_space<vmem>>
      %dma_wait3A_876 = arith.constant 0 : i32
      %dma_wait3A_877 = arith.constant 0 : i32
      %dma_wait3A_878 = tpu.memref_slice %arg15[%dma_wait3A_876, %dma_wait3A_877] : memref<10000x8xf32, #tpu.memory_space<vmem_shared>> -> memref<10000x8xf32, #tpu.memory_space<vmem_shared>>
      tpu.wait_indirect_dma semaphore(%run_scoped3A_866 : memref<!tpu.dma_semaphore, #tpu.memory_space<semaphore_mem>>) src(%arg13 : memref<128x8xf32, #tpu.memory_space<vmem>>) dst(%dma_wait3A_878 : memref<10000x8xf32, #tpu.memory_space<vmem_shared>>)
      tpu.yield
    }) : () -> ()
    %add3A_91 = arith.constant 12 : i32
    %add3A_92 = arith.addi %mul3A_2, %add3A_91 : i32
    %dma_start3A_93 = arith.constant 0 : i32
    %dma_start3A_94 = arith.constant 0 : i32
    %dma_start3A_95 = tpu.memref_slice %arg3[%add3A_92, %dma_start3A_93, %dma_start3A_94] : memref<2500x2x128xi32, #tpu.memory_space<hbm>> -> memref<6x2x128xi32, #tpu.memory_space<hbm>>
    %dma_start3A_96 = arith.constant 0 : i32
    %dma_start3A_97 = arith.constant 0 : i32
    %dma_start3A_98 = tpu.memref_slice %arg3[%add3A_92, %dma_start3A_96, %dma_start3A_97] : memref<2500x2x128xi32, #tpu.memory_space<hbm>> -> memref<6x2x128xi32, #tpu.memory_space<hbm>>
    tpu.enqueue_dma source(%dma_start3A_98 : memref<6x2x128xi32, #tpu.memory_space<hbm>>) target(%arg9 : memref<6x2x128xi32, #tpu.memory_space<vmem>>) target_semaphore(%arg16 : memref<!tpu.dma_semaphore, #tpu.memory_space<semaphore_mem>>)
    %scan3A_99 = arith.constant 0 : i32
    %scan3A_100 = arith.constant 0 : i32
    %scan3A_101 = arith.constant 2 : i32
    %scan3A_102 = arith.addi %scan3A_100, %scan3A_101 : i32
    %scan3A_103 = arith.constant 1 : i32
    scf.for %scan3A_866 = %scan3A_100 to %scan3A_102 step %scan3A_103  : i32 {
      %mul3A_867 = arith.constant 2 : i32
      %mul3A_868 = arith.muli %mul3A_867, %scan3A_866 : i32
      %add3A_869 = arith.constant 0 : i32
      %add3A_870 = arith.addi %mul3A_868, %add3A_869 : i32
      %dma_wait3A_871 = arith.constant 0 : i32
      %dma_wait3A_872 = arith.constant 0 : i32
      %dma_wait3A_873 = tpu.memref_slice %arg10[%add3A_870, %dma_wait3A_871, %dma_wait3A_872] : memref<6x2x128xi32, #tpu.memory_space<vmem>> -> memref<1x1x128xi32, #tpu.memory_space<vmem>>
      %dma_wait3A_874 = tpu.memref_squeeze %dma_wait3A_873 : memref<1x1x128xi32, #tpu.memory_space<vmem>> -> memref<128xi32, #tpu.memory_space<vmem>>
      %dma_wait3A_875 = arith.constant 0 : i32
      %dma_wait3A_876 = arith.constant 0 : i32
      %dma_wait3A_877 = tpu.memref_slice %arg2[%dma_wait3A_875, %dma_wait3A_876] : memref<10000x128xf32, #tpu.memory_space<hbm>> -> memref<10000x128xf32, #tpu.memory_space<hbm>>
      tpu.wait_indirect_dma semaphore(%arg18 : memref<!tpu.dma_semaphore, #tpu.memory_space<semaphore_mem>>) src(%dma_wait3A_877 : memref<10000x128xf32, #tpu.memory_space<hbm>>) dst(%arg11 : memref<128x128xf32, #tpu.memory_space<vmem>>)
      %run_scoped3A_878 = arith.constant 1 : i32
      "tpu.region"() ({
        %run_scoped3A_911 = tpu.sem_alloc : memref<!tpu.dma_semaphore, #tpu.memory_space<semaphore_mem>>
        %dma_start3A_912 = arith.constant 0 : i32
        %dma_start3A_913 = tpu.memref_slice %arg10[%add3A_870, %run_scoped3A_878, %dma_start3A_912] : memref<6x2x128xi32, #tpu.memory_space<vmem>> -> memref<1x1x128xi32, #tpu.memory_space<vmem>>
        %dma_start3A_914 = tpu.memref_squeeze %dma_start3A_913 : memref<1x1x128xi32, #tpu.memory_space<vmem>> -> memref<128xi32, #tpu.memory_space<vmem>>
        %dma_start3A_915 = arith.constant 0 : i32
        %dma_start3A_916 = arith.constant 0 : i32
        %dma_start3A_917 = tpu.memref_slice %arg14[%dma_start3A_915, %dma_start3A_916] : memref<10000x128xf32, #tpu.memory_space<vmem_shared>> -> memref<10000x128xf32, #tpu.memory_space<vmem_shared>>
        tpu.enqueue_indirect_dma source(%arg11 : memref<128x128xf32, #tpu.memory_space<vmem>>) target(%dma_start3A_917 : memref<10000x128xf32, #tpu.memory_space<vmem_shared>>) offsets(%dma_start3A_914 : memref<128xi32, #tpu.memory_space<vmem>>) semaphore(%run_scoped3A_911 : memref<!tpu.dma_semaphore, #tpu.memory_space<semaphore_mem>>) {add = true}
        %dma_wait3A_918 = arith.constant 0 : i32
        %dma_wait3A_919 = tpu.memref_slice %arg10[%add3A_870, %run_scoped3A_878, %dma_wait3A_918] : memref<6x2x128xi32, #tpu.memory_space<vmem>> -> memref<1x1x128xi32, #tpu.memory_space<vmem>>
        %dma_wait3A_920 = tpu.memref_squeeze %dma_wait3A_919 : memref<1x1x128xi32, #tpu.memory_space<vmem>> -> memref<128xi32, #tpu.memory_space<vmem>>
        %dma_wait3A_921 = arith.constant 0 : i32
        %dma_wait3A_922 = arith.constant 0 : i32
        %dma_wait3A_923 = tpu.memref_slice %arg14[%dma_wait3A_921, %dma_wait3A_922] : memref<10000x128xf32, #tpu.memory_space<vmem_shared>> -> memref<10000x128xf32, #tpu.memory_space<vmem_shared>>
        tpu.wait_indirect_dma semaphore(%run_scoped3A_911 : memref<!tpu.dma_semaphore, #tpu.memory_space<semaphore_mem>>) src(%arg11 : memref<128x128xf32, #tpu.memory_space<vmem>>) dst(%dma_wait3A_923 : memref<10000x128xf32, #tpu.memory_space<vmem_shared>>)
        tpu.yield
      }) : () -> ()
      %add3A_879 = arith.constant 2 : i32
      %add3A_880 = arith.addi %add3A_870, %add3A_879 : i32
      %dma_start3A_881 = arith.constant 0 : i32
      %dma_start3A_882 = arith.constant 0 : i32
      %dma_start3A_883 = tpu.memref_slice %arg10[%add3A_880, %dma_start3A_881, %dma_start3A_882] : memref<6x2x128xi32, #tpu.memory_space<vmem>> -> memref<1x1x128xi32, #tpu.memory_space<vmem>>
      %dma_start3A_884 = tpu.memref_squeeze %dma_start3A_883 : memref<1x1x128xi32, #tpu.memory_space<vmem>> -> memref<128xi32, #tpu.memory_space<vmem>>
      %dma_start3A_885 = arith.constant 0 : i32
      %dma_start3A_886 = arith.constant 0 : i32
      %dma_start3A_887 = tpu.memref_slice %arg2[%dma_start3A_885, %dma_start3A_886] : memref<10000x128xf32, #tpu.memory_space<hbm>> -> memref<10000x128xf32, #tpu.memory_space<hbm>>
      tpu.enqueue_indirect_dma source(%dma_start3A_887 : memref<10000x128xf32, #tpu.memory_space<hbm>>) target(%arg11 : memref<128x128xf32, #tpu.memory_space<vmem>>) offsets(%dma_start3A_884 : memref<128xi32, #tpu.memory_space<vmem>>) semaphore(%arg18 : memref<!tpu.dma_semaphore, #tpu.memory_space<semaphore_mem>>)
      %run_scoped3A_888 = arith.constant 1 : i32
      "tpu.region"() ({
        %run_scoped3A_911 = tpu.sem_alloc : memref<!tpu.dma_semaphore, #tpu.memory_space<semaphore_mem>>
        %dma_start3A_912 = arith.constant 0 : i32
        %dma_start3A_913 = tpu.memref_slice %arg10[%add3A_870, %run_scoped3A_888, %dma_start3A_912] : memref<6x2x128xi32, #tpu.memory_space<vmem>> -> memref<1x1x128xi32, #tpu.memory_space<vmem>>
        %dma_start3A_914 = tpu.memref_squeeze %dma_start3A_913 : memref<1x1x128xi32, #tpu.memory_space<vmem>> -> memref<128xi32, #tpu.memory_space<vmem>>
        %dma_start3A_915 = arith.constant 0 : i32
        %dma_start3A_916 = arith.constant 0 : i32
        %dma_start3A_917 = tpu.memref_slice %arg15[%dma_start3A_915, %dma_start3A_916] : memref<10000x8xf32, #tpu.memory_space<vmem_shared>> -> memref<10000x8xf32, #tpu.memory_space<vmem_shared>>
        tpu.enqueue_indirect_dma source(%arg13 : memref<128x8xf32, #tpu.memory_space<vmem>>) target(%dma_start3A_917 : memref<10000x8xf32, #tpu.memory_space<vmem_shared>>) offsets(%dma_start3A_914 : memref<128xi32, #tpu.memory_space<vmem>>) semaphore(%run_scoped3A_911 : memref<!tpu.dma_semaphore, #tpu.memory_space<semaphore_mem>>) {add = true}
        %dma_wait3A_918 = arith.constant 0 : i32
        %dma_wait3A_919 = tpu.memref_slice %arg10[%add3A_870, %run_scoped3A_888, %dma_wait3A_918] : memref<6x2x128xi32, #tpu.memory_space<vmem>> -> memref<1x1x128xi32, #tpu.memory_space<vmem>>
        %dma_wait3A_920 = tpu.memref_squeeze %dma_wait3A_919 : memref<1x1x128xi32, #tpu.memory_space<vmem>> -> memref<128xi32, #tpu.memory_space<vmem>>
        %dma_wait3A_921 = arith.constant 0 : i32
        %dma_wait3A_922 = arith.constant 0 : i32
        %dma_wait3A_923 = tpu.memref_slice %arg15[%dma_wait3A_921, %dma_wait3A_922] : memref<10000x8xf32, #tpu.memory_space<vmem_shared>> -> memref<10000x8xf32, #tpu.memory_space<vmem_shared>>
        tpu.wait_indirect_dma semaphore(%run_scoped3A_911 : memref<!tpu.dma_semaphore, #tpu.memory_space<semaphore_mem>>) src(%arg13 : memref<128x8xf32, #tpu.memory_space<vmem>>) dst(%dma_wait3A_923 : memref<10000x8xf32, #tpu.memory_space<vmem_shared>>)
        tpu.yield
      }) : () -> ()
      %mul3A_889 = arith.constant 2 : i32
      %mul3A_890 = arith.muli %mul3A_889, %scan3A_866 : i32
      %add3A_891 = arith.constant 1 : i32
      %add3A_892 = arith.addi %mul3A_890, %add3A_891 : i32
      %dma_wait3A_893 = arith.constant 0 : i32
      %dma_wait3A_894 = arith.constant 0 : i32
      %dma_wait3A_895 = tpu.memref_slice %arg10[%add3A_892, %dma_wait3A_893, %dma_wait3A_894] : memref<6x2x128xi32, #tpu.memory_space<vmem>> -> memref<1x1x128xi32, #tpu.memory_space<vmem>>
      %dma_wait3A_896 = tpu.memref_squeeze %dma_wait3A_895 : memref<1x1x128xi32, #tpu.memory_space<vmem>> -> memref<128xi32, #tpu.memory_space<vmem>>
      %dma_wait3A_897 = arith.constant 0 : i32
      %dma_wait3A_898 = arith.constant 0 : i32
      %dma_wait3A_899 = tpu.memref_slice %arg2[%dma_wait3A_897, %dma_wait3A_898] : memref<10000x128xf32, #tpu.memory_space<hbm>> -> memref<10000x128xf32, #tpu.memory_space<hbm>>
      tpu.wait_indirect_dma semaphore(%arg19 : memref<!tpu.dma_semaphore, #tpu.memory_space<semaphore_mem>>) src(%dma_wait3A_899 : memref<10000x128xf32, #tpu.memory_space<hbm>>) dst(%arg12 : memref<128x128xf32, #tpu.memory_space<vmem>>)
      %run_scoped3A_900 = arith.constant 1 : i32
      "tpu.region"() ({
        %run_scoped3A_911 = tpu.sem_alloc : memref<!tpu.dma_semaphore, #tpu.memory_space<semaphore_mem>>
        %dma_start3A_912 = arith.constant 0 : i32
        %dma_start3A_913 = tpu.memref_slice %arg10[%add3A_892, %run_scoped3A_900, %dma_start3A_912] : memref<6x2x128xi32, #tpu.memory_space<vmem>> -> memref<1x1x128xi32, #tpu.memory_space<vmem>>
        %dma_start3A_914 = tpu.memref_squeeze %dma_start3A_913 : memref<1x1x128xi32, #tpu.memory_space<vmem>> -> memref<128xi32, #tpu.memory_space<vmem>>
        %dma_start3A_915 = arith.constant 0 : i32
        %dma_start3A_916 = arith.constant 0 : i32
        %dma_start3A_917 = tpu.memref_slice %arg14[%dma_start3A_915, %dma_start3A_916] : memref<10000x128xf32, #tpu.memory_space<vmem_shared>> -> memref<10000x128xf32, #tpu.memory_space<vmem_shared>>
        tpu.enqueue_indirect_dma source(%arg12 : memref<128x128xf32, #tpu.memory_space<vmem>>) target(%dma_start3A_917 : memref<10000x128xf32, #tpu.memory_space<vmem_shared>>) offsets(%dma_start3A_914 : memref<128xi32, #tpu.memory_space<vmem>>) semaphore(%run_scoped3A_911 : memref<!tpu.dma_semaphore, #tpu.memory_space<semaphore_mem>>) {add = true}
        %dma_wait3A_918 = arith.constant 0 : i32
        %dma_wait3A_919 = tpu.memref_slice %arg10[%add3A_892, %run_scoped3A_900, %dma_wait3A_918] : memref<6x2x128xi32, #tpu.memory_space<vmem>> -> memref<1x1x128xi32, #tpu.memory_space<vmem>>
        %dma_wait3A_920 = tpu.memref_squeeze %dma_wait3A_919 : memref<1x1x128xi32, #tpu.memory_space<vmem>> -> memref<128xi32, #tpu.memory_space<vmem>>
        %dma_wait3A_921 = arith.constant 0 : i32
        %dma_wait3A_922 = arith.constant 0 : i32
        %dma_wait3A_923 = tpu.memref_slice %arg14[%dma_wait3A_921, %dma_wait3A_922] : memref<10000x128xf32, #tpu.memory_space<vmem_shared>> -> memref<10000x128xf32, #tpu.memory_space<vmem_shared>>
        tpu.wait_indirect_dma semaphore(%run_scoped3A_911 : memref<!tpu.dma_semaphore, #tpu.memory_space<semaphore_mem>>) src(%arg12 : memref<128x128xf32, #tpu.memory_space<vmem>>) dst(%dma_wait3A_923 : memref<10000x128xf32, #tpu.memory_space<vmem_shared>>)
        tpu.yield
      }) : () -> ()
      %add3A_901 = arith.constant 2 : i32
      %add3A_902 = arith.addi %add3A_892, %add3A_901 : i32
      %dma_start3A_903 = arith.constant 0 : i32
      %dma_start3A_904 = arith.constant 0 : i32
      %dma_start3A_905 = tpu.memref_slice %arg10[%add3A_902, %dma_start3A_903, %dma_start3A_904] : memref<6x2x128xi32, #tpu.memory_space<vmem>> -> memref<1x1x128xi32, #tpu.memory_space<vmem>>
      %dma_start3A_906 = tpu.memref_squeeze %dma_start3A_905 : memref<1x1x128xi32, #tpu.memory_space<vmem>> -> memref<128xi32, #tpu.memory_space<vmem>>
      %dma_start3A_907 = arith.constant 0 : i32
      %dma_start3A_908 = arith.constant 0 : i32
      %dma_start3A_909 = tpu.memref_slice %arg2[%dma_start3A_907, %dma_start3A_908] : memref<10000x128xf32, #tpu.memory_space<hbm>> -> memref<10000x128xf32, #tpu.memory_space<hbm>>
      tpu.enqueue_indirect_dma source(%dma_start3A_909 : memref<10000x128xf32, #tpu.memory_space<hbm>>) target(%arg12 : memref<128x128xf32, #tpu.memory_space<vmem>>) offsets(%dma_start3A_906 : memref<128xi32, #tpu.memory_space<vmem>>) semaphore(%arg19 : memref<!tpu.dma_semaphore, #tpu.memory_space<semaphore_mem>>)
      %run_scoped3A_910 = arith.constant 1 : i32
      "tpu.region"() ({
        %run_scoped3A_911 = tpu.sem_alloc : memref<!tpu.dma_semaphore, #tpu.memory_space<semaphore_mem>>
        %dma_start3A_912 = arith.constant 0 : i32
        %dma_start3A_913 = tpu.memref_slice %arg10[%add3A_892, %run_scoped3A_910, %dma_start3A_912] : memref<6x2x128xi32, #tpu.memory_space<vmem>> -> memref<1x1x128xi32, #tpu.memory_space<vmem>>
        %dma_start3A_914 = tpu.memref_squeeze %dma_start3A_913 : memref<1x1x128xi32, #tpu.memory_space<vmem>> -> memref<128xi32, #tpu.memory_space<vmem>>
        %dma_start3A_915 = arith.constant 0 : i32
        %dma_start3A_916 = arith.constant 0 : i32
        %dma_start3A_917 = tpu.memref_slice %arg15[%dma_start3A_915, %dma_start3A_916] : memref<10000x8xf32, #tpu.memory_space<vmem_shared>> -> memref<10000x8xf32, #tpu.memory_space<vmem_shared>>
        tpu.enqueue_indirect_dma source(%arg13 : memref<128x8xf32, #tpu.memory_space<vmem>>) target(%dma_start3A_917 : memref<10000x8xf32, #tpu.memory_space<vmem_shared>>) offsets(%dma_start3A_914 : memref<128xi32, #tpu.memory_space<vmem>>) semaphore(%run_scoped3A_911 : memref<!tpu.dma_semaphore, #tpu.memory_space<semaphore_mem>>) {add = true}
        %dma_wait3A_918 = arith.constant 0 : i32
        %dma_wait3A_919 = tpu.memref_slice %arg10[%add3A_892, %run_scoped3A_910, %dma_wait3A_918] : memref<6x2x128xi32, #tpu.memory_space<vmem>> -> memref<1x1x128xi32, #tpu.memory_space<vmem>>
        %dma_wait3A_920 = tpu.memref_squeeze %dma_wait3A_919 : memref<1x1x128xi32, #tpu.memory_space<vmem>> -> memref<128xi32, #tpu.memory_space<vmem>>
        %dma_wait3A_921 = arith.constant 0 : i32
        %dma_wait3A_922 = arith.constant 0 : i32
        %dma_wait3A_923 = tpu.memref_slice %arg15[%dma_wait3A_921, %dma_wait3A_922] : memref<10000x8xf32, #tpu.memory_space<vmem_shared>> -> memref<10000x8xf32, #tpu.memory_space<vmem_shared>>
        tpu.wait_indirect_dma semaphore(%run_scoped3A_911 : memref<!tpu.dma_semaphore, #tpu.memory_space<semaphore_mem>>) src(%arg13 : memref<128x8xf32, #tpu.memory_space<vmem>>) dst(%dma_wait3A_923 : memref<10000x8xf32, #tpu.memory_space<vmem_shared>>)
        tpu.yield
      }) : () -> ()
    }
    %scan3A_104 = arith.constant 2 : i32
    %dma_wait3A_105 = arith.constant 4 : i32
    %dma_wait3A_106 = arith.constant 0 : i32
    %dma_wait3A_107 = arith.constant 0 : i32
    %dma_wait3A_108 = tpu.memref_slice %arg10[%dma_wait3A_105, %dma_wait3A_106, %dma_wait3A_107] : memref<6x2x128xi32, #tpu.memory_space<vmem>> -> memref<1x1x128xi32, #tpu.memory_space<vmem>>
    %dma_wait3A_109 = tpu.memref_squeeze %dma_wait3A_108 : memref<1x1x128xi32, #tpu.memory_space<vmem>> -> memref<128xi32, #tpu.memory_space<vmem>>
    %dma_wait3A_110 = arith.constant 0 : i32
    %dma_wait3A_111 = arith.constant 0 : i32
    %dma_wait3A_112 = tpu.memref_slice %arg2[%dma_wait3A_110, %dma_wait3A_111] : memref<10000x128xf32, #tpu.memory_space<hbm>> -> memref<10000x128xf32, #tpu.memory_space<hbm>>
    tpu.wait_indirect_dma semaphore(%arg18 : memref<!tpu.dma_semaphore, #tpu.memory_space<semaphore_mem>>) src(%dma_wait3A_112 : memref<10000x128xf32, #tpu.memory_space<hbm>>) dst(%arg11 : memref<128x128xf32, #tpu.memory_space<vmem>>)
    %run_scoped3A_113 = arith.constant 4 : i32
    %run_scoped3A_114 = arith.constant 1 : i32
    "tpu.region"() ({
      %run_scoped3A_866 = tpu.sem_alloc : memref<!tpu.dma_semaphore, #tpu.memory_space<semaphore_mem>>
      %dma_start3A_867 = arith.constant 0 : i32
      %dma_start3A_868 = tpu.memref_slice %arg10[%run_scoped3A_113, %run_scoped3A_114, %dma_start3A_867] : memref<6x2x128xi32, #tpu.memory_space<vmem>> -> memref<1x1x128xi32, #tpu.memory_space<vmem>>
      %dma_start3A_869 = tpu.memref_squeeze %dma_start3A_868 : memref<1x1x128xi32, #tpu.memory_space<vmem>> -> memref<128xi32, #tpu.memory_space<vmem>>
      %dma_start3A_870 = arith.constant 0 : i32
      %dma_start3A_871 = arith.constant 0 : i32
      %dma_start3A_872 = tpu.memref_slice %arg14[%dma_start3A_870, %dma_start3A_871] : memref<10000x128xf32, #tpu.memory_space<vmem_shared>> -> memref<10000x128xf32, #tpu.memory_space<vmem_shared>>
      tpu.enqueue_indirect_dma source(%arg11 : memref<128x128xf32, #tpu.memory_space<vmem>>) target(%dma_start3A_872 : memref<10000x128xf32, #tpu.memory_space<vmem_shared>>) offsets(%dma_start3A_869 : memref<128xi32, #tpu.memory_space<vmem>>) semaphore(%run_scoped3A_866 : memref<!tpu.dma_semaphore, #tpu.memory_space<semaphore_mem>>) {add = true}
      %dma_wait3A_873 = arith.constant 0 : i32
      %dma_wait3A_874 = tpu.memref_slice %arg10[%run_scoped3A_113, %run_scoped3A_114, %dma_wait3A_873] : memref<6x2x128xi32, #tpu.memory_space<vmem>> -> memref<1x1x128xi32, #tpu.memory_space<vmem>>
      %dma_wait3A_875 = tpu.memref_squeeze %dma_wait3A_874 : memref<1x1x128xi32, #tpu.memory_space<vmem>> -> memref<128xi32, #tpu.memory_space<vmem>>
      %dma_wait3A_876 = arith.constant 0 : i32
      %dma_wait3A_877 = arith.constant 0 : i32
      %dma_wait3A_878 = tpu.memref_slice %arg14[%dma_wait3A_876, %dma_wait3A_877] : memref<10000x128xf32, #tpu.memory_space<vmem_shared>> -> memref<10000x128xf32, #tpu.memory_space<vmem_shared>>
      tpu.wait_indirect_dma semaphore(%run_scoped3A_866 : memref<!tpu.dma_semaphore, #tpu.memory_space<semaphore_mem>>) src(%arg11 : memref<128x128xf32, #tpu.memory_space<vmem>>) dst(%dma_wait3A_878 : memref<10000x128xf32, #tpu.memory_space<vmem_shared>>)
      tpu.yield
    }) : () -> ()
    %add3A_115 = arith.constant 12 : i32
    %add3A_116 = arith.addi %mul3A_2, %add3A_115 : i32
    %dma_wait3A_117 = arith.constant 0 : i32
    %dma_wait3A_118 = arith.constant 0 : i32
    %dma_wait3A_119 = tpu.memref_slice %arg3[%add3A_116, %dma_wait3A_117, %dma_wait3A_118] : memref<2500x2x128xi32, #tpu.memory_space<hbm>> -> memref<6x2x128xi32, #tpu.memory_space<hbm>>
    %dma_wait3A_120 = arith.constant 0 : i32
    %dma_wait3A_121 = arith.constant 0 : i32
    %dma_wait3A_122 = tpu.memref_slice %arg3[%add3A_116, %dma_wait3A_120, %dma_wait3A_121] : memref<2500x2x128xi32, #tpu.memory_space<hbm>> -> memref<6x2x128xi32, #tpu.memory_space<hbm>>
    tpu.wait_dma2 semaphore(%arg16 : memref<!tpu.dma_semaphore, #tpu.memory_space<semaphore_mem>>) src(%dma_wait3A_122 : memref<6x2x128xi32, #tpu.memory_space<hbm>>) dst(%arg9 : memref<6x2x128xi32, #tpu.memory_space<vmem>>)
    %dma_start3A_123 = arith.constant 0 : i32
    %dma_start3A_124 = arith.constant 0 : i32
    %dma_start3A_125 = arith.constant 0 : i32
    %dma_start3A_126 = tpu.memref_slice %arg9[%dma_start3A_123, %dma_start3A_124, %dma_start3A_125] : memref<6x2x128xi32, #tpu.memory_space<vmem>> -> memref<1x1x128xi32, #tpu.memory_space<vmem>>
    %dma_start3A_127 = tpu.memref_squeeze %dma_start3A_126 : memref<1x1x128xi32, #tpu.memory_space<vmem>> -> memref<128xi32, #tpu.memory_space<vmem>>
    %dma_start3A_128 = arith.constant 0 : i32
    %dma_start3A_129 = arith.constant 0 : i32
    %dma_start3A_130 = tpu.memref_slice %arg2[%dma_start3A_128, %dma_start3A_129] : memref<10000x128xf32, #tpu.memory_space<hbm>> -> memref<10000x128xf32, #tpu.memory_space<hbm>>
    tpu.enqueue_indirect_dma source(%dma_start3A_130 : memref<10000x128xf32, #tpu.memory_space<hbm>>) target(%arg11 : memref<128x128xf32, #tpu.memory_space<vmem>>) offsets(%dma_start3A_127 : memref<128xi32, #tpu.memory_space<vmem>>) semaphore(%arg18 : memref<!tpu.dma_semaphore, #tpu.memory_space<semaphore_mem>>)
    %run_scoped3A_131 = arith.constant 4 : i32
    %run_scoped3A_132 = arith.constant 1 : i32
    "tpu.region"() ({
      %run_scoped3A_866 = tpu.sem_alloc : memref<!tpu.dma_semaphore, #tpu.memory_space<semaphore_mem>>
      %dma_start3A_867 = arith.constant 0 : i32
      %dma_start3A_868 = tpu.memref_slice %arg10[%run_scoped3A_131, %run_scoped3A_132, %dma_start3A_867] : memref<6x2x128xi32, #tpu.memory_space<vmem>> -> memref<1x1x128xi32, #tpu.memory_space<vmem>>
      %dma_start3A_869 = tpu.memref_squeeze %dma_start3A_868 : memref<1x1x128xi32, #tpu.memory_space<vmem>> -> memref<128xi32, #tpu.memory_space<vmem>>
      %dma_start3A_870 = arith.constant 0 : i32
      %dma_start3A_871 = arith.constant 0 : i32
      %dma_start3A_872 = tpu.memref_slice %arg15[%dma_start3A_870, %dma_start3A_871] : memref<10000x8xf32, #tpu.memory_space<vmem_shared>> -> memref<10000x8xf32, #tpu.memory_space<vmem_shared>>
      tpu.enqueue_indirect_dma source(%arg13 : memref<128x8xf32, #tpu.memory_space<vmem>>) target(%dma_start3A_872 : memref<10000x8xf32, #tpu.memory_space<vmem_shared>>) offsets(%dma_start3A_869 : memref<128xi32, #tpu.memory_space<vmem>>) semaphore(%run_scoped3A_866 : memref<!tpu.dma_semaphore, #tpu.memory_space<semaphore_mem>>) {add = true}
      %dma_wait3A_873 = arith.constant 0 : i32
      %dma_wait3A_874 = tpu.memref_slice %arg10[%run_scoped3A_131, %run_scoped3A_132, %dma_wait3A_873] : memref<6x2x128xi32, #tpu.memory_space<vmem>> -> memref<1x1x128xi32, #tpu.memory_space<vmem>>
      %dma_wait3A_875 = tpu.memref_squeeze %dma_wait3A_874 : memref<1x1x128xi32, #tpu.memory_space<vmem>> -> memref<128xi32, #tpu.memory_space<vmem>>
      %dma_wait3A_876 = arith.constant 0 : i32
      %dma_wait3A_877 = arith.constant 0 : i32
      %dma_wait3A_878 = tpu.memref_slice %arg15[%dma_wait3A_876, %dma_wait3A_877] : memref<10000x8xf32, #tpu.memory_space<vmem_shared>> -> memref<10000x8xf32, #tpu.memory_space<vmem_shared>>
      tpu.wait_indirect_dma semaphore(%run_scoped3A_866 : memref<!tpu.dma_semaphore, #tpu.memory_space<semaphore_mem>>) src(%arg13 : memref<128x8xf32, #tpu.memory_space<vmem>>) dst(%dma_wait3A_878 : memref<10000x8xf32, #tpu.memory_space<vmem_shared>>)
      tpu.yield
    }) : () -> ()
    %dma_wait3A_133 = arith.constant 5 : i32
    %dma_wait3A_134 = arith.constant 0 : i32
    %dma_wait3A_135 = arith.constant 0 : i32
    %dma_wait3A_136 = tpu.memref_slice %arg10[%dma_wait3A_133, %dma_wait3A_134, %dma_wait3A_135] : memref<6x2x128xi32, #tpu.memory_space<vmem>> -> memref<1x1x128xi32, #tpu.memory_space<vmem>>
    %dma_wait3A_137 = tpu.memref_squeeze %dma_wait3A_136 : memref<1x1x128xi32, #tpu.memory_space<vmem>> -> memref<128xi32, #tpu.memory_space<vmem>>
    %dma_wait3A_138 = arith.constant 0 : i32
    %dma_wait3A_139 = arith.constant 0 : i32
    %dma_wait3A_140 = tpu.memref_slice %arg2[%dma_wait3A_138, %dma_wait3A_139] : memref<10000x128xf32, #tpu.memory_space<hbm>> -> memref<10000x128xf32, #tpu.memory_space<hbm>>
    tpu.wait_indirect_dma semaphore(%arg19 : memref<!tpu.dma_semaphore, #tpu.memory_space<semaphore_mem>>) src(%dma_wait3A_140 : memref<10000x128xf32, #tpu.memory_space<hbm>>) dst(%arg12 : memref<128x128xf32, #tpu.memory_space<vmem>>)
    %run_scoped3A_141 = arith.constant 5 : i32
    %run_scoped3A_142 = arith.constant 1 : i32
    "tpu.region"() ({
      %run_scoped3A_866 = tpu.sem_alloc : memref<!tpu.dma_semaphore, #tpu.memory_space<semaphore_mem>>
      %dma_start3A_867 = arith.constant 0 : i32
      %dma_start3A_868 = tpu.memref_slice %arg10[%run_scoped3A_141, %run_scoped3A_142, %dma_start3A_867] : memref<6x2x128xi32, #tpu.memory_space<vmem>> -> memref<1x1x128xi32, #tpu.memory_space<vmem>>
      %dma_start3A_869 = tpu.memref_squeeze %dma_start3A_868 : memref<1x1x128xi32, #tpu.memory_space<vmem>> -> memref<128xi32, #tpu.memory_space<vmem>>
      %dma_start3A_870 = arith.constant 0 : i32
      %dma_start3A_871 = arith.constant 0 : i32
      %dma_start3A_872 = tpu.memref_slice %arg14[%dma_start3A_870, %dma_start3A_871] : memref<10000x128xf32, #tpu.memory_space<vmem_shared>> -> memref<10000x128xf32, #tpu.memory_space<vmem_shared>>
      tpu.enqueue_indirect_dma source(%arg12 : memref<128x128xf32, #tpu.memory_space<vmem>>) target(%dma_start3A_872 : memref<10000x128xf32, #tpu.memory_space<vmem_shared>>) offsets(%dma_start3A_869 : memref<128xi32, #tpu.memory_space<vmem>>) semaphore(%run_scoped3A_866 : memref<!tpu.dma_semaphore, #tpu.memory_space<semaphore_mem>>) {add = true}
      %dma_wait3A_873 = arith.constant 0 : i32
      %dma_wait3A_874 = tpu.memref_slice %arg10[%run_scoped3A_141, %run_scoped3A_142, %dma_wait3A_873] : memref<6x2x128xi32, #tpu.memory_space<vmem>> -> memref<1x1x128xi32, #tpu.memory_space<vmem>>
      %dma_wait3A_875 = tpu.memref_squeeze %dma_wait3A_874 : memref<1x1x128xi32, #tpu.memory_space<vmem>> -> memref<128xi32, #tpu.memory_space<vmem>>
      %dma_wait3A_876 = arith.constant 0 : i32
      %dma_wait3A_877 = arith.constant 0 : i32
      %dma_wait3A_878 = tpu.memref_slice %arg14[%dma_wait3A_876, %dma_wait3A_877] : memref<10000x128xf32, #tpu.memory_space<vmem_shared>> -> memref<10000x128xf32, #tpu.memory_space<vmem_shared>>
      tpu.wait_indirect_dma semaphore(%run_scoped3A_866 : memref<!tpu.dma_semaphore, #tpu.memory_space<semaphore_mem>>) src(%arg12 : memref<128x128xf32, #tpu.memory_space<vmem>>) dst(%dma_wait3A_878 : memref<10000x128xf32, #tpu.memory_space<vmem_shared>>)
      tpu.yield
    }) : () -> ()
    %dma_start3A_143 = arith.constant 1 : i32
    %dma_start3A_144 = arith.constant 0 : i32
    %dma_start3A_145 = arith.constant 0 : i32
    %dma_start3A_146 = tpu.memref_slice %arg9[%dma_start3A_143, %dma_start3A_144, %dma_start3A_145] : memref<6x2x128xi32, #tpu.memory_space<vmem>> -> memref<1x1x128xi32, #tpu.memory_space<vmem>>
    %dma_start3A_147 = tpu.memref_squeeze %dma_start3A_146 : memref<1x1x128xi32, #tpu.memory_space<vmem>> -> memref<128xi32, #tpu.memory_space<vmem>>
    %dma_start3A_148 = arith.constant 0 : i32
    %dma_start3A_149 = arith.constant 0 : i32
    %dma_start3A_150 = tpu.memref_slice %arg2[%dma_start3A_148, %dma_start3A_149] : memref<10000x128xf32, #tpu.memory_space<hbm>> -> memref<10000x128xf32, #tpu.memory_space<hbm>>
    tpu.enqueue_indirect_dma source(%dma_start3A_150 : memref<10000x128xf32, #tpu.memory_space<hbm>>) target(%arg12 : memref<128x128xf32, #tpu.memory_space<vmem>>) offsets(%dma_start3A_147 : memref<128xi32, #tpu.memory_space<vmem>>) semaphore(%arg19 : memref<!tpu.dma_semaphore, #tpu.memory_space<semaphore_mem>>)
    %run_scoped3A_151 = arith.constant 5 : i32
    %run_scoped3A_152 = arith.constant 1 : i32
    "tpu.region"() ({
      %run_scoped3A_866 = tpu.sem_alloc : memref<!tpu.dma_semaphore, #tpu.memory_space<semaphore_mem>>
      %dma_start3A_867 = arith.constant 0 : i32
      %dma_start3A_868 = tpu.memref_slice %arg10[%run_scoped3A_151, %run_scoped3A_152, %dma_start3A_867] : memref<6x2x128xi32, #tpu.memory_space<vmem>> -> memref<1x1x128xi32, #tpu.memory_space<vmem>>
      %dma_start3A_869 = tpu.memref_squeeze %dma_start3A_868 : memref<1x1x128xi32, #tpu.memory_space<vmem>> -> memref<128xi32, #tpu.memory_space<vmem>>
      %dma_start3A_870 = arith.constant 0 : i32
      %dma_start3A_871 = arith.constant 0 : i32
      %dma_start3A_872 = tpu.memref_slice %arg15[%dma_start3A_870, %dma_start3A_871] : memref<10000x8xf32, #tpu.memory_space<vmem_shared>> -> memref<10000x8xf32, #tpu.memory_space<vmem_shared>>
      tpu.enqueue_indirect_dma source(%arg13 : memref<128x8xf32, #tpu.memory_space<vmem>>) target(%dma_start3A_872 : memref<10000x8xf32, #tpu.memory_space<vmem_shared>>) offsets(%dma_start3A_869 : memref<128xi32, #tpu.memory_space<vmem>>) semaphore(%run_scoped3A_866 : memref<!tpu.dma_semaphore, #tpu.memory_space<semaphore_mem>>) {add = true}
      %dma_wait3A_873 = arith.constant 0 : i32
      %dma_wait3A_874 = tpu.memref_slice %arg10[%run_scoped3A_151, %run_scoped3A_152, %dma_wait3A_873] : memref<6x2x128xi32, #tpu.memory_space<vmem>> -> memref<1x1x128xi32, #tpu.memory_space<vmem>>
      %dma_wait3A_875 = tpu.memref_squeeze %dma_wait3A_874 : memref<1x1x128xi32, #tpu.memory_space<vmem>> -> memref<128xi32, #tpu.memory_space<vmem>>
      %dma_wait3A_876 = arith.constant 0 : i32
      %dma_wait3A_877 = arith.constant 0 : i32
      %dma_wait3A_878 = tpu.memref_slice %arg15[%dma_wait3A_876, %dma_wait3A_877] : memref<10000x8xf32, #tpu.memory_space<vmem_shared>> -> memref<10000x8xf32, #tpu.memory_space<vmem_shared>>
      tpu.wait_indirect_dma semaphore(%run_scoped3A_866 : memref<!tpu.dma_semaphore, #tpu.memory_space<semaphore_mem>>) src(%arg13 : memref<128x8xf32, #tpu.memory_space<vmem>>) dst(%dma_wait3A_878 : memref<10000x8xf32, #tpu.memory_space<vmem_shared>>)
      tpu.yield
    }) : () -> ()
    %add3A_153 = arith.constant 18 : i32
    %add3A_154 = arith.addi %mul3A_2, %add3A_153 : i32
    %dma_start3A_155 = arith.constant 0 : i32
    %dma_start3A_156 = arith.constant 0 : i32
    %dma_start3A_157 = tpu.memref_slice %arg3[%add3A_154, %dma_start3A_155, %dma_start3A_156] : memref<2500x2x128xi32, #tpu.memory_space<hbm>> -> memref<6x2x128xi32, #tpu.memory_space<hbm>>
    %dma_start3A_158 = arith.constant 0 : i32
    %dma_start3A_159 = arith.constant 0 : i32
    %dma_start3A_160 = tpu.memref_slice %arg3[%add3A_154, %dma_start3A_158, %dma_start3A_159] : memref<2500x2x128xi32, #tpu.memory_space<hbm>> -> memref<6x2x128xi32, #tpu.memory_space<hbm>>
    tpu.enqueue_dma source(%dma_start3A_160 : memref<6x2x128xi32, #tpu.memory_space<hbm>>) target(%arg10 : memref<6x2x128xi32, #tpu.memory_space<vmem>>) target_semaphore(%arg17 : memref<!tpu.dma_semaphore, #tpu.memory_space<semaphore_mem>>)
    %scan3A_161 = arith.constant 0 : i32
    %scan3A_162 = arith.constant 0 : i32
    %scan3A_163 = arith.constant 2 : i32
    %scan3A_164 = arith.addi %scan3A_162, %scan3A_163 : i32
    %scan3A_165 = arith.constant 1 : i32
    scf.for %scan3A_866 = %scan3A_162 to %scan3A_164 step %scan3A_165  : i32 {
      %mul3A_867 = arith.constant 2 : i32
      %mul3A_868 = arith.muli %mul3A_867, %scan3A_866 : i32
      %add3A_869 = arith.constant 0 : i32
      %add3A_870 = arith.addi %mul3A_868, %add3A_869 : i32
      %dma_wait3A_871 = arith.constant 0 : i32
      %dma_wait3A_872 = arith.constant 0 : i32
      %dma_wait3A_873 = tpu.memref_slice %arg9[%add3A_870, %dma_wait3A_871, %dma_wait3A_872] : memref<6x2x128xi32, #tpu.memory_space<vmem>> -> memref<1x1x128xi32, #tpu.memory_space<vmem>>
      %dma_wait3A_874 = tpu.memref_squeeze %dma_wait3A_873 : memref<1x1x128xi32, #tpu.memory_space<vmem>> -> memref<128xi32, #tpu.memory_space<vmem>>
      %dma_wait3A_875 = arith.constant 0 : i32
      %dma_wait3A_876 = arith.constant 0 : i32
      %dma_wait3A_877 = tpu.memref_slice %arg2[%dma_wait3A_875, %dma_wait3A_876] : memref<10000x128xf32, #tpu.memory_space<hbm>> -> memref<10000x128xf32, #tpu.memory_space<hbm>>
      tpu.wait_indirect_dma semaphore(%arg18 : memref<!tpu.dma_semaphore, #tpu.memory_space<semaphore_mem>>) src(%dma_wait3A_877 : memref<10000x128xf32, #tpu.memory_space<hbm>>) dst(%arg11 : memref<128x128xf32, #tpu.memory_space<vmem>>)
      %run_scoped3A_878 = arith.constant 1 : i32
      "tpu.region"() ({
        %run_scoped3A_911 = tpu.sem_alloc : memref<!tpu.dma_semaphore, #tpu.memory_space<semaphore_mem>>
        %dma_start3A_912 = arith.constant 0 : i32
        %dma_start3A_913 = tpu.memref_slice %arg9[%add3A_870, %run_scoped3A_878, %dma_start3A_912] : memref<6x2x128xi32, #tpu.memory_space<vmem>> -> memref<1x1x128xi32, #tpu.memory_space<vmem>>
        %dma_start3A_914 = tpu.memref_squeeze %dma_start3A_913 : memref<1x1x128xi32, #tpu.memory_space<vmem>> -> memref<128xi32, #tpu.memory_space<vmem>>
        %dma_start3A_915 = arith.constant 0 : i32
        %dma_start3A_916 = arith.constant 0 : i32
        %dma_start3A_917 = tpu.memref_slice %arg14[%dma_start3A_915, %dma_start3A_916] : memref<10000x128xf32, #tpu.memory_space<vmem_shared>> -> memref<10000x128xf32, #tpu.memory_space<vmem_shared>>
        tpu.enqueue_indirect_dma source(%arg11 : memref<128x128xf32, #tpu.memory_space<vmem>>) target(%dma_start3A_917 : memref<10000x128xf32, #tpu.memory_space<vmem_shared>>) offsets(%dma_start3A_914 : memref<128xi32, #tpu.memory_space<vmem>>) semaphore(%run_scoped3A_911 : memref<!tpu.dma_semaphore, #tpu.memory_space<semaphore_mem>>) {add = true}
        %dma_wait3A_918 = arith.constant 0 : i32
        %dma_wait3A_919 = tpu.memref_slice %arg9[%add3A_870, %run_scoped3A_878, %dma_wait3A_918] : memref<6x2x128xi32, #tpu.memory_space<vmem>> -> memref<1x1x128xi32, #tpu.memory_space<vmem>>
        %dma_wait3A_920 = tpu.memref_squeeze %dma_wait3A_919 : memref<1x1x128xi32, #tpu.memory_space<vmem>> -> memref<128xi32, #tpu.memory_space<vmem>>
        %dma_wait3A_921 = arith.constant 0 : i32
        %dma_wait3A_922 = arith.constant 0 : i32
        %dma_wait3A_923 = tpu.memref_slice %arg14[%dma_wait3A_921, %dma_wait3A_922] : memref<10000x128xf32, #tpu.memory_space<vmem_shared>> -> memref<10000x128xf32, #tpu.memory_space<vmem_shared>>
        tpu.wait_indirect_dma semaphore(%run_scoped3A_911 : memref<!tpu.dma_semaphore, #tpu.memory_space<semaphore_mem>>) src(%arg11 : memref<128x128xf32, #tpu.memory_space<vmem>>) dst(%dma_wait3A_923 : memref<10000x128xf32, #tpu.memory_space<vmem_shared>>)
        tpu.yield
      }) : () -> ()
      %add3A_879 = arith.constant 2 : i32
      %add3A_880 = arith.addi %add3A_870, %add3A_879 : i32
      %dma_start3A_881 = arith.constant 0 : i32
      %dma_start3A_882 = arith.constant 0 : i32
      %dma_start3A_883 = tpu.memref_slice %arg9[%add3A_880, %dma_start3A_881, %dma_start3A_882] : memref<6x2x128xi32, #tpu.memory_space<vmem>> -> memref<1x1x128xi32, #tpu.memory_space<vmem>>
      %dma_start3A_884 = tpu.memref_squeeze %dma_start3A_883 : memref<1x1x128xi32, #tpu.memory_space<vmem>> -> memref<128xi32, #tpu.memory_space<vmem>>
      %dma_start3A_885 = arith.constant 0 : i32
      %dma_start3A_886 = arith.constant 0 : i32
      %dma_start3A_887 = tpu.memref_slice %arg2[%dma_start3A_885, %dma_start3A_886] : memref<10000x128xf32, #tpu.memory_space<hbm>> -> memref<10000x128xf32, #tpu.memory_space<hbm>>
      tpu.enqueue_indirect_dma source(%dma_start3A_887 : memref<10000x128xf32, #tpu.memory_space<hbm>>) target(%arg11 : memref<128x128xf32, #tpu.memory_space<vmem>>) offsets(%dma_start3A_884 : memref<128xi32, #tpu.memory_space<vmem>>) semaphore(%arg18 : memref<!tpu.dma_semaphore, #tpu.memory_space<semaphore_mem>>)
      %run_scoped3A_888 = arith.constant 1 : i32
      "tpu.region"() ({
        %run_scoped3A_911 = tpu.sem_alloc : memref<!tpu.dma_semaphore, #tpu.memory_space<semaphore_mem>>
        %dma_start3A_912 = arith.constant 0 : i32
        %dma_start3A_913 = tpu.memref_slice %arg9[%add3A_870, %run_scoped3A_888, %dma_start3A_912] : memref<6x2x128xi32, #tpu.memory_space<vmem>> -> memref<1x1x128xi32, #tpu.memory_space<vmem>>
        %dma_start3A_914 = tpu.memref_squeeze %dma_start3A_913 : memref<1x1x128xi32, #tpu.memory_space<vmem>> -> memref<128xi32, #tpu.memory_space<vmem>>
        %dma_start3A_915 = arith.constant 0 : i32
        %dma_start3A_916 = arith.constant 0 : i32
        %dma_start3A_917 = tpu.memref_slice %arg15[%dma_start3A_915, %dma_start3A_916] : memref<10000x8xf32, #tpu.memory_space<vmem_shared>> -> memref<10000x8xf32, #tpu.memory_space<vmem_shared>>
        tpu.enqueue_indirect_dma source(%arg13 : memref<128x8xf32, #tpu.memory_space<vmem>>) target(%dma_start3A_917 : memref<10000x8xf32, #tpu.memory_space<vmem_shared>>) offsets(%dma_start3A_914 : memref<128xi32, #tpu.memory_space<vmem>>) semaphore(%run_scoped3A_911 : memref<!tpu.dma_semaphore, #tpu.memory_space<semaphore_mem>>) {add = true}
        %dma_wait3A_918 = arith.constant 0 : i32
        %dma_wait3A_919 = tpu.memref_slice %arg9[%add3A_870, %run_scoped3A_888, %dma_wait3A_918] : memref<6x2x128xi32, #tpu.memory_space<vmem>> -> memref<1x1x128xi32, #tpu.memory_space<vmem>>
        %dma_wait3A_920 = tpu.memref_squeeze %dma_wait3A_919 : memref<1x1x128xi32, #tpu.memory_space<vmem>> -> memref<128xi32, #tpu.memory_space<vmem>>
        %dma_wait3A_921 = arith.constant 0 : i32
        %dma_wait3A_922 = arith.constant 0 : i32
        %dma_wait3A_923 = tpu.memref_slice %arg15[%dma_wait3A_921, %dma_wait3A_922] : memref<10000x8xf32, #tpu.memory_space<vmem_shared>> -> memref<10000x8xf32, #tpu.memory_space<vmem_shared>>
        tpu.wait_indirect_dma semaphore(%run_scoped3A_911 : memref<!tpu.dma_semaphore, #tpu.memory_space<semaphore_mem>>) src(%arg13 : memref<128x8xf32, #tpu.memory_space<vmem>>) dst(%dma_wait3A_923 : memref<10000x8xf32, #tpu.memory_space<vmem_shared>>)
        tpu.yield
      }) : () -> ()
      %mul3A_889 = arith.constant 2 : i32
      %mul3A_890 = arith.muli %mul3A_889, %scan3A_866 : i32
      %add3A_891 = arith.constant 1 : i32
      %add3A_892 = arith.addi %mul3A_890, %add3A_891 : i32
      %dma_wait3A_893 = arith.constant 0 : i32
      %dma_wait3A_894 = arith.constant 0 : i32
      %dma_wait3A_895 = tpu.memref_slice %arg9[%add3A_892, %dma_wait3A_893, %dma_wait3A_894] : memref<6x2x128xi32, #tpu.memory_space<vmem>> -> memref<1x1x128xi32, #tpu.memory_space<vmem>>
      %dma_wait3A_896 = tpu.memref_squeeze %dma_wait3A_895 : memref<1x1x128xi32, #tpu.memory_space<vmem>> -> memref<128xi32, #tpu.memory_space<vmem>>
      %dma_wait3A_897 = arith.constant 0 : i32
      %dma_wait3A_898 = arith.constant 0 : i32
      %dma_wait3A_899 = tpu.memref_slice %arg2[%dma_wait3A_897, %dma_wait3A_898] : memref<10000x128xf32, #tpu.memory_space<hbm>> -> memref<10000x128xf32, #tpu.memory_space<hbm>>
      tpu.wait_indirect_dma semaphore(%arg19 : memref<!tpu.dma_semaphore, #tpu.memory_space<semaphore_mem>>) src(%dma_wait3A_899 : memref<10000x128xf32, #tpu.memory_space<hbm>>) dst(%arg12 : memref<128x128xf32, #tpu.memory_space<vmem>>)
      %run_scoped3A_900 = arith.constant 1 : i32
      "tpu.region"() ({
        %run_scoped3A_911 = tpu.sem_alloc : memref<!tpu.dma_semaphore, #tpu.memory_space<semaphore_mem>>
        %dma_start3A_912 = arith.constant 0 : i32
        %dma_start3A_913 = tpu.memref_slice %arg9[%add3A_892, %run_scoped3A_900, %dma_start3A_912] : memref<6x2x128xi32, #tpu.memory_space<vmem>> -> memref<1x1x128xi32, #tpu.memory_space<vmem>>
        %dma_start3A_914 = tpu.memref_squeeze %dma_start3A_913 : memref<1x1x128xi32, #tpu.memory_space<vmem>> -> memref<128xi32, #tpu.memory_space<vmem>>
        %dma_start3A_915 = arith.constant 0 : i32
        %dma_start3A_916 = arith.constant 0 : i32
        %dma_start3A_917 = tpu.memref_slice %arg14[%dma_start3A_915, %dma_start3A_916] : memref<10000x128xf32, #tpu.memory_space<vmem_shared>> -> memref<10000x128xf32, #tpu.memory_space<vmem_shared>>
        tpu.enqueue_indirect_dma source(%arg12 : memref<128x128xf32, #tpu.memory_space<vmem>>) target(%dma_start3A_917 : memref<10000x128xf32, #tpu.memory_space<vmem_shared>>) offsets(%dma_start3A_914 : memref<128xi32, #tpu.memory_space<vmem>>) semaphore(%run_scoped3A_911 : memref<!tpu.dma_semaphore, #tpu.memory_space<semaphore_mem>>) {add = true}
        %dma_wait3A_918 = arith.constant 0 : i32
        %dma_wait3A_919 = tpu.memref_slice %arg9[%add3A_892, %run_scoped3A_900, %dma_wait3A_918] : memref<6x2x128xi32, #tpu.memory_space<vmem>> -> memref<1x1x128xi32, #tpu.memory_space<vmem>>
        %dma_wait3A_920 = tpu.memref_squeeze %dma_wait3A_919 : memref<1x1x128xi32, #tpu.memory_space<vmem>> -> memref<128xi32, #tpu.memory_space<vmem>>
        %dma_wait3A_921 = arith.constant 0 : i32
        %dma_wait3A_922 = arith.constant 0 : i32
        %dma_wait3A_923 = tpu.memref_slice %arg14[%dma_wait3A_921, %dma_wait3A_922] : memref<10000x128xf32, #tpu.memory_space<vmem_shared>> -> memref<10000x128xf32, #tpu.memory_space<vmem_shared>>
        tpu.wait_indirect_dma semaphore(%run_scoped3A_911 : memref<!tpu.dma_semaphore, #tpu.memory_space<semaphore_mem>>) src(%arg12 : memref<128x128xf32, #tpu.memory_space<vmem>>) dst(%dma_wait3A_923 : memref<10000x128xf32, #tpu.memory_space<vmem_shared>>)
        tpu.yield
      }) : () -> ()
      %add3A_901 = arith.constant 2 : i32
      %add3A_902 = arith.addi %add3A_892, %add3A_901 : i32
      %dma_start3A_903 = arith.constant 0 : i32
      %dma_start3A_904 = arith.constant 0 : i32
      %dma_start3A_905 = tpu.memref_slice %arg9[%add3A_902, %dma_start3A_903, %dma_start3A_904] : memref<6x2x128xi32, #tpu.memory_space<vmem>> -> memref<1x1x128xi32, #tpu.memory_space<vmem>>
      %dma_start3A_906 = tpu.memref_squeeze %dma_start3A_905 : memref<1x1x128xi32, #tpu.memory_space<vmem>> -> memref<128xi32, #tpu.memory_space<vmem>>
      %dma_start3A_907 = arith.constant 0 : i32
      %dma_start3A_908 = arith.constant 0 : i32
      %dma_start3A_909 = tpu.memref_slice %arg2[%dma_start3A_907, %dma_start3A_908] : memref<10000x128xf32, #tpu.memory_space<hbm>> -> memref<10000x128xf32, #tpu.memory_space<hbm>>
      tpu.enqueue_indirect_dma source(%dma_start3A_909 : memref<10000x128xf32, #tpu.memory_space<hbm>>) target(%arg12 : memref<128x128xf32, #tpu.memory_space<vmem>>) offsets(%dma_start3A_906 : memref<128xi32, #tpu.memory_space<vmem>>) semaphore(%arg19 : memref<!tpu.dma_semaphore, #tpu.memory_space<semaphore_mem>>)
      %run_scoped3A_910 = arith.constant 1 : i32
      "tpu.region"() ({
        %run_scoped3A_911 = tpu.sem_alloc : memref<!tpu.dma_semaphore, #tpu.memory_space<semaphore_mem>>
        %dma_start3A_912 = arith.constant 0 : i32
        %dma_start3A_913 = tpu.memref_slice %arg9[%add3A_892, %run_scoped3A_910, %dma_start3A_912] : memref<6x2x128xi32, #tpu.memory_space<vmem>> -> memref<1x1x128xi32, #tpu.memory_space<vmem>>
        %dma_start3A_914 = tpu.memref_squeeze %dma_start3A_913 : memref<1x1x128xi32, #tpu.memory_space<vmem>> -> memref<128xi32, #tpu.memory_space<vmem>>
        %dma_start3A_915 = arith.constant 0 : i32
        %dma_start3A_916 = arith.constant 0 : i32
        %dma_start3A_917 = tpu.memref_slice %arg15[%dma_start3A_915, %dma_start3A_916] : memref<10000x8xf32, #tpu.memory_space<vmem_shared>> -> memref<10000x8xf32, #tpu.memory_space<vmem_shared>>
        tpu.enqueue_indirect_dma source(%arg13 : memref<128x8xf32, #tpu.memory_space<vmem>>) target(%dma_start3A_917 : memref<10000x8xf32, #tpu.memory_space<vmem_shared>>) offsets(%dma_start3A_914 : memref<128xi32, #tpu.memory_space<vmem>>) semaphore(%run_scoped3A_911 : memref<!tpu.dma_semaphore, #tpu.memory_space<semaphore_mem>>) {add = true}
        %dma_wait3A_918 = arith.constant 0 : i32
        %dma_wait3A_919 = tpu.memref_slice %arg9[%add3A_892, %run_scoped3A_910, %dma_wait3A_918] : memref<6x2x128xi32, #tpu.memory_space<vmem>> -> memref<1x1x128xi32, #tpu.memory_space<vmem>>
        %dma_wait3A_920 = tpu.memref_squeeze %dma_wait3A_919 : memref<1x1x128xi32, #tpu.memory_space<vmem>> -> memref<128xi32, #tpu.memory_space<vmem>>
        %dma_wait3A_921 = arith.constant 0 : i32
        %dma_wait3A_922 = arith.constant 0 : i32
        %dma_wait3A_923 = tpu.memref_slice %arg15[%dma_wait3A_921, %dma_wait3A_922] : memref<10000x8xf32, #tpu.memory_space<vmem_shared>> -> memref<10000x8xf32, #tpu.memory_space<vmem_shared>>
        tpu.wait_indirect_dma semaphore(%run_scoped3A_911 : memref<!tpu.dma_semaphore, #tpu.memory_space<semaphore_mem>>) src(%arg13 : memref<128x8xf32, #tpu.memory_space<vmem>>) dst(%dma_wait3A_923 : memref<10000x8xf32, #tpu.memory_space<vmem_shared>>)
        tpu.yield
      }) : () -> ()
    }
    %scan3A_166 = arith.constant 2 : i32
    %dma_wait3A_167 = arith.constant 4 : i32
    %dma_wait3A_168 = arith.constant 0 : i32
    %dma_wait3A_169 = arith.constant 0 : i32
    %dma_wait3A_170 = tpu.memref_slice %arg9[%dma_wait3A_167, %dma_wait3A_168, %dma_wait3A_169] : memref<6x2x128xi32, #tpu.memory_space<vmem>> -> memref<1x1x128xi32, #tpu.memory_space<vmem>>
    %dma_wait3A_171 = tpu.memref_squeeze %dma_wait3A_170 : memref<1x1x128xi32, #tpu.memory_space<vmem>> -> memref<128xi32, #tpu.memory_space<vmem>>
    %dma_wait3A_172 = arith.constant 0 : i32
    %dma_wait3A_173 = arith.constant 0 : i32
    %dma_wait3A_174 = tpu.memref_slice %arg2[%dma_wait3A_172, %dma_wait3A_173] : memref<10000x128xf32, #tpu.memory_space<hbm>> -> memref<10000x128xf32, #tpu.memory_space<hbm>>
    tpu.wait_indirect_dma semaphore(%arg18 : memref<!tpu.dma_semaphore, #tpu.memory_space<semaphore_mem>>) src(%dma_wait3A_174 : memref<10000x128xf32, #tpu.memory_space<hbm>>) dst(%arg11 : memref<128x128xf32, #tpu.memory_space<vmem>>)
    %run_scoped3A_175 = arith.constant 4 : i32
    %run_scoped3A_176 = arith.constant 1 : i32
    "tpu.region"() ({
      %run_scoped3A_866 = tpu.sem_alloc : memref<!tpu.dma_semaphore, #tpu.memory_space<semaphore_mem>>
      %dma_start3A_867 = arith.constant 0 : i32
      %dma_start3A_868 = tpu.memref_slice %arg9[%run_scoped3A_175, %run_scoped3A_176, %dma_start3A_867] : memref<6x2x128xi32, #tpu.memory_space<vmem>> -> memref<1x1x128xi32, #tpu.memory_space<vmem>>
      %dma_start3A_869 = tpu.memref_squeeze %dma_start3A_868 : memref<1x1x128xi32, #tpu.memory_space<vmem>> -> memref<128xi32, #tpu.memory_space<vmem>>
      %dma_start3A_870 = arith.constant 0 : i32
      %dma_start3A_871 = arith.constant 0 : i32
      %dma_start3A_872 = tpu.memref_slice %arg14[%dma_start3A_870, %dma_start3A_871] : memref<10000x128xf32, #tpu.memory_space<vmem_shared>> -> memref<10000x128xf32, #tpu.memory_space<vmem_shared>>
      tpu.enqueue_indirect_dma source(%arg11 : memref<128x128xf32, #tpu.memory_space<vmem>>) target(%dma_start3A_872 : memref<10000x128xf32, #tpu.memory_space<vmem_shared>>) offsets(%dma_start3A_869 : memref<128xi32, #tpu.memory_space<vmem>>) semaphore(%run_scoped3A_866 : memref<!tpu.dma_semaphore, #tpu.memory_space<semaphore_mem>>) {add = true}
      %dma_wait3A_873 = arith.constant 0 : i32
      %dma_wait3A_874 = tpu.memref_slice %arg9[%run_scoped3A_175, %run_scoped3A_176, %dma_wait3A_873] : memref<6x2x128xi32, #tpu.memory_space<vmem>> -> memref<1x1x128xi32, #tpu.memory_space<vmem>>
      %dma_wait3A_875 = tpu.memref_squeeze %dma_wait3A_874 : memref<1x1x128xi32, #tpu.memory_space<vmem>> -> memref<128xi32, #tpu.memory_space<vmem>>
      %dma_wait3A_876 = arith.constant 0 : i32
      %dma_wait3A_877 = arith.constant 0 : i32
      %dma_wait3A_878 = tpu.memref_slice %arg14[%dma_wait3A_876, %dma_wait3A_877] : memref<10000x128xf32, #tpu.memory_space<vmem_shared>> -> memref<10000x128xf32, #tpu.memory_space<vmem_shared>>
      tpu.wait_indirect_dma semaphore(%run_scoped3A_866 : memref<!tpu.dma_semaphore, #tpu.memory_space<semaphore_mem>>) src(%arg11 : memref<128x128xf32, #tpu.memory_space<vmem>>) dst(%dma_wait3A_878 : memref<10000x128xf32, #tpu.memory_space<vmem_shared>>)
      tpu.yield
    }) : () -> ()
    %add3A_177 = arith.constant 18 : i32
    %add3A_178 = arith.addi %mul3A_2, %add3A_177 : i32
    %dma_wait3A_179 = arith.constant 0 : i32
    %dma_wait3A_180 = arith.constant 0 : i32
    %dma_wait3A_181 = tpu.memref_slice %arg3[%add3A_178, %dma_wait3A_179, %dma_wait3A_180] : memref<2500x2x128xi32, #tpu.memory_space<hbm>> -> memref<6x2x128xi32, #tpu.memory_space<hbm>>
    %dma_wait3A_182 = arith.constant 0 : i32
    %dma_wait3A_183 = arith.constant 0 : i32
    %dma_wait3A_184 = tpu.memref_slice %arg3[%add3A_178, %dma_wait3A_182, %dma_wait3A_183] : memref<2500x2x128xi32, #tpu.memory_space<hbm>> -> memref<6x2x128xi32, #tpu.memory_space<hbm>>
    tpu.wait_dma2 semaphore(%arg17 : memref<!tpu.dma_semaphore, #tpu.memory_space<semaphore_mem>>) src(%dma_wait3A_184 : memref<6x2x128xi32, #tpu.memory_space<hbm>>) dst(%arg10 : memref<6x2x128xi32, #tpu.memory_space<vmem>>)
    %dma_start3A_185 = arith.constant 0 : i32
    %dma_start3A_186 = arith.constant 0 : i32
    %dma_start3A_187 = arith.constant 0 : i32
    %dma_start3A_188 = tpu.memref_slice %arg10[%dma_start3A_185, %dma_start3A_186, %dma_start3A_187] : memref<6x2x128xi32, #tpu.memory_space<vmem>> -> memref<1x1x128xi32, #tpu.memory_space<vmem>>
    %dma_start3A_189 = tpu.memref_squeeze %dma_start3A_188 : memref<1x1x128xi32, #tpu.memory_space<vmem>> -> memref<128xi32, #tpu.memory_space<vmem>>
    %dma_start3A_190 = arith.constant 0 : i32
    %dma_start3A_191 = arith.constant 0 : i32
    %dma_start3A_192 = tpu.memref_slice %arg2[%dma_start3A_190, %dma_start3A_191] : memref<10000x128xf32, #tpu.memory_space<hbm>> -> memref<10000x128xf32, #tpu.memory_space<hbm>>
    tpu.enqueue_indirect_dma source(%dma_start3A_192 : memref<10000x128xf32, #tpu.memory_space<hbm>>) target(%arg11 : memref<128x128xf32, #tpu.memory_space<vmem>>) offsets(%dma_start3A_189 : memref<128xi32, #tpu.memory_space<vmem>>) semaphore(%arg18 : memref<!tpu.dma_semaphore, #tpu.memory_space<semaphore_mem>>)
    %run_scoped3A_193 = arith.constant 4 : i32
    %run_scoped3A_194 = arith.constant 1 : i32
    "tpu.region"() ({
      %run_scoped3A_866 = tpu.sem_alloc : memref<!tpu.dma_semaphore, #tpu.memory_space<semaphore_mem>>
      %dma_start3A_867 = arith.constant 0 : i32
      %dma_start3A_868 = tpu.memref_slice %arg9[%run_scoped3A_193, %run_scoped3A_194, %dma_start3A_867] : memref<6x2x128xi32, #tpu.memory_space<vmem>> -> memref<1x1x128xi32, #tpu.memory_space<vmem>>
      %dma_start3A_869 = tpu.memref_squeeze %dma_start3A_868 : memref<1x1x128xi32, #tpu.memory_space<vmem>> -> memref<128xi32, #tpu.memory_space<vmem>>
      %dma_start3A_870 = arith.constant 0 : i32
      %dma_start3A_871 = arith.constant 0 : i32
      %dma_start3A_872 = tpu.memref_slice %arg15[%dma_start3A_870, %dma_start3A_871] : memref<10000x8xf32, #tpu.memory_space<vmem_shared>> -> memref<10000x8xf32, #tpu.memory_space<vmem_shared>>
      tpu.enqueue_indirect_dma source(%arg13 : memref<128x8xf32, #tpu.memory_space<vmem>>) target(%dma_start3A_872 : memref<10000x8xf32, #tpu.memory_space<vmem_shared>>) offsets(%dma_start3A_869 : memref<128xi32, #tpu.memory_space<vmem>>) semaphore(%run_scoped3A_866 : memref<!tpu.dma_semaphore, #tpu.memory_space<semaphore_mem>>) {add = true}
      %dma_wait3A_873 = arith.constant 0 : i32
      %dma_wait3A_874 = tpu.memref_slice %arg9[%run_scoped3A_193, %run_scoped3A_194, %dma_wait3A_873] : memref<6x2x128xi32, #tpu.memory_space<vmem>> -> memref<1x1x128xi32, #tpu.memory_space<vmem>>
      %dma_wait3A_875 = tpu.memref_squeeze %dma_wait3A_874 : memref<1x1x128xi32, #tpu.memory_space<vmem>> -> memref<128xi32, #tpu.memory_space<vmem>>
      %dma_wait3A_876 = arith.constant 0 : i32
      %dma_wait3A_877 = arith.constant 0 : i32
      %dma_wait3A_878 = tpu.memref_slice %arg15[%dma_wait3A_876, %dma_wait3A_877] : memref<10000x8xf32, #tpu.memory_space<vmem_shared>> -> memref<10000x8xf32, #tpu.memory_space<vmem_shared>>
      tpu.wait_indirect_dma semaphore(%run_scoped3A_866 : memref<!tpu.dma_semaphore, #tpu.memory_space<semaphore_mem>>) src(%arg13 : memref<128x8xf32, #tpu.memory_space<vmem>>) dst(%dma_wait3A_878 : memref<10000x8xf32, #tpu.memory_space<vmem_shared>>)
      tpu.yield
    }) : () -> ()
    %dma_wait3A_195 = arith.constant 5 : i32
    %dma_wait3A_196 = arith.constant 0 : i32
    %dma_wait3A_197 = arith.constant 0 : i32
    %dma_wait3A_198 = tpu.memref_slice %arg9[%dma_wait3A_195, %dma_wait3A_196, %dma_wait3A_197] : memref<6x2x128xi32, #tpu.memory_space<vmem>> -> memref<1x1x128xi32, #tpu.memory_space<vmem>>
    %dma_wait3A_199 = tpu.memref_squeeze %dma_wait3A_198 : memref<1x1x128xi32, #tpu.memory_space<vmem>> -> memref<128xi32, #tpu.memory_space<vmem>>
    %dma_wait3A_200 = arith.constant 0 : i32
    %dma_wait3A_201 = arith.constant 0 : i32
    %dma_wait3A_202 = tpu.memref_slice %arg2[%dma_wait3A_200, %dma_wait3A_201] : memref<10000x128xf32, #tpu.memory_space<hbm>> -> memref<10000x128xf32, #tpu.memory_space<hbm>>
    tpu.wait_indirect_dma semaphore(%arg19 : memref<!tpu.dma_semaphore, #tpu.memory_space<semaphore_mem>>) src(%dma_wait3A_202 : memref<10000x128xf32, #tpu.memory_space<hbm>>) dst(%arg12 : memref<128x128xf32, #tpu.memory_space<vmem>>)
    %run_scoped3A_203 = arith.constant 5 : i32
    %run_scoped3A_204 = arith.constant 1 : i32
    "tpu.region"() ({
      %run_scoped3A_866 = tpu.sem_alloc : memref<!tpu.dma_semaphore, #tpu.memory_space<semaphore_mem>>
      %dma_start3A_867 = arith.constant 0 : i32
      %dma_start3A_868 = tpu.memref_slice %arg9[%run_scoped3A_203, %run_scoped3A_204, %dma_start3A_867] : memref<6x2x128xi32, #tpu.memory_space<vmem>> -> memref<1x1x128xi32, #tpu.memory_space<vmem>>
      %dma_start3A_869 = tpu.memref_squeeze %dma_start3A_868 : memref<1x1x128xi32, #tpu.memory_space<vmem>> -> memref<128xi32, #tpu.memory_space<vmem>>
      %dma_start3A_870 = arith.constant 0 : i32
      %dma_start3A_871 = arith.constant 0 : i32
      %dma_start3A_872 = tpu.memref_slice %arg14[%dma_start3A_870, %dma_start3A_871] : memref<10000x128xf32, #tpu.memory_space<vmem_shared>> -> memref<10000x128xf32, #tpu.memory_space<vmem_shared>>
      tpu.enqueue_indirect_dma source(%arg12 : memref<128x128xf32, #tpu.memory_space<vmem>>) target(%dma_start3A_872 : memref<10000x128xf32, #tpu.memory_space<vmem_shared>>) offsets(%dma_start3A_869 : memref<128xi32, #tpu.memory_space<vmem>>) semaphore(%run_scoped3A_866 : memref<!tpu.dma_semaphore, #tpu.memory_space<semaphore_mem>>) {add = true}
      %dma_wait3A_873 = arith.constant 0 : i32
      %dma_wait3A_874 = tpu.memref_slice %arg9[%run_scoped3A_203, %run_scoped3A_204, %dma_wait3A_873] : memref<6x2x128xi32, #tpu.memory_space<vmem>> -> memref<1x1x128xi32, #tpu.memory_space<vmem>>
      %dma_wait3A_875 = tpu.memref_squeeze %dma_wait3A_874 : memref<1x1x128xi32, #tpu.memory_space<vmem>> -> memref<128xi32, #tpu.memory_space<vmem>>
      %dma_wait3A_876 = arith.constant 0 : i32
      %dma_wait3A_877 = arith.constant 0 : i32
      %dma_wait3A_878 = tpu.memref_slice %arg14[%dma_wait3A_876, %dma_wait3A_877] : memref<10000x128xf32, #tpu.memory_space<vmem_shared>> -> memref<10000x128xf32, #tpu.memory_space<vmem_shared>>
      tpu.wait_indirect_dma semaphore(%run_scoped3A_866 : memref<!tpu.dma_semaphore, #tpu.memory_space<semaphore_mem>>) src(%arg12 : memref<128x128xf32, #tpu.memory_space<vmem>>) dst(%dma_wait3A_878 : memref<10000x128xf32, #tpu.memory_space<vmem_shared>>)
      tpu.yield
    }) : () -> ()
    %dma_start3A_205 = arith.constant 1 : i32
    %dma_start3A_206 = arith.constant 0 : i32
    %dma_start3A_207 = arith.constant 0 : i32
    %dma_start3A_208 = tpu.memref_slice %arg10[%dma_start3A_205, %dma_start3A_206, %dma_start3A_207] : memref<6x2x128xi32, #tpu.memory_space<vmem>> -> memref<1x1x128xi32, #tpu.memory_space<vmem>>
    %dma_start3A_209 = tpu.memref_squeeze %dma_start3A_208 : memref<1x1x128xi32, #tpu.memory_space<vmem>> -> memref<128xi32, #tpu.memory_space<vmem>>
    %dma_start3A_210 = arith.constant 0 : i32
    %dma_start3A_211 = arith.constant 0 : i32
    %dma_start3A_212 = tpu.memref_slice %arg2[%dma_start3A_210, %dma_start3A_211] : memref<10000x128xf32, #tpu.memory_space<hbm>> -> memref<10000x128xf32, #tpu.memory_space<hbm>>
    tpu.enqueue_indirect_dma source(%dma_start3A_212 : memref<10000x128xf32, #tpu.memory_space<hbm>>) target(%arg12 : memref<128x128xf32, #tpu.memory_space<vmem>>) offsets(%dma_start3A_209 : memref<128xi32, #tpu.memory_space<vmem>>) semaphore(%arg19 : memref<!tpu.dma_semaphore, #tpu.memory_space<semaphore_mem>>)
    %run_scoped3A_213 = arith.constant 5 : i32
    %run_scoped3A_214 = arith.constant 1 : i32
    "tpu.region"() ({
      %run_scoped3A_866 = tpu.sem_alloc : memref<!tpu.dma_semaphore, #tpu.memory_space<semaphore_mem>>
      %dma_start3A_867 = arith.constant 0 : i32
      %dma_start3A_868 = tpu.memref_slice %arg9[%run_scoped3A_213, %run_scoped3A_214, %dma_start3A_867] : memref<6x2x128xi32, #tpu.memory_space<vmem>> -> memref<1x1x128xi32, #tpu.memory_space<vmem>>
      %dma_start3A_869 = tpu.memref_squeeze %dma_start3A_868 : memref<1x1x128xi32, #tpu.memory_space<vmem>> -> memref<128xi32, #tpu.memory_space<vmem>>
      %dma_start3A_870 = arith.constant 0 : i32
      %dma_start3A_871 = arith.constant 0 : i32
      %dma_start3A_872 = tpu.memref_slice %arg15[%dma_start3A_870, %dma_start3A_871] : memref<10000x8xf32, #tpu.memory_space<vmem_shared>> -> memref<10000x8xf32, #tpu.memory_space<vmem_shared>>
      tpu.enqueue_indirect_dma source(%arg13 : memref<128x8xf32, #tpu.memory_space<vmem>>) target(%dma_start3A_872 : memref<10000x8xf32, #tpu.memory_space<vmem_shared>>) offsets(%dma_start3A_869 : memref<128xi32, #tpu.memory_space<vmem>>) semaphore(%run_scoped3A_866 : memref<!tpu.dma_semaphore, #tpu.memory_space<semaphore_mem>>) {add = true}
      %dma_wait3A_873 = arith.constant 0 : i32
      %dma_wait3A_874 = tpu.memref_slice %arg9[%run_scoped3A_213, %run_scoped3A_214, %dma_wait3A_873] : memref<6x2x128xi32, #tpu.memory_space<vmem>> -> memref<1x1x128xi32, #tpu.memory_space<vmem>>
      %dma_wait3A_875 = tpu.memref_squeeze %dma_wait3A_874 : memref<1x1x128xi32, #tpu.memory_space<vmem>> -> memref<128xi32, #tpu.memory_space<vmem>>
      %dma_wait3A_876 = arith.constant 0 : i32
      %dma_wait3A_877 = arith.constant 0 : i32
      %dma_wait3A_878 = tpu.memref_slice %arg15[%dma_wait3A_876, %dma_wait3A_877] : memref<10000x8xf32, #tpu.memory_space<vmem_shared>> -> memref<10000x8xf32, #tpu.memory_space<vmem_shared>>
      tpu.wait_indirect_dma semaphore(%run_scoped3A_866 : memref<!tpu.dma_semaphore, #tpu.memory_space<semaphore_mem>>) src(%arg13 : memref<128x8xf32, #tpu.memory_space<vmem>>) dst(%dma_wait3A_878 : memref<10000x8xf32, #tpu.memory_space<vmem_shared>>)
      tpu.yield
    }) : () -> ()
    %add3A_215 = arith.constant 24 : i32
    %add3A_216 = arith.addi %mul3A_2, %add3A_215 : i32
    %dma_start3A_217 = arith.constant 0 : i32
    %dma_start3A_218 = arith.constant 0 : i32
    %dma_start3A_219 = tpu.memref_slice %arg3[%add3A_216, %dma_start3A_217, %dma_start3A_218] : memref<2500x2x128xi32, #tpu.memory_space<hbm>> -> memref<6x2x128xi32, #tpu.memory_space<hbm>>
    %dma_start3A_220 = arith.constant 0 : i32
    %dma_start3A_221 = arith.constant 0 : i32
    %dma_start3A_222 = tpu.memref_slice %arg3[%add3A_216, %dma_start3A_220, %dma_start3A_221] : memref<2500x2x128xi32, #tpu.memory_space<hbm>> -> memref<6x2x128xi32, #tpu.memory_space<hbm>>
    tpu.enqueue_dma source(%dma_start3A_222 : memref<6x2x128xi32, #tpu.memory_space<hbm>>) target(%arg9 : memref<6x2x128xi32, #tpu.memory_space<vmem>>) target_semaphore(%arg16 : memref<!tpu.dma_semaphore, #tpu.memory_space<semaphore_mem>>)
    %scan3A_223 = arith.constant 0 : i32
    %scan3A_224 = arith.constant 0 : i32
    %scan3A_225 = arith.constant 2 : i32
    %scan3A_226 = arith.addi %scan3A_224, %scan3A_225 : i32
    %scan3A_227 = arith.constant 1 : i32
    scf.for %scan3A_866 = %scan3A_224 to %scan3A_226 step %scan3A_227  : i32 {
      %mul3A_867 = arith.constant 2 : i32
      %mul3A_868 = arith.muli %mul3A_867, %scan3A_866 : i32
      %add3A_869 = arith.constant 0 : i32
      %add3A_870 = arith.addi %mul3A_868, %add3A_869 : i32
      %dma_wait3A_871 = arith.constant 0 : i32
      %dma_wait3A_872 = arith.constant 0 : i32
      %dma_wait3A_873 = tpu.memref_slice %arg10[%add3A_870, %dma_wait3A_871, %dma_wait3A_872] : memref<6x2x128xi32, #tpu.memory_space<vmem>> -> memref<1x1x128xi32, #tpu.memory_space<vmem>>
      %dma_wait3A_874 = tpu.memref_squeeze %dma_wait3A_873 : memref<1x1x128xi32, #tpu.memory_space<vmem>> -> memref<128xi32, #tpu.memory_space<vmem>>
      %dma_wait3A_875 = arith.constant 0 : i32
      %dma_wait3A_876 = arith.constant 0 : i32
      %dma_wait3A_877 = tpu.memref_slice %arg2[%dma_wait3A_875, %dma_wait3A_876] : memref<10000x128xf32, #tpu.memory_space<hbm>> -> memref<10000x128xf32, #tpu.memory_space<hbm>>
      tpu.wait_indirect_dma semaphore(%arg18 : memref<!tpu.dma_semaphore, #tpu.memory_space<semaphore_mem>>) src(%dma_wait3A_877 : memref<10000x128xf32, #tpu.memory_space<hbm>>) dst(%arg11 : memref<128x128xf32, #tpu.memory_space<vmem>>)
      %run_scoped3A_878 = arith.constant 1 : i32
      "tpu.region"() ({
        %run_scoped3A_911 = tpu.sem_alloc : memref<!tpu.dma_semaphore, #tpu.memory_space<semaphore_mem>>
        %dma_start3A_912 = arith.constant 0 : i32
        %dma_start3A_913 = tpu.memref_slice %arg10[%add3A_870, %run_scoped3A_878, %dma_start3A_912] : memref<6x2x128xi32, #tpu.memory_space<vmem>> -> memref<1x1x128xi32, #tpu.memory_space<vmem>>
        %dma_start3A_914 = tpu.memref_squeeze %dma_start3A_913 : memref<1x1x128xi32, #tpu.memory_space<vmem>> -> memref<128xi32, #tpu.memory_space<vmem>>
        %dma_start3A_915 = arith.constant 0 : i32
        %dma_start3A_916 = arith.constant 0 : i32
        %dma_start3A_917 = tpu.memref_slice %arg14[%dma_start3A_915, %dma_start3A_916] : memref<10000x128xf32, #tpu.memory_space<vmem_shared>> -> memref<10000x128xf32, #tpu.memory_space<vmem_shared>>
        tpu.enqueue_indirect_dma source(%arg11 : memref<128x128xf32, #tpu.memory_space<vmem>>) target(%dma_start3A_917 : memref<10000x128xf32, #tpu.memory_space<vmem_shared>>) offsets(%dma_start3A_914 : memref<128xi32, #tpu.memory_space<vmem>>) semaphore(%run_scoped3A_911 : memref<!tpu.dma_semaphore, #tpu.memory_space<semaphore_mem>>) {add = true}
        %dma_wait3A_918 = arith.constant 0 : i32
        %dma_wait3A_919 = tpu.memref_slice %arg10[%add3A_870, %run_scoped3A_878, %dma_wait3A_918] : memref<6x2x128xi32, #tpu.memory_space<vmem>> -> memref<1x1x128xi32, #tpu.memory_space<vmem>>
        %dma_wait3A_920 = tpu.memref_squeeze %dma_wait3A_919 : memref<1x1x128xi32, #tpu.memory_space<vmem>> -> memref<128xi32, #tpu.memory_space<vmem>>
        %dma_wait3A_921 = arith.constant 0 : i32
        %dma_wait3A_922 = arith.constant 0 : i32
        %dma_wait3A_923 = tpu.memref_slice %arg14[%dma_wait3A_921, %dma_wait3A_922] : memref<10000x128xf32, #tpu.memory_space<vmem_shared>> -> memref<10000x128xf32, #tpu.memory_space<vmem_shared>>
        tpu.wait_indirect_dma semaphore(%run_scoped3A_911 : memref<!tpu.dma_semaphore, #tpu.memory_space<semaphore_mem>>) src(%arg11 : memref<128x128xf32, #tpu.memory_space<vmem>>) dst(%dma_wait3A_923 : memref<10000x128xf32, #tpu.memory_space<vmem_shared>>)
        tpu.yield
      }) : () -> ()
      %add3A_879 = arith.constant 2 : i32
      %add3A_880 = arith.addi %add3A_870, %add3A_879 : i32
      %dma_start3A_881 = arith.constant 0 : i32
      %dma_start3A_882 = arith.constant 0 : i32
      %dma_start3A_883 = tpu.memref_slice %arg10[%add3A_880, %dma_start3A_881, %dma_start3A_882] : memref<6x2x128xi32, #tpu.memory_space<vmem>> -> memref<1x1x128xi32, #tpu.memory_space<vmem>>
      %dma_start3A_884 = tpu.memref_squeeze %dma_start3A_883 : memref<1x1x128xi32, #tpu.memory_space<vmem>> -> memref<128xi32, #tpu.memory_space<vmem>>
      %dma_start3A_885 = arith.constant 0 : i32
      %dma_start3A_886 = arith.constant 0 : i32
      %dma_start3A_887 = tpu.memref_slice %arg2[%dma_start3A_885, %dma_start3A_886] : memref<10000x128xf32, #tpu.memory_space<hbm>> -> memref<10000x128xf32, #tpu.memory_space<hbm>>
      tpu.enqueue_indirect_dma source(%dma_start3A_887 : memref<10000x128xf32, #tpu.memory_space<hbm>>) target(%arg11 : memref<128x128xf32, #tpu.memory_space<vmem>>) offsets(%dma_start3A_884 : memref<128xi32, #tpu.memory_space<vmem>>) semaphore(%arg18 : memref<!tpu.dma_semaphore, #tpu.memory_space<semaphore_mem>>)
      %run_scoped3A_888 = arith.constant 1 : i32
      "tpu.region"() ({
        %run_scoped3A_911 = tpu.sem_alloc : memref<!tpu.dma_semaphore, #tpu.memory_space<semaphore_mem>>
        %dma_start3A_912 = arith.constant 0 : i32
        %dma_start3A_913 = tpu.memref_slice %arg10[%add3A_870, %run_scoped3A_888, %dma_start3A_912] : memref<6x2x128xi32, #tpu.memory_space<vmem>> -> memref<1x1x128xi32, #tpu.memory_space<vmem>>
        %dma_start3A_914 = tpu.memref_squeeze %dma_start3A_913 : memref<1x1x128xi32, #tpu.memory_space<vmem>> -> memref<128xi32, #tpu.memory_space<vmem>>
        %dma_start3A_915 = arith.constant 0 : i32
        %dma_start3A_916 = arith.constant 0 : i32
        %dma_start3A_917 = tpu.memref_slice %arg15[%dma_start3A_915, %dma_start3A_916] : memref<10000x8xf32, #tpu.memory_space<vmem_shared>> -> memref<10000x8xf32, #tpu.memory_space<vmem_shared>>
        tpu.enqueue_indirect_dma source(%arg13 : memref<128x8xf32, #tpu.memory_space<vmem>>) target(%dma_start3A_917 : memref<10000x8xf32, #tpu.memory_space<vmem_shared>>) offsets(%dma_start3A_914 : memref<128xi32, #tpu.memory_space<vmem>>) semaphore(%run_scoped3A_911 : memref<!tpu.dma_semaphore, #tpu.memory_space<semaphore_mem>>) {add = true}
        %dma_wait3A_918 = arith.constant 0 : i32
        %dma_wait3A_919 = tpu.memref_slice %arg10[%add3A_870, %run_scoped3A_888, %dma_wait3A_918] : memref<6x2x128xi32, #tpu.memory_space<vmem>> -> memref<1x1x128xi32, #tpu.memory_space<vmem>>
        %dma_wait3A_920 = tpu.memref_squeeze %dma_wait3A_919 : memref<1x1x128xi32, #tpu.memory_space<vmem>> -> memref<128xi32, #tpu.memory_space<vmem>>
        %dma_wait3A_921 = arith.constant 0 : i32
        %dma_wait3A_922 = arith.constant 0 : i32
        %dma_wait3A_923 = tpu.memref_slice %arg15[%dma_wait3A_921, %dma_wait3A_922] : memref<10000x8xf32, #tpu.memory_space<vmem_shared>> -> memref<10000x8xf32, #tpu.memory_space<vmem_shared>>
        tpu.wait_indirect_dma semaphore(%run_scoped3A_911 : memref<!tpu.dma_semaphore, #tpu.memory_space<semaphore_mem>>) src(%arg13 : memref<128x8xf32, #tpu.memory_space<vmem>>) dst(%dma_wait3A_923 : memref<10000x8xf32, #tpu.memory_space<vmem_shared>>)
        tpu.yield
      }) : () -> ()
      %mul3A_889 = arith.constant 2 : i32
      %mul3A_890 = arith.muli %mul3A_889, %scan3A_866 : i32
      %add3A_891 = arith.constant 1 : i32
      %add3A_892 = arith.addi %mul3A_890, %add3A_891 : i32
      %dma_wait3A_893 = arith.constant 0 : i32
      %dma_wait3A_894 = arith.constant 0 : i32
      %dma_wait3A_895 = tpu.memref_slice %arg10[%add3A_892, %dma_wait3A_893, %dma_wait3A_894] : memref<6x2x128xi32, #tpu.memory_space<vmem>> -> memref<1x1x128xi32, #tpu.memory_space<vmem>>
      %dma_wait3A_896 = tpu.memref_squeeze %dma_wait3A_895 : memref<1x1x128xi32, #tpu.memory_space<vmem>> -> memref<128xi32, #tpu.memory_space<vmem>>
      %dma_wait3A_897 = arith.constant 0 : i32
      %dma_wait3A_898 = arith.constant 0 : i32
      %dma_wait3A_899 = tpu.memref_slice %arg2[%dma_wait3A_897, %dma_wait3A_898] : memref<10000x128xf32, #tpu.memory_space<hbm>> -> memref<10000x128xf32, #tpu.memory_space<hbm>>
      tpu.wait_indirect_dma semaphore(%arg19 : memref<!tpu.dma_semaphore, #tpu.memory_space<semaphore_mem>>) src(%dma_wait3A_899 : memref<10000x128xf32, #tpu.memory_space<hbm>>) dst(%arg12 : memref<128x128xf32, #tpu.memory_space<vmem>>)
      %run_scoped3A_900 = arith.constant 1 : i32
      "tpu.region"() ({
        %run_scoped3A_911 = tpu.sem_alloc : memref<!tpu.dma_semaphore, #tpu.memory_space<semaphore_mem>>
        %dma_start3A_912 = arith.constant 0 : i32
        %dma_start3A_913 = tpu.memref_slice %arg10[%add3A_892, %run_scoped3A_900, %dma_start3A_912] : memref<6x2x128xi32, #tpu.memory_space<vmem>> -> memref<1x1x128xi32, #tpu.memory_space<vmem>>
        %dma_start3A_914 = tpu.memref_squeeze %dma_start3A_913 : memref<1x1x128xi32, #tpu.memory_space<vmem>> -> memref<128xi32, #tpu.memory_space<vmem>>
        %dma_start3A_915 = arith.constant 0 : i32
        %dma_start3A_916 = arith.constant 0 : i32
        %dma_start3A_917 = tpu.memref_slice %arg14[%dma_start3A_915, %dma_start3A_916] : memref<10000x128xf32, #tpu.memory_space<vmem_shared>> -> memref<10000x128xf32, #tpu.memory_space<vmem_shared>>
        tpu.enqueue_indirect_dma source(%arg12 : memref<128x128xf32, #tpu.memory_space<vmem>>) target(%dma_start3A_917 : memref<10000x128xf32, #tpu.memory_space<vmem_shared>>) offsets(%dma_start3A_914 : memref<128xi32, #tpu.memory_space<vmem>>) semaphore(%run_scoped3A_911 : memref<!tpu.dma_semaphore, #tpu.memory_space<semaphore_mem>>) {add = true}
        %dma_wait3A_918 = arith.constant 0 : i32
        %dma_wait3A_919 = tpu.memref_slice %arg10[%add3A_892, %run_scoped3A_900, %dma_wait3A_918] : memref<6x2x128xi32, #tpu.memory_space<vmem>> -> memref<1x1x128xi32, #tpu.memory_space<vmem>>
        %dma_wait3A_920 = tpu.memref_squeeze %dma_wait3A_919 : memref<1x1x128xi32, #tpu.memory_space<vmem>> -> memref<128xi32, #tpu.memory_space<vmem>>
        %dma_wait3A_921 = arith.constant 0 : i32
        %dma_wait3A_922 = arith.constant 0 : i32
        %dma_wait3A_923 = tpu.memref_slice %arg14[%dma_wait3A_921, %dma_wait3A_922] : memref<10000x128xf32, #tpu.memory_space<vmem_shared>> -> memref<10000x128xf32, #tpu.memory_space<vmem_shared>>
        tpu.wait_indirect_dma semaphore(%run_scoped3A_911 : memref<!tpu.dma_semaphore, #tpu.memory_space<semaphore_mem>>) src(%arg12 : memref<128x128xf32, #tpu.memory_space<vmem>>) dst(%dma_wait3A_923 : memref<10000x128xf32, #tpu.memory_space<vmem_shared>>)
        tpu.yield
      }) : () -> ()
      %add3A_901 = arith.constant 2 : i32
      %add3A_902 = arith.addi %add3A_892, %add3A_901 : i32
      %dma_start3A_903 = arith.constant 0 : i32
      %dma_start3A_904 = arith.constant 0 : i32
      %dma_start3A_905 = tpu.memref_slice %arg10[%add3A_902, %dma_start3A_903, %dma_start3A_904] : memref<6x2x128xi32, #tpu.memory_space<vmem>> -> memref<1x1x128xi32, #tpu.memory_space<vmem>>
      %dma_start3A_906 = tpu.memref_squeeze %dma_start3A_905 : memref<1x1x128xi32, #tpu.memory_space<vmem>> -> memref<128xi32, #tpu.memory_space<vmem>>
      %dma_start3A_907 = arith.constant 0 : i32
      %dma_start3A_908 = arith.constant 0 : i32
      %dma_start3A_909 = tpu.memref_slice %arg2[%dma_start3A_907, %dma_start3A_908] : memref<10000x128xf32, #tpu.memory_space<hbm>> -> memref<10000x128xf32, #tpu.memory_space<hbm>>
      tpu.enqueue_indirect_dma source(%dma_start3A_909 : memref<10000x128xf32, #tpu.memory_space<hbm>>) target(%arg12 : memref<128x128xf32, #tpu.memory_space<vmem>>) offsets(%dma_start3A_906 : memref<128xi32, #tpu.memory_space<vmem>>) semaphore(%arg19 : memref<!tpu.dma_semaphore, #tpu.memory_space<semaphore_mem>>)
      %run_scoped3A_910 = arith.constant 1 : i32
      "tpu.region"() ({
        %run_scoped3A_911 = tpu.sem_alloc : memref<!tpu.dma_semaphore, #tpu.memory_space<semaphore_mem>>
        %dma_start3A_912 = arith.constant 0 : i32
        %dma_start3A_913 = tpu.memref_slice %arg10[%add3A_892, %run_scoped3A_910, %dma_start3A_912] : memref<6x2x128xi32, #tpu.memory_space<vmem>> -> memref<1x1x128xi32, #tpu.memory_space<vmem>>
        %dma_start3A_914 = tpu.memref_squeeze %dma_start3A_913 : memref<1x1x128xi32, #tpu.memory_space<vmem>> -> memref<128xi32, #tpu.memory_space<vmem>>
        %dma_start3A_915 = arith.constant 0 : i32
        %dma_start3A_916 = arith.constant 0 : i32
        %dma_start3A_917 = tpu.memref_slice %arg15[%dma_start3A_915, %dma_start3A_916] : memref<10000x8xf32, #tpu.memory_space<vmem_shared>> -> memref<10000x8xf32, #tpu.memory_space<vmem_shared>>
        tpu.enqueue_indirect_dma source(%arg13 : memref<128x8xf32, #tpu.memory_space<vmem>>) target(%dma_start3A_917 : memref<10000x8xf32, #tpu.memory_space<vmem_shared>>) offsets(%dma_start3A_914 : memref<128xi32, #tpu.memory_space<vmem>>) semaphore(%run_scoped3A_911 : memref<!tpu.dma_semaphore, #tpu.memory_space<semaphore_mem>>) {add = true}
        %dma_wait3A_918 = arith.constant 0 : i32
        %dma_wait3A_919 = tpu.memref_slice %arg10[%add3A_892, %run_scoped3A_910, %dma_wait3A_918] : memref<6x2x128xi32, #tpu.memory_space<vmem>> -> memref<1x1x128xi32, #tpu.memory_space<vmem>>
        %dma_wait3A_920 = tpu.memref_squeeze %dma_wait3A_919 : memref<1x1x128xi32, #tpu.memory_space<vmem>> -> memref<128xi32, #tpu.memory_space<vmem>>
        %dma_wait3A_921 = arith.constant 0 : i32
        %dma_wait3A_922 = arith.constant 0 : i32
        %dma_wait3A_923 = tpu.memref_slice %arg15[%dma_wait3A_921, %dma_wait3A_922] : memref<10000x8xf32, #tpu.memory_space<vmem_shared>> -> memref<10000x8xf32, #tpu.memory_space<vmem_shared>>
        tpu.wait_indirect_dma semaphore(%run_scoped3A_911 : memref<!tpu.dma_semaphore, #tpu.memory_space<semaphore_mem>>) src(%arg13 : memref<128x8xf32, #tpu.memory_space<vmem>>) dst(%dma_wait3A_923 : memref<10000x8xf32, #tpu.memory_space<vmem_shared>>)
        tpu.yield
      }) : () -> ()
    }
    %scan3A_228 = arith.constant 2 : i32
    %dma_wait3A_229 = arith.constant 4 : i32
    %dma_wait3A_230 = arith.constant 0 : i32
    %dma_wait3A_231 = arith.constant 0 : i32
    %dma_wait3A_232 = tpu.memref_slice %arg10[%dma_wait3A_229, %dma_wait3A_230, %dma_wait3A_231] : memref<6x2x128xi32, #tpu.memory_space<vmem>> -> memref<1x1x128xi32, #tpu.memory_space<vmem>>
    %dma_wait3A_233 = tpu.memref_squeeze %dma_wait3A_232 : memref<1x1x128xi32, #tpu.memory_space<vmem>> -> memref<128xi32, #tpu.memory_space<vmem>>
    %dma_wait3A_234 = arith.constant 0 : i32
    %dma_wait3A_235 = arith.constant 0 : i32
    %dma_wait3A_236 = tpu.memref_slice %arg2[%dma_wait3A_234, %dma_wait3A_235] : memref<10000x128xf32, #tpu.memory_space<hbm>> -> memref<10000x128xf32, #tpu.memory_space<hbm>>
    tpu.wait_indirect_dma semaphore(%arg18 : memref<!tpu.dma_semaphore, #tpu.memory_space<semaphore_mem>>) src(%dma_wait3A_236 : memref<10000x128xf32, #tpu.memory_space<hbm>>) dst(%arg11 : memref<128x128xf32, #tpu.memory_space<vmem>>)
    %run_scoped3A_237 = arith.constant 4 : i32
    %run_scoped3A_238 = arith.constant 1 : i32
    "tpu.region"() ({
      %run_scoped3A_866 = tpu.sem_alloc : memref<!tpu.dma_semaphore, #tpu.memory_space<semaphore_mem>>
      %dma_start3A_867 = arith.constant 0 : i32
      %dma_start3A_868 = tpu.memref_slice %arg10[%run_scoped3A_237, %run_scoped3A_238, %dma_start3A_867] : memref<6x2x128xi32, #tpu.memory_space<vmem>> -> memref<1x1x128xi32, #tpu.memory_space<vmem>>
      %dma_start3A_869 = tpu.memref_squeeze %dma_start3A_868 : memref<1x1x128xi32, #tpu.memory_space<vmem>> -> memref<128xi32, #tpu.memory_space<vmem>>
      %dma_start3A_870 = arith.constant 0 : i32
      %dma_start3A_871 = arith.constant 0 : i32
      %dma_start3A_872 = tpu.memref_slice %arg14[%dma_start3A_870, %dma_start3A_871] : memref<10000x128xf32, #tpu.memory_space<vmem_shared>> -> memref<10000x128xf32, #tpu.memory_space<vmem_shared>>
      tpu.enqueue_indirect_dma source(%arg11 : memref<128x128xf32, #tpu.memory_space<vmem>>) target(%dma_start3A_872 : memref<10000x128xf32, #tpu.memory_space<vmem_shared>>) offsets(%dma_start3A_869 : memref<128xi32, #tpu.memory_space<vmem>>) semaphore(%run_scoped3A_866 : memref<!tpu.dma_semaphore, #tpu.memory_space<semaphore_mem>>) {add = true}
      %dma_wait3A_873 = arith.constant 0 : i32
      %dma_wait3A_874 = tpu.memref_slice %arg10[%run_scoped3A_237, %run_scoped3A_238, %dma_wait3A_873] : memref<6x2x128xi32, #tpu.memory_space<vmem>> -> memref<1x1x128xi32, #tpu.memory_space<vmem>>
      %dma_wait3A_875 = tpu.memref_squeeze %dma_wait3A_874 : memref<1x1x128xi32, #tpu.memory_space<vmem>> -> memref<128xi32, #tpu.memory_space<vmem>>
      %dma_wait3A_876 = arith.constant 0 : i32
      %dma_wait3A_877 = arith.constant 0 : i32
      %dma_wait3A_878 = tpu.memref_slice %arg14[%dma_wait3A_876, %dma_wait3A_877] : memref<10000x128xf32, #tpu.memory_space<vmem_shared>> -> memref<10000x128xf32, #tpu.memory_space<vmem_shared>>
      tpu.wait_indirect_dma semaphore(%run_scoped3A_866 : memref<!tpu.dma_semaphore, #tpu.memory_space<semaphore_mem>>) src(%arg11 : memref<128x128xf32, #tpu.memory_space<vmem>>) dst(%dma_wait3A_878 : memref<10000x128xf32, #tpu.memory_space<vmem_shared>>)
      tpu.yield
    }) : () -> ()
    %add3A_239 = arith.constant 24 : i32
    %add3A_240 = arith.addi %mul3A_2, %add3A_239 : i32
    %dma_wait3A_241 = arith.constant 0 : i32
    %dma_wait3A_242 = arith.constant 0 : i32
    %dma_wait3A_243 = tpu.memref_slice %arg3[%add3A_240, %dma_wait3A_241, %dma_wait3A_242] : memref<2500x2x128xi32, #tpu.memory_space<hbm>> -> memref<6x2x128xi32, #tpu.memory_space<hbm>>
    %dma_wait3A_244 = arith.constant 0 : i32
    %dma_wait3A_245 = arith.constant 0 : i32
    %dma_wait3A_246 = tpu.memref_slice %arg3[%add3A_240, %dma_wait3A_244, %dma_wait3A_245] : memref<2500x2x128xi32, #tpu.memory_space<hbm>> -> memref<6x2x128xi32, #tpu.memory_space<hbm>>
    tpu.wait_dma2 semaphore(%arg16 : memref<!tpu.dma_semaphore, #tpu.memory_space<semaphore_mem>>) src(%dma_wait3A_246 : memref<6x2x128xi32, #tpu.memory_space<hbm>>) dst(%arg9 : memref<6x2x128xi32, #tpu.memory_space<vmem>>)
    %dma_start3A_247 = arith.constant 0 : i32
    %dma_start3A_248 = arith.constant 0 : i32
    %dma_start3A_249 = arith.constant 0 : i32
    %dma_start3A_250 = tpu.memref_slice %arg9[%dma_start3A_247, %dma_start3A_248, %dma_start3A_249] : memref<6x2x128xi32, #tpu.memory_space<vmem>> -> memref<1x1x128xi32, #tpu.memory_space<vmem>>
    %dma_start3A_251 = tpu.memref_squeeze %dma_start3A_250 : memref<1x1x128xi32, #tpu.memory_space<vmem>> -> memref<128xi32, #tpu.memory_space<vmem>>
    %dma_start3A_252 = arith.constant 0 : i32
    %dma_start3A_253 = arith.constant 0 : i32
    %dma_start3A_254 = tpu.memref_slice %arg2[%dma_start3A_252, %dma_start3A_253] : memref<10000x128xf32, #tpu.memory_space<hbm>> -> memref<10000x128xf32, #tpu.memory_space<hbm>>
    tpu.enqueue_indirect_dma source(%dma_start3A_254 : memref<10000x128xf32, #tpu.memory_space<hbm>>) target(%arg11 : memref<128x128xf32, #tpu.memory_space<vmem>>) offsets(%dma_start3A_251 : memref<128xi32, #tpu.memory_space<vmem>>) semaphore(%arg18 : memref<!tpu.dma_semaphore, #tpu.memory_space<semaphore_mem>>)
    %run_scoped3A_255 = arith.constant 4 : i32
    %run_scoped3A_256 = arith.constant 1 : i32
    "tpu.region"() ({
      %run_scoped3A_866 = tpu.sem_alloc : memref<!tpu.dma_semaphore, #tpu.memory_space<semaphore_mem>>
      %dma_start3A_867 = arith.constant 0 : i32
      %dma_start3A_868 = tpu.memref_slice %arg10[%run_scoped3A_255, %run_scoped3A_256, %dma_start3A_867] : memref<6x2x128xi32, #tpu.memory_space<vmem>> -> memref<1x1x128xi32, #tpu.memory_space<vmem>>
      %dma_start3A_869 = tpu.memref_squeeze %dma_start3A_868 : memref<1x1x128xi32, #tpu.memory_space<vmem>> -> memref<128xi32, #tpu.memory_space<vmem>>
      %dma_start3A_870 = arith.constant 0 : i32
      %dma_start3A_871 = arith.constant 0 : i32
      %dma_start3A_872 = tpu.memref_slice %arg15[%dma_start3A_870, %dma_start3A_871] : memref<10000x8xf32, #tpu.memory_space<vmem_shared>> -> memref<10000x8xf32, #tpu.memory_space<vmem_shared>>
      tpu.enqueue_indirect_dma source(%arg13 : memref<128x8xf32, #tpu.memory_space<vmem>>) target(%dma_start3A_872 : memref<10000x8xf32, #tpu.memory_space<vmem_shared>>) offsets(%dma_start3A_869 : memref<128xi32, #tpu.memory_space<vmem>>) semaphore(%run_scoped3A_866 : memref<!tpu.dma_semaphore, #tpu.memory_space<semaphore_mem>>) {add = true}
      %dma_wait3A_873 = arith.constant 0 : i32
      %dma_wait3A_874 = tpu.memref_slice %arg10[%run_scoped3A_255, %run_scoped3A_256, %dma_wait3A_873] : memref<6x2x128xi32, #tpu.memory_space<vmem>> -> memref<1x1x128xi32, #tpu.memory_space<vmem>>
      %dma_wait3A_875 = tpu.memref_squeeze %dma_wait3A_874 : memref<1x1x128xi32, #tpu.memory_space<vmem>> -> memref<128xi32, #tpu.memory_space<vmem>>
      %dma_wait3A_876 = arith.constant 0 : i32
      %dma_wait3A_877 = arith.constant 0 : i32
      %dma_wait3A_878 = tpu.memref_slice %arg15[%dma_wait3A_876, %dma_wait3A_877] : memref<10000x8xf32, #tpu.memory_space<vmem_shared>> -> memref<10000x8xf32, #tpu.memory_space<vmem_shared>>
      tpu.wait_indirect_dma semaphore(%run_scoped3A_866 : memref<!tpu.dma_semaphore, #tpu.memory_space<semaphore_mem>>) src(%arg13 : memref<128x8xf32, #tpu.memory_space<vmem>>) dst(%dma_wait3A_878 : memref<10000x8xf32, #tpu.memory_space<vmem_shared>>)
      tpu.yield
    }) : () -> ()
    %dma_wait3A_257 = arith.constant 5 : i32
    %dma_wait3A_258 = arith.constant 0 : i32
    %dma_wait3A_259 = arith.constant 0 : i32
    %dma_wait3A_260 = tpu.memref_slice %arg10[%dma_wait3A_257, %dma_wait3A_258, %dma_wait3A_259] : memref<6x2x128xi32, #tpu.memory_space<vmem>> -> memref<1x1x128xi32, #tpu.memory_space<vmem>>
    %dma_wait3A_261 = tpu.memref_squeeze %dma_wait3A_260 : memref<1x1x128xi32, #tpu.memory_space<vmem>> -> memref<128xi32, #tpu.memory_space<vmem>>
    %dma_wait3A_262 = arith.constant 0 : i32
    %dma_wait3A_263 = arith.constant 0 : i32
    %dma_wait3A_264 = tpu.memref_slice %arg2[%dma_wait3A_262, %dma_wait3A_263] : memref<10000x128xf32, #tpu.memory_space<hbm>> -> memref<10000x128xf32, #tpu.memory_space<hbm>>
    tpu.wait_indirect_dma semaphore(%arg19 : memref<!tpu.dma_semaphore, #tpu.memory_space<semaphore_mem>>) src(%dma_wait3A_264 : memref<10000x128xf32, #tpu.memory_space<hbm>>) dst(%arg12 : memref<128x128xf32, #tpu.memory_space<vmem>>)
    %run_scoped3A_265 = arith.constant 5 : i32
    %run_scoped3A_266 = arith.constant 1 : i32
    "tpu.region"() ({
      %run_scoped3A_866 = tpu.sem_alloc : memref<!tpu.dma_semaphore, #tpu.memory_space<semaphore_mem>>
      %dma_start3A_867 = arith.constant 0 : i32
      %dma_start3A_868 = tpu.memref_slice %arg10[%run_scoped3A_265, %run_scoped3A_266, %dma_start3A_867] : memref<6x2x128xi32, #tpu.memory_space<vmem>> -> memref<1x1x128xi32, #tpu.memory_space<vmem>>
      %dma_start3A_869 = tpu.memref_squeeze %dma_start3A_868 : memref<1x1x128xi32, #tpu.memory_space<vmem>> -> memref<128xi32, #tpu.memory_space<vmem>>
      %dma_start3A_870 = arith.constant 0 : i32
      %dma_start3A_871 = arith.constant 0 : i32
      %dma_start3A_872 = tpu.memref_slice %arg14[%dma_start3A_870, %dma_start3A_871] : memref<10000x128xf32, #tpu.memory_space<vmem_shared>> -> memref<10000x128xf32, #tpu.memory_space<vmem_shared>>
      tpu.enqueue_indirect_dma source(%arg12 : memref<128x128xf32, #tpu.memory_space<vmem>>) target(%dma_start3A_872 : memref<10000x128xf32, #tpu.memory_space<vmem_shared>>) offsets(%dma_start3A_869 : memref<128xi32, #tpu.memory_space<vmem>>) semaphore(%run_scoped3A_866 : memref<!tpu.dma_semaphore, #tpu.memory_space<semaphore_mem>>) {add = true}
      %dma_wait3A_873 = arith.constant 0 : i32
      %dma_wait3A_874 = tpu.memref_slice %arg10[%run_scoped3A_265, %run_scoped3A_266, %dma_wait3A_873] : memref<6x2x128xi32, #tpu.memory_space<vmem>> -> memref<1x1x128xi32, #tpu.memory_space<vmem>>
      %dma_wait3A_875 = tpu.memref_squeeze %dma_wait3A_874 : memref<1x1x128xi32, #tpu.memory_space<vmem>> -> memref<128xi32, #tpu.memory_space<vmem>>
      %dma_wait3A_876 = arith.constant 0 : i32
      %dma_wait3A_877 = arith.constant 0 : i32
      %dma_wait3A_878 = tpu.memref_slice %arg14[%dma_wait3A_876, %dma_wait3A_877] : memref<10000x128xf32, #tpu.memory_space<vmem_shared>> -> memref<10000x128xf32, #tpu.memory_space<vmem_shared>>
      tpu.wait_indirect_dma semaphore(%run_scoped3A_866 : memref<!tpu.dma_semaphore, #tpu.memory_space<semaphore_mem>>) src(%arg12 : memref<128x128xf32, #tpu.memory_space<vmem>>) dst(%dma_wait3A_878 : memref<10000x128xf32, #tpu.memory_space<vmem_shared>>)
      tpu.yield
    }) : () -> ()
    %dma_start3A_267 = arith.constant 1 : i32
    %dma_start3A_268 = arith.constant 0 : i32
    %dma_start3A_269 = arith.constant 0 : i32
    %dma_start3A_270 = tpu.memref_slice %arg9[%dma_start3A_267, %dma_start3A_268, %dma_start3A_269] : memref<6x2x128xi32, #tpu.memory_space<vmem>> -> memref<1x1x128xi32, #tpu.memory_space<vmem>>
    %dma_start3A_271 = tpu.memref_squeeze %dma_start3A_270 : memref<1x1x128xi32, #tpu.memory_space<vmem>> -> memref<128xi32, #tpu.memory_space<vmem>>
    %dma_start3A_272 = arith.constant 0 : i32
    %dma_start3A_273 = arith.constant 0 : i32
    %dma_start3A_274 = tpu.memref_slice %arg2[%dma_start3A_272, %dma_start3A_273] : memref<10000x128xf32, #tpu.memory_space<hbm>> -> memref<10000x128xf32, #tpu.memory_space<hbm>>
    tpu.enqueue_indirect_dma source(%dma_start3A_274 : memref<10000x128xf32, #tpu.memory_space<hbm>>) target(%arg12 : memref<128x128xf32, #tpu.memory_space<vmem>>) offsets(%dma_start3A_271 : memref<128xi32, #tpu.memory_space<vmem>>) semaphore(%arg19 : memref<!tpu.dma_semaphore, #tpu.memory_space<semaphore_mem>>)
    %run_scoped3A_275 = arith.constant 5 : i32
    %run_scoped3A_276 = arith.constant 1 : i32
    "tpu.region"() ({
      %run_scoped3A_866 = tpu.sem_alloc : memref<!tpu.dma_semaphore, #tpu.memory_space<semaphore_mem>>
      %dma_start3A_867 = arith.constant 0 : i32
      %dma_start3A_868 = tpu.memref_slice %arg10[%run_scoped3A_275, %run_scoped3A_276, %dma_start3A_867] : memref<6x2x128xi32, #tpu.memory_space<vmem>> -> memref<1x1x128xi32, #tpu.memory_space<vmem>>
      %dma_start3A_869 = tpu.memref_squeeze %dma_start3A_868 : memref<1x1x128xi32, #tpu.memory_space<vmem>> -> memref<128xi32, #tpu.memory_space<vmem>>
      %dma_start3A_870 = arith.constant 0 : i32
      %dma_start3A_871 = arith.constant 0 : i32
      %dma_start3A_872 = tpu.memref_slice %arg15[%dma_start3A_870, %dma_start3A_871] : memref<10000x8xf32, #tpu.memory_space<vmem_shared>> -> memref<10000x8xf32, #tpu.memory_space<vmem_shared>>
      tpu.enqueue_indirect_dma source(%arg13 : memref<128x8xf32, #tpu.memory_space<vmem>>) target(%dma_start3A_872 : memref<10000x8xf32, #tpu.memory_space<vmem_shared>>) offsets(%dma_start3A_869 : memref<128xi32, #tpu.memory_space<vmem>>) semaphore(%run_scoped3A_866 : memref<!tpu.dma_semaphore, #tpu.memory_space<semaphore_mem>>) {add = true}
      %dma_wait3A_873 = arith.constant 0 : i32
      %dma_wait3A_874 = tpu.memref_slice %arg10[%run_scoped3A_275, %run_scoped3A_276, %dma_wait3A_873] : memref<6x2x128xi32, #tpu.memory_space<vmem>> -> memref<1x1x128xi32, #tpu.memory_space<vmem>>
      %dma_wait3A_875 = tpu.memref_squeeze %dma_wait3A_874 : memref<1x1x128xi32, #tpu.memory_space<vmem>> -> memref<128xi32, #tpu.memory_space<vmem>>
      %dma_wait3A_876 = arith.constant 0 : i32
      %dma_wait3A_877 = arith.constant 0 : i32
      %dma_wait3A_878 = tpu.memref_slice %arg15[%dma_wait3A_876, %dma_wait3A_877] : memref<10000x8xf32, #tpu.memory_space<vmem_shared>> -> memref<10000x8xf32, #tpu.memory_space<vmem_shared>>
      tpu.wait_indirect_dma semaphore(%run_scoped3A_866 : memref<!tpu.dma_semaphore, #tpu.memory_space<semaphore_mem>>) src(%arg13 : memref<128x8xf32, #tpu.memory_space<vmem>>) dst(%dma_wait3A_878 : memref<10000x8xf32, #tpu.memory_space<vmem_shared>>)
      tpu.yield
    }) : () -> ()
    %add3A_277 = arith.constant 30 : i32
    %add3A_278 = arith.addi %mul3A_2, %add3A_277 : i32
    %dma_start3A_279 = arith.constant 0 : i32
    %dma_start3A_280 = arith.constant 0 : i32
    %dma_start3A_281 = tpu.memref_slice %arg3[%add3A_278, %dma_start3A_279, %dma_start3A_280] : memref<2500x2x128xi32, #tpu.memory_space<hbm>> -> memref<6x2x128xi32, #tpu.memory_space<hbm>>
    %dma_start3A_282 = arith.constant 0 : i32
    %dma_start3A_283 = arith.constant 0 : i32
    %dma_start3A_284 = tpu.memref_slice %arg3[%add3A_278, %dma_start3A_282, %dma_start3A_283] : memref<2500x2x128xi32, #tpu.memory_space<hbm>> -> memref<6x2x128xi32, #tpu.memory_space<hbm>>
    tpu.enqueue_dma source(%dma_start3A_284 : memref<6x2x128xi32, #tpu.memory_space<hbm>>) target(%arg10 : memref<6x2x128xi32, #tpu.memory_space<vmem>>) target_semaphore(%arg17 : memref<!tpu.dma_semaphore, #tpu.memory_space<semaphore_mem>>)
    %scan3A_285 = arith.constant 0 : i32
    %scan3A_286 = arith.constant 0 : i32
    %scan3A_287 = arith.constant 2 : i32
    %scan3A_288 = arith.addi %scan3A_286, %scan3A_287 : i32
    %scan3A_289 = arith.constant 1 : i32
    scf.for %scan3A_866 = %scan3A_286 to %scan3A_288 step %scan3A_289  : i32 {
      %mul3A_867 = arith.constant 2 : i32
      %mul3A_868 = arith.muli %mul3A_867, %scan3A_866 : i32
      %add3A_869 = arith.constant 0 : i32
      %add3A_870 = arith.addi %mul3A_868, %add3A_869 : i32
      %dma_wait3A_871 = arith.constant 0 : i32
      %dma_wait3A_872 = arith.constant 0 : i32
      %dma_wait3A_873 = tpu.memref_slice %arg9[%add3A_870, %dma_wait3A_871, %dma_wait3A_872] : memref<6x2x128xi32, #tpu.memory_space<vmem>> -> memref<1x1x128xi32, #tpu.memory_space<vmem>>
      %dma_wait3A_874 = tpu.memref_squeeze %dma_wait3A_873 : memref<1x1x128xi32, #tpu.memory_space<vmem>> -> memref<128xi32, #tpu.memory_space<vmem>>
      %dma_wait3A_875 = arith.constant 0 : i32
      %dma_wait3A_876 = arith.constant 0 : i32
      %dma_wait3A_877 = tpu.memref_slice %arg2[%dma_wait3A_875, %dma_wait3A_876] : memref<10000x128xf32, #tpu.memory_space<hbm>> -> memref<10000x128xf32, #tpu.memory_space<hbm>>
      tpu.wait_indirect_dma semaphore(%arg18 : memref<!tpu.dma_semaphore, #tpu.memory_space<semaphore_mem>>) src(%dma_wait3A_877 : memref<10000x128xf32, #tpu.memory_space<hbm>>) dst(%arg11 : memref<128x128xf32, #tpu.memory_space<vmem>>)
      %run_scoped3A_878 = arith.constant 1 : i32
      "tpu.region"() ({
        %run_scoped3A_911 = tpu.sem_alloc : memref<!tpu.dma_semaphore, #tpu.memory_space<semaphore_mem>>
        %dma_start3A_912 = arith.constant 0 : i32
        %dma_start3A_913 = tpu.memref_slice %arg9[%add3A_870, %run_scoped3A_878, %dma_start3A_912] : memref<6x2x128xi32, #tpu.memory_space<vmem>> -> memref<1x1x128xi32, #tpu.memory_space<vmem>>
        %dma_start3A_914 = tpu.memref_squeeze %dma_start3A_913 : memref<1x1x128xi32, #tpu.memory_space<vmem>> -> memref<128xi32, #tpu.memory_space<vmem>>
        %dma_start3A_915 = arith.constant 0 : i32
        %dma_start3A_916 = arith.constant 0 : i32
        %dma_start3A_917 = tpu.memref_slice %arg14[%dma_start3A_915, %dma_start3A_916] : memref<10000x128xf32, #tpu.memory_space<vmem_shared>> -> memref<10000x128xf32, #tpu.memory_space<vmem_shared>>
        tpu.enqueue_indirect_dma source(%arg11 : memref<128x128xf32, #tpu.memory_space<vmem>>) target(%dma_start3A_917 : memref<10000x128xf32, #tpu.memory_space<vmem_shared>>) offsets(%dma_start3A_914 : memref<128xi32, #tpu.memory_space<vmem>>) semaphore(%run_scoped3A_911 : memref<!tpu.dma_semaphore, #tpu.memory_space<semaphore_mem>>) {add = true}
        %dma_wait3A_918 = arith.constant 0 : i32
        %dma_wait3A_919 = tpu.memref_slice %arg9[%add3A_870, %run_scoped3A_878, %dma_wait3A_918] : memref<6x2x128xi32, #tpu.memory_space<vmem>> -> memref<1x1x128xi32, #tpu.memory_space<vmem>>
        %dma_wait3A_920 = tpu.memref_squeeze %dma_wait3A_919 : memref<1x1x128xi32, #tpu.memory_space<vmem>> -> memref<128xi32, #tpu.memory_space<vmem>>
        %dma_wait3A_921 = arith.constant 0 : i32
        %dma_wait3A_922 = arith.constant 0 : i32
        %dma_wait3A_923 = tpu.memref_slice %arg14[%dma_wait3A_921, %dma_wait3A_922] : memref<10000x128xf32, #tpu.memory_space<vmem_shared>> -> memref<10000x128xf32, #tpu.memory_space<vmem_shared>>
        tpu.wait_indirect_dma semaphore(%run_scoped3A_911 : memref<!tpu.dma_semaphore, #tpu.memory_space<semaphore_mem>>) src(%arg11 : memref<128x128xf32, #tpu.memory_space<vmem>>) dst(%dma_wait3A_923 : memref<10000x128xf32, #tpu.memory_space<vmem_shared>>)
        tpu.yield
      }) : () -> ()
      %add3A_879 = arith.constant 2 : i32
      %add3A_880 = arith.addi %add3A_870, %add3A_879 : i32
      %dma_start3A_881 = arith.constant 0 : i32
      %dma_start3A_882 = arith.constant 0 : i32
      %dma_start3A_883 = tpu.memref_slice %arg9[%add3A_880, %dma_start3A_881, %dma_start3A_882] : memref<6x2x128xi32, #tpu.memory_space<vmem>> -> memref<1x1x128xi32, #tpu.memory_space<vmem>>
      %dma_start3A_884 = tpu.memref_squeeze %dma_start3A_883 : memref<1x1x128xi32, #tpu.memory_space<vmem>> -> memref<128xi32, #tpu.memory_space<vmem>>
      %dma_start3A_885 = arith.constant 0 : i32
      %dma_start3A_886 = arith.constant 0 : i32
      %dma_start3A_887 = tpu.memref_slice %arg2[%dma_start3A_885, %dma_start3A_886] : memref<10000x128xf32, #tpu.memory_space<hbm>> -> memref<10000x128xf32, #tpu.memory_space<hbm>>
      tpu.enqueue_indirect_dma source(%dma_start3A_887 : memref<10000x128xf32, #tpu.memory_space<hbm>>) target(%arg11 : memref<128x128xf32, #tpu.memory_space<vmem>>) offsets(%dma_start3A_884 : memref<128xi32, #tpu.memory_space<vmem>>) semaphore(%arg18 : memref<!tpu.dma_semaphore, #tpu.memory_space<semaphore_mem>>)
      %run_scoped3A_888 = arith.constant 1 : i32
      "tpu.region"() ({
        %run_scoped3A_911 = tpu.sem_alloc : memref<!tpu.dma_semaphore, #tpu.memory_space<semaphore_mem>>
        %dma_start3A_912 = arith.constant 0 : i32
        %dma_start3A_913 = tpu.memref_slice %arg9[%add3A_870, %run_scoped3A_888, %dma_start3A_912] : memref<6x2x128xi32, #tpu.memory_space<vmem>> -> memref<1x1x128xi32, #tpu.memory_space<vmem>>
        %dma_start3A_914 = tpu.memref_squeeze %dma_start3A_913 : memref<1x1x128xi32, #tpu.memory_space<vmem>> -> memref<128xi32, #tpu.memory_space<vmem>>
        %dma_start3A_915 = arith.constant 0 : i32
        %dma_start3A_916 = arith.constant 0 : i32
        %dma_start3A_917 = tpu.memref_slice %arg15[%dma_start3A_915, %dma_start3A_916] : memref<10000x8xf32, #tpu.memory_space<vmem_shared>> -> memref<10000x8xf32, #tpu.memory_space<vmem_shared>>
        tpu.enqueue_indirect_dma source(%arg13 : memref<128x8xf32, #tpu.memory_space<vmem>>) target(%dma_start3A_917 : memref<10000x8xf32, #tpu.memory_space<vmem_shared>>) offsets(%dma_start3A_914 : memref<128xi32, #tpu.memory_space<vmem>>) semaphore(%run_scoped3A_911 : memref<!tpu.dma_semaphore, #tpu.memory_space<semaphore_mem>>) {add = true}
        %dma_wait3A_918 = arith.constant 0 : i32
        %dma_wait3A_919 = tpu.memref_slice %arg9[%add3A_870, %run_scoped3A_888, %dma_wait3A_918] : memref<6x2x128xi32, #tpu.memory_space<vmem>> -> memref<1x1x128xi32, #tpu.memory_space<vmem>>
        %dma_wait3A_920 = tpu.memref_squeeze %dma_wait3A_919 : memref<1x1x128xi32, #tpu.memory_space<vmem>> -> memref<128xi32, #tpu.memory_space<vmem>>
        %dma_wait3A_921 = arith.constant 0 : i32
        %dma_wait3A_922 = arith.constant 0 : i32
        %dma_wait3A_923 = tpu.memref_slice %arg15[%dma_wait3A_921, %dma_wait3A_922] : memref<10000x8xf32, #tpu.memory_space<vmem_shared>> -> memref<10000x8xf32, #tpu.memory_space<vmem_shared>>
        tpu.wait_indirect_dma semaphore(%run_scoped3A_911 : memref<!tpu.dma_semaphore, #tpu.memory_space<semaphore_mem>>) src(%arg13 : memref<128x8xf32, #tpu.memory_space<vmem>>) dst(%dma_wait3A_923 : memref<10000x8xf32, #tpu.memory_space<vmem_shared>>)
        tpu.yield
      }) : () -> ()
      %mul3A_889 = arith.constant 2 : i32
      %mul3A_890 = arith.muli %mul3A_889, %scan3A_866 : i32
      %add3A_891 = arith.constant 1 : i32
      %add3A_892 = arith.addi %mul3A_890, %add3A_891 : i32
      %dma_wait3A_893 = arith.constant 0 : i32
      %dma_wait3A_894 = arith.constant 0 : i32
      %dma_wait3A_895 = tpu.memref_slice %arg9[%add3A_892, %dma_wait3A_893, %dma_wait3A_894] : memref<6x2x128xi32, #tpu.memory_space<vmem>> -> memref<1x1x128xi32, #tpu.memory_space<vmem>>
      %dma_wait3A_896 = tpu.memref_squeeze %dma_wait3A_895 : memref<1x1x128xi32, #tpu.memory_space<vmem>> -> memref<128xi32, #tpu.memory_space<vmem>>
      %dma_wait3A_897 = arith.constant 0 : i32
      %dma_wait3A_898 = arith.constant 0 : i32
      %dma_wait3A_899 = tpu.memref_slice %arg2[%dma_wait3A_897, %dma_wait3A_898] : memref<10000x128xf32, #tpu.memory_space<hbm>> -> memref<10000x128xf32, #tpu.memory_space<hbm>>
      tpu.wait_indirect_dma semaphore(%arg19 : memref<!tpu.dma_semaphore, #tpu.memory_space<semaphore_mem>>) src(%dma_wait3A_899 : memref<10000x128xf32, #tpu.memory_space<hbm>>) dst(%arg12 : memref<128x128xf32, #tpu.memory_space<vmem>>)
      %run_scoped3A_900 = arith.constant 1 : i32
      "tpu.region"() ({
        %run_scoped3A_911 = tpu.sem_alloc : memref<!tpu.dma_semaphore, #tpu.memory_space<semaphore_mem>>
        %dma_start3A_912 = arith.constant 0 : i32
        %dma_start3A_913 = tpu.memref_slice %arg9[%add3A_892, %run_scoped3A_900, %dma_start3A_912] : memref<6x2x128xi32, #tpu.memory_space<vmem>> -> memref<1x1x128xi32, #tpu.memory_space<vmem>>
        %dma_start3A_914 = tpu.memref_squeeze %dma_start3A_913 : memref<1x1x128xi32, #tpu.memory_space<vmem>> -> memref<128xi32, #tpu.memory_space<vmem>>
        %dma_start3A_915 = arith.constant 0 : i32
        %dma_start3A_916 = arith.constant 0 : i32
        %dma_start3A_917 = tpu.memref_slice %arg14[%dma_start3A_915, %dma_start3A_916] : memref<10000x128xf32, #tpu.memory_space<vmem_shared>> -> memref<10000x128xf32, #tpu.memory_space<vmem_shared>>
        tpu.enqueue_indirect_dma source(%arg12 : memref<128x128xf32, #tpu.memory_space<vmem>>) target(%dma_start3A_917 : memref<10000x128xf32, #tpu.memory_space<vmem_shared>>) offsets(%dma_start3A_914 : memref<128xi32, #tpu.memory_space<vmem>>) semaphore(%run_scoped3A_911 : memref<!tpu.dma_semaphore, #tpu.memory_space<semaphore_mem>>) {add = true}
        %dma_wait3A_918 = arith.constant 0 : i32
        %dma_wait3A_919 = tpu.memref_slice %arg9[%add3A_892, %run_scoped3A_900, %dma_wait3A_918] : memref<6x2x128xi32, #tpu.memory_space<vmem>> -> memref<1x1x128xi32, #tpu.memory_space<vmem>>
        %dma_wait3A_920 = tpu.memref_squeeze %dma_wait3A_919 : memref<1x1x128xi32, #tpu.memory_space<vmem>> -> memref<128xi32, #tpu.memory_space<vmem>>
        %dma_wait3A_921 = arith.constant 0 : i32
        %dma_wait3A_922 = arith.constant 0 : i32
        %dma_wait3A_923 = tpu.memref_slice %arg14[%dma_wait3A_921, %dma_wait3A_922] : memref<10000x128xf32, #tpu.memory_space<vmem_shared>> -> memref<10000x128xf32, #tpu.memory_space<vmem_shared>>
        tpu.wait_indirect_dma semaphore(%run_scoped3A_911 : memref<!tpu.dma_semaphore, #tpu.memory_space<semaphore_mem>>) src(%arg12 : memref<128x128xf32, #tpu.memory_space<vmem>>) dst(%dma_wait3A_923 : memref<10000x128xf32, #tpu.memory_space<vmem_shared>>)
        tpu.yield
      }) : () -> ()
      %add3A_901 = arith.constant 2 : i32
      %add3A_902 = arith.addi %add3A_892, %add3A_901 : i32
      %dma_start3A_903 = arith.constant 0 : i32
      %dma_start3A_904 = arith.constant 0 : i32
      %dma_start3A_905 = tpu.memref_slice %arg9[%add3A_902, %dma_start3A_903, %dma_start3A_904] : memref<6x2x128xi32, #tpu.memory_space<vmem>> -> memref<1x1x128xi32, #tpu.memory_space<vmem>>
      %dma_start3A_906 = tpu.memref_squeeze %dma_start3A_905 : memref<1x1x128xi32, #tpu.memory_space<vmem>> -> memref<128xi32, #tpu.memory_space<vmem>>
      %dma_start3A_907 = arith.constant 0 : i32
      %dma_start3A_908 = arith.constant 0 : i32
      %dma_start3A_909 = tpu.memref_slice %arg2[%dma_start3A_907, %dma_start3A_908] : memref<10000x128xf32, #tpu.memory_space<hbm>> -> memref<10000x128xf32, #tpu.memory_space<hbm>>
      tpu.enqueue_indirect_dma source(%dma_start3A_909 : memref<10000x128xf32, #tpu.memory_space<hbm>>) target(%arg12 : memref<128x128xf32, #tpu.memory_space<vmem>>) offsets(%dma_start3A_906 : memref<128xi32, #tpu.memory_space<vmem>>) semaphore(%arg19 : memref<!tpu.dma_semaphore, #tpu.memory_space<semaphore_mem>>)
      %run_scoped3A_910 = arith.constant 1 : i32
      "tpu.region"() ({
        %run_scoped3A_911 = tpu.sem_alloc : memref<!tpu.dma_semaphore, #tpu.memory_space<semaphore_mem>>
        %dma_start3A_912 = arith.constant 0 : i32
        %dma_start3A_913 = tpu.memref_slice %arg9[%add3A_892, %run_scoped3A_910, %dma_start3A_912] : memref<6x2x128xi32, #tpu.memory_space<vmem>> -> memref<1x1x128xi32, #tpu.memory_space<vmem>>
        %dma_start3A_914 = tpu.memref_squeeze %dma_start3A_913 : memref<1x1x128xi32, #tpu.memory_space<vmem>> -> memref<128xi32, #tpu.memory_space<vmem>>
        %dma_start3A_915 = arith.constant 0 : i32
        %dma_start3A_916 = arith.constant 0 : i32
        %dma_start3A_917 = tpu.memref_slice %arg15[%dma_start3A_915, %dma_start3A_916] : memref<10000x8xf32, #tpu.memory_space<vmem_shared>> -> memref<10000x8xf32, #tpu.memory_space<vmem_shared>>
        tpu.enqueue_indirect_dma source(%arg13 : memref<128x8xf32, #tpu.memory_space<vmem>>) target(%dma_start3A_917 : memref<10000x8xf32, #tpu.memory_space<vmem_shared>>) offsets(%dma_start3A_914 : memref<128xi32, #tpu.memory_space<vmem>>) semaphore(%run_scoped3A_911 : memref<!tpu.dma_semaphore, #tpu.memory_space<semaphore_mem>>) {add = true}
        %dma_wait3A_918 = arith.constant 0 : i32
        %dma_wait3A_919 = tpu.memref_slice %arg9[%add3A_892, %run_scoped3A_910, %dma_wait3A_918] : memref<6x2x128xi32, #tpu.memory_space<vmem>> -> memref<1x1x128xi32, #tpu.memory_space<vmem>>
        %dma_wait3A_920 = tpu.memref_squeeze %dma_wait3A_919 : memref<1x1x128xi32, #tpu.memory_space<vmem>> -> memref<128xi32, #tpu.memory_space<vmem>>
        %dma_wait3A_921 = arith.constant 0 : i32
        %dma_wait3A_922 = arith.constant 0 : i32
        %dma_wait3A_923 = tpu.memref_slice %arg15[%dma_wait3A_921, %dma_wait3A_922] : memref<10000x8xf32, #tpu.memory_space<vmem_shared>> -> memref<10000x8xf32, #tpu.memory_space<vmem_shared>>
        tpu.wait_indirect_dma semaphore(%run_scoped3A_911 : memref<!tpu.dma_semaphore, #tpu.memory_space<semaphore_mem>>) src(%arg13 : memref<128x8xf32, #tpu.memory_space<vmem>>) dst(%dma_wait3A_923 : memref<10000x8xf32, #tpu.memory_space<vmem_shared>>)
        tpu.yield
      }) : () -> ()
    }
    %scan3A_290 = arith.constant 2 : i32
    %dma_wait3A_291 = arith.constant 4 : i32
    %dma_wait3A_292 = arith.constant 0 : i32
    %dma_wait3A_293 = arith.constant 0 : i32
    %dma_wait3A_294 = tpu.memref_slice %arg9[%dma_wait3A_291, %dma_wait3A_292, %dma_wait3A_293] : memref<6x2x128xi32, #tpu.memory_space<vmem>> -> memref<1x1x128xi32, #tpu.memory_space<vmem>>
    %dma_wait3A_295 = tpu.memref_squeeze %dma_wait3A_294 : memref<1x1x128xi32, #tpu.memory_space<vmem>> -> memref<128xi32, #tpu.memory_space<vmem>>
    %dma_wait3A_296 = arith.constant 0 : i32
    %dma_wait3A_297 = arith.constant 0 : i32
    %dma_wait3A_298 = tpu.memref_slice %arg2[%dma_wait3A_296, %dma_wait3A_297] : memref<10000x128xf32, #tpu.memory_space<hbm>> -> memref<10000x128xf32, #tpu.memory_space<hbm>>
    tpu.wait_indirect_dma semaphore(%arg18 : memref<!tpu.dma_semaphore, #tpu.memory_space<semaphore_mem>>) src(%dma_wait3A_298 : memref<10000x128xf32, #tpu.memory_space<hbm>>) dst(%arg11 : memref<128x128xf32, #tpu.memory_space<vmem>>)
    %run_scoped3A_299 = arith.constant 4 : i32
    %run_scoped3A_300 = arith.constant 1 : i32
    "tpu.region"() ({
      %run_scoped3A_866 = tpu.sem_alloc : memref<!tpu.dma_semaphore, #tpu.memory_space<semaphore_mem>>
      %dma_start3A_867 = arith.constant 0 : i32
      %dma_start3A_868 = tpu.memref_slice %arg9[%run_scoped3A_299, %run_scoped3A_300, %dma_start3A_867] : memref<6x2x128xi32, #tpu.memory_space<vmem>> -> memref<1x1x128xi32, #tpu.memory_space<vmem>>
      %dma_start3A_869 = tpu.memref_squeeze %dma_start3A_868 : memref<1x1x128xi32, #tpu.memory_space<vmem>> -> memref<128xi32, #tpu.memory_space<vmem>>
      %dma_start3A_870 = arith.constant 0 : i32
      %dma_start3A_871 = arith.constant 0 : i32
      %dma_start3A_872 = tpu.memref_slice %arg14[%dma_start3A_870, %dma_start3A_871] : memref<10000x128xf32, #tpu.memory_space<vmem_shared>> -> memref<10000x128xf32, #tpu.memory_space<vmem_shared>>
      tpu.enqueue_indirect_dma source(%arg11 : memref<128x128xf32, #tpu.memory_space<vmem>>) target(%dma_start3A_872 : memref<10000x128xf32, #tpu.memory_space<vmem_shared>>) offsets(%dma_start3A_869 : memref<128xi32, #tpu.memory_space<vmem>>) semaphore(%run_scoped3A_866 : memref<!tpu.dma_semaphore, #tpu.memory_space<semaphore_mem>>) {add = true}
      %dma_wait3A_873 = arith.constant 0 : i32
      %dma_wait3A_874 = tpu.memref_slice %arg9[%run_scoped3A_299, %run_scoped3A_300, %dma_wait3A_873] : memref<6x2x128xi32, #tpu.memory_space<vmem>> -> memref<1x1x128xi32, #tpu.memory_space<vmem>>
      %dma_wait3A_875 = tpu.memref_squeeze %dma_wait3A_874 : memref<1x1x128xi32, #tpu.memory_space<vmem>> -> memref<128xi32, #tpu.memory_space<vmem>>
      %dma_wait3A_876 = arith.constant 0 : i32
      %dma_wait3A_877 = arith.constant 0 : i32
      %dma_wait3A_878 = tpu.memref_slice %arg14[%dma_wait3A_876, %dma_wait3A_877] : memref<10000x128xf32, #tpu.memory_space<vmem_shared>> -> memref<10000x128xf32, #tpu.memory_space<vmem_shared>>
      tpu.wait_indirect_dma semaphore(%run_scoped3A_866 : memref<!tpu.dma_semaphore, #tpu.memory_space<semaphore_mem>>) src(%arg11 : memref<128x128xf32, #tpu.memory_space<vmem>>) dst(%dma_wait3A_878 : memref<10000x128xf32, #tpu.memory_space<vmem_shared>>)
      tpu.yield
    }) : () -> ()
    %add3A_301 = arith.constant 30 : i32
    %add3A_302 = arith.addi %mul3A_2, %add3A_301 : i32
    %dma_wait3A_303 = arith.constant 0 : i32
    %dma_wait3A_304 = arith.constant 0 : i32
    %dma_wait3A_305 = tpu.memref_slice %arg3[%add3A_302, %dma_wait3A_303, %dma_wait3A_304] : memref<2500x2x128xi32, #tpu.memory_space<hbm>> -> memref<6x2x128xi32, #tpu.memory_space<hbm>>
    %dma_wait3A_306 = arith.constant 0 : i32
    %dma_wait3A_307 = arith.constant 0 : i32
    %dma_wait3A_308 = tpu.memref_slice %arg3[%add3A_302, %dma_wait3A_306, %dma_wait3A_307] : memref<2500x2x128xi32, #tpu.memory_space<hbm>> -> memref<6x2x128xi32, #tpu.memory_space<hbm>>
    tpu.wait_dma2 semaphore(%arg17 : memref<!tpu.dma_semaphore, #tpu.memory_space<semaphore_mem>>) src(%dma_wait3A_308 : memref<6x2x128xi32, #tpu.memory_space<hbm>>) dst(%arg10 : memref<6x2x128xi32, #tpu.memory_space<vmem>>)
    %dma_start3A_309 = arith.constant 0 : i32
    %dma_start3A_310 = arith.constant 0 : i32
    %dma_start3A_311 = arith.constant 0 : i32
    %dma_start3A_312 = tpu.memref_slice %arg10[%dma_start3A_309, %dma_start3A_310, %dma_start3A_311] : memref<6x2x128xi32, #tpu.memory_space<vmem>> -> memref<1x1x128xi32, #tpu.memory_space<vmem>>
    %dma_start3A_313 = tpu.memref_squeeze %dma_start3A_312 : memref<1x1x128xi32, #tpu.memory_space<vmem>> -> memref<128xi32, #tpu.memory_space<vmem>>
    %dma_start3A_314 = arith.constant 0 : i32
    %dma_start3A_315 = arith.constant 0 : i32
    %dma_start3A_316 = tpu.memref_slice %arg2[%dma_start3A_314, %dma_start3A_315] : memref<10000x128xf32, #tpu.memory_space<hbm>> -> memref<10000x128xf32, #tpu.memory_space<hbm>>
    tpu.enqueue_indirect_dma source(%dma_start3A_316 : memref<10000x128xf32, #tpu.memory_space<hbm>>) target(%arg11 : memref<128x128xf32, #tpu.memory_space<vmem>>) offsets(%dma_start3A_313 : memref<128xi32, #tpu.memory_space<vmem>>) semaphore(%arg18 : memref<!tpu.dma_semaphore, #tpu.memory_space<semaphore_mem>>)
    %run_scoped3A_317 = arith.constant 4 : i32
    %run_scoped3A_318 = arith.constant 1 : i32
    "tpu.region"() ({
      %run_scoped3A_866 = tpu.sem_alloc : memref<!tpu.dma_semaphore, #tpu.memory_space<semaphore_mem>>
      %dma_start3A_867 = arith.constant 0 : i32
      %dma_start3A_868 = tpu.memref_slice %arg9[%run_scoped3A_317, %run_scoped3A_318, %dma_start3A_867] : memref<6x2x128xi32, #tpu.memory_space<vmem>> -> memref<1x1x128xi32, #tpu.memory_space<vmem>>
      %dma_start3A_869 = tpu.memref_squeeze %dma_start3A_868 : memref<1x1x128xi32, #tpu.memory_space<vmem>> -> memref<128xi32, #tpu.memory_space<vmem>>
      %dma_start3A_870 = arith.constant 0 : i32
      %dma_start3A_871 = arith.constant 0 : i32
      %dma_start3A_872 = tpu.memref_slice %arg15[%dma_start3A_870, %dma_start3A_871] : memref<10000x8xf32, #tpu.memory_space<vmem_shared>> -> memref<10000x8xf32, #tpu.memory_space<vmem_shared>>
      tpu.enqueue_indirect_dma source(%arg13 : memref<128x8xf32, #tpu.memory_space<vmem>>) target(%dma_start3A_872 : memref<10000x8xf32, #tpu.memory_space<vmem_shared>>) offsets(%dma_start3A_869 : memref<128xi32, #tpu.memory_space<vmem>>) semaphore(%run_scoped3A_866 : memref<!tpu.dma_semaphore, #tpu.memory_space<semaphore_mem>>) {add = true}
      %dma_wait3A_873 = arith.constant 0 : i32
      %dma_wait3A_874 = tpu.memref_slice %arg9[%run_scoped3A_317, %run_scoped3A_318, %dma_wait3A_873] : memref<6x2x128xi32, #tpu.memory_space<vmem>> -> memref<1x1x128xi32, #tpu.memory_space<vmem>>
      %dma_wait3A_875 = tpu.memref_squeeze %dma_wait3A_874 : memref<1x1x128xi32, #tpu.memory_space<vmem>> -> memref<128xi32, #tpu.memory_space<vmem>>
      %dma_wait3A_876 = arith.constant 0 : i32
      %dma_wait3A_877 = arith.constant 0 : i32
      %dma_wait3A_878 = tpu.memref_slice %arg15[%dma_wait3A_876, %dma_wait3A_877] : memref<10000x8xf32, #tpu.memory_space<vmem_shared>> -> memref<10000x8xf32, #tpu.memory_space<vmem_shared>>
      tpu.wait_indirect_dma semaphore(%run_scoped3A_866 : memref<!tpu.dma_semaphore, #tpu.memory_space<semaphore_mem>>) src(%arg13 : memref<128x8xf32, #tpu.memory_space<vmem>>) dst(%dma_wait3A_878 : memref<10000x8xf32, #tpu.memory_space<vmem_shared>>)
      tpu.yield
    }) : () -> ()
    %dma_wait3A_319 = arith.constant 5 : i32
    %dma_wait3A_320 = arith.constant 0 : i32
    %dma_wait3A_321 = arith.constant 0 : i32
    %dma_wait3A_322 = tpu.memref_slice %arg9[%dma_wait3A_319, %dma_wait3A_320, %dma_wait3A_321] : memref<6x2x128xi32, #tpu.memory_space<vmem>> -> memref<1x1x128xi32, #tpu.memory_space<vmem>>
    %dma_wait3A_323 = tpu.memref_squeeze %dma_wait3A_322 : memref<1x1x128xi32, #tpu.memory_space<vmem>> -> memref<128xi32, #tpu.memory_space<vmem>>
    %dma_wait3A_324 = arith.constant 0 : i32
    %dma_wait3A_325 = arith.constant 0 : i32
    %dma_wait3A_326 = tpu.memref_slice %arg2[%dma_wait3A_324, %dma_wait3A_325] : memref<10000x128xf32, #tpu.memory_space<hbm>> -> memref<10000x128xf32, #tpu.memory_space<hbm>>
    tpu.wait_indirect_dma semaphore(%arg19 : memref<!tpu.dma_semaphore, #tpu.memory_space<semaphore_mem>>) src(%dma_wait3A_326 : memref<10000x128xf32, #tpu.memory_space<hbm>>) dst(%arg12 : memref<128x128xf32, #tpu.memory_space<vmem>>)
    %run_scoped3A_327 = arith.constant 5 : i32
    %run_scoped3A_328 = arith.constant 1 : i32
    "tpu.region"() ({
      %run_scoped3A_866 = tpu.sem_alloc : memref<!tpu.dma_semaphore, #tpu.memory_space<semaphore_mem>>
      %dma_start3A_867 = arith.constant 0 : i32
      %dma_start3A_868 = tpu.memref_slice %arg9[%run_scoped3A_327, %run_scoped3A_328, %dma_start3A_867] : memref<6x2x128xi32, #tpu.memory_space<vmem>> -> memref<1x1x128xi32, #tpu.memory_space<vmem>>
      %dma_start3A_869 = tpu.memref_squeeze %dma_start3A_868 : memref<1x1x128xi32, #tpu.memory_space<vmem>> -> memref<128xi32, #tpu.memory_space<vmem>>
      %dma_start3A_870 = arith.constant 0 : i32
      %dma_start3A_871 = arith.constant 0 : i32
      %dma_start3A_872 = tpu.memref_slice %arg14[%dma_start3A_870, %dma_start3A_871] : memref<10000x128xf32, #tpu.memory_space<vmem_shared>> -> memref<10000x128xf32, #tpu.memory_space<vmem_shared>>
      tpu.enqueue_indirect_dma source(%arg12 : memref<128x128xf32, #tpu.memory_space<vmem>>) target(%dma_start3A_872 : memref<10000x128xf32, #tpu.memory_space<vmem_shared>>) offsets(%dma_start3A_869 : memref<128xi32, #tpu.memory_space<vmem>>) semaphore(%run_scoped3A_866 : memref<!tpu.dma_semaphore, #tpu.memory_space<semaphore_mem>>) {add = true}
      %dma_wait3A_873 = arith.constant 0 : i32
      %dma_wait3A_874 = tpu.memref_slice %arg9[%run_scoped3A_327, %run_scoped3A_328, %dma_wait3A_873] : memref<6x2x128xi32, #tpu.memory_space<vmem>> -> memref<1x1x128xi32, #tpu.memory_space<vmem>>
      %dma_wait3A_875 = tpu.memref_squeeze %dma_wait3A_874 : memref<1x1x128xi32, #tpu.memory_space<vmem>> -> memref<128xi32, #tpu.memory_space<vmem>>
      %dma_wait3A_876 = arith.constant 0 : i32
      %dma_wait3A_877 = arith.constant 0 : i32
      %dma_wait3A_878 = tpu.memref_slice %arg14[%dma_wait3A_876, %dma_wait3A_877] : memref<10000x128xf32, #tpu.memory_space<vmem_shared>> -> memref<10000x128xf32, #tpu.memory_space<vmem_shared>>
      tpu.wait_indirect_dma semaphore(%run_scoped3A_866 : memref<!tpu.dma_semaphore, #tpu.memory_space<semaphore_mem>>) src(%arg12 : memref<128x128xf32, #tpu.memory_space<vmem>>) dst(%dma_wait3A_878 : memref<10000x128xf32, #tpu.memory_space<vmem_shared>>)
      tpu.yield
    }) : () -> ()
    %dma_start3A_329 = arith.constant 1 : i32
    %dma_start3A_330 = arith.constant 0 : i32
    %dma_start3A_331 = arith.constant 0 : i32
    %dma_start3A_332 = tpu.memref_slice %arg10[%dma_start3A_329, %dma_start3A_330, %dma_start3A_331] : memref<6x2x128xi32, #tpu.memory_space<vmem>> -> memref<1x1x128xi32, #tpu.memory_space<vmem>>
    %dma_start3A_333 = tpu.memref_squeeze %dma_start3A_332 : memref<1x1x128xi32, #tpu.memory_space<vmem>> -> memref<128xi32, #tpu.memory_space<vmem>>
    %dma_start3A_334 = arith.constant 0 : i32
    %dma_start3A_335 = arith.constant 0 : i32
    %dma_start3A_336 = tpu.memref_slice %arg2[%dma_start3A_334, %dma_start3A_335] : memref<10000x128xf32, #tpu.memory_space<hbm>> -> memref<10000x128xf32, #tpu.memory_space<hbm>>
    tpu.enqueue_indirect_dma source(%dma_start3A_336 : memref<10000x128xf32, #tpu.memory_space<hbm>>) target(%arg12 : memref<128x128xf32, #tpu.memory_space<vmem>>) offsets(%dma_start3A_333 : memref<128xi32, #tpu.memory_space<vmem>>) semaphore(%arg19 : memref<!tpu.dma_semaphore, #tpu.memory_space<semaphore_mem>>)
    %run_scoped3A_337 = arith.constant 5 : i32
    %run_scoped3A_338 = arith.constant 1 : i32
    "tpu.region"() ({
      %run_scoped3A_866 = tpu.sem_alloc : memref<!tpu.dma_semaphore, #tpu.memory_space<semaphore_mem>>
      %dma_start3A_867 = arith.constant 0 : i32
      %dma_start3A_868 = tpu.memref_slice %arg9[%run_scoped3A_337, %run_scoped3A_338, %dma_start3A_867] : memref<6x2x128xi32, #tpu.memory_space<vmem>> -> memref<1x1x128xi32, #tpu.memory_space<vmem>>
      %dma_start3A_869 = tpu.memref_squeeze %dma_start3A_868 : memref<1x1x128xi32, #tpu.memory_space<vmem>> -> memref<128xi32, #tpu.memory_space<vmem>>
      %dma_start3A_870 = arith.constant 0 : i32
      %dma_start3A_871 = arith.constant 0 : i32
      %dma_start3A_872 = tpu.memref_slice %arg15[%dma_start3A_870, %dma_start3A_871] : memref<10000x8xf32, #tpu.memory_space<vmem_shared>> -> memref<10000x8xf32, #tpu.memory_space<vmem_shared>>
      tpu.enqueue_indirect_dma source(%arg13 : memref<128x8xf32, #tpu.memory_space<vmem>>) target(%dma_start3A_872 : memref<10000x8xf32, #tpu.memory_space<vmem_shared>>) offsets(%dma_start3A_869 : memref<128xi32, #tpu.memory_space<vmem>>) semaphore(%run_scoped3A_866 : memref<!tpu.dma_semaphore, #tpu.memory_space<semaphore_mem>>) {add = true}
      %dma_wait3A_873 = arith.constant 0 : i32
      %dma_wait3A_874 = tpu.memref_slice %arg9[%run_scoped3A_337, %run_scoped3A_338, %dma_wait3A_873] : memref<6x2x128xi32, #tpu.memory_space<vmem>> -> memref<1x1x128xi32, #tpu.memory_space<vmem>>
      %dma_wait3A_875 = tpu.memref_squeeze %dma_wait3A_874 : memref<1x1x128xi32, #tpu.memory_space<vmem>> -> memref<128xi32, #tpu.memory_space<vmem>>
      %dma_wait3A_876 = arith.constant 0 : i32
      %dma_wait3A_877 = arith.constant 0 : i32
      %dma_wait3A_878 = tpu.memref_slice %arg15[%dma_wait3A_876, %dma_wait3A_877] : memref<10000x8xf32, #tpu.memory_space<vmem_shared>> -> memref<10000x8xf32, #tpu.memory_space<vmem_shared>>
      tpu.wait_indirect_dma semaphore(%run_scoped3A_866 : memref<!tpu.dma_semaphore, #tpu.memory_space<semaphore_mem>>) src(%arg13 : memref<128x8xf32, #tpu.memory_space<vmem>>) dst(%dma_wait3A_878 : memref<10000x8xf32, #tpu.memory_space<vmem_shared>>)
      tpu.yield
    }) : () -> ()
    %add3A_339 = arith.constant 36 : i32
    %add3A_340 = arith.addi %mul3A_2, %add3A_339 : i32
    %dma_start3A_341 = arith.constant 0 : i32
    %dma_start3A_342 = arith.constant 0 : i32
    %dma_start3A_343 = tpu.memref_slice %arg3[%add3A_340, %dma_start3A_341, %dma_start3A_342] : memref<2500x2x128xi32, #tpu.memory_space<hbm>> -> memref<6x2x128xi32, #tpu.memory_space<hbm>>
    %dma_start3A_344 = arith.constant 0 : i32
    %dma_start3A_345 = arith.constant 0 : i32
    %dma_start3A_346 = tpu.memref_slice %arg3[%add3A_340, %dma_start3A_344, %dma_start3A_345] : memref<2500x2x128xi32, #tpu.memory_space<hbm>> -> memref<6x2x128xi32, #tpu.memory_space<hbm>>
    tpu.enqueue_dma source(%dma_start3A_346 : memref<6x2x128xi32, #tpu.memory_space<hbm>>) target(%arg9 : memref<6x2x128xi32, #tpu.memory_space<vmem>>) target_semaphore(%arg16 : memref<!tpu.dma_semaphore, #tpu.memory_space<semaphore_mem>>)
    %scan3A_347 = arith.constant 0 : i32
    %scan3A_348 = arith.constant 0 : i32
    %scan3A_349 = arith.constant 2 : i32
    %scan3A_350 = arith.addi %scan3A_348, %scan3A_349 : i32
    %scan3A_351 = arith.constant 1 : i32
    scf.for %scan3A_866 = %scan3A_348 to %scan3A_350 step %scan3A_351  : i32 {
      %mul3A_867 = arith.constant 2 : i32
      %mul3A_868 = arith.muli %mul3A_867, %scan3A_866 : i32
      %add3A_869 = arith.constant 0 : i32
      %add3A_870 = arith.addi %mul3A_868, %add3A_869 : i32
      %dma_wait3A_871 = arith.constant 0 : i32
      %dma_wait3A_872 = arith.constant 0 : i32
      %dma_wait3A_873 = tpu.memref_slice %arg10[%add3A_870, %dma_wait3A_871, %dma_wait3A_872] : memref<6x2x128xi32, #tpu.memory_space<vmem>> -> memref<1x1x128xi32, #tpu.memory_space<vmem>>
      %dma_wait3A_874 = tpu.memref_squeeze %dma_wait3A_873 : memref<1x1x128xi32, #tpu.memory_space<vmem>> -> memref<128xi32, #tpu.memory_space<vmem>>
      %dma_wait3A_875 = arith.constant 0 : i32
      %dma_wait3A_876 = arith.constant 0 : i32
      %dma_wait3A_877 = tpu.memref_slice %arg2[%dma_wait3A_875, %dma_wait3A_876] : memref<10000x128xf32, #tpu.memory_space<hbm>> -> memref<10000x128xf32, #tpu.memory_space<hbm>>
      tpu.wait_indirect_dma semaphore(%arg18 : memref<!tpu.dma_semaphore, #tpu.memory_space<semaphore_mem>>) src(%dma_wait3A_877 : memref<10000x128xf32, #tpu.memory_space<hbm>>) dst(%arg11 : memref<128x128xf32, #tpu.memory_space<vmem>>)
      %run_scoped3A_878 = arith.constant 1 : i32
      "tpu.region"() ({
        %run_scoped3A_911 = tpu.sem_alloc : memref<!tpu.dma_semaphore, #tpu.memory_space<semaphore_mem>>
        %dma_start3A_912 = arith.constant 0 : i32
        %dma_start3A_913 = tpu.memref_slice %arg10[%add3A_870, %run_scoped3A_878, %dma_start3A_912] : memref<6x2x128xi32, #tpu.memory_space<vmem>> -> memref<1x1x128xi32, #tpu.memory_space<vmem>>
        %dma_start3A_914 = tpu.memref_squeeze %dma_start3A_913 : memref<1x1x128xi32, #tpu.memory_space<vmem>> -> memref<128xi32, #tpu.memory_space<vmem>>
        %dma_start3A_915 = arith.constant 0 : i32
        %dma_start3A_916 = arith.constant 0 : i32
        %dma_start3A_917 = tpu.memref_slice %arg14[%dma_start3A_915, %dma_start3A_916] : memref<10000x128xf32, #tpu.memory_space<vmem_shared>> -> memref<10000x128xf32, #tpu.memory_space<vmem_shared>>
        tpu.enqueue_indirect_dma source(%arg11 : memref<128x128xf32, #tpu.memory_space<vmem>>) target(%dma_start3A_917 : memref<10000x128xf32, #tpu.memory_space<vmem_shared>>) offsets(%dma_start3A_914 : memref<128xi32, #tpu.memory_space<vmem>>) semaphore(%run_scoped3A_911 : memref<!tpu.dma_semaphore, #tpu.memory_space<semaphore_mem>>) {add = true}
        %dma_wait3A_918 = arith.constant 0 : i32
        %dma_wait3A_919 = tpu.memref_slice %arg10[%add3A_870, %run_scoped3A_878, %dma_wait3A_918] : memref<6x2x128xi32, #tpu.memory_space<vmem>> -> memref<1x1x128xi32, #tpu.memory_space<vmem>>
        %dma_wait3A_920 = tpu.memref_squeeze %dma_wait3A_919 : memref<1x1x128xi32, #tpu.memory_space<vmem>> -> memref<128xi32, #tpu.memory_space<vmem>>
        %dma_wait3A_921 = arith.constant 0 : i32
        %dma_wait3A_922 = arith.constant 0 : i32
        %dma_wait3A_923 = tpu.memref_slice %arg14[%dma_wait3A_921, %dma_wait3A_922] : memref<10000x128xf32, #tpu.memory_space<vmem_shared>> -> memref<10000x128xf32, #tpu.memory_space<vmem_shared>>
        tpu.wait_indirect_dma semaphore(%run_scoped3A_911 : memref<!tpu.dma_semaphore, #tpu.memory_space<semaphore_mem>>) src(%arg11 : memref<128x128xf32, #tpu.memory_space<vmem>>) dst(%dma_wait3A_923 : memref<10000x128xf32, #tpu.memory_space<vmem_shared>>)
        tpu.yield
      }) : () -> ()
      %add3A_879 = arith.constant 2 : i32
      %add3A_880 = arith.addi %add3A_870, %add3A_879 : i32
      %dma_start3A_881 = arith.constant 0 : i32
      %dma_start3A_882 = arith.constant 0 : i32
      %dma_start3A_883 = tpu.memref_slice %arg10[%add3A_880, %dma_start3A_881, %dma_start3A_882] : memref<6x2x128xi32, #tpu.memory_space<vmem>> -> memref<1x1x128xi32, #tpu.memory_space<vmem>>
      %dma_start3A_884 = tpu.memref_squeeze %dma_start3A_883 : memref<1x1x128xi32, #tpu.memory_space<vmem>> -> memref<128xi32, #tpu.memory_space<vmem>>
      %dma_start3A_885 = arith.constant 0 : i32
      %dma_start3A_886 = arith.constant 0 : i32
      %dma_start3A_887 = tpu.memref_slice %arg2[%dma_start3A_885, %dma_start3A_886] : memref<10000x128xf32, #tpu.memory_space<hbm>> -> memref<10000x128xf32, #tpu.memory_space<hbm>>
      tpu.enqueue_indirect_dma source(%dma_start3A_887 : memref<10000x128xf32, #tpu.memory_space<hbm>>) target(%arg11 : memref<128x128xf32, #tpu.memory_space<vmem>>) offsets(%dma_start3A_884 : memref<128xi32, #tpu.memory_space<vmem>>) semaphore(%arg18 : memref<!tpu.dma_semaphore, #tpu.memory_space<semaphore_mem>>)
      %run_scoped3A_888 = arith.constant 1 : i32
      "tpu.region"() ({
        %run_scoped3A_911 = tpu.sem_alloc : memref<!tpu.dma_semaphore, #tpu.memory_space<semaphore_mem>>
        %dma_start3A_912 = arith.constant 0 : i32
        %dma_start3A_913 = tpu.memref_slice %arg10[%add3A_870, %run_scoped3A_888, %dma_start3A_912] : memref<6x2x128xi32, #tpu.memory_space<vmem>> -> memref<1x1x128xi32, #tpu.memory_space<vmem>>
        %dma_start3A_914 = tpu.memref_squeeze %dma_start3A_913 : memref<1x1x128xi32, #tpu.memory_space<vmem>> -> memref<128xi32, #tpu.memory_space<vmem>>
        %dma_start3A_915 = arith.constant 0 : i32
        %dma_start3A_916 = arith.constant 0 : i32
        %dma_start3A_917 = tpu.memref_slice %arg15[%dma_start3A_915, %dma_start3A_916] : memref<10000x8xf32, #tpu.memory_space<vmem_shared>> -> memref<10000x8xf32, #tpu.memory_space<vmem_shared>>
        tpu.enqueue_indirect_dma source(%arg13 : memref<128x8xf32, #tpu.memory_space<vmem>>) target(%dma_start3A_917 : memref<10000x8xf32, #tpu.memory_space<vmem_shared>>) offsets(%dma_start3A_914 : memref<128xi32, #tpu.memory_space<vmem>>) semaphore(%run_scoped3A_911 : memref<!tpu.dma_semaphore, #tpu.memory_space<semaphore_mem>>) {add = true}
        %dma_wait3A_918 = arith.constant 0 : i32
        %dma_wait3A_919 = tpu.memref_slice %arg10[%add3A_870, %run_scoped3A_888, %dma_wait3A_918] : memref<6x2x128xi32, #tpu.memory_space<vmem>> -> memref<1x1x128xi32, #tpu.memory_space<vmem>>
        %dma_wait3A_920 = tpu.memref_squeeze %dma_wait3A_919 : memref<1x1x128xi32, #tpu.memory_space<vmem>> -> memref<128xi32, #tpu.memory_space<vmem>>
        %dma_wait3A_921 = arith.constant 0 : i32
        %dma_wait3A_922 = arith.constant 0 : i32
        %dma_wait3A_923 = tpu.memref_slice %arg15[%dma_wait3A_921, %dma_wait3A_922] : memref<10000x8xf32, #tpu.memory_space<vmem_shared>> -> memref<10000x8xf32, #tpu.memory_space<vmem_shared>>
        tpu.wait_indirect_dma semaphore(%run_scoped3A_911 : memref<!tpu.dma_semaphore, #tpu.memory_space<semaphore_mem>>) src(%arg13 : memref<128x8xf32, #tpu.memory_space<vmem>>) dst(%dma_wait3A_923 : memref<10000x8xf32, #tpu.memory_space<vmem_shared>>)
        tpu.yield
      }) : () -> ()
      %mul3A_889 = arith.constant 2 : i32
      %mul3A_890 = arith.muli %mul3A_889, %scan3A_866 : i32
      %add3A_891 = arith.constant 1 : i32
      %add3A_892 = arith.addi %mul3A_890, %add3A_891 : i32
      %dma_wait3A_893 = arith.constant 0 : i32
      %dma_wait3A_894 = arith.constant 0 : i32
      %dma_wait3A_895 = tpu.memref_slice %arg10[%add3A_892, %dma_wait3A_893, %dma_wait3A_894] : memref<6x2x128xi32, #tpu.memory_space<vmem>> -> memref<1x1x128xi32, #tpu.memory_space<vmem>>
      %dma_wait3A_896 = tpu.memref_squeeze %dma_wait3A_895 : memref<1x1x128xi32, #tpu.memory_space<vmem>> -> memref<128xi32, #tpu.memory_space<vmem>>
      %dma_wait3A_897 = arith.constant 0 : i32
      %dma_wait3A_898 = arith.constant 0 : i32
      %dma_wait3A_899 = tpu.memref_slice %arg2[%dma_wait3A_897, %dma_wait3A_898] : memref<10000x128xf32, #tpu.memory_space<hbm>> -> memref<10000x128xf32, #tpu.memory_space<hbm>>
      tpu.wait_indirect_dma semaphore(%arg19 : memref<!tpu.dma_semaphore, #tpu.memory_space<semaphore_mem>>) src(%dma_wait3A_899 : memref<10000x128xf32, #tpu.memory_space<hbm>>) dst(%arg12 : memref<128x128xf32, #tpu.memory_space<vmem>>)
      %run_scoped3A_900 = arith.constant 1 : i32
      "tpu.region"() ({
        %run_scoped3A_911 = tpu.sem_alloc : memref<!tpu.dma_semaphore, #tpu.memory_space<semaphore_mem>>
        %dma_start3A_912 = arith.constant 0 : i32
        %dma_start3A_913 = tpu.memref_slice %arg10[%add3A_892, %run_scoped3A_900, %dma_start3A_912] : memref<6x2x128xi32, #tpu.memory_space<vmem>> -> memref<1x1x128xi32, #tpu.memory_space<vmem>>
        %dma_start3A_914 = tpu.memref_squeeze %dma_start3A_913 : memref<1x1x128xi32, #tpu.memory_space<vmem>> -> memref<128xi32, #tpu.memory_space<vmem>>
        %dma_start3A_915 = arith.constant 0 : i32
        %dma_start3A_916 = arith.constant 0 : i32
        %dma_start3A_917 = tpu.memref_slice %arg14[%dma_start3A_915, %dma_start3A_916] : memref<10000x128xf32, #tpu.memory_space<vmem_shared>> -> memref<10000x128xf32, #tpu.memory_space<vmem_shared>>
        tpu.enqueue_indirect_dma source(%arg12 : memref<128x128xf32, #tpu.memory_space<vmem>>) target(%dma_start3A_917 : memref<10000x128xf32, #tpu.memory_space<vmem_shared>>) offsets(%dma_start3A_914 : memref<128xi32, #tpu.memory_space<vmem>>) semaphore(%run_scoped3A_911 : memref<!tpu.dma_semaphore, #tpu.memory_space<semaphore_mem>>) {add = true}
        %dma_wait3A_918 = arith.constant 0 : i32
        %dma_wait3A_919 = tpu.memref_slice %arg10[%add3A_892, %run_scoped3A_900, %dma_wait3A_918] : memref<6x2x128xi32, #tpu.memory_space<vmem>> -> memref<1x1x128xi32, #tpu.memory_space<vmem>>
        %dma_wait3A_920 = tpu.memref_squeeze %dma_wait3A_919 : memref<1x1x128xi32, #tpu.memory_space<vmem>> -> memref<128xi32, #tpu.memory_space<vmem>>
        %dma_wait3A_921 = arith.constant 0 : i32
        %dma_wait3A_922 = arith.constant 0 : i32
        %dma_wait3A_923 = tpu.memref_slice %arg14[%dma_wait3A_921, %dma_wait3A_922] : memref<10000x128xf32, #tpu.memory_space<vmem_shared>> -> memref<10000x128xf32, #tpu.memory_space<vmem_shared>>
        tpu.wait_indirect_dma semaphore(%run_scoped3A_911 : memref<!tpu.dma_semaphore, #tpu.memory_space<semaphore_mem>>) src(%arg12 : memref<128x128xf32, #tpu.memory_space<vmem>>) dst(%dma_wait3A_923 : memref<10000x128xf32, #tpu.memory_space<vmem_shared>>)
        tpu.yield
      }) : () -> ()
      %add3A_901 = arith.constant 2 : i32
      %add3A_902 = arith.addi %add3A_892, %add3A_901 : i32
      %dma_start3A_903 = arith.constant 0 : i32
      %dma_start3A_904 = arith.constant 0 : i32
      %dma_start3A_905 = tpu.memref_slice %arg10[%add3A_902, %dma_start3A_903, %dma_start3A_904] : memref<6x2x128xi32, #tpu.memory_space<vmem>> -> memref<1x1x128xi32, #tpu.memory_space<vmem>>
      %dma_start3A_906 = tpu.memref_squeeze %dma_start3A_905 : memref<1x1x128xi32, #tpu.memory_space<vmem>> -> memref<128xi32, #tpu.memory_space<vmem>>
      %dma_start3A_907 = arith.constant 0 : i32
      %dma_start3A_908 = arith.constant 0 : i32
      %dma_start3A_909 = tpu.memref_slice %arg2[%dma_start3A_907, %dma_start3A_908] : memref<10000x128xf32, #tpu.memory_space<hbm>> -> memref<10000x128xf32, #tpu.memory_space<hbm>>
      tpu.enqueue_indirect_dma source(%dma_start3A_909 : memref<10000x128xf32, #tpu.memory_space<hbm>>) target(%arg12 : memref<128x128xf32, #tpu.memory_space<vmem>>) offsets(%dma_start3A_906 : memref<128xi32, #tpu.memory_space<vmem>>) semaphore(%arg19 : memref<!tpu.dma_semaphore, #tpu.memory_space<semaphore_mem>>)
      %run_scoped3A_910 = arith.constant 1 : i32
      "tpu.region"() ({
        %run_scoped3A_911 = tpu.sem_alloc : memref<!tpu.dma_semaphore, #tpu.memory_space<semaphore_mem>>
        %dma_start3A_912 = arith.constant 0 : i32
        %dma_start3A_913 = tpu.memref_slice %arg10[%add3A_892, %run_scoped3A_910, %dma_start3A_912] : memref<6x2x128xi32, #tpu.memory_space<vmem>> -> memref<1x1x128xi32, #tpu.memory_space<vmem>>
        %dma_start3A_914 = tpu.memref_squeeze %dma_start3A_913 : memref<1x1x128xi32, #tpu.memory_space<vmem>> -> memref<128xi32, #tpu.memory_space<vmem>>
        %dma_start3A_915 = arith.constant 0 : i32
        %dma_start3A_916 = arith.constant 0 : i32
        %dma_start3A_917 = tpu.memref_slice %arg15[%dma_start3A_915, %dma_start3A_916] : memref<10000x8xf32, #tpu.memory_space<vmem_shared>> -> memref<10000x8xf32, #tpu.memory_space<vmem_shared>>
        tpu.enqueue_indirect_dma source(%arg13 : memref<128x8xf32, #tpu.memory_space<vmem>>) target(%dma_start3A_917 : memref<10000x8xf32, #tpu.memory_space<vmem_shared>>) offsets(%dma_start3A_914 : memref<128xi32, #tpu.memory_space<vmem>>) semaphore(%run_scoped3A_911 : memref<!tpu.dma_semaphore, #tpu.memory_space<semaphore_mem>>) {add = true}
        %dma_wait3A_918 = arith.constant 0 : i32
        %dma_wait3A_919 = tpu.memref_slice %arg10[%add3A_892, %run_scoped3A_910, %dma_wait3A_918] : memref<6x2x128xi32, #tpu.memory_space<vmem>> -> memref<1x1x128xi32, #tpu.memory_space<vmem>>
        %dma_wait3A_920 = tpu.memref_squeeze %dma_wait3A_919 : memref<1x1x128xi32, #tpu.memory_space<vmem>> -> memref<128xi32, #tpu.memory_space<vmem>>
        %dma_wait3A_921 = arith.constant 0 : i32
        %dma_wait3A_922 = arith.constant 0 : i32
        %dma_wait3A_923 = tpu.memref_slice %arg15[%dma_wait3A_921, %dma_wait3A_922] : memref<10000x8xf32, #tpu.memory_space<vmem_shared>> -> memref<10000x8xf32, #tpu.memory_space<vmem_shared>>
        tpu.wait_indirect_dma semaphore(%run_scoped3A_911 : memref<!tpu.dma_semaphore, #tpu.memory_space<semaphore_mem>>) src(%arg13 : memref<128x8xf32, #tpu.memory_space<vmem>>) dst(%dma_wait3A_923 : memref<10000x8xf32, #tpu.memory_space<vmem_shared>>)
        tpu.yield
      }) : () -> ()
    }
    %scan3A_352 = arith.constant 2 : i32
    %dma_wait3A_353 = arith.constant 4 : i32
    %dma_wait3A_354 = arith.constant 0 : i32
    %dma_wait3A_355 = arith.constant 0 : i32
    %dma_wait3A_356 = tpu.memref_slice %arg10[%dma_wait3A_353, %dma_wait3A_354, %dma_wait3A_355] : memref<6x2x128xi32, #tpu.memory_space<vmem>> -> memref<1x1x128xi32, #tpu.memory_space<vmem>>
    %dma_wait3A_357 = tpu.memref_squeeze %dma_wait3A_356 : memref<1x1x128xi32, #tpu.memory_space<vmem>> -> memref<128xi32, #tpu.memory_space<vmem>>
    %dma_wait3A_358 = arith.constant 0 : i32
    %dma_wait3A_359 = arith.constant 0 : i32
    %dma_wait3A_360 = tpu.memref_slice %arg2[%dma_wait3A_358, %dma_wait3A_359] : memref<10000x128xf32, #tpu.memory_space<hbm>> -> memref<10000x128xf32, #tpu.memory_space<hbm>>
    tpu.wait_indirect_dma semaphore(%arg18 : memref<!tpu.dma_semaphore, #tpu.memory_space<semaphore_mem>>) src(%dma_wait3A_360 : memref<10000x128xf32, #tpu.memory_space<hbm>>) dst(%arg11 : memref<128x128xf32, #tpu.memory_space<vmem>>)
    %run_scoped3A_361 = arith.constant 4 : i32
    %run_scoped3A_362 = arith.constant 1 : i32
    "tpu.region"() ({
      %run_scoped3A_866 = tpu.sem_alloc : memref<!tpu.dma_semaphore, #tpu.memory_space<semaphore_mem>>
      %dma_start3A_867 = arith.constant 0 : i32
      %dma_start3A_868 = tpu.memref_slice %arg10[%run_scoped3A_361, %run_scoped3A_362, %dma_start3A_867] : memref<6x2x128xi32, #tpu.memory_space<vmem>> -> memref<1x1x128xi32, #tpu.memory_space<vmem>>
      %dma_start3A_869 = tpu.memref_squeeze %dma_start3A_868 : memref<1x1x128xi32, #tpu.memory_space<vmem>> -> memref<128xi32, #tpu.memory_space<vmem>>
      %dma_start3A_870 = arith.constant 0 : i32
      %dma_start3A_871 = arith.constant 0 : i32
      %dma_start3A_872 = tpu.memref_slice %arg14[%dma_start3A_870, %dma_start3A_871] : memref<10000x128xf32, #tpu.memory_space<vmem_shared>> -> memref<10000x128xf32, #tpu.memory_space<vmem_shared>>
      tpu.enqueue_indirect_dma source(%arg11 : memref<128x128xf32, #tpu.memory_space<vmem>>) target(%dma_start3A_872 : memref<10000x128xf32, #tpu.memory_space<vmem_shared>>) offsets(%dma_start3A_869 : memref<128xi32, #tpu.memory_space<vmem>>) semaphore(%run_scoped3A_866 : memref<!tpu.dma_semaphore, #tpu.memory_space<semaphore_mem>>) {add = true}
      %dma_wait3A_873 = arith.constant 0 : i32
      %dma_wait3A_874 = tpu.memref_slice %arg10[%run_scoped3A_361, %run_scoped3A_362, %dma_wait3A_873] : memref<6x2x128xi32, #tpu.memory_space<vmem>> -> memref<1x1x128xi32, #tpu.memory_space<vmem>>
      %dma_wait3A_875 = tpu.memref_squeeze %dma_wait3A_874 : memref<1x1x128xi32, #tpu.memory_space<vmem>> -> memref<128xi32, #tpu.memory_space<vmem>>
      %dma_wait3A_876 = arith.constant 0 : i32
      %dma_wait3A_877 = arith.constant 0 : i32
      %dma_wait3A_878 = tpu.memref_slice %arg14[%dma_wait3A_876, %dma_wait3A_877] : memref<10000x128xf32, #tpu.memory_space<vmem_shared>> -> memref<10000x128xf32, #tpu.memory_space<vmem_shared>>
      tpu.wait_indirect_dma semaphore(%run_scoped3A_866 : memref<!tpu.dma_semaphore, #tpu.memory_space<semaphore_mem>>) src(%arg11 : memref<128x128xf32, #tpu.memory_space<vmem>>) dst(%dma_wait3A_878 : memref<10000x128xf32, #tpu.memory_space<vmem_shared>>)
      tpu.yield
    }) : () -> ()
    %add3A_363 = arith.constant 36 : i32
    %add3A_364 = arith.addi %mul3A_2, %add3A_363 : i32
    %dma_wait3A_365 = arith.constant 0 : i32
    %dma_wait3A_366 = arith.constant 0 : i32
    %dma_wait3A_367 = tpu.memref_slice %arg3[%add3A_364, %dma_wait3A_365, %dma_wait3A_366] : memref<2500x2x128xi32, #tpu.memory_space<hbm>> -> memref<6x2x128xi32, #tpu.memory_space<hbm>>
    %dma_wait3A_368 = arith.constant 0 : i32
    %dma_wait3A_369 = arith.constant 0 : i32
    %dma_wait3A_370 = tpu.memref_slice %arg3[%add3A_364, %dma_wait3A_368, %dma_wait3A_369] : memref<2500x2x128xi32, #tpu.memory_space<hbm>> -> memref<6x2x128xi32, #tpu.memory_space<hbm>>
    tpu.wait_dma2 semaphore(%arg16 : memref<!tpu.dma_semaphore, #tpu.memory_space<semaphore_mem>>) src(%dma_wait3A_370 : memref<6x2x128xi32, #tpu.memory_space<hbm>>) dst(%arg9 : memref<6x2x128xi32, #tpu.memory_space<vmem>>)
    %dma_start3A_371 = arith.constant 0 : i32
    %dma_start3A_372 = arith.constant 0 : i32
    %dma_start3A_373 = arith.constant 0 : i32
    %dma_start3A_374 = tpu.memref_slice %arg9[%dma_start3A_371, %dma_start3A_372, %dma_start3A_373] : memref<6x2x128xi32, #tpu.memory_space<vmem>> -> memref<1x1x128xi32, #tpu.memory_space<vmem>>
    %dma_start3A_375 = tpu.memref_squeeze %dma_start3A_374 : memref<1x1x128xi32, #tpu.memory_space<vmem>> -> memref<128xi32, #tpu.memory_space<vmem>>
    %dma_start3A_376 = arith.constant 0 : i32
    %dma_start3A_377 = arith.constant 0 : i32
    %dma_start3A_378 = tpu.memref_slice %arg2[%dma_start3A_376, %dma_start3A_377] : memref<10000x128xf32, #tpu.memory_space<hbm>> -> memref<10000x128xf32, #tpu.memory_space<hbm>>
    tpu.enqueue_indirect_dma source(%dma_start3A_378 : memref<10000x128xf32, #tpu.memory_space<hbm>>) target(%arg11 : memref<128x128xf32, #tpu.memory_space<vmem>>) offsets(%dma_start3A_375 : memref<128xi32, #tpu.memory_space<vmem>>) semaphore(%arg18 : memref<!tpu.dma_semaphore, #tpu.memory_space<semaphore_mem>>)
    %run_scoped3A_379 = arith.constant 4 : i32
    %run_scoped3A_380 = arith.constant 1 : i32
    "tpu.region"() ({
      %run_scoped3A_866 = tpu.sem_alloc : memref<!tpu.dma_semaphore, #tpu.memory_space<semaphore_mem>>
      %dma_start3A_867 = arith.constant 0 : i32
      %dma_start3A_868 = tpu.memref_slice %arg10[%run_scoped3A_379, %run_scoped3A_380, %dma_start3A_867] : memref<6x2x128xi32, #tpu.memory_space<vmem>> -> memref<1x1x128xi32, #tpu.memory_space<vmem>>
      %dma_start3A_869 = tpu.memref_squeeze %dma_start3A_868 : memref<1x1x128xi32, #tpu.memory_space<vmem>> -> memref<128xi32, #tpu.memory_space<vmem>>
      %dma_start3A_870 = arith.constant 0 : i32
      %dma_start3A_871 = arith.constant 0 : i32
      %dma_start3A_872 = tpu.memref_slice %arg15[%dma_start3A_870, %dma_start3A_871] : memref<10000x8xf32, #tpu.memory_space<vmem_shared>> -> memref<10000x8xf32, #tpu.memory_space<vmem_shared>>
      tpu.enqueue_indirect_dma source(%arg13 : memref<128x8xf32, #tpu.memory_space<vmem>>) target(%dma_start3A_872 : memref<10000x8xf32, #tpu.memory_space<vmem_shared>>) offsets(%dma_start3A_869 : memref<128xi32, #tpu.memory_space<vmem>>) semaphore(%run_scoped3A_866 : memref<!tpu.dma_semaphore, #tpu.memory_space<semaphore_mem>>) {add = true}
      %dma_wait3A_873 = arith.constant 0 : i32
      %dma_wait3A_874 = tpu.memref_slice %arg10[%run_scoped3A_379, %run_scoped3A_380, %dma_wait3A_873] : memref<6x2x128xi32, #tpu.memory_space<vmem>> -> memref<1x1x128xi32, #tpu.memory_space<vmem>>
      %dma_wait3A_875 = tpu.memref_squeeze %dma_wait3A_874 : memref<1x1x128xi32, #tpu.memory_space<vmem>> -> memref<128xi32, #tpu.memory_space<vmem>>
      %dma_wait3A_876 = arith.constant 0 : i32
      %dma_wait3A_877 = arith.constant 0 : i32
      %dma_wait3A_878 = tpu.memref_slice %arg15[%dma_wait3A_876, %dma_wait3A_877] : memref<10000x8xf32, #tpu.memory_space<vmem_shared>> -> memref<10000x8xf32, #tpu.memory_space<vmem_shared>>
      tpu.wait_indirect_dma semaphore(%run_scoped3A_866 : memref<!tpu.dma_semaphore, #tpu.memory_space<semaphore_mem>>) src(%arg13 : memref<128x8xf32, #tpu.memory_space<vmem>>) dst(%dma_wait3A_878 : memref<10000x8xf32, #tpu.memory_space<vmem_shared>>)
      tpu.yield
    }) : () -> ()
    %dma_wait3A_381 = arith.constant 5 : i32
    %dma_wait3A_382 = arith.constant 0 : i32
    %dma_wait3A_383 = arith.constant 0 : i32
    %dma_wait3A_384 = tpu.memref_slice %arg10[%dma_wait3A_381, %dma_wait3A_382, %dma_wait3A_383] : memref<6x2x128xi32, #tpu.memory_space<vmem>> -> memref<1x1x128xi32, #tpu.memory_space<vmem>>
    %dma_wait3A_385 = tpu.memref_squeeze %dma_wait3A_384 : memref<1x1x128xi32, #tpu.memory_space<vmem>> -> memref<128xi32, #tpu.memory_space<vmem>>
    %dma_wait3A_386 = arith.constant 0 : i32
    %dma_wait3A_387 = arith.constant 0 : i32
    %dma_wait3A_388 = tpu.memref_slice %arg2[%dma_wait3A_386, %dma_wait3A_387] : memref<10000x128xf32, #tpu.memory_space<hbm>> -> memref<10000x128xf32, #tpu.memory_space<hbm>>
    tpu.wait_indirect_dma semaphore(%arg19 : memref<!tpu.dma_semaphore, #tpu.memory_space<semaphore_mem>>) src(%dma_wait3A_388 : memref<10000x128xf32, #tpu.memory_space<hbm>>) dst(%arg12 : memref<128x128xf32, #tpu.memory_space<vmem>>)
    %run_scoped3A_389 = arith.constant 5 : i32
    %run_scoped3A_390 = arith.constant 1 : i32
    "tpu.region"() ({
      %run_scoped3A_866 = tpu.sem_alloc : memref<!tpu.dma_semaphore, #tpu.memory_space<semaphore_mem>>
      %dma_start3A_867 = arith.constant 0 : i32
      %dma_start3A_868 = tpu.memref_slice %arg10[%run_scoped3A_389, %run_scoped3A_390, %dma_start3A_867] : memref<6x2x128xi32, #tpu.memory_space<vmem>> -> memref<1x1x128xi32, #tpu.memory_space<vmem>>
      %dma_start3A_869 = tpu.memref_squeeze %dma_start3A_868 : memref<1x1x128xi32, #tpu.memory_space<vmem>> -> memref<128xi32, #tpu.memory_space<vmem>>
      %dma_start3A_870 = arith.constant 0 : i32
      %dma_start3A_871 = arith.constant 0 : i32
      %dma_start3A_872 = tpu.memref_slice %arg14[%dma_start3A_870, %dma_start3A_871] : memref<10000x128xf32, #tpu.memory_space<vmem_shared>> -> memref<10000x128xf32, #tpu.memory_space<vmem_shared>>
      tpu.enqueue_indirect_dma source(%arg12 : memref<128x128xf32, #tpu.memory_space<vmem>>) target(%dma_start3A_872 : memref<10000x128xf32, #tpu.memory_space<vmem_shared>>) offsets(%dma_start3A_869 : memref<128xi32, #tpu.memory_space<vmem>>) semaphore(%run_scoped3A_866 : memref<!tpu.dma_semaphore, #tpu.memory_space<semaphore_mem>>) {add = true}
      %dma_wait3A_873 = arith.constant 0 : i32
      %dma_wait3A_874 = tpu.memref_slice %arg10[%run_scoped3A_389, %run_scoped3A_390, %dma_wait3A_873] : memref<6x2x128xi32, #tpu.memory_space<vmem>> -> memref<1x1x128xi32, #tpu.memory_space<vmem>>
      %dma_wait3A_875 = tpu.memref_squeeze %dma_wait3A_874 : memref<1x1x128xi32, #tpu.memory_space<vmem>> -> memref<128xi32, #tpu.memory_space<vmem>>
      %dma_wait3A_876 = arith.constant 0 : i32
      %dma_wait3A_877 = arith.constant 0 : i32
      %dma_wait3A_878 = tpu.memref_slice %arg14[%dma_wait3A_876, %dma_wait3A_877] : memref<10000x128xf32, #tpu.memory_space<vmem_shared>> -> memref<10000x128xf32, #tpu.memory_space<vmem_shared>>
      tpu.wait_indirect_dma semaphore(%run_scoped3A_866 : memref<!tpu.dma_semaphore, #tpu.memory_space<semaphore_mem>>) src(%arg12 : memref<128x128xf32, #tpu.memory_space<vmem>>) dst(%dma_wait3A_878 : memref<10000x128xf32, #tpu.memory_space<vmem_shared>>)
      tpu.yield
    }) : () -> ()
    %dma_start3A_391 = arith.constant 1 : i32
    %dma_start3A_392 = arith.constant 0 : i32
    %dma_start3A_393 = arith.constant 0 : i32
    %dma_start3A_394 = tpu.memref_slice %arg9[%dma_start3A_391, %dma_start3A_392, %dma_start3A_393] : memref<6x2x128xi32, #tpu.memory_space<vmem>> -> memref<1x1x128xi32, #tpu.memory_space<vmem>>
    %dma_start3A_395 = tpu.memref_squeeze %dma_start3A_394 : memref<1x1x128xi32, #tpu.memory_space<vmem>> -> memref<128xi32, #tpu.memory_space<vmem>>
    %dma_start3A_396 = arith.constant 0 : i32
    %dma_start3A_397 = arith.constant 0 : i32
    %dma_start3A_398 = tpu.memref_slice %arg2[%dma_start3A_396, %dma_start3A_397] : memref<10000x128xf32, #tpu.memory_space<hbm>> -> memref<10000x128xf32, #tpu.memory_space<hbm>>
    tpu.enqueue_indirect_dma source(%dma_start3A_398 : memref<10000x128xf32, #tpu.memory_space<hbm>>) target(%arg12 : memref<128x128xf32, #tpu.memory_space<vmem>>) offsets(%dma_start3A_395 : memref<128xi32, #tpu.memory_space<vmem>>) semaphore(%arg19 : memref<!tpu.dma_semaphore, #tpu.memory_space<semaphore_mem>>)
    %run_scoped3A_399 = arith.constant 5 : i32
    %run_scoped3A_400 = arith.constant 1 : i32
    "tpu.region"() ({
      %run_scoped3A_866 = tpu.sem_alloc : memref<!tpu.dma_semaphore, #tpu.memory_space<semaphore_mem>>
      %dma_start3A_867 = arith.constant 0 : i32
      %dma_start3A_868 = tpu.memref_slice %arg10[%run_scoped3A_399, %run_scoped3A_400, %dma_start3A_867] : memref<6x2x128xi32, #tpu.memory_space<vmem>> -> memref<1x1x128xi32, #tpu.memory_space<vmem>>
      %dma_start3A_869 = tpu.memref_squeeze %dma_start3A_868 : memref<1x1x128xi32, #tpu.memory_space<vmem>> -> memref<128xi32, #tpu.memory_space<vmem>>
      %dma_start3A_870 = arith.constant 0 : i32
      %dma_start3A_871 = arith.constant 0 : i32
      %dma_start3A_872 = tpu.memref_slice %arg15[%dma_start3A_870, %dma_start3A_871] : memref<10000x8xf32, #tpu.memory_space<vmem_shared>> -> memref<10000x8xf32, #tpu.memory_space<vmem_shared>>
      tpu.enqueue_indirect_dma source(%arg13 : memref<128x8xf32, #tpu.memory_space<vmem>>) target(%dma_start3A_872 : memref<10000x8xf32, #tpu.memory_space<vmem_shared>>) offsets(%dma_start3A_869 : memref<128xi32, #tpu.memory_space<vmem>>) semaphore(%run_scoped3A_866 : memref<!tpu.dma_semaphore, #tpu.memory_space<semaphore_mem>>) {add = true}
      %dma_wait3A_873 = arith.constant 0 : i32
      %dma_wait3A_874 = tpu.memref_slice %arg10[%run_scoped3A_399, %run_scoped3A_400, %dma_wait3A_873] : memref<6x2x128xi32, #tpu.memory_space<vmem>> -> memref<1x1x128xi32, #tpu.memory_space<vmem>>
      %dma_wait3A_875 = tpu.memref_squeeze %dma_wait3A_874 : memref<1x1x128xi32, #tpu.memory_space<vmem>> -> memref<128xi32, #tpu.memory_space<vmem>>
      %dma_wait3A_876 = arith.constant 0 : i32
      %dma_wait3A_877 = arith.constant 0 : i32
      %dma_wait3A_878 = tpu.memref_slice %arg15[%dma_wait3A_876, %dma_wait3A_877] : memref<10000x8xf32, #tpu.memory_space<vmem_shared>> -> memref<10000x8xf32, #tpu.memory_space<vmem_shared>>
      tpu.wait_indirect_dma semaphore(%run_scoped3A_866 : memref<!tpu.dma_semaphore, #tpu.memory_space<semaphore_mem>>) src(%arg13 : memref<128x8xf32, #tpu.memory_space<vmem>>) dst(%dma_wait3A_878 : memref<10000x8xf32, #tpu.memory_space<vmem_shared>>)
      tpu.yield
    }) : () -> ()
    %add3A_401 = arith.constant 42 : i32
    %add3A_402 = arith.addi %mul3A_2, %add3A_401 : i32
    %dma_start3A_403 = arith.constant 0 : i32
    %dma_start3A_404 = arith.constant 0 : i32
    %dma_start3A_405 = tpu.memref_slice %arg3[%add3A_402, %dma_start3A_403, %dma_start3A_404] : memref<2500x2x128xi32, #tpu.memory_space<hbm>> -> memref<6x2x128xi32, #tpu.memory_space<hbm>>
    %dma_start3A_406 = arith.constant 0 : i32
    %dma_start3A_407 = arith.constant 0 : i32
    %dma_start3A_408 = tpu.memref_slice %arg3[%add3A_402, %dma_start3A_406, %dma_start3A_407] : memref<2500x2x128xi32, #tpu.memory_space<hbm>> -> memref<6x2x128xi32, #tpu.memory_space<hbm>>
    tpu.enqueue_dma source(%dma_start3A_408 : memref<6x2x128xi32, #tpu.memory_space<hbm>>) target(%arg10 : memref<6x2x128xi32, #tpu.memory_space<vmem>>) target_semaphore(%arg17 : memref<!tpu.dma_semaphore, #tpu.memory_space<semaphore_mem>>)
    %scan3A_409 = arith.constant 0 : i32
    %scan3A_410 = arith.constant 0 : i32
    %scan3A_411 = arith.constant 2 : i32
    %scan3A_412 = arith.addi %scan3A_410, %scan3A_411 : i32
    %scan3A_413 = arith.constant 1 : i32
    scf.for %scan3A_866 = %scan3A_410 to %scan3A_412 step %scan3A_413  : i32 {
      %mul3A_867 = arith.constant 2 : i32
      %mul3A_868 = arith.muli %mul3A_867, %scan3A_866 : i32
      %add3A_869 = arith.constant 0 : i32
      %add3A_870 = arith.addi %mul3A_868, %add3A_869 : i32
      %dma_wait3A_871 = arith.constant 0 : i32
      %dma_wait3A_872 = arith.constant 0 : i32
      %dma_wait3A_873 = tpu.memref_slice %arg9[%add3A_870, %dma_wait3A_871, %dma_wait3A_872] : memref<6x2x128xi32, #tpu.memory_space<vmem>> -> memref<1x1x128xi32, #tpu.memory_space<vmem>>
      %dma_wait3A_874 = tpu.memref_squeeze %dma_wait3A_873 : memref<1x1x128xi32, #tpu.memory_space<vmem>> -> memref<128xi32, #tpu.memory_space<vmem>>
      %dma_wait3A_875 = arith.constant 0 : i32
      %dma_wait3A_876 = arith.constant 0 : i32
      %dma_wait3A_877 = tpu.memref_slice %arg2[%dma_wait3A_875, %dma_wait3A_876] : memref<10000x128xf32, #tpu.memory_space<hbm>> -> memref<10000x128xf32, #tpu.memory_space<hbm>>
      tpu.wait_indirect_dma semaphore(%arg18 : memref<!tpu.dma_semaphore, #tpu.memory_space<semaphore_mem>>) src(%dma_wait3A_877 : memref<10000x128xf32, #tpu.memory_space<hbm>>) dst(%arg11 : memref<128x128xf32, #tpu.memory_space<vmem>>)
      %run_scoped3A_878 = arith.constant 1 : i32
      "tpu.region"() ({
        %run_scoped3A_911 = tpu.sem_alloc : memref<!tpu.dma_semaphore, #tpu.memory_space<semaphore_mem>>
        %dma_start3A_912 = arith.constant 0 : i32
        %dma_start3A_913 = tpu.memref_slice %arg9[%add3A_870, %run_scoped3A_878, %dma_start3A_912] : memref<6x2x128xi32, #tpu.memory_space<vmem>> -> memref<1x1x128xi32, #tpu.memory_space<vmem>>
        %dma_start3A_914 = tpu.memref_squeeze %dma_start3A_913 : memref<1x1x128xi32, #tpu.memory_space<vmem>> -> memref<128xi32, #tpu.memory_space<vmem>>
        %dma_start3A_915 = arith.constant 0 : i32
        %dma_start3A_916 = arith.constant 0 : i32
        %dma_start3A_917 = tpu.memref_slice %arg14[%dma_start3A_915, %dma_start3A_916] : memref<10000x128xf32, #tpu.memory_space<vmem_shared>> -> memref<10000x128xf32, #tpu.memory_space<vmem_shared>>
        tpu.enqueue_indirect_dma source(%arg11 : memref<128x128xf32, #tpu.memory_space<vmem>>) target(%dma_start3A_917 : memref<10000x128xf32, #tpu.memory_space<vmem_shared>>) offsets(%dma_start3A_914 : memref<128xi32, #tpu.memory_space<vmem>>) semaphore(%run_scoped3A_911 : memref<!tpu.dma_semaphore, #tpu.memory_space<semaphore_mem>>) {add = true}
        %dma_wait3A_918 = arith.constant 0 : i32
        %dma_wait3A_919 = tpu.memref_slice %arg9[%add3A_870, %run_scoped3A_878, %dma_wait3A_918] : memref<6x2x128xi32, #tpu.memory_space<vmem>> -> memref<1x1x128xi32, #tpu.memory_space<vmem>>
        %dma_wait3A_920 = tpu.memref_squeeze %dma_wait3A_919 : memref<1x1x128xi32, #tpu.memory_space<vmem>> -> memref<128xi32, #tpu.memory_space<vmem>>
        %dma_wait3A_921 = arith.constant 0 : i32
        %dma_wait3A_922 = arith.constant 0 : i32
        %dma_wait3A_923 = tpu.memref_slice %arg14[%dma_wait3A_921, %dma_wait3A_922] : memref<10000x128xf32, #tpu.memory_space<vmem_shared>> -> memref<10000x128xf32, #tpu.memory_space<vmem_shared>>
        tpu.wait_indirect_dma semaphore(%run_scoped3A_911 : memref<!tpu.dma_semaphore, #tpu.memory_space<semaphore_mem>>) src(%arg11 : memref<128x128xf32, #tpu.memory_space<vmem>>) dst(%dma_wait3A_923 : memref<10000x128xf32, #tpu.memory_space<vmem_shared>>)
        tpu.yield
      }) : () -> ()
      %add3A_879 = arith.constant 2 : i32
      %add3A_880 = arith.addi %add3A_870, %add3A_879 : i32
      %dma_start3A_881 = arith.constant 0 : i32
      %dma_start3A_882 = arith.constant 0 : i32
      %dma_start3A_883 = tpu.memref_slice %arg9[%add3A_880, %dma_start3A_881, %dma_start3A_882] : memref<6x2x128xi32, #tpu.memory_space<vmem>> -> memref<1x1x128xi32, #tpu.memory_space<vmem>>
      %dma_start3A_884 = tpu.memref_squeeze %dma_start3A_883 : memref<1x1x128xi32, #tpu.memory_space<vmem>> -> memref<128xi32, #tpu.memory_space<vmem>>
      %dma_start3A_885 = arith.constant 0 : i32
      %dma_start3A_886 = arith.constant 0 : i32
      %dma_start3A_887 = tpu.memref_slice %arg2[%dma_start3A_885, %dma_start3A_886] : memref<10000x128xf32, #tpu.memory_space<hbm>> -> memref<10000x128xf32, #tpu.memory_space<hbm>>
      tpu.enqueue_indirect_dma source(%dma_start3A_887 : memref<10000x128xf32, #tpu.memory_space<hbm>>) target(%arg11 : memref<128x128xf32, #tpu.memory_space<vmem>>) offsets(%dma_start3A_884 : memref<128xi32, #tpu.memory_space<vmem>>) semaphore(%arg18 : memref<!tpu.dma_semaphore, #tpu.memory_space<semaphore_mem>>)
      %run_scoped3A_888 = arith.constant 1 : i32
      "tpu.region"() ({
        %run_scoped3A_911 = tpu.sem_alloc : memref<!tpu.dma_semaphore, #tpu.memory_space<semaphore_mem>>
        %dma_start3A_912 = arith.constant 0 : i32
        %dma_start3A_913 = tpu.memref_slice %arg9[%add3A_870, %run_scoped3A_888, %dma_start3A_912] : memref<6x2x128xi32, #tpu.memory_space<vmem>> -> memref<1x1x128xi32, #tpu.memory_space<vmem>>
        %dma_start3A_914 = tpu.memref_squeeze %dma_start3A_913 : memref<1x1x128xi32, #tpu.memory_space<vmem>> -> memref<128xi32, #tpu.memory_space<vmem>>
        %dma_start3A_915 = arith.constant 0 : i32
        %dma_start3A_916 = arith.constant 0 : i32
        %dma_start3A_917 = tpu.memref_slice %arg15[%dma_start3A_915, %dma_start3A_916] : memref<10000x8xf32, #tpu.memory_space<vmem_shared>> -> memref<10000x8xf32, #tpu.memory_space<vmem_shared>>
        tpu.enqueue_indirect_dma source(%arg13 : memref<128x8xf32, #tpu.memory_space<vmem>>) target(%dma_start3A_917 : memref<10000x8xf32, #tpu.memory_space<vmem_shared>>) offsets(%dma_start3A_914 : memref<128xi32, #tpu.memory_space<vmem>>) semaphore(%run_scoped3A_911 : memref<!tpu.dma_semaphore, #tpu.memory_space<semaphore_mem>>) {add = true}
        %dma_wait3A_918 = arith.constant 0 : i32
        %dma_wait3A_919 = tpu.memref_slice %arg9[%add3A_870, %run_scoped3A_888, %dma_wait3A_918] : memref<6x2x128xi32, #tpu.memory_space<vmem>> -> memref<1x1x128xi32, #tpu.memory_space<vmem>>
        %dma_wait3A_920 = tpu.memref_squeeze %dma_wait3A_919 : memref<1x1x128xi32, #tpu.memory_space<vmem>> -> memref<128xi32, #tpu.memory_space<vmem>>
        %dma_wait3A_921 = arith.constant 0 : i32
        %dma_wait3A_922 = arith.constant 0 : i32
        %dma_wait3A_923 = tpu.memref_slice %arg15[%dma_wait3A_921, %dma_wait3A_922] : memref<10000x8xf32, #tpu.memory_space<vmem_shared>> -> memref<10000x8xf32, #tpu.memory_space<vmem_shared>>
        tpu.wait_indirect_dma semaphore(%run_scoped3A_911 : memref<!tpu.dma_semaphore, #tpu.memory_space<semaphore_mem>>) src(%arg13 : memref<128x8xf32, #tpu.memory_space<vmem>>) dst(%dma_wait3A_923 : memref<10000x8xf32, #tpu.memory_space<vmem_shared>>)
        tpu.yield
      }) : () -> ()
      %mul3A_889 = arith.constant 2 : i32
      %mul3A_890 = arith.muli %mul3A_889, %scan3A_866 : i32
      %add3A_891 = arith.constant 1 : i32
      %add3A_892 = arith.addi %mul3A_890, %add3A_891 : i32
      %dma_wait3A_893 = arith.constant 0 : i32
      %dma_wait3A_894 = arith.constant 0 : i32
      %dma_wait3A_895 = tpu.memref_slice %arg9[%add3A_892, %dma_wait3A_893, %dma_wait3A_894] : memref<6x2x128xi32, #tpu.memory_space<vmem>> -> memref<1x1x128xi32, #tpu.memory_space<vmem>>
      %dma_wait3A_896 = tpu.memref_squeeze %dma_wait3A_895 : memref<1x1x128xi32, #tpu.memory_space<vmem>> -> memref<128xi32, #tpu.memory_space<vmem>>
      %dma_wait3A_897 = arith.constant 0 : i32
      %dma_wait3A_898 = arith.constant 0 : i32
      %dma_wait3A_899 = tpu.memref_slice %arg2[%dma_wait3A_897, %dma_wait3A_898] : memref<10000x128xf32, #tpu.memory_space<hbm>> -> memref<10000x128xf32, #tpu.memory_space<hbm>>
      tpu.wait_indirect_dma semaphore(%arg19 : memref<!tpu.dma_semaphore, #tpu.memory_space<semaphore_mem>>) src(%dma_wait3A_899 : memref<10000x128xf32, #tpu.memory_space<hbm>>) dst(%arg12 : memref<128x128xf32, #tpu.memory_space<vmem>>)
      %run_scoped3A_900 = arith.constant 1 : i32
      "tpu.region"() ({
        %run_scoped3A_911 = tpu.sem_alloc : memref<!tpu.dma_semaphore, #tpu.memory_space<semaphore_mem>>
        %dma_start3A_912 = arith.constant 0 : i32
        %dma_start3A_913 = tpu.memref_slice %arg9[%add3A_892, %run_scoped3A_900, %dma_start3A_912] : memref<6x2x128xi32, #tpu.memory_space<vmem>> -> memref<1x1x128xi32, #tpu.memory_space<vmem>>
        %dma_start3A_914 = tpu.memref_squeeze %dma_start3A_913 : memref<1x1x128xi32, #tpu.memory_space<vmem>> -> memref<128xi32, #tpu.memory_space<vmem>>
        %dma_start3A_915 = arith.constant 0 : i32
        %dma_start3A_916 = arith.constant 0 : i32
        %dma_start3A_917 = tpu.memref_slice %arg14[%dma_start3A_915, %dma_start3A_916] : memref<10000x128xf32, #tpu.memory_space<vmem_shared>> -> memref<10000x128xf32, #tpu.memory_space<vmem_shared>>
        tpu.enqueue_indirect_dma source(%arg12 : memref<128x128xf32, #tpu.memory_space<vmem>>) target(%dma_start3A_917 : memref<10000x128xf32, #tpu.memory_space<vmem_shared>>) offsets(%dma_start3A_914 : memref<128xi32, #tpu.memory_space<vmem>>) semaphore(%run_scoped3A_911 : memref<!tpu.dma_semaphore, #tpu.memory_space<semaphore_mem>>) {add = true}
        %dma_wait3A_918 = arith.constant 0 : i32
        %dma_wait3A_919 = tpu.memref_slice %arg9[%add3A_892, %run_scoped3A_900, %dma_wait3A_918] : memref<6x2x128xi32, #tpu.memory_space<vmem>> -> memref<1x1x128xi32, #tpu.memory_space<vmem>>
        %dma_wait3A_920 = tpu.memref_squeeze %dma_wait3A_919 : memref<1x1x128xi32, #tpu.memory_space<vmem>> -> memref<128xi32, #tpu.memory_space<vmem>>
        %dma_wait3A_921 = arith.constant 0 : i32
        %dma_wait3A_922 = arith.constant 0 : i32
        %dma_wait3A_923 = tpu.memref_slice %arg14[%dma_wait3A_921, %dma_wait3A_922] : memref<10000x128xf32, #tpu.memory_space<vmem_shared>> -> memref<10000x128xf32, #tpu.memory_space<vmem_shared>>
        tpu.wait_indirect_dma semaphore(%run_scoped3A_911 : memref<!tpu.dma_semaphore, #tpu.memory_space<semaphore_mem>>) src(%arg12 : memref<128x128xf32, #tpu.memory_space<vmem>>) dst(%dma_wait3A_923 : memref<10000x128xf32, #tpu.memory_space<vmem_shared>>)
        tpu.yield
      }) : () -> ()
      %add3A_901 = arith.constant 2 : i32
      %add3A_902 = arith.addi %add3A_892, %add3A_901 : i32
      %dma_start3A_903 = arith.constant 0 : i32
      %dma_start3A_904 = arith.constant 0 : i32
      %dma_start3A_905 = tpu.memref_slice %arg9[%add3A_902, %dma_start3A_903, %dma_start3A_904] : memref<6x2x128xi32, #tpu.memory_space<vmem>> -> memref<1x1x128xi32, #tpu.memory_space<vmem>>
      %dma_start3A_906 = tpu.memref_squeeze %dma_start3A_905 : memref<1x1x128xi32, #tpu.memory_space<vmem>> -> memref<128xi32, #tpu.memory_space<vmem>>
      %dma_start3A_907 = arith.constant 0 : i32
      %dma_start3A_908 = arith.constant 0 : i32
      %dma_start3A_909 = tpu.memref_slice %arg2[%dma_start3A_907, %dma_start3A_908] : memref<10000x128xf32, #tpu.memory_space<hbm>> -> memref<10000x128xf32, #tpu.memory_space<hbm>>
      tpu.enqueue_indirect_dma source(%dma_start3A_909 : memref<10000x128xf32, #tpu.memory_space<hbm>>) target(%arg12 : memref<128x128xf32, #tpu.memory_space<vmem>>) offsets(%dma_start3A_906 : memref<128xi32, #tpu.memory_space<vmem>>) semaphore(%arg19 : memref<!tpu.dma_semaphore, #tpu.memory_space<semaphore_mem>>)
      %run_scoped3A_910 = arith.constant 1 : i32
      "tpu.region"() ({
        %run_scoped3A_911 = tpu.sem_alloc : memref<!tpu.dma_semaphore, #tpu.memory_space<semaphore_mem>>
        %dma_start3A_912 = arith.constant 0 : i32
        %dma_start3A_913 = tpu.memref_slice %arg9[%add3A_892, %run_scoped3A_910, %dma_start3A_912] : memref<6x2x128xi32, #tpu.memory_space<vmem>> -> memref<1x1x128xi32, #tpu.memory_space<vmem>>
        %dma_start3A_914 = tpu.memref_squeeze %dma_start3A_913 : memref<1x1x128xi32, #tpu.memory_space<vmem>> -> memref<128xi32, #tpu.memory_space<vmem>>
        %dma_start3A_915 = arith.constant 0 : i32
        %dma_start3A_916 = arith.constant 0 : i32
        %dma_start3A_917 = tpu.memref_slice %arg15[%dma_start3A_915, %dma_start3A_916] : memref<10000x8xf32, #tpu.memory_space<vmem_shared>> -> memref<10000x8xf32, #tpu.memory_space<vmem_shared>>
        tpu.enqueue_indirect_dma source(%arg13 : memref<128x8xf32, #tpu.memory_space<vmem>>) target(%dma_start3A_917 : memref<10000x8xf32, #tpu.memory_space<vmem_shared>>) offsets(%dma_start3A_914 : memref<128xi32, #tpu.memory_space<vmem>>) semaphore(%run_scoped3A_911 : memref<!tpu.dma_semaphore, #tpu.memory_space<semaphore_mem>>) {add = true}
        %dma_wait3A_918 = arith.constant 0 : i32
        %dma_wait3A_919 = tpu.memref_slice %arg9[%add3A_892, %run_scoped3A_910, %dma_wait3A_918] : memref<6x2x128xi32, #tpu.memory_space<vmem>> -> memref<1x1x128xi32, #tpu.memory_space<vmem>>
        %dma_wait3A_920 = tpu.memref_squeeze %dma_wait3A_919 : memref<1x1x128xi32, #tpu.memory_space<vmem>> -> memref<128xi32, #tpu.memory_space<vmem>>
        %dma_wait3A_921 = arith.constant 0 : i32
        %dma_wait3A_922 = arith.constant 0 : i32
        %dma_wait3A_923 = tpu.memref_slice %arg15[%dma_wait3A_921, %dma_wait3A_922] : memref<10000x8xf32, #tpu.memory_space<vmem_shared>> -> memref<10000x8xf32, #tpu.memory_space<vmem_shared>>
        tpu.wait_indirect_dma semaphore(%run_scoped3A_911 : memref<!tpu.dma_semaphore, #tpu.memory_space<semaphore_mem>>) src(%arg13 : memref<128x8xf32, #tpu.memory_space<vmem>>) dst(%dma_wait3A_923 : memref<10000x8xf32, #tpu.memory_space<vmem_shared>>)
        tpu.yield
      }) : () -> ()
    }
    %scan3A_414 = arith.constant 2 : i32
    %dma_wait3A_415 = arith.constant 4 : i32
    %dma_wait3A_416 = arith.constant 0 : i32
    %dma_wait3A_417 = arith.constant 0 : i32
    %dma_wait3A_418 = tpu.memref_slice %arg9[%dma_wait3A_415, %dma_wait3A_416, %dma_wait3A_417] : memref<6x2x128xi32, #tpu.memory_space<vmem>> -> memref<1x1x128xi32, #tpu.memory_space<vmem>>
    %dma_wait3A_419 = tpu.memref_squeeze %dma_wait3A_418 : memref<1x1x128xi32, #tpu.memory_space<vmem>> -> memref<128xi32, #tpu.memory_space<vmem>>
    %dma_wait3A_420 = arith.constant 0 : i32
    %dma_wait3A_421 = arith.constant 0 : i32
    %dma_wait3A_422 = tpu.memref_slice %arg2[%dma_wait3A_420, %dma_wait3A_421] : memref<10000x128xf32, #tpu.memory_space<hbm>> -> memref<10000x128xf32, #tpu.memory_space<hbm>>
    tpu.wait_indirect_dma semaphore(%arg18 : memref<!tpu.dma_semaphore, #tpu.memory_space<semaphore_mem>>) src(%dma_wait3A_422 : memref<10000x128xf32, #tpu.memory_space<hbm>>) dst(%arg11 : memref<128x128xf32, #tpu.memory_space<vmem>>)
    %run_scoped3A_423 = arith.constant 4 : i32
    %run_scoped3A_424 = arith.constant 1 : i32
    "tpu.region"() ({
      %run_scoped3A_866 = tpu.sem_alloc : memref<!tpu.dma_semaphore, #tpu.memory_space<semaphore_mem>>
      %dma_start3A_867 = arith.constant 0 : i32
      %dma_start3A_868 = tpu.memref_slice %arg9[%run_scoped3A_423, %run_scoped3A_424, %dma_start3A_867] : memref<6x2x128xi32, #tpu.memory_space<vmem>> -> memref<1x1x128xi32, #tpu.memory_space<vmem>>
      %dma_start3A_869 = tpu.memref_squeeze %dma_start3A_868 : memref<1x1x128xi32, #tpu.memory_space<vmem>> -> memref<128xi32, #tpu.memory_space<vmem>>
      %dma_start3A_870 = arith.constant 0 : i32
      %dma_start3A_871 = arith.constant 0 : i32
      %dma_start3A_872 = tpu.memref_slice %arg14[%dma_start3A_870, %dma_start3A_871] : memref<10000x128xf32, #tpu.memory_space<vmem_shared>> -> memref<10000x128xf32, #tpu.memory_space<vmem_shared>>
      tpu.enqueue_indirect_dma source(%arg11 : memref<128x128xf32, #tpu.memory_space<vmem>>) target(%dma_start3A_872 : memref<10000x128xf32, #tpu.memory_space<vmem_shared>>) offsets(%dma_start3A_869 : memref<128xi32, #tpu.memory_space<vmem>>) semaphore(%run_scoped3A_866 : memref<!tpu.dma_semaphore, #tpu.memory_space<semaphore_mem>>) {add = true}
      %dma_wait3A_873 = arith.constant 0 : i32
      %dma_wait3A_874 = tpu.memref_slice %arg9[%run_scoped3A_423, %run_scoped3A_424, %dma_wait3A_873] : memref<6x2x128xi32, #tpu.memory_space<vmem>> -> memref<1x1x128xi32, #tpu.memory_space<vmem>>
      %dma_wait3A_875 = tpu.memref_squeeze %dma_wait3A_874 : memref<1x1x128xi32, #tpu.memory_space<vmem>> -> memref<128xi32, #tpu.memory_space<vmem>>
      %dma_wait3A_876 = arith.constant 0 : i32
      %dma_wait3A_877 = arith.constant 0 : i32
      %dma_wait3A_878 = tpu.memref_slice %arg14[%dma_wait3A_876, %dma_wait3A_877] : memref<10000x128xf32, #tpu.memory_space<vmem_shared>> -> memref<10000x128xf32, #tpu.memory_space<vmem_shared>>
      tpu.wait_indirect_dma semaphore(%run_scoped3A_866 : memref<!tpu.dma_semaphore, #tpu.memory_space<semaphore_mem>>) src(%arg11 : memref<128x128xf32, #tpu.memory_space<vmem>>) dst(%dma_wait3A_878 : memref<10000x128xf32, #tpu.memory_space<vmem_shared>>)
      tpu.yield
    }) : () -> ()
    %add3A_425 = arith.constant 42 : i32
    %add3A_426 = arith.addi %mul3A_2, %add3A_425 : i32
    %dma_wait3A_427 = arith.constant 0 : i32
    %dma_wait3A_428 = arith.constant 0 : i32
    %dma_wait3A_429 = tpu.memref_slice %arg3[%add3A_426, %dma_wait3A_427, %dma_wait3A_428] : memref<2500x2x128xi32, #tpu.memory_space<hbm>> -> memref<6x2x128xi32, #tpu.memory_space<hbm>>
    %dma_wait3A_430 = arith.constant 0 : i32
    %dma_wait3A_431 = arith.constant 0 : i32
    %dma_wait3A_432 = tpu.memref_slice %arg3[%add3A_426, %dma_wait3A_430, %dma_wait3A_431] : memref<2500x2x128xi32, #tpu.memory_space<hbm>> -> memref<6x2x128xi32, #tpu.memory_space<hbm>>
    tpu.wait_dma2 semaphore(%arg17 : memref<!tpu.dma_semaphore, #tpu.memory_space<semaphore_mem>>) src(%dma_wait3A_432 : memref<6x2x128xi32, #tpu.memory_space<hbm>>) dst(%arg10 : memref<6x2x128xi32, #tpu.memory_space<vmem>>)
    %dma_start3A_433 = arith.constant 0 : i32
    %dma_start3A_434 = arith.constant 0 : i32
    %dma_start3A_435 = arith.constant 0 : i32
    %dma_start3A_436 = tpu.memref_slice %arg10[%dma_start3A_433, %dma_start3A_434, %dma_start3A_435] : memref<6x2x128xi32, #tpu.memory_space<vmem>> -> memref<1x1x128xi32, #tpu.memory_space<vmem>>
    %dma_start3A_437 = tpu.memref_squeeze %dma_start3A_436 : memref<1x1x128xi32, #tpu.memory_space<vmem>> -> memref<128xi32, #tpu.memory_space<vmem>>
    %dma_start3A_438 = arith.constant 0 : i32
    %dma_start3A_439 = arith.constant 0 : i32
    %dma_start3A_440 = tpu.memref_slice %arg2[%dma_start3A_438, %dma_start3A_439] : memref<10000x128xf32, #tpu.memory_space<hbm>> -> memref<10000x128xf32, #tpu.memory_space<hbm>>
    tpu.enqueue_indirect_dma source(%dma_start3A_440 : memref<10000x128xf32, #tpu.memory_space<hbm>>) target(%arg11 : memref<128x128xf32, #tpu.memory_space<vmem>>) offsets(%dma_start3A_437 : memref<128xi32, #tpu.memory_space<vmem>>) semaphore(%arg18 : memref<!tpu.dma_semaphore, #tpu.memory_space<semaphore_mem>>)
    %run_scoped3A_441 = arith.constant 4 : i32
    %run_scoped3A_442 = arith.constant 1 : i32
    "tpu.region"() ({
      %run_scoped3A_866 = tpu.sem_alloc : memref<!tpu.dma_semaphore, #tpu.memory_space<semaphore_mem>>
      %dma_start3A_867 = arith.constant 0 : i32
      %dma_start3A_868 = tpu.memref_slice %arg9[%run_scoped3A_441, %run_scoped3A_442, %dma_start3A_867] : memref<6x2x128xi32, #tpu.memory_space<vmem>> -> memref<1x1x128xi32, #tpu.memory_space<vmem>>
      %dma_start3A_869 = tpu.memref_squeeze %dma_start3A_868 : memref<1x1x128xi32, #tpu.memory_space<vmem>> -> memref<128xi32, #tpu.memory_space<vmem>>
      %dma_start3A_870 = arith.constant 0 : i32
      %dma_start3A_871 = arith.constant 0 : i32
      %dma_start3A_872 = tpu.memref_slice %arg15[%dma_start3A_870, %dma_start3A_871] : memref<10000x8xf32, #tpu.memory_space<vmem_shared>> -> memref<10000x8xf32, #tpu.memory_space<vmem_shared>>
      tpu.enqueue_indirect_dma source(%arg13 : memref<128x8xf32, #tpu.memory_space<vmem>>) target(%dma_start3A_872 : memref<10000x8xf32, #tpu.memory_space<vmem_shared>>) offsets(%dma_start3A_869 : memref<128xi32, #tpu.memory_space<vmem>>) semaphore(%run_scoped3A_866 : memref<!tpu.dma_semaphore, #tpu.memory_space<semaphore_mem>>) {add = true}
      %dma_wait3A_873 = arith.constant 0 : i32
      %dma_wait3A_874 = tpu.memref_slice %arg9[%run_scoped3A_441, %run_scoped3A_442, %dma_wait3A_873] : memref<6x2x128xi32, #tpu.memory_space<vmem>> -> memref<1x1x128xi32, #tpu.memory_space<vmem>>
      %dma_wait3A_875 = tpu.memref_squeeze %dma_wait3A_874 : memref<1x1x128xi32, #tpu.memory_space<vmem>> -> memref<128xi32, #tpu.memory_space<vmem>>
      %dma_wait3A_876 = arith.constant 0 : i32
      %dma_wait3A_877 = arith.constant 0 : i32
      %dma_wait3A_878 = tpu.memref_slice %arg15[%dma_wait3A_876, %dma_wait3A_877] : memref<10000x8xf32, #tpu.memory_space<vmem_shared>> -> memref<10000x8xf32, #tpu.memory_space<vmem_shared>>
      tpu.wait_indirect_dma semaphore(%run_scoped3A_866 : memref<!tpu.dma_semaphore, #tpu.memory_space<semaphore_mem>>) src(%arg13 : memref<128x8xf32, #tpu.memory_space<vmem>>) dst(%dma_wait3A_878 : memref<10000x8xf32, #tpu.memory_space<vmem_shared>>)
      tpu.yield
    }) : () -> ()
    %dma_wait3A_443 = arith.constant 5 : i32
    %dma_wait3A_444 = arith.constant 0 : i32
    %dma_wait3A_445 = arith.constant 0 : i32
    %dma_wait3A_446 = tpu.memref_slice %arg9[%dma_wait3A_443, %dma_wait3A_444, %dma_wait3A_445] : memref<6x2x128xi32, #tpu.memory_space<vmem>> -> memref<1x1x128xi32, #tpu.memory_space<vmem>>
    %dma_wait3A_447 = tpu.memref_squeeze %dma_wait3A_446 : memref<1x1x128xi32, #tpu.memory_space<vmem>> -> memref<128xi32, #tpu.memory_space<vmem>>
    %dma_wait3A_448 = arith.constant 0 : i32
    %dma_wait3A_449 = arith.constant 0 : i32
    %dma_wait3A_450 = tpu.memref_slice %arg2[%dma_wait3A_448, %dma_wait3A_449] : memref<10000x128xf32, #tpu.memory_space<hbm>> -> memref<10000x128xf32, #tpu.memory_space<hbm>>
    tpu.wait_indirect_dma semaphore(%arg19 : memref<!tpu.dma_semaphore, #tpu.memory_space<semaphore_mem>>) src(%dma_wait3A_450 : memref<10000x128xf32, #tpu.memory_space<hbm>>) dst(%arg12 : memref<128x128xf32, #tpu.memory_space<vmem>>)
    %run_scoped3A_451 = arith.constant 5 : i32
    %run_scoped3A_452 = arith.constant 1 : i32
    "tpu.region"() ({
      %run_scoped3A_866 = tpu.sem_alloc : memref<!tpu.dma_semaphore, #tpu.memory_space<semaphore_mem>>
      %dma_start3A_867 = arith.constant 0 : i32
      %dma_start3A_868 = tpu.memref_slice %arg9[%run_scoped3A_451, %run_scoped3A_452, %dma_start3A_867] : memref<6x2x128xi32, #tpu.memory_space<vmem>> -> memref<1x1x128xi32, #tpu.memory_space<vmem>>
      %dma_start3A_869 = tpu.memref_squeeze %dma_start3A_868 : memref<1x1x128xi32, #tpu.memory_space<vmem>> -> memref<128xi32, #tpu.memory_space<vmem>>
      %dma_start3A_870 = arith.constant 0 : i32
      %dma_start3A_871 = arith.constant 0 : i32
      %dma_start3A_872 = tpu.memref_slice %arg14[%dma_start3A_870, %dma_start3A_871] : memref<10000x128xf32, #tpu.memory_space<vmem_shared>> -> memref<10000x128xf32, #tpu.memory_space<vmem_shared>>
      tpu.enqueue_indirect_dma source(%arg12 : memref<128x128xf32, #tpu.memory_space<vmem>>) target(%dma_start3A_872 : memref<10000x128xf32, #tpu.memory_space<vmem_shared>>) offsets(%dma_start3A_869 : memref<128xi32, #tpu.memory_space<vmem>>) semaphore(%run_scoped3A_866 : memref<!tpu.dma_semaphore, #tpu.memory_space<semaphore_mem>>) {add = true}
      %dma_wait3A_873 = arith.constant 0 : i32
      %dma_wait3A_874 = tpu.memref_slice %arg9[%run_scoped3A_451, %run_scoped3A_452, %dma_wait3A_873] : memref<6x2x128xi32, #tpu.memory_space<vmem>> -> memref<1x1x128xi32, #tpu.memory_space<vmem>>
      %dma_wait3A_875 = tpu.memref_squeeze %dma_wait3A_874 : memref<1x1x128xi32, #tpu.memory_space<vmem>> -> memref<128xi32, #tpu.memory_space<vmem>>
      %dma_wait3A_876 = arith.constant 0 : i32
      %dma_wait3A_877 = arith.constant 0 : i32
      %dma_wait3A_878 = tpu.memref_slice %arg14[%dma_wait3A_876, %dma_wait3A_877] : memref<10000x128xf32, #tpu.memory_space<vmem_shared>> -> memref<10000x128xf32, #tpu.memory_space<vmem_shared>>
      tpu.wait_indirect_dma semaphore(%run_scoped3A_866 : memref<!tpu.dma_semaphore, #tpu.memory_space<semaphore_mem>>) src(%arg12 : memref<128x128xf32, #tpu.memory_space<vmem>>) dst(%dma_wait3A_878 : memref<10000x128xf32, #tpu.memory_space<vmem_shared>>)
      tpu.yield
    }) : () -> ()
    %dma_start3A_453 = arith.constant 1 : i32
    %dma_start3A_454 = arith.constant 0 : i32
    %dma_start3A_455 = arith.constant 0 : i32
    %dma_start3A_456 = tpu.memref_slice %arg10[%dma_start3A_453, %dma_start3A_454, %dma_start3A_455] : memref<6x2x128xi32, #tpu.memory_space<vmem>> -> memref<1x1x128xi32, #tpu.memory_space<vmem>>
    %dma_start3A_457 = tpu.memref_squeeze %dma_start3A_456 : memref<1x1x128xi32, #tpu.memory_space<vmem>> -> memref<128xi32, #tpu.memory_space<vmem>>
    %dma_start3A_458 = arith.constant 0 : i32
    %dma_start3A_459 = arith.constant 0 : i32
    %dma_start3A_460 = tpu.memref_slice %arg2[%dma_start3A_458, %dma_start3A_459] : memref<10000x128xf32, #tpu.memory_space<hbm>> -> memref<10000x128xf32, #tpu.memory_space<hbm>>
    tpu.enqueue_indirect_dma source(%dma_start3A_460 : memref<10000x128xf32, #tpu.memory_space<hbm>>) target(%arg12 : memref<128x128xf32, #tpu.memory_space<vmem>>) offsets(%dma_start3A_457 : memref<128xi32, #tpu.memory_space<vmem>>) semaphore(%arg19 : memref<!tpu.dma_semaphore, #tpu.memory_space<semaphore_mem>>)
    %run_scoped3A_461 = arith.constant 5 : i32
    %run_scoped3A_462 = arith.constant 1 : i32
    "tpu.region"() ({
      %run_scoped3A_866 = tpu.sem_alloc : memref<!tpu.dma_semaphore, #tpu.memory_space<semaphore_mem>>
      %dma_start3A_867 = arith.constant 0 : i32
      %dma_start3A_868 = tpu.memref_slice %arg9[%run_scoped3A_461, %run_scoped3A_462, %dma_start3A_867] : memref<6x2x128xi32, #tpu.memory_space<vmem>> -> memref<1x1x128xi32, #tpu.memory_space<vmem>>
      %dma_start3A_869 = tpu.memref_squeeze %dma_start3A_868 : memref<1x1x128xi32, #tpu.memory_space<vmem>> -> memref<128xi32, #tpu.memory_space<vmem>>
      %dma_start3A_870 = arith.constant 0 : i32
      %dma_start3A_871 = arith.constant 0 : i32
      %dma_start3A_872 = tpu.memref_slice %arg15[%dma_start3A_870, %dma_start3A_871] : memref<10000x8xf32, #tpu.memory_space<vmem_shared>> -> memref<10000x8xf32, #tpu.memory_space<vmem_shared>>
      tpu.enqueue_indirect_dma source(%arg13 : memref<128x8xf32, #tpu.memory_space<vmem>>) target(%dma_start3A_872 : memref<10000x8xf32, #tpu.memory_space<vmem_shared>>) offsets(%dma_start3A_869 : memref<128xi32, #tpu.memory_space<vmem>>) semaphore(%run_scoped3A_866 : memref<!tpu.dma_semaphore, #tpu.memory_space<semaphore_mem>>) {add = true}
      %dma_wait3A_873 = arith.constant 0 : i32
      %dma_wait3A_874 = tpu.memref_slice %arg9[%run_scoped3A_461, %run_scoped3A_462, %dma_wait3A_873] : memref<6x2x128xi32, #tpu.memory_space<vmem>> -> memref<1x1x128xi32, #tpu.memory_space<vmem>>
      %dma_wait3A_875 = tpu.memref_squeeze %dma_wait3A_874 : memref<1x1x128xi32, #tpu.memory_space<vmem>> -> memref<128xi32, #tpu.memory_space<vmem>>
      %dma_wait3A_876 = arith.constant 0 : i32
      %dma_wait3A_877 = arith.constant 0 : i32
      %dma_wait3A_878 = tpu.memref_slice %arg15[%dma_wait3A_876, %dma_wait3A_877] : memref<10000x8xf32, #tpu.memory_space<vmem_shared>> -> memref<10000x8xf32, #tpu.memory_space<vmem_shared>>
      tpu.wait_indirect_dma semaphore(%run_scoped3A_866 : memref<!tpu.dma_semaphore, #tpu.memory_space<semaphore_mem>>) src(%arg13 : memref<128x8xf32, #tpu.memory_space<vmem>>) dst(%dma_wait3A_878 : memref<10000x8xf32, #tpu.memory_space<vmem_shared>>)
      tpu.yield
    }) : () -> ()
    %add3A_463 = arith.constant 48 : i32
    %add3A_464 = arith.addi %mul3A_2, %add3A_463 : i32
    %dma_start3A_465 = arith.constant 0 : i32
    %dma_start3A_466 = arith.constant 0 : i32
    %dma_start3A_467 = tpu.memref_slice %arg3[%add3A_464, %dma_start3A_465, %dma_start3A_466] : memref<2500x2x128xi32, #tpu.memory_space<hbm>> -> memref<6x2x128xi32, #tpu.memory_space<hbm>>
    %dma_start3A_468 = arith.constant 0 : i32
    %dma_start3A_469 = arith.constant 0 : i32
    %dma_start3A_470 = tpu.memref_slice %arg3[%add3A_464, %dma_start3A_468, %dma_start3A_469] : memref<2500x2x128xi32, #tpu.memory_space<hbm>> -> memref<6x2x128xi32, #tpu.memory_space<hbm>>
    tpu.enqueue_dma source(%dma_start3A_470 : memref<6x2x128xi32, #tpu.memory_space<hbm>>) target(%arg9 : memref<6x2x128xi32, #tpu.memory_space<vmem>>) target_semaphore(%arg16 : memref<!tpu.dma_semaphore, #tpu.memory_space<semaphore_mem>>)
    %scan3A_471 = arith.constant 0 : i32
    %scan3A_472 = arith.constant 0 : i32
    %scan3A_473 = arith.constant 2 : i32
    %scan3A_474 = arith.addi %scan3A_472, %scan3A_473 : i32
    %scan3A_475 = arith.constant 1 : i32
    scf.for %scan3A_866 = %scan3A_472 to %scan3A_474 step %scan3A_475  : i32 {
      %mul3A_867 = arith.constant 2 : i32
      %mul3A_868 = arith.muli %mul3A_867, %scan3A_866 : i32
      %add3A_869 = arith.constant 0 : i32
      %add3A_870 = arith.addi %mul3A_868, %add3A_869 : i32
      %dma_wait3A_871 = arith.constant 0 : i32
      %dma_wait3A_872 = arith.constant 0 : i32
      %dma_wait3A_873 = tpu.memref_slice %arg10[%add3A_870, %dma_wait3A_871, %dma_wait3A_872] : memref<6x2x128xi32, #tpu.memory_space<vmem>> -> memref<1x1x128xi32, #tpu.memory_space<vmem>>
      %dma_wait3A_874 = tpu.memref_squeeze %dma_wait3A_873 : memref<1x1x128xi32, #tpu.memory_space<vmem>> -> memref<128xi32, #tpu.memory_space<vmem>>
      %dma_wait3A_875 = arith.constant 0 : i32
      %dma_wait3A_876 = arith.constant 0 : i32
      %dma_wait3A_877 = tpu.memref_slice %arg2[%dma_wait3A_875, %dma_wait3A_876] : memref<10000x128xf32, #tpu.memory_space<hbm>> -> memref<10000x128xf32, #tpu.memory_space<hbm>>
      tpu.wait_indirect_dma semaphore(%arg18 : memref<!tpu.dma_semaphore, #tpu.memory_space<semaphore_mem>>) src(%dma_wait3A_877 : memref<10000x128xf32, #tpu.memory_space<hbm>>) dst(%arg11 : memref<128x128xf32, #tpu.memory_space<vmem>>)
      %run_scoped3A_878 = arith.constant 1 : i32
      "tpu.region"() ({
        %run_scoped3A_911 = tpu.sem_alloc : memref<!tpu.dma_semaphore, #tpu.memory_space<semaphore_mem>>
        %dma_start3A_912 = arith.constant 0 : i32
        %dma_start3A_913 = tpu.memref_slice %arg10[%add3A_870, %run_scoped3A_878, %dma_start3A_912] : memref<6x2x128xi32, #tpu.memory_space<vmem>> -> memref<1x1x128xi32, #tpu.memory_space<vmem>>
        %dma_start3A_914 = tpu.memref_squeeze %dma_start3A_913 : memref<1x1x128xi32, #tpu.memory_space<vmem>> -> memref<128xi32, #tpu.memory_space<vmem>>
        %dma_start3A_915 = arith.constant 0 : i32
        %dma_start3A_916 = arith.constant 0 : i32
        %dma_start3A_917 = tpu.memref_slice %arg14[%dma_start3A_915, %dma_start3A_916] : memref<10000x128xf32, #tpu.memory_space<vmem_shared>> -> memref<10000x128xf32, #tpu.memory_space<vmem_shared>>
        tpu.enqueue_indirect_dma source(%arg11 : memref<128x128xf32, #tpu.memory_space<vmem>>) target(%dma_start3A_917 : memref<10000x128xf32, #tpu.memory_space<vmem_shared>>) offsets(%dma_start3A_914 : memref<128xi32, #tpu.memory_space<vmem>>) semaphore(%run_scoped3A_911 : memref<!tpu.dma_semaphore, #tpu.memory_space<semaphore_mem>>) {add = true}
        %dma_wait3A_918 = arith.constant 0 : i32
        %dma_wait3A_919 = tpu.memref_slice %arg10[%add3A_870, %run_scoped3A_878, %dma_wait3A_918] : memref<6x2x128xi32, #tpu.memory_space<vmem>> -> memref<1x1x128xi32, #tpu.memory_space<vmem>>
        %dma_wait3A_920 = tpu.memref_squeeze %dma_wait3A_919 : memref<1x1x128xi32, #tpu.memory_space<vmem>> -> memref<128xi32, #tpu.memory_space<vmem>>
        %dma_wait3A_921 = arith.constant 0 : i32
        %dma_wait3A_922 = arith.constant 0 : i32
        %dma_wait3A_923 = tpu.memref_slice %arg14[%dma_wait3A_921, %dma_wait3A_922] : memref<10000x128xf32, #tpu.memory_space<vmem_shared>> -> memref<10000x128xf32, #tpu.memory_space<vmem_shared>>
        tpu.wait_indirect_dma semaphore(%run_scoped3A_911 : memref<!tpu.dma_semaphore, #tpu.memory_space<semaphore_mem>>) src(%arg11 : memref<128x128xf32, #tpu.memory_space<vmem>>) dst(%dma_wait3A_923 : memref<10000x128xf32, #tpu.memory_space<vmem_shared>>)
        tpu.yield
      }) : () -> ()
      %add3A_879 = arith.constant 2 : i32
      %add3A_880 = arith.addi %add3A_870, %add3A_879 : i32
      %dma_start3A_881 = arith.constant 0 : i32
      %dma_start3A_882 = arith.constant 0 : i32
      %dma_start3A_883 = tpu.memref_slice %arg10[%add3A_880, %dma_start3A_881, %dma_start3A_882] : memref<6x2x128xi32, #tpu.memory_space<vmem>> -> memref<1x1x128xi32, #tpu.memory_space<vmem>>
      %dma_start3A_884 = tpu.memref_squeeze %dma_start3A_883 : memref<1x1x128xi32, #tpu.memory_space<vmem>> -> memref<128xi32, #tpu.memory_space<vmem>>
      %dma_start3A_885 = arith.constant 0 : i32
      %dma_start3A_886 = arith.constant 0 : i32
      %dma_start3A_887 = tpu.memref_slice %arg2[%dma_start3A_885, %dma_start3A_886] : memref<10000x128xf32, #tpu.memory_space<hbm>> -> memref<10000x128xf32, #tpu.memory_space<hbm>>
      tpu.enqueue_indirect_dma source(%dma_start3A_887 : memref<10000x128xf32, #tpu.memory_space<hbm>>) target(%arg11 : memref<128x128xf32, #tpu.memory_space<vmem>>) offsets(%dma_start3A_884 : memref<128xi32, #tpu.memory_space<vmem>>) semaphore(%arg18 : memref<!tpu.dma_semaphore, #tpu.memory_space<semaphore_mem>>)
      %run_scoped3A_888 = arith.constant 1 : i32
      "tpu.region"() ({
        %run_scoped3A_911 = tpu.sem_alloc : memref<!tpu.dma_semaphore, #tpu.memory_space<semaphore_mem>>
        %dma_start3A_912 = arith.constant 0 : i32
        %dma_start3A_913 = tpu.memref_slice %arg10[%add3A_870, %run_scoped3A_888, %dma_start3A_912] : memref<6x2x128xi32, #tpu.memory_space<vmem>> -> memref<1x1x128xi32, #tpu.memory_space<vmem>>
        %dma_start3A_914 = tpu.memref_squeeze %dma_start3A_913 : memref<1x1x128xi32, #tpu.memory_space<vmem>> -> memref<128xi32, #tpu.memory_space<vmem>>
        %dma_start3A_915 = arith.constant 0 : i32
        %dma_start3A_916 = arith.constant 0 : i32
        %dma_start3A_917 = tpu.memref_slice %arg15[%dma_start3A_915, %dma_start3A_916] : memref<10000x8xf32, #tpu.memory_space<vmem_shared>> -> memref<10000x8xf32, #tpu.memory_space<vmem_shared>>
        tpu.enqueue_indirect_dma source(%arg13 : memref<128x8xf32, #tpu.memory_space<vmem>>) target(%dma_start3A_917 : memref<10000x8xf32, #tpu.memory_space<vmem_shared>>) offsets(%dma_start3A_914 : memref<128xi32, #tpu.memory_space<vmem>>) semaphore(%run_scoped3A_911 : memref<!tpu.dma_semaphore, #tpu.memory_space<semaphore_mem>>) {add = true}
        %dma_wait3A_918 = arith.constant 0 : i32
        %dma_wait3A_919 = tpu.memref_slice %arg10[%add3A_870, %run_scoped3A_888, %dma_wait3A_918] : memref<6x2x128xi32, #tpu.memory_space<vmem>> -> memref<1x1x128xi32, #tpu.memory_space<vmem>>
        %dma_wait3A_920 = tpu.memref_squeeze %dma_wait3A_919 : memref<1x1x128xi32, #tpu.memory_space<vmem>> -> memref<128xi32, #tpu.memory_space<vmem>>
        %dma_wait3A_921 = arith.constant 0 : i32
        %dma_wait3A_922 = arith.constant 0 : i32
        %dma_wait3A_923 = tpu.memref_slice %arg15[%dma_wait3A_921, %dma_wait3A_922] : memref<10000x8xf32, #tpu.memory_space<vmem_shared>> -> memref<10000x8xf32, #tpu.memory_space<vmem_shared>>
        tpu.wait_indirect_dma semaphore(%run_scoped3A_911 : memref<!tpu.dma_semaphore, #tpu.memory_space<semaphore_mem>>) src(%arg13 : memref<128x8xf32, #tpu.memory_space<vmem>>) dst(%dma_wait3A_923 : memref<10000x8xf32, #tpu.memory_space<vmem_shared>>)
        tpu.yield
      }) : () -> ()
      %mul3A_889 = arith.constant 2 : i32
      %mul3A_890 = arith.muli %mul3A_889, %scan3A_866 : i32
      %add3A_891 = arith.constant 1 : i32
      %add3A_892 = arith.addi %mul3A_890, %add3A_891 : i32
      %dma_wait3A_893 = arith.constant 0 : i32
      %dma_wait3A_894 = arith.constant 0 : i32
      %dma_wait3A_895 = tpu.memref_slice %arg10[%add3A_892, %dma_wait3A_893, %dma_wait3A_894] : memref<6x2x128xi32, #tpu.memory_space<vmem>> -> memref<1x1x128xi32, #tpu.memory_space<vmem>>
      %dma_wait3A_896 = tpu.memref_squeeze %dma_wait3A_895 : memref<1x1x128xi32, #tpu.memory_space<vmem>> -> memref<128xi32, #tpu.memory_space<vmem>>
      %dma_wait3A_897 = arith.constant 0 : i32
      %dma_wait3A_898 = arith.constant 0 : i32
      %dma_wait3A_899 = tpu.memref_slice %arg2[%dma_wait3A_897, %dma_wait3A_898] : memref<10000x128xf32, #tpu.memory_space<hbm>> -> memref<10000x128xf32, #tpu.memory_space<hbm>>
      tpu.wait_indirect_dma semaphore(%arg19 : memref<!tpu.dma_semaphore, #tpu.memory_space<semaphore_mem>>) src(%dma_wait3A_899 : memref<10000x128xf32, #tpu.memory_space<hbm>>) dst(%arg12 : memref<128x128xf32, #tpu.memory_space<vmem>>)
      %run_scoped3A_900 = arith.constant 1 : i32
      "tpu.region"() ({
        %run_scoped3A_911 = tpu.sem_alloc : memref<!tpu.dma_semaphore, #tpu.memory_space<semaphore_mem>>
        %dma_start3A_912 = arith.constant 0 : i32
        %dma_start3A_913 = tpu.memref_slice %arg10[%add3A_892, %run_scoped3A_900, %dma_start3A_912] : memref<6x2x128xi32, #tpu.memory_space<vmem>> -> memref<1x1x128xi32, #tpu.memory_space<vmem>>
        %dma_start3A_914 = tpu.memref_squeeze %dma_start3A_913 : memref<1x1x128xi32, #tpu.memory_space<vmem>> -> memref<128xi32, #tpu.memory_space<vmem>>
        %dma_start3A_915 = arith.constant 0 : i32
        %dma_start3A_916 = arith.constant 0 : i32
        %dma_start3A_917 = tpu.memref_slice %arg14[%dma_start3A_915, %dma_start3A_916] : memref<10000x128xf32, #tpu.memory_space<vmem_shared>> -> memref<10000x128xf32, #tpu.memory_space<vmem_shared>>
        tpu.enqueue_indirect_dma source(%arg12 : memref<128x128xf32, #tpu.memory_space<vmem>>) target(%dma_start3A_917 : memref<10000x128xf32, #tpu.memory_space<vmem_shared>>) offsets(%dma_start3A_914 : memref<128xi32, #tpu.memory_space<vmem>>) semaphore(%run_scoped3A_911 : memref<!tpu.dma_semaphore, #tpu.memory_space<semaphore_mem>>) {add = true}
        %dma_wait3A_918 = arith.constant 0 : i32
        %dma_wait3A_919 = tpu.memref_slice %arg10[%add3A_892, %run_scoped3A_900, %dma_wait3A_918] : memref<6x2x128xi32, #tpu.memory_space<vmem>> -> memref<1x1x128xi32, #tpu.memory_space<vmem>>
        %dma_wait3A_920 = tpu.memref_squeeze %dma_wait3A_919 : memref<1x1x128xi32, #tpu.memory_space<vmem>> -> memref<128xi32, #tpu.memory_space<vmem>>
        %dma_wait3A_921 = arith.constant 0 : i32
        %dma_wait3A_922 = arith.constant 0 : i32
        %dma_wait3A_923 = tpu.memref_slice %arg14[%dma_wait3A_921, %dma_wait3A_922] : memref<10000x128xf32, #tpu.memory_space<vmem_shared>> -> memref<10000x128xf32, #tpu.memory_space<vmem_shared>>
        tpu.wait_indirect_dma semaphore(%run_scoped3A_911 : memref<!tpu.dma_semaphore, #tpu.memory_space<semaphore_mem>>) src(%arg12 : memref<128x128xf32, #tpu.memory_space<vmem>>) dst(%dma_wait3A_923 : memref<10000x128xf32, #tpu.memory_space<vmem_shared>>)
        tpu.yield
      }) : () -> ()
      %add3A_901 = arith.constant 2 : i32
      %add3A_902 = arith.addi %add3A_892, %add3A_901 : i32
      %dma_start3A_903 = arith.constant 0 : i32
      %dma_start3A_904 = arith.constant 0 : i32
      %dma_start3A_905 = tpu.memref_slice %arg10[%add3A_902, %dma_start3A_903, %dma_start3A_904] : memref<6x2x128xi32, #tpu.memory_space<vmem>> -> memref<1x1x128xi32, #tpu.memory_space<vmem>>
      %dma_start3A_906 = tpu.memref_squeeze %dma_start3A_905 : memref<1x1x128xi32, #tpu.memory_space<vmem>> -> memref<128xi32, #tpu.memory_space<vmem>>
      %dma_start3A_907 = arith.constant 0 : i32
      %dma_start3A_908 = arith.constant 0 : i32
      %dma_start3A_909 = tpu.memref_slice %arg2[%dma_start3A_907, %dma_start3A_908] : memref<10000x128xf32, #tpu.memory_space<hbm>> -> memref<10000x128xf32, #tpu.memory_space<hbm>>
      tpu.enqueue_indirect_dma source(%dma_start3A_909 : memref<10000x128xf32, #tpu.memory_space<hbm>>) target(%arg12 : memref<128x128xf32, #tpu.memory_space<vmem>>) offsets(%dma_start3A_906 : memref<128xi32, #tpu.memory_space<vmem>>) semaphore(%arg19 : memref<!tpu.dma_semaphore, #tpu.memory_space<semaphore_mem>>)
      %run_scoped3A_910 = arith.constant 1 : i32
      "tpu.region"() ({
        %run_scoped3A_911 = tpu.sem_alloc : memref<!tpu.dma_semaphore, #tpu.memory_space<semaphore_mem>>
        %dma_start3A_912 = arith.constant 0 : i32
        %dma_start3A_913 = tpu.memref_slice %arg10[%add3A_892, %run_scoped3A_910, %dma_start3A_912] : memref<6x2x128xi32, #tpu.memory_space<vmem>> -> memref<1x1x128xi32, #tpu.memory_space<vmem>>
        %dma_start3A_914 = tpu.memref_squeeze %dma_start3A_913 : memref<1x1x128xi32, #tpu.memory_space<vmem>> -> memref<128xi32, #tpu.memory_space<vmem>>
        %dma_start3A_915 = arith.constant 0 : i32
        %dma_start3A_916 = arith.constant 0 : i32
        %dma_start3A_917 = tpu.memref_slice %arg15[%dma_start3A_915, %dma_start3A_916] : memref<10000x8xf32, #tpu.memory_space<vmem_shared>> -> memref<10000x8xf32, #tpu.memory_space<vmem_shared>>
        tpu.enqueue_indirect_dma source(%arg13 : memref<128x8xf32, #tpu.memory_space<vmem>>) target(%dma_start3A_917 : memref<10000x8xf32, #tpu.memory_space<vmem_shared>>) offsets(%dma_start3A_914 : memref<128xi32, #tpu.memory_space<vmem>>) semaphore(%run_scoped3A_911 : memref<!tpu.dma_semaphore, #tpu.memory_space<semaphore_mem>>) {add = true}
        %dma_wait3A_918 = arith.constant 0 : i32
        %dma_wait3A_919 = tpu.memref_slice %arg10[%add3A_892, %run_scoped3A_910, %dma_wait3A_918] : memref<6x2x128xi32, #tpu.memory_space<vmem>> -> memref<1x1x128xi32, #tpu.memory_space<vmem>>
        %dma_wait3A_920 = tpu.memref_squeeze %dma_wait3A_919 : memref<1x1x128xi32, #tpu.memory_space<vmem>> -> memref<128xi32, #tpu.memory_space<vmem>>
        %dma_wait3A_921 = arith.constant 0 : i32
        %dma_wait3A_922 = arith.constant 0 : i32
        %dma_wait3A_923 = tpu.memref_slice %arg15[%dma_wait3A_921, %dma_wait3A_922] : memref<10000x8xf32, #tpu.memory_space<vmem_shared>> -> memref<10000x8xf32, #tpu.memory_space<vmem_shared>>
        tpu.wait_indirect_dma semaphore(%run_scoped3A_911 : memref<!tpu.dma_semaphore, #tpu.memory_space<semaphore_mem>>) src(%arg13 : memref<128x8xf32, #tpu.memory_space<vmem>>) dst(%dma_wait3A_923 : memref<10000x8xf32, #tpu.memory_space<vmem_shared>>)
        tpu.yield
      }) : () -> ()
    }
    %scan3A_476 = arith.constant 2 : i32
    %dma_wait3A_477 = arith.constant 4 : i32
    %dma_wait3A_478 = arith.constant 0 : i32
    %dma_wait3A_479 = arith.constant 0 : i32
    %dma_wait3A_480 = tpu.memref_slice %arg10[%dma_wait3A_477, %dma_wait3A_478, %dma_wait3A_479] : memref<6x2x128xi32, #tpu.memory_space<vmem>> -> memref<1x1x128xi32, #tpu.memory_space<vmem>>
    %dma_wait3A_481 = tpu.memref_squeeze %dma_wait3A_480 : memref<1x1x128xi32, #tpu.memory_space<vmem>> -> memref<128xi32, #tpu.memory_space<vmem>>
    %dma_wait3A_482 = arith.constant 0 : i32
    %dma_wait3A_483 = arith.constant 0 : i32
    %dma_wait3A_484 = tpu.memref_slice %arg2[%dma_wait3A_482, %dma_wait3A_483] : memref<10000x128xf32, #tpu.memory_space<hbm>> -> memref<10000x128xf32, #tpu.memory_space<hbm>>
    tpu.wait_indirect_dma semaphore(%arg18 : memref<!tpu.dma_semaphore, #tpu.memory_space<semaphore_mem>>) src(%dma_wait3A_484 : memref<10000x128xf32, #tpu.memory_space<hbm>>) dst(%arg11 : memref<128x128xf32, #tpu.memory_space<vmem>>)
    %run_scoped3A_485 = arith.constant 4 : i32
    %run_scoped3A_486 = arith.constant 1 : i32
    "tpu.region"() ({
      %run_scoped3A_866 = tpu.sem_alloc : memref<!tpu.dma_semaphore, #tpu.memory_space<semaphore_mem>>
      %dma_start3A_867 = arith.constant 0 : i32
      %dma_start3A_868 = tpu.memref_slice %arg10[%run_scoped3A_485, %run_scoped3A_486, %dma_start3A_867] : memref<6x2x128xi32, #tpu.memory_space<vmem>> -> memref<1x1x128xi32, #tpu.memory_space<vmem>>
      %dma_start3A_869 = tpu.memref_squeeze %dma_start3A_868 : memref<1x1x128xi32, #tpu.memory_space<vmem>> -> memref<128xi32, #tpu.memory_space<vmem>>
      %dma_start3A_870 = arith.constant 0 : i32
      %dma_start3A_871 = arith.constant 0 : i32
      %dma_start3A_872 = tpu.memref_slice %arg14[%dma_start3A_870, %dma_start3A_871] : memref<10000x128xf32, #tpu.memory_space<vmem_shared>> -> memref<10000x128xf32, #tpu.memory_space<vmem_shared>>
      tpu.enqueue_indirect_dma source(%arg11 : memref<128x128xf32, #tpu.memory_space<vmem>>) target(%dma_start3A_872 : memref<10000x128xf32, #tpu.memory_space<vmem_shared>>) offsets(%dma_start3A_869 : memref<128xi32, #tpu.memory_space<vmem>>) semaphore(%run_scoped3A_866 : memref<!tpu.dma_semaphore, #tpu.memory_space<semaphore_mem>>) {add = true}
      %dma_wait3A_873 = arith.constant 0 : i32
      %dma_wait3A_874 = tpu.memref_slice %arg10[%run_scoped3A_485, %run_scoped3A_486, %dma_wait3A_873] : memref<6x2x128xi32, #tpu.memory_space<vmem>> -> memref<1x1x128xi32, #tpu.memory_space<vmem>>
      %dma_wait3A_875 = tpu.memref_squeeze %dma_wait3A_874 : memref<1x1x128xi32, #tpu.memory_space<vmem>> -> memref<128xi32, #tpu.memory_space<vmem>>
      %dma_wait3A_876 = arith.constant 0 : i32
      %dma_wait3A_877 = arith.constant 0 : i32
      %dma_wait3A_878 = tpu.memref_slice %arg14[%dma_wait3A_876, %dma_wait3A_877] : memref<10000x128xf32, #tpu.memory_space<vmem_shared>> -> memref<10000x128xf32, #tpu.memory_space<vmem_shared>>
      tpu.wait_indirect_dma semaphore(%run_scoped3A_866 : memref<!tpu.dma_semaphore, #tpu.memory_space<semaphore_mem>>) src(%arg11 : memref<128x128xf32, #tpu.memory_space<vmem>>) dst(%dma_wait3A_878 : memref<10000x128xf32, #tpu.memory_space<vmem_shared>>)
      tpu.yield
    }) : () -> ()
    %add3A_487 = arith.constant 48 : i32
    %add3A_488 = arith.addi %mul3A_2, %add3A_487 : i32
    %dma_wait3A_489 = arith.constant 0 : i32
    %dma_wait3A_490 = arith.constant 0 : i32
    %dma_wait3A_491 = tpu.memref_slice %arg3[%add3A_488, %dma_wait3A_489, %dma_wait3A_490] : memref<2500x2x128xi32, #tpu.memory_space<hbm>> -> memref<6x2x128xi32, #tpu.memory_space<hbm>>
    %dma_wait3A_492 = arith.constant 0 : i32
    %dma_wait3A_493 = arith.constant 0 : i32
    %dma_wait3A_494 = tpu.memref_slice %arg3[%add3A_488, %dma_wait3A_492, %dma_wait3A_493] : memref<2500x2x128xi32, #tpu.memory_space<hbm>> -> memref<6x2x128xi32, #tpu.memory_space<hbm>>
    tpu.wait_dma2 semaphore(%arg16 : memref<!tpu.dma_semaphore, #tpu.memory_space<semaphore_mem>>) src(%dma_wait3A_494 : memref<6x2x128xi32, #tpu.memory_space<hbm>>) dst(%arg9 : memref<6x2x128xi32, #tpu.memory_space<vmem>>)
    %dma_start3A_495 = arith.constant 0 : i32
    %dma_start3A_496 = arith.constant 0 : i32
    %dma_start3A_497 = arith.constant 0 : i32
    %dma_start3A_498 = tpu.memref_slice %arg9[%dma_start3A_495, %dma_start3A_496, %dma_start3A_497] : memref<6x2x128xi32, #tpu.memory_space<vmem>> -> memref<1x1x128xi32, #tpu.memory_space<vmem>>
    %dma_start3A_499 = tpu.memref_squeeze %dma_start3A_498 : memref<1x1x128xi32, #tpu.memory_space<vmem>> -> memref<128xi32, #tpu.memory_space<vmem>>
    %dma_start3A_500 = arith.constant 0 : i32
    %dma_start3A_501 = arith.constant 0 : i32
    %dma_start3A_502 = tpu.memref_slice %arg2[%dma_start3A_500, %dma_start3A_501] : memref<10000x128xf32, #tpu.memory_space<hbm>> -> memref<10000x128xf32, #tpu.memory_space<hbm>>
    tpu.enqueue_indirect_dma source(%dma_start3A_502 : memref<10000x128xf32, #tpu.memory_space<hbm>>) target(%arg11 : memref<128x128xf32, #tpu.memory_space<vmem>>) offsets(%dma_start3A_499 : memref<128xi32, #tpu.memory_space<vmem>>) semaphore(%arg18 : memref<!tpu.dma_semaphore, #tpu.memory_space<semaphore_mem>>)
    %run_scoped3A_503 = arith.constant 4 : i32
    %run_scoped3A_504 = arith.constant 1 : i32
    "tpu.region"() ({
      %run_scoped3A_866 = tpu.sem_alloc : memref<!tpu.dma_semaphore, #tpu.memory_space<semaphore_mem>>
      %dma_start3A_867 = arith.constant 0 : i32
      %dma_start3A_868 = tpu.memref_slice %arg10[%run_scoped3A_503, %run_scoped3A_504, %dma_start3A_867] : memref<6x2x128xi32, #tpu.memory_space<vmem>> -> memref<1x1x128xi32, #tpu.memory_space<vmem>>
      %dma_start3A_869 = tpu.memref_squeeze %dma_start3A_868 : memref<1x1x128xi32, #tpu.memory_space<vmem>> -> memref<128xi32, #tpu.memory_space<vmem>>
      %dma_start3A_870 = arith.constant 0 : i32
      %dma_start3A_871 = arith.constant 0 : i32
      %dma_start3A_872 = tpu.memref_slice %arg15[%dma_start3A_870, %dma_start3A_871] : memref<10000x8xf32, #tpu.memory_space<vmem_shared>> -> memref<10000x8xf32, #tpu.memory_space<vmem_shared>>
      tpu.enqueue_indirect_dma source(%arg13 : memref<128x8xf32, #tpu.memory_space<vmem>>) target(%dma_start3A_872 : memref<10000x8xf32, #tpu.memory_space<vmem_shared>>) offsets(%dma_start3A_869 : memref<128xi32, #tpu.memory_space<vmem>>) semaphore(%run_scoped3A_866 : memref<!tpu.dma_semaphore, #tpu.memory_space<semaphore_mem>>) {add = true}
      %dma_wait3A_873 = arith.constant 0 : i32
      %dma_wait3A_874 = tpu.memref_slice %arg10[%run_scoped3A_503, %run_scoped3A_504, %dma_wait3A_873] : memref<6x2x128xi32, #tpu.memory_space<vmem>> -> memref<1x1x128xi32, #tpu.memory_space<vmem>>
      %dma_wait3A_875 = tpu.memref_squeeze %dma_wait3A_874 : memref<1x1x128xi32, #tpu.memory_space<vmem>> -> memref<128xi32, #tpu.memory_space<vmem>>
      %dma_wait3A_876 = arith.constant 0 : i32
      %dma_wait3A_877 = arith.constant 0 : i32
      %dma_wait3A_878 = tpu.memref_slice %arg15[%dma_wait3A_876, %dma_wait3A_877] : memref<10000x8xf32, #tpu.memory_space<vmem_shared>> -> memref<10000x8xf32, #tpu.memory_space<vmem_shared>>
      tpu.wait_indirect_dma semaphore(%run_scoped3A_866 : memref<!tpu.dma_semaphore, #tpu.memory_space<semaphore_mem>>) src(%arg13 : memref<128x8xf32, #tpu.memory_space<vmem>>) dst(%dma_wait3A_878 : memref<10000x8xf32, #tpu.memory_space<vmem_shared>>)
      tpu.yield
    }) : () -> ()
    %dma_wait3A_505 = arith.constant 5 : i32
    %dma_wait3A_506 = arith.constant 0 : i32
    %dma_wait3A_507 = arith.constant 0 : i32
    %dma_wait3A_508 = tpu.memref_slice %arg10[%dma_wait3A_505, %dma_wait3A_506, %dma_wait3A_507] : memref<6x2x128xi32, #tpu.memory_space<vmem>> -> memref<1x1x128xi32, #tpu.memory_space<vmem>>
    %dma_wait3A_509 = tpu.memref_squeeze %dma_wait3A_508 : memref<1x1x128xi32, #tpu.memory_space<vmem>> -> memref<128xi32, #tpu.memory_space<vmem>>
    %dma_wait3A_510 = arith.constant 0 : i32
    %dma_wait3A_511 = arith.constant 0 : i32
    %dma_wait3A_512 = tpu.memref_slice %arg2[%dma_wait3A_510, %dma_wait3A_511] : memref<10000x128xf32, #tpu.memory_space<hbm>> -> memref<10000x128xf32, #tpu.memory_space<hbm>>
    tpu.wait_indirect_dma semaphore(%arg19 : memref<!tpu.dma_semaphore, #tpu.memory_space<semaphore_mem>>) src(%dma_wait3A_512 : memref<10000x128xf32, #tpu.memory_space<hbm>>) dst(%arg12 : memref<128x128xf32, #tpu.memory_space<vmem>>)
    %run_scoped3A_513 = arith.constant 5 : i32
    %run_scoped3A_514 = arith.constant 1 : i32
    "tpu.region"() ({
      %run_scoped3A_866 = tpu.sem_alloc : memref<!tpu.dma_semaphore, #tpu.memory_space<semaphore_mem>>
      %dma_start3A_867 = arith.constant 0 : i32
      %dma_start3A_868 = tpu.memref_slice %arg10[%run_scoped3A_513, %run_scoped3A_514, %dma_start3A_867] : memref<6x2x128xi32, #tpu.memory_space<vmem>> -> memref<1x1x128xi32, #tpu.memory_space<vmem>>
      %dma_start3A_869 = tpu.memref_squeeze %dma_start3A_868 : memref<1x1x128xi32, #tpu.memory_space<vmem>> -> memref<128xi32, #tpu.memory_space<vmem>>
      %dma_start3A_870 = arith.constant 0 : i32
      %dma_start3A_871 = arith.constant 0 : i32
      %dma_start3A_872 = tpu.memref_slice %arg14[%dma_start3A_870, %dma_start3A_871] : memref<10000x128xf32, #tpu.memory_space<vmem_shared>> -> memref<10000x128xf32, #tpu.memory_space<vmem_shared>>
      tpu.enqueue_indirect_dma source(%arg12 : memref<128x128xf32, #tpu.memory_space<vmem>>) target(%dma_start3A_872 : memref<10000x128xf32, #tpu.memory_space<vmem_shared>>) offsets(%dma_start3A_869 : memref<128xi32, #tpu.memory_space<vmem>>) semaphore(%run_scoped3A_866 : memref<!tpu.dma_semaphore, #tpu.memory_space<semaphore_mem>>) {add = true}
      %dma_wait3A_873 = arith.constant 0 : i32
      %dma_wait3A_874 = tpu.memref_slice %arg10[%run_scoped3A_513, %run_scoped3A_514, %dma_wait3A_873] : memref<6x2x128xi32, #tpu.memory_space<vmem>> -> memref<1x1x128xi32, #tpu.memory_space<vmem>>
      %dma_wait3A_875 = tpu.memref_squeeze %dma_wait3A_874 : memref<1x1x128xi32, #tpu.memory_space<vmem>> -> memref<128xi32, #tpu.memory_space<vmem>>
      %dma_wait3A_876 = arith.constant 0 : i32
      %dma_wait3A_877 = arith.constant 0 : i32
      %dma_wait3A_878 = tpu.memref_slice %arg14[%dma_wait3A_876, %dma_wait3A_877] : memref<10000x128xf32, #tpu.memory_space<vmem_shared>> -> memref<10000x128xf32, #tpu.memory_space<vmem_shared>>
      tpu.wait_indirect_dma semaphore(%run_scoped3A_866 : memref<!tpu.dma_semaphore, #tpu.memory_space<semaphore_mem>>) src(%arg12 : memref<128x128xf32, #tpu.memory_space<vmem>>) dst(%dma_wait3A_878 : memref<10000x128xf32, #tpu.memory_space<vmem_shared>>)
      tpu.yield
    }) : () -> ()
    %dma_start3A_515 = arith.constant 1 : i32
    %dma_start3A_516 = arith.constant 0 : i32
    %dma_start3A_517 = arith.constant 0 : i32
    %dma_start3A_518 = tpu.memref_slice %arg9[%dma_start3A_515, %dma_start3A_516, %dma_start3A_517] : memref<6x2x128xi32, #tpu.memory_space<vmem>> -> memref<1x1x128xi32, #tpu.memory_space<vmem>>
    %dma_start3A_519 = tpu.memref_squeeze %dma_start3A_518 : memref<1x1x128xi32, #tpu.memory_space<vmem>> -> memref<128xi32, #tpu.memory_space<vmem>>
    %dma_start3A_520 = arith.constant 0 : i32
    %dma_start3A_521 = arith.constant 0 : i32
    %dma_start3A_522 = tpu.memref_slice %arg2[%dma_start3A_520, %dma_start3A_521] : memref<10000x128xf32, #tpu.memory_space<hbm>> -> memref<10000x128xf32, #tpu.memory_space<hbm>>
    tpu.enqueue_indirect_dma source(%dma_start3A_522 : memref<10000x128xf32, #tpu.memory_space<hbm>>) target(%arg12 : memref<128x128xf32, #tpu.memory_space<vmem>>) offsets(%dma_start3A_519 : memref<128xi32, #tpu.memory_space<vmem>>) semaphore(%arg19 : memref<!tpu.dma_semaphore, #tpu.memory_space<semaphore_mem>>)
    %run_scoped3A_523 = arith.constant 5 : i32
    %run_scoped3A_524 = arith.constant 1 : i32
    "tpu.region"() ({
      %run_scoped3A_866 = tpu.sem_alloc : memref<!tpu.dma_semaphore, #tpu.memory_space<semaphore_mem>>
      %dma_start3A_867 = arith.constant 0 : i32
      %dma_start3A_868 = tpu.memref_slice %arg10[%run_scoped3A_523, %run_scoped3A_524, %dma_start3A_867] : memref<6x2x128xi32, #tpu.memory_space<vmem>> -> memref<1x1x128xi32, #tpu.memory_space<vmem>>
      %dma_start3A_869 = tpu.memref_squeeze %dma_start3A_868 : memref<1x1x128xi32, #tpu.memory_space<vmem>> -> memref<128xi32, #tpu.memory_space<vmem>>
      %dma_start3A_870 = arith.constant 0 : i32
      %dma_start3A_871 = arith.constant 0 : i32
      %dma_start3A_872 = tpu.memref_slice %arg15[%dma_start3A_870, %dma_start3A_871] : memref<10000x8xf32, #tpu.memory_space<vmem_shared>> -> memref<10000x8xf32, #tpu.memory_space<vmem_shared>>
      tpu.enqueue_indirect_dma source(%arg13 : memref<128x8xf32, #tpu.memory_space<vmem>>) target(%dma_start3A_872 : memref<10000x8xf32, #tpu.memory_space<vmem_shared>>) offsets(%dma_start3A_869 : memref<128xi32, #tpu.memory_space<vmem>>) semaphore(%run_scoped3A_866 : memref<!tpu.dma_semaphore, #tpu.memory_space<semaphore_mem>>) {add = true}
      %dma_wait3A_873 = arith.constant 0 : i32
      %dma_wait3A_874 = tpu.memref_slice %arg10[%run_scoped3A_523, %run_scoped3A_524, %dma_wait3A_873] : memref<6x2x128xi32, #tpu.memory_space<vmem>> -> memref<1x1x128xi32, #tpu.memory_space<vmem>>
      %dma_wait3A_875 = tpu.memref_squeeze %dma_wait3A_874 : memref<1x1x128xi32, #tpu.memory_space<vmem>> -> memref<128xi32, #tpu.memory_space<vmem>>
      %dma_wait3A_876 = arith.constant 0 : i32
      %dma_wait3A_877 = arith.constant 0 : i32
      %dma_wait3A_878 = tpu.memref_slice %arg15[%dma_wait3A_876, %dma_wait3A_877] : memref<10000x8xf32, #tpu.memory_space<vmem_shared>> -> memref<10000x8xf32, #tpu.memory_space<vmem_shared>>
      tpu.wait_indirect_dma semaphore(%run_scoped3A_866 : memref<!tpu.dma_semaphore, #tpu.memory_space<semaphore_mem>>) src(%arg13 : memref<128x8xf32, #tpu.memory_space<vmem>>) dst(%dma_wait3A_878 : memref<10000x8xf32, #tpu.memory_space<vmem_shared>>)
      tpu.yield
    }) : () -> ()
    %add3A_525 = arith.constant 54 : i32
    %add3A_526 = arith.addi %mul3A_2, %add3A_525 : i32
    %dma_start3A_527 = arith.constant 0 : i32
    %dma_start3A_528 = arith.constant 0 : i32
    %dma_start3A_529 = tpu.memref_slice %arg3[%add3A_526, %dma_start3A_527, %dma_start3A_528] : memref<2500x2x128xi32, #tpu.memory_space<hbm>> -> memref<6x2x128xi32, #tpu.memory_space<hbm>>
    %dma_start3A_530 = arith.constant 0 : i32
    %dma_start3A_531 = arith.constant 0 : i32
    %dma_start3A_532 = tpu.memref_slice %arg3[%add3A_526, %dma_start3A_530, %dma_start3A_531] : memref<2500x2x128xi32, #tpu.memory_space<hbm>> -> memref<6x2x128xi32, #tpu.memory_space<hbm>>
    tpu.enqueue_dma source(%dma_start3A_532 : memref<6x2x128xi32, #tpu.memory_space<hbm>>) target(%arg10 : memref<6x2x128xi32, #tpu.memory_space<vmem>>) target_semaphore(%arg17 : memref<!tpu.dma_semaphore, #tpu.memory_space<semaphore_mem>>)
    %scan3A_533 = arith.constant 0 : i32
    %scan3A_534 = arith.constant 0 : i32
    %scan3A_535 = arith.constant 2 : i32
    %scan3A_536 = arith.addi %scan3A_534, %scan3A_535 : i32
    %scan3A_537 = arith.constant 1 : i32
    scf.for %scan3A_866 = %scan3A_534 to %scan3A_536 step %scan3A_537  : i32 {
      %mul3A_867 = arith.constant 2 : i32
      %mul3A_868 = arith.muli %mul3A_867, %scan3A_866 : i32
      %add3A_869 = arith.constant 0 : i32
      %add3A_870 = arith.addi %mul3A_868, %add3A_869 : i32
      %dma_wait3A_871 = arith.constant 0 : i32
      %dma_wait3A_872 = arith.constant 0 : i32
      %dma_wait3A_873 = tpu.memref_slice %arg9[%add3A_870, %dma_wait3A_871, %dma_wait3A_872] : memref<6x2x128xi32, #tpu.memory_space<vmem>> -> memref<1x1x128xi32, #tpu.memory_space<vmem>>
      %dma_wait3A_874 = tpu.memref_squeeze %dma_wait3A_873 : memref<1x1x128xi32, #tpu.memory_space<vmem>> -> memref<128xi32, #tpu.memory_space<vmem>>
      %dma_wait3A_875 = arith.constant 0 : i32
      %dma_wait3A_876 = arith.constant 0 : i32
      %dma_wait3A_877 = tpu.memref_slice %arg2[%dma_wait3A_875, %dma_wait3A_876] : memref<10000x128xf32, #tpu.memory_space<hbm>> -> memref<10000x128xf32, #tpu.memory_space<hbm>>
      tpu.wait_indirect_dma semaphore(%arg18 : memref<!tpu.dma_semaphore, #tpu.memory_space<semaphore_mem>>) src(%dma_wait3A_877 : memref<10000x128xf32, #tpu.memory_space<hbm>>) dst(%arg11 : memref<128x128xf32, #tpu.memory_space<vmem>>)
      %run_scoped3A_878 = arith.constant 1 : i32
      "tpu.region"() ({
        %run_scoped3A_911 = tpu.sem_alloc : memref<!tpu.dma_semaphore, #tpu.memory_space<semaphore_mem>>
        %dma_start3A_912 = arith.constant 0 : i32
        %dma_start3A_913 = tpu.memref_slice %arg9[%add3A_870, %run_scoped3A_878, %dma_start3A_912] : memref<6x2x128xi32, #tpu.memory_space<vmem>> -> memref<1x1x128xi32, #tpu.memory_space<vmem>>
        %dma_start3A_914 = tpu.memref_squeeze %dma_start3A_913 : memref<1x1x128xi32, #tpu.memory_space<vmem>> -> memref<128xi32, #tpu.memory_space<vmem>>
        %dma_start3A_915 = arith.constant 0 : i32
        %dma_start3A_916 = arith.constant 0 : i32
        %dma_start3A_917 = tpu.memref_slice %arg14[%dma_start3A_915, %dma_start3A_916] : memref<10000x128xf32, #tpu.memory_space<vmem_shared>> -> memref<10000x128xf32, #tpu.memory_space<vmem_shared>>
        tpu.enqueue_indirect_dma source(%arg11 : memref<128x128xf32, #tpu.memory_space<vmem>>) target(%dma_start3A_917 : memref<10000x128xf32, #tpu.memory_space<vmem_shared>>) offsets(%dma_start3A_914 : memref<128xi32, #tpu.memory_space<vmem>>) semaphore(%run_scoped3A_911 : memref<!tpu.dma_semaphore, #tpu.memory_space<semaphore_mem>>) {add = true}
        %dma_wait3A_918 = arith.constant 0 : i32
        %dma_wait3A_919 = tpu.memref_slice %arg9[%add3A_870, %run_scoped3A_878, %dma_wait3A_918] : memref<6x2x128xi32, #tpu.memory_space<vmem>> -> memref<1x1x128xi32, #tpu.memory_space<vmem>>
        %dma_wait3A_920 = tpu.memref_squeeze %dma_wait3A_919 : memref<1x1x128xi32, #tpu.memory_space<vmem>> -> memref<128xi32, #tpu.memory_space<vmem>>
        %dma_wait3A_921 = arith.constant 0 : i32
        %dma_wait3A_922 = arith.constant 0 : i32
        %dma_wait3A_923 = tpu.memref_slice %arg14[%dma_wait3A_921, %dma_wait3A_922] : memref<10000x128xf32, #tpu.memory_space<vmem_shared>> -> memref<10000x128xf32, #tpu.memory_space<vmem_shared>>
        tpu.wait_indirect_dma semaphore(%run_scoped3A_911 : memref<!tpu.dma_semaphore, #tpu.memory_space<semaphore_mem>>) src(%arg11 : memref<128x128xf32, #tpu.memory_space<vmem>>) dst(%dma_wait3A_923 : memref<10000x128xf32, #tpu.memory_space<vmem_shared>>)
        tpu.yield
      }) : () -> ()
      %add3A_879 = arith.constant 2 : i32
      %add3A_880 = arith.addi %add3A_870, %add3A_879 : i32
      %dma_start3A_881 = arith.constant 0 : i32
      %dma_start3A_882 = arith.constant 0 : i32
      %dma_start3A_883 = tpu.memref_slice %arg9[%add3A_880, %dma_start3A_881, %dma_start3A_882] : memref<6x2x128xi32, #tpu.memory_space<vmem>> -> memref<1x1x128xi32, #tpu.memory_space<vmem>>
      %dma_start3A_884 = tpu.memref_squeeze %dma_start3A_883 : memref<1x1x128xi32, #tpu.memory_space<vmem>> -> memref<128xi32, #tpu.memory_space<vmem>>
      %dma_start3A_885 = arith.constant 0 : i32
      %dma_start3A_886 = arith.constant 0 : i32
      %dma_start3A_887 = tpu.memref_slice %arg2[%dma_start3A_885, %dma_start3A_886] : memref<10000x128xf32, #tpu.memory_space<hbm>> -> memref<10000x128xf32, #tpu.memory_space<hbm>>
      tpu.enqueue_indirect_dma source(%dma_start3A_887 : memref<10000x128xf32, #tpu.memory_space<hbm>>) target(%arg11 : memref<128x128xf32, #tpu.memory_space<vmem>>) offsets(%dma_start3A_884 : memref<128xi32, #tpu.memory_space<vmem>>) semaphore(%arg18 : memref<!tpu.dma_semaphore, #tpu.memory_space<semaphore_mem>>)
      %run_scoped3A_888 = arith.constant 1 : i32
      "tpu.region"() ({
        %run_scoped3A_911 = tpu.sem_alloc : memref<!tpu.dma_semaphore, #tpu.memory_space<semaphore_mem>>
        %dma_start3A_912 = arith.constant 0 : i32
        %dma_start3A_913 = tpu.memref_slice %arg9[%add3A_870, %run_scoped3A_888, %dma_start3A_912] : memref<6x2x128xi32, #tpu.memory_space<vmem>> -> memref<1x1x128xi32, #tpu.memory_space<vmem>>
        %dma_start3A_914 = tpu.memref_squeeze %dma_start3A_913 : memref<1x1x128xi32, #tpu.memory_space<vmem>> -> memref<128xi32, #tpu.memory_space<vmem>>
        %dma_start3A_915 = arith.constant 0 : i32
        %dma_start3A_916 = arith.constant 0 : i32
        %dma_start3A_917 = tpu.memref_slice %arg15[%dma_start3A_915, %dma_start3A_916] : memref<10000x8xf32, #tpu.memory_space<vmem_shared>> -> memref<10000x8xf32, #tpu.memory_space<vmem_shared>>
        tpu.enqueue_indirect_dma source(%arg13 : memref<128x8xf32, #tpu.memory_space<vmem>>) target(%dma_start3A_917 : memref<10000x8xf32, #tpu.memory_space<vmem_shared>>) offsets(%dma_start3A_914 : memref<128xi32, #tpu.memory_space<vmem>>) semaphore(%run_scoped3A_911 : memref<!tpu.dma_semaphore, #tpu.memory_space<semaphore_mem>>) {add = true}
        %dma_wait3A_918 = arith.constant 0 : i32
        %dma_wait3A_919 = tpu.memref_slice %arg9[%add3A_870, %run_scoped3A_888, %dma_wait3A_918] : memref<6x2x128xi32, #tpu.memory_space<vmem>> -> memref<1x1x128xi32, #tpu.memory_space<vmem>>
        %dma_wait3A_920 = tpu.memref_squeeze %dma_wait3A_919 : memref<1x1x128xi32, #tpu.memory_space<vmem>> -> memref<128xi32, #tpu.memory_space<vmem>>
        %dma_wait3A_921 = arith.constant 0 : i32
        %dma_wait3A_922 = arith.constant 0 : i32
        %dma_wait3A_923 = tpu.memref_slice %arg15[%dma_wait3A_921, %dma_wait3A_922] : memref<10000x8xf32, #tpu.memory_space<vmem_shared>> -> memref<10000x8xf32, #tpu.memory_space<vmem_shared>>
        tpu.wait_indirect_dma semaphore(%run_scoped3A_911 : memref<!tpu.dma_semaphore, #tpu.memory_space<semaphore_mem>>) src(%arg13 : memref<128x8xf32, #tpu.memory_space<vmem>>) dst(%dma_wait3A_923 : memref<10000x8xf32, #tpu.memory_space<vmem_shared>>)
        tpu.yield
      }) : () -> ()
      %mul3A_889 = arith.constant 2 : i32
      %mul3A_890 = arith.muli %mul3A_889, %scan3A_866 : i32
      %add3A_891 = arith.constant 1 : i32
      %add3A_892 = arith.addi %mul3A_890, %add3A_891 : i32
      %dma_wait3A_893 = arith.constant 0 : i32
      %dma_wait3A_894 = arith.constant 0 : i32
      %dma_wait3A_895 = tpu.memref_slice %arg9[%add3A_892, %dma_wait3A_893, %dma_wait3A_894] : memref<6x2x128xi32, #tpu.memory_space<vmem>> -> memref<1x1x128xi32, #tpu.memory_space<vmem>>
      %dma_wait3A_896 = tpu.memref_squeeze %dma_wait3A_895 : memref<1x1x128xi32, #tpu.memory_space<vmem>> -> memref<128xi32, #tpu.memory_space<vmem>>
      %dma_wait3A_897 = arith.constant 0 : i32
      %dma_wait3A_898 = arith.constant 0 : i32
      %dma_wait3A_899 = tpu.memref_slice %arg2[%dma_wait3A_897, %dma_wait3A_898] : memref<10000x128xf32, #tpu.memory_space<hbm>> -> memref<10000x128xf32, #tpu.memory_space<hbm>>
      tpu.wait_indirect_dma semaphore(%arg19 : memref<!tpu.dma_semaphore, #tpu.memory_space<semaphore_mem>>) src(%dma_wait3A_899 : memref<10000x128xf32, #tpu.memory_space<hbm>>) dst(%arg12 : memref<128x128xf32, #tpu.memory_space<vmem>>)
      %run_scoped3A_900 = arith.constant 1 : i32
      "tpu.region"() ({
        %run_scoped3A_911 = tpu.sem_alloc : memref<!tpu.dma_semaphore, #tpu.memory_space<semaphore_mem>>
        %dma_start3A_912 = arith.constant 0 : i32
        %dma_start3A_913 = tpu.memref_slice %arg9[%add3A_892, %run_scoped3A_900, %dma_start3A_912] : memref<6x2x128xi32, #tpu.memory_space<vmem>> -> memref<1x1x128xi32, #tpu.memory_space<vmem>>
        %dma_start3A_914 = tpu.memref_squeeze %dma_start3A_913 : memref<1x1x128xi32, #tpu.memory_space<vmem>> -> memref<128xi32, #tpu.memory_space<vmem>>
        %dma_start3A_915 = arith.constant 0 : i32
        %dma_start3A_916 = arith.constant 0 : i32
        %dma_start3A_917 = tpu.memref_slice %arg14[%dma_start3A_915, %dma_start3A_916] : memref<10000x128xf32, #tpu.memory_space<vmem_shared>> -> memref<10000x128xf32, #tpu.memory_space<vmem_shared>>
        tpu.enqueue_indirect_dma source(%arg12 : memref<128x128xf32, #tpu.memory_space<vmem>>) target(%dma_start3A_917 : memref<10000x128xf32, #tpu.memory_space<vmem_shared>>) offsets(%dma_start3A_914 : memref<128xi32, #tpu.memory_space<vmem>>) semaphore(%run_scoped3A_911 : memref<!tpu.dma_semaphore, #tpu.memory_space<semaphore_mem>>) {add = true}
        %dma_wait3A_918 = arith.constant 0 : i32
        %dma_wait3A_919 = tpu.memref_slice %arg9[%add3A_892, %run_scoped3A_900, %dma_wait3A_918] : memref<6x2x128xi32, #tpu.memory_space<vmem>> -> memref<1x1x128xi32, #tpu.memory_space<vmem>>
        %dma_wait3A_920 = tpu.memref_squeeze %dma_wait3A_919 : memref<1x1x128xi32, #tpu.memory_space<vmem>> -> memref<128xi32, #tpu.memory_space<vmem>>
        %dma_wait3A_921 = arith.constant 0 : i32
        %dma_wait3A_922 = arith.constant 0 : i32
        %dma_wait3A_923 = tpu.memref_slice %arg14[%dma_wait3A_921, %dma_wait3A_922] : memref<10000x128xf32, #tpu.memory_space<vmem_shared>> -> memref<10000x128xf32, #tpu.memory_space<vmem_shared>>
        tpu.wait_indirect_dma semaphore(%run_scoped3A_911 : memref<!tpu.dma_semaphore, #tpu.memory_space<semaphore_mem>>) src(%arg12 : memref<128x128xf32, #tpu.memory_space<vmem>>) dst(%dma_wait3A_923 : memref<10000x128xf32, #tpu.memory_space<vmem_shared>>)
        tpu.yield
      }) : () -> ()
      %add3A_901 = arith.constant 2 : i32
      %add3A_902 = arith.addi %add3A_892, %add3A_901 : i32
      %dma_start3A_903 = arith.constant 0 : i32
      %dma_start3A_904 = arith.constant 0 : i32
      %dma_start3A_905 = tpu.memref_slice %arg9[%add3A_902, %dma_start3A_903, %dma_start3A_904] : memref<6x2x128xi32, #tpu.memory_space<vmem>> -> memref<1x1x128xi32, #tpu.memory_space<vmem>>
      %dma_start3A_906 = tpu.memref_squeeze %dma_start3A_905 : memref<1x1x128xi32, #tpu.memory_space<vmem>> -> memref<128xi32, #tpu.memory_space<vmem>>
      %dma_start3A_907 = arith.constant 0 : i32
      %dma_start3A_908 = arith.constant 0 : i32
      %dma_start3A_909 = tpu.memref_slice %arg2[%dma_start3A_907, %dma_start3A_908] : memref<10000x128xf32, #tpu.memory_space<hbm>> -> memref<10000x128xf32, #tpu.memory_space<hbm>>
      tpu.enqueue_indirect_dma source(%dma_start3A_909 : memref<10000x128xf32, #tpu.memory_space<hbm>>) target(%arg12 : memref<128x128xf32, #tpu.memory_space<vmem>>) offsets(%dma_start3A_906 : memref<128xi32, #tpu.memory_space<vmem>>) semaphore(%arg19 : memref<!tpu.dma_semaphore, #tpu.memory_space<semaphore_mem>>)
      %run_scoped3A_910 = arith.constant 1 : i32
      "tpu.region"() ({
        %run_scoped3A_911 = tpu.sem_alloc : memref<!tpu.dma_semaphore, #tpu.memory_space<semaphore_mem>>
        %dma_start3A_912 = arith.constant 0 : i32
        %dma_start3A_913 = tpu.memref_slice %arg9[%add3A_892, %run_scoped3A_910, %dma_start3A_912] : memref<6x2x128xi32, #tpu.memory_space<vmem>> -> memref<1x1x128xi32, #tpu.memory_space<vmem>>
        %dma_start3A_914 = tpu.memref_squeeze %dma_start3A_913 : memref<1x1x128xi32, #tpu.memory_space<vmem>> -> memref<128xi32, #tpu.memory_space<vmem>>
        %dma_start3A_915 = arith.constant 0 : i32
        %dma_start3A_916 = arith.constant 0 : i32
        %dma_start3A_917 = tpu.memref_slice %arg15[%dma_start3A_915, %dma_start3A_916] : memref<10000x8xf32, #tpu.memory_space<vmem_shared>> -> memref<10000x8xf32, #tpu.memory_space<vmem_shared>>
        tpu.enqueue_indirect_dma source(%arg13 : memref<128x8xf32, #tpu.memory_space<vmem>>) target(%dma_start3A_917 : memref<10000x8xf32, #tpu.memory_space<vmem_shared>>) offsets(%dma_start3A_914 : memref<128xi32, #tpu.memory_space<vmem>>) semaphore(%run_scoped3A_911 : memref<!tpu.dma_semaphore, #tpu.memory_space<semaphore_mem>>) {add = true}
        %dma_wait3A_918 = arith.constant 0 : i32
        %dma_wait3A_919 = tpu.memref_slice %arg9[%add3A_892, %run_scoped3A_910, %dma_wait3A_918] : memref<6x2x128xi32, #tpu.memory_space<vmem>> -> memref<1x1x128xi32, #tpu.memory_space<vmem>>
        %dma_wait3A_920 = tpu.memref_squeeze %dma_wait3A_919 : memref<1x1x128xi32, #tpu.memory_space<vmem>> -> memref<128xi32, #tpu.memory_space<vmem>>
        %dma_wait3A_921 = arith.constant 0 : i32
        %dma_wait3A_922 = arith.constant 0 : i32
        %dma_wait3A_923 = tpu.memref_slice %arg15[%dma_wait3A_921, %dma_wait3A_922] : memref<10000x8xf32, #tpu.memory_space<vmem_shared>> -> memref<10000x8xf32, #tpu.memory_space<vmem_shared>>
        tpu.wait_indirect_dma semaphore(%run_scoped3A_911 : memref<!tpu.dma_semaphore, #tpu.memory_space<semaphore_mem>>) src(%arg13 : memref<128x8xf32, #tpu.memory_space<vmem>>) dst(%dma_wait3A_923 : memref<10000x8xf32, #tpu.memory_space<vmem_shared>>)
        tpu.yield
      }) : () -> ()
    }
    %scan3A_538 = arith.constant 2 : i32
    %dma_wait3A_539 = arith.constant 4 : i32
    %dma_wait3A_540 = arith.constant 0 : i32
    %dma_wait3A_541 = arith.constant 0 : i32
    %dma_wait3A_542 = tpu.memref_slice %arg9[%dma_wait3A_539, %dma_wait3A_540, %dma_wait3A_541] : memref<6x2x128xi32, #tpu.memory_space<vmem>> -> memref<1x1x128xi32, #tpu.memory_space<vmem>>
    %dma_wait3A_543 = tpu.memref_squeeze %dma_wait3A_542 : memref<1x1x128xi32, #tpu.memory_space<vmem>> -> memref<128xi32, #tpu.memory_space<vmem>>
    %dma_wait3A_544 = arith.constant 0 : i32
    %dma_wait3A_545 = arith.constant 0 : i32
    %dma_wait3A_546 = tpu.memref_slice %arg2[%dma_wait3A_544, %dma_wait3A_545] : memref<10000x128xf32, #tpu.memory_space<hbm>> -> memref<10000x128xf32, #tpu.memory_space<hbm>>
    tpu.wait_indirect_dma semaphore(%arg18 : memref<!tpu.dma_semaphore, #tpu.memory_space<semaphore_mem>>) src(%dma_wait3A_546 : memref<10000x128xf32, #tpu.memory_space<hbm>>) dst(%arg11 : memref<128x128xf32, #tpu.memory_space<vmem>>)
    %run_scoped3A_547 = arith.constant 4 : i32
    %run_scoped3A_548 = arith.constant 1 : i32
    "tpu.region"() ({
      %run_scoped3A_866 = tpu.sem_alloc : memref<!tpu.dma_semaphore, #tpu.memory_space<semaphore_mem>>
      %dma_start3A_867 = arith.constant 0 : i32
      %dma_start3A_868 = tpu.memref_slice %arg9[%run_scoped3A_547, %run_scoped3A_548, %dma_start3A_867] : memref<6x2x128xi32, #tpu.memory_space<vmem>> -> memref<1x1x128xi32, #tpu.memory_space<vmem>>
      %dma_start3A_869 = tpu.memref_squeeze %dma_start3A_868 : memref<1x1x128xi32, #tpu.memory_space<vmem>> -> memref<128xi32, #tpu.memory_space<vmem>>
      %dma_start3A_870 = arith.constant 0 : i32
      %dma_start3A_871 = arith.constant 0 : i32
      %dma_start3A_872 = tpu.memref_slice %arg14[%dma_start3A_870, %dma_start3A_871] : memref<10000x128xf32, #tpu.memory_space<vmem_shared>> -> memref<10000x128xf32, #tpu.memory_space<vmem_shared>>
      tpu.enqueue_indirect_dma source(%arg11 : memref<128x128xf32, #tpu.memory_space<vmem>>) target(%dma_start3A_872 : memref<10000x128xf32, #tpu.memory_space<vmem_shared>>) offsets(%dma_start3A_869 : memref<128xi32, #tpu.memory_space<vmem>>) semaphore(%run_scoped3A_866 : memref<!tpu.dma_semaphore, #tpu.memory_space<semaphore_mem>>) {add = true}
      %dma_wait3A_873 = arith.constant 0 : i32
      %dma_wait3A_874 = tpu.memref_slice %arg9[%run_scoped3A_547, %run_scoped3A_548, %dma_wait3A_873] : memref<6x2x128xi32, #tpu.memory_space<vmem>> -> memref<1x1x128xi32, #tpu.memory_space<vmem>>
      %dma_wait3A_875 = tpu.memref_squeeze %dma_wait3A_874 : memref<1x1x128xi32, #tpu.memory_space<vmem>> -> memref<128xi32, #tpu.memory_space<vmem>>
      %dma_wait3A_876 = arith.constant 0 : i32
      %dma_wait3A_877 = arith.constant 0 : i32
      %dma_wait3A_878 = tpu.memref_slice %arg14[%dma_wait3A_876, %dma_wait3A_877] : memref<10000x128xf32, #tpu.memory_space<vmem_shared>> -> memref<10000x128xf32, #tpu.memory_space<vmem_shared>>
      tpu.wait_indirect_dma semaphore(%run_scoped3A_866 : memref<!tpu.dma_semaphore, #tpu.memory_space<semaphore_mem>>) src(%arg11 : memref<128x128xf32, #tpu.memory_space<vmem>>) dst(%dma_wait3A_878 : memref<10000x128xf32, #tpu.memory_space<vmem_shared>>)
      tpu.yield
    }) : () -> ()
    %add3A_549 = arith.constant 54 : i32
    %add3A_550 = arith.addi %mul3A_2, %add3A_549 : i32
    %dma_wait3A_551 = arith.constant 0 : i32
    %dma_wait3A_552 = arith.constant 0 : i32
    %dma_wait3A_553 = tpu.memref_slice %arg3[%add3A_550, %dma_wait3A_551, %dma_wait3A_552] : memref<2500x2x128xi32, #tpu.memory_space<hbm>> -> memref<6x2x128xi32, #tpu.memory_space<hbm>>
    %dma_wait3A_554 = arith.constant 0 : i32
    %dma_wait3A_555 = arith.constant 0 : i32
    %dma_wait3A_556 = tpu.memref_slice %arg3[%add3A_550, %dma_wait3A_554, %dma_wait3A_555] : memref<2500x2x128xi32, #tpu.memory_space<hbm>> -> memref<6x2x128xi32, #tpu.memory_space<hbm>>
    tpu.wait_dma2 semaphore(%arg17 : memref<!tpu.dma_semaphore, #tpu.memory_space<semaphore_mem>>) src(%dma_wait3A_556 : memref<6x2x128xi32, #tpu.memory_space<hbm>>) dst(%arg10 : memref<6x2x128xi32, #tpu.memory_space<vmem>>)
    %dma_start3A_557 = arith.constant 0 : i32
    %dma_start3A_558 = arith.constant 0 : i32
    %dma_start3A_559 = arith.constant 0 : i32
    %dma_start3A_560 = tpu.memref_slice %arg10[%dma_start3A_557, %dma_start3A_558, %dma_start3A_559] : memref<6x2x128xi32, #tpu.memory_space<vmem>> -> memref<1x1x128xi32, #tpu.memory_space<vmem>>
    %dma_start3A_561 = tpu.memref_squeeze %dma_start3A_560 : memref<1x1x128xi32, #tpu.memory_space<vmem>> -> memref<128xi32, #tpu.memory_space<vmem>>
    %dma_start3A_562 = arith.constant 0 : i32
    %dma_start3A_563 = arith.constant 0 : i32
    %dma_start3A_564 = tpu.memref_slice %arg2[%dma_start3A_562, %dma_start3A_563] : memref<10000x128xf32, #tpu.memory_space<hbm>> -> memref<10000x128xf32, #tpu.memory_space<hbm>>
    tpu.enqueue_indirect_dma source(%dma_start3A_564 : memref<10000x128xf32, #tpu.memory_space<hbm>>) target(%arg11 : memref<128x128xf32, #tpu.memory_space<vmem>>) offsets(%dma_start3A_561 : memref<128xi32, #tpu.memory_space<vmem>>) semaphore(%arg18 : memref<!tpu.dma_semaphore, #tpu.memory_space<semaphore_mem>>)
    %run_scoped3A_565 = arith.constant 4 : i32
    %run_scoped3A_566 = arith.constant 1 : i32
    "tpu.region"() ({
      %run_scoped3A_866 = tpu.sem_alloc : memref<!tpu.dma_semaphore, #tpu.memory_space<semaphore_mem>>
      %dma_start3A_867 = arith.constant 0 : i32
      %dma_start3A_868 = tpu.memref_slice %arg9[%run_scoped3A_565, %run_scoped3A_566, %dma_start3A_867] : memref<6x2x128xi32, #tpu.memory_space<vmem>> -> memref<1x1x128xi32, #tpu.memory_space<vmem>>
      %dma_start3A_869 = tpu.memref_squeeze %dma_start3A_868 : memref<1x1x128xi32, #tpu.memory_space<vmem>> -> memref<128xi32, #tpu.memory_space<vmem>>
      %dma_start3A_870 = arith.constant 0 : i32
      %dma_start3A_871 = arith.constant 0 : i32
      %dma_start3A_872 = tpu.memref_slice %arg15[%dma_start3A_870, %dma_start3A_871] : memref<10000x8xf32, #tpu.memory_space<vmem_shared>> -> memref<10000x8xf32, #tpu.memory_space<vmem_shared>>
      tpu.enqueue_indirect_dma source(%arg13 : memref<128x8xf32, #tpu.memory_space<vmem>>) target(%dma_start3A_872 : memref<10000x8xf32, #tpu.memory_space<vmem_shared>>) offsets(%dma_start3A_869 : memref<128xi32, #tpu.memory_space<vmem>>) semaphore(%run_scoped3A_866 : memref<!tpu.dma_semaphore, #tpu.memory_space<semaphore_mem>>) {add = true}
      %dma_wait3A_873 = arith.constant 0 : i32
      %dma_wait3A_874 = tpu.memref_slice %arg9[%run_scoped3A_565, %run_scoped3A_566, %dma_wait3A_873] : memref<6x2x128xi32, #tpu.memory_space<vmem>> -> memref<1x1x128xi32, #tpu.memory_space<vmem>>
      %dma_wait3A_875 = tpu.memref_squeeze %dma_wait3A_874 : memref<1x1x128xi32, #tpu.memory_space<vmem>> -> memref<128xi32, #tpu.memory_space<vmem>>
      %dma_wait3A_876 = arith.constant 0 : i32
      %dma_wait3A_877 = arith.constant 0 : i32
      %dma_wait3A_878 = tpu.memref_slice %arg15[%dma_wait3A_876, %dma_wait3A_877] : memref<10000x8xf32, #tpu.memory_space<vmem_shared>> -> memref<10000x8xf32, #tpu.memory_space<vmem_shared>>
      tpu.wait_indirect_dma semaphore(%run_scoped3A_866 : memref<!tpu.dma_semaphore, #tpu.memory_space<semaphore_mem>>) src(%arg13 : memref<128x8xf32, #tpu.memory_space<vmem>>) dst(%dma_wait3A_878 : memref<10000x8xf32, #tpu.memory_space<vmem_shared>>)
      tpu.yield
    }) : () -> ()
    %dma_wait3A_567 = arith.constant 5 : i32
    %dma_wait3A_568 = arith.constant 0 : i32
    %dma_wait3A_569 = arith.constant 0 : i32
    %dma_wait3A_570 = tpu.memref_slice %arg9[%dma_wait3A_567, %dma_wait3A_568, %dma_wait3A_569] : memref<6x2x128xi32, #tpu.memory_space<vmem>> -> memref<1x1x128xi32, #tpu.memory_space<vmem>>
    %dma_wait3A_571 = tpu.memref_squeeze %dma_wait3A_570 : memref<1x1x128xi32, #tpu.memory_space<vmem>> -> memref<128xi32, #tpu.memory_space<vmem>>
    %dma_wait3A_572 = arith.constant 0 : i32
    %dma_wait3A_573 = arith.constant 0 : i32
    %dma_wait3A_574 = tpu.memref_slice %arg2[%dma_wait3A_572, %dma_wait3A_573] : memref<10000x128xf32, #tpu.memory_space<hbm>> -> memref<10000x128xf32, #tpu.memory_space<hbm>>
    tpu.wait_indirect_dma semaphore(%arg19 : memref<!tpu.dma_semaphore, #tpu.memory_space<semaphore_mem>>) src(%dma_wait3A_574 : memref<10000x128xf32, #tpu.memory_space<hbm>>) dst(%arg12 : memref<128x128xf32, #tpu.memory_space<vmem>>)
    %run_scoped3A_575 = arith.constant 5 : i32
    %run_scoped3A_576 = arith.constant 1 : i32
    "tpu.region"() ({
      %run_scoped3A_866 = tpu.sem_alloc : memref<!tpu.dma_semaphore, #tpu.memory_space<semaphore_mem>>
      %dma_start3A_867 = arith.constant 0 : i32
      %dma_start3A_868 = tpu.memref_slice %arg9[%run_scoped3A_575, %run_scoped3A_576, %dma_start3A_867] : memref<6x2x128xi32, #tpu.memory_space<vmem>> -> memref<1x1x128xi32, #tpu.memory_space<vmem>>
      %dma_start3A_869 = tpu.memref_squeeze %dma_start3A_868 : memref<1x1x128xi32, #tpu.memory_space<vmem>> -> memref<128xi32, #tpu.memory_space<vmem>>
      %dma_start3A_870 = arith.constant 0 : i32
      %dma_start3A_871 = arith.constant 0 : i32
      %dma_start3A_872 = tpu.memref_slice %arg14[%dma_start3A_870, %dma_start3A_871] : memref<10000x128xf32, #tpu.memory_space<vmem_shared>> -> memref<10000x128xf32, #tpu.memory_space<vmem_shared>>
      tpu.enqueue_indirect_dma source(%arg12 : memref<128x128xf32, #tpu.memory_space<vmem>>) target(%dma_start3A_872 : memref<10000x128xf32, #tpu.memory_space<vmem_shared>>) offsets(%dma_start3A_869 : memref<128xi32, #tpu.memory_space<vmem>>) semaphore(%run_scoped3A_866 : memref<!tpu.dma_semaphore, #tpu.memory_space<semaphore_mem>>) {add = true}
      %dma_wait3A_873 = arith.constant 0 : i32
      %dma_wait3A_874 = tpu.memref_slice %arg9[%run_scoped3A_575, %run_scoped3A_576, %dma_wait3A_873] : memref<6x2x128xi32, #tpu.memory_space<vmem>> -> memref<1x1x128xi32, #tpu.memory_space<vmem>>
      %dma_wait3A_875 = tpu.memref_squeeze %dma_wait3A_874 : memref<1x1x128xi32, #tpu.memory_space<vmem>> -> memref<128xi32, #tpu.memory_space<vmem>>
      %dma_wait3A_876 = arith.constant 0 : i32
      %dma_wait3A_877 = arith.constant 0 : i32
      %dma_wait3A_878 = tpu.memref_slice %arg14[%dma_wait3A_876, %dma_wait3A_877] : memref<10000x128xf32, #tpu.memory_space<vmem_shared>> -> memref<10000x128xf32, #tpu.memory_space<vmem_shared>>
      tpu.wait_indirect_dma semaphore(%run_scoped3A_866 : memref<!tpu.dma_semaphore, #tpu.memory_space<semaphore_mem>>) src(%arg12 : memref<128x128xf32, #tpu.memory_space<vmem>>) dst(%dma_wait3A_878 : memref<10000x128xf32, #tpu.memory_space<vmem_shared>>)
      tpu.yield
    }) : () -> ()
    %dma_start3A_577 = arith.constant 1 : i32
    %dma_start3A_578 = arith.constant 0 : i32
    %dma_start3A_579 = arith.constant 0 : i32
    %dma_start3A_580 = tpu.memref_slice %arg10[%dma_start3A_577, %dma_start3A_578, %dma_start3A_579] : memref<6x2x128xi32, #tpu.memory_space<vmem>> -> memref<1x1x128xi32, #tpu.memory_space<vmem>>
    %dma_start3A_581 = tpu.memref_squeeze %dma_start3A_580 : memref<1x1x128xi32, #tpu.memory_space<vmem>> -> memref<128xi32, #tpu.memory_space<vmem>>
    %dma_start3A_582 = arith.constant 0 : i32
    %dma_start3A_583 = arith.constant 0 : i32
    %dma_start3A_584 = tpu.memref_slice %arg2[%dma_start3A_582, %dma_start3A_583] : memref<10000x128xf32, #tpu.memory_space<hbm>> -> memref<10000x128xf32, #tpu.memory_space<hbm>>
    tpu.enqueue_indirect_dma source(%dma_start3A_584 : memref<10000x128xf32, #tpu.memory_space<hbm>>) target(%arg12 : memref<128x128xf32, #tpu.memory_space<vmem>>) offsets(%dma_start3A_581 : memref<128xi32, #tpu.memory_space<vmem>>) semaphore(%arg19 : memref<!tpu.dma_semaphore, #tpu.memory_space<semaphore_mem>>)
    %run_scoped3A_585 = arith.constant 5 : i32
    %run_scoped3A_586 = arith.constant 1 : i32
    "tpu.region"() ({
      %run_scoped3A_866 = tpu.sem_alloc : memref<!tpu.dma_semaphore, #tpu.memory_space<semaphore_mem>>
      %dma_start3A_867 = arith.constant 0 : i32
      %dma_start3A_868 = tpu.memref_slice %arg9[%run_scoped3A_585, %run_scoped3A_586, %dma_start3A_867] : memref<6x2x128xi32, #tpu.memory_space<vmem>> -> memref<1x1x128xi32, #tpu.memory_space<vmem>>
      %dma_start3A_869 = tpu.memref_squeeze %dma_start3A_868 : memref<1x1x128xi32, #tpu.memory_space<vmem>> -> memref<128xi32, #tpu.memory_space<vmem>>
      %dma_start3A_870 = arith.constant 0 : i32
      %dma_start3A_871 = arith.constant 0 : i32
      %dma_start3A_872 = tpu.memref_slice %arg15[%dma_start3A_870, %dma_start3A_871] : memref<10000x8xf32, #tpu.memory_space<vmem_shared>> -> memref<10000x8xf32, #tpu.memory_space<vmem_shared>>
      tpu.enqueue_indirect_dma source(%arg13 : memref<128x8xf32, #tpu.memory_space<vmem>>) target(%dma_start3A_872 : memref<10000x8xf32, #tpu.memory_space<vmem_shared>>) offsets(%dma_start3A_869 : memref<128xi32, #tpu.memory_space<vmem>>) semaphore(%run_scoped3A_866 : memref<!tpu.dma_semaphore, #tpu.memory_space<semaphore_mem>>) {add = true}
      %dma_wait3A_873 = arith.constant 0 : i32
      %dma_wait3A_874 = tpu.memref_slice %arg9[%run_scoped3A_585, %run_scoped3A_586, %dma_wait3A_873] : memref<6x2x128xi32, #tpu.memory_space<vmem>> -> memref<1x1x128xi32, #tpu.memory_space<vmem>>
      %dma_wait3A_875 = tpu.memref_squeeze %dma_wait3A_874 : memref<1x1x128xi32, #tpu.memory_space<vmem>> -> memref<128xi32, #tpu.memory_space<vmem>>
      %dma_wait3A_876 = arith.constant 0 : i32
      %dma_wait3A_877 = arith.constant 0 : i32
      %dma_wait3A_878 = tpu.memref_slice %arg15[%dma_wait3A_876, %dma_wait3A_877] : memref<10000x8xf32, #tpu.memory_space<vmem_shared>> -> memref<10000x8xf32, #tpu.memory_space<vmem_shared>>
      tpu.wait_indirect_dma semaphore(%run_scoped3A_866 : memref<!tpu.dma_semaphore, #tpu.memory_space<semaphore_mem>>) src(%arg13 : memref<128x8xf32, #tpu.memory_space<vmem>>) dst(%dma_wait3A_878 : memref<10000x8xf32, #tpu.memory_space<vmem_shared>>)
      tpu.yield
    }) : () -> ()
    %add3A_587 = arith.constant 60 : i32
    %add3A_588 = arith.addi %mul3A_2, %add3A_587 : i32
    %dma_start3A_589 = arith.constant 0 : i32
    %dma_start3A_590 = arith.constant 0 : i32
    %dma_start3A_591 = tpu.memref_slice %arg3[%add3A_588, %dma_start3A_589, %dma_start3A_590] : memref<2500x2x128xi32, #tpu.memory_space<hbm>> -> memref<6x2x128xi32, #tpu.memory_space<hbm>>
    %dma_start3A_592 = arith.constant 0 : i32
    %dma_start3A_593 = arith.constant 0 : i32
    %dma_start3A_594 = tpu.memref_slice %arg3[%add3A_588, %dma_start3A_592, %dma_start3A_593] : memref<2500x2x128xi32, #tpu.memory_space<hbm>> -> memref<6x2x128xi32, #tpu.memory_space<hbm>>
    tpu.enqueue_dma source(%dma_start3A_594 : memref<6x2x128xi32, #tpu.memory_space<hbm>>) target(%arg9 : memref<6x2x128xi32, #tpu.memory_space<vmem>>) target_semaphore(%arg16 : memref<!tpu.dma_semaphore, #tpu.memory_space<semaphore_mem>>)
    %scan3A_595 = arith.constant 0 : i32
    %scan3A_596 = arith.constant 0 : i32
    %scan3A_597 = arith.constant 2 : i32
    %scan3A_598 = arith.addi %scan3A_596, %scan3A_597 : i32
    %scan3A_599 = arith.constant 1 : i32
    scf.for %scan3A_866 = %scan3A_596 to %scan3A_598 step %scan3A_599  : i32 {
      %mul3A_867 = arith.constant 2 : i32
      %mul3A_868 = arith.muli %mul3A_867, %scan3A_866 : i32
      %add3A_869 = arith.constant 0 : i32
      %add3A_870 = arith.addi %mul3A_868, %add3A_869 : i32
      %dma_wait3A_871 = arith.constant 0 : i32
      %dma_wait3A_872 = arith.constant 0 : i32
      %dma_wait3A_873 = tpu.memref_slice %arg10[%add3A_870, %dma_wait3A_871, %dma_wait3A_872] : memref<6x2x128xi32, #tpu.memory_space<vmem>> -> memref<1x1x128xi32, #tpu.memory_space<vmem>>
      %dma_wait3A_874 = tpu.memref_squeeze %dma_wait3A_873 : memref<1x1x128xi32, #tpu.memory_space<vmem>> -> memref<128xi32, #tpu.memory_space<vmem>>
      %dma_wait3A_875 = arith.constant 0 : i32
      %dma_wait3A_876 = arith.constant 0 : i32
      %dma_wait3A_877 = tpu.memref_slice %arg2[%dma_wait3A_875, %dma_wait3A_876] : memref<10000x128xf32, #tpu.memory_space<hbm>> -> memref<10000x128xf32, #tpu.memory_space<hbm>>
      tpu.wait_indirect_dma semaphore(%arg18 : memref<!tpu.dma_semaphore, #tpu.memory_space<semaphore_mem>>) src(%dma_wait3A_877 : memref<10000x128xf32, #tpu.memory_space<hbm>>) dst(%arg11 : memref<128x128xf32, #tpu.memory_space<vmem>>)
      %run_scoped3A_878 = arith.constant 1 : i32
      "tpu.region"() ({
        %run_scoped3A_911 = tpu.sem_alloc : memref<!tpu.dma_semaphore, #tpu.memory_space<semaphore_mem>>
        %dma_start3A_912 = arith.constant 0 : i32
        %dma_start3A_913 = tpu.memref_slice %arg10[%add3A_870, %run_scoped3A_878, %dma_start3A_912] : memref<6x2x128xi32, #tpu.memory_space<vmem>> -> memref<1x1x128xi32, #tpu.memory_space<vmem>>
        %dma_start3A_914 = tpu.memref_squeeze %dma_start3A_913 : memref<1x1x128xi32, #tpu.memory_space<vmem>> -> memref<128xi32, #tpu.memory_space<vmem>>
        %dma_start3A_915 = arith.constant 0 : i32
        %dma_start3A_916 = arith.constant 0 : i32
        %dma_start3A_917 = tpu.memref_slice %arg14[%dma_start3A_915, %dma_start3A_916] : memref<10000x128xf32, #tpu.memory_space<vmem_shared>> -> memref<10000x128xf32, #tpu.memory_space<vmem_shared>>
        tpu.enqueue_indirect_dma source(%arg11 : memref<128x128xf32, #tpu.memory_space<vmem>>) target(%dma_start3A_917 : memref<10000x128xf32, #tpu.memory_space<vmem_shared>>) offsets(%dma_start3A_914 : memref<128xi32, #tpu.memory_space<vmem>>) semaphore(%run_scoped3A_911 : memref<!tpu.dma_semaphore, #tpu.memory_space<semaphore_mem>>) {add = true}
        %dma_wait3A_918 = arith.constant 0 : i32
        %dma_wait3A_919 = tpu.memref_slice %arg10[%add3A_870, %run_scoped3A_878, %dma_wait3A_918] : memref<6x2x128xi32, #tpu.memory_space<vmem>> -> memref<1x1x128xi32, #tpu.memory_space<vmem>>
        %dma_wait3A_920 = tpu.memref_squeeze %dma_wait3A_919 : memref<1x1x128xi32, #tpu.memory_space<vmem>> -> memref<128xi32, #tpu.memory_space<vmem>>
        %dma_wait3A_921 = arith.constant 0 : i32
        %dma_wait3A_922 = arith.constant 0 : i32
        %dma_wait3A_923 = tpu.memref_slice %arg14[%dma_wait3A_921, %dma_wait3A_922] : memref<10000x128xf32, #tpu.memory_space<vmem_shared>> -> memref<10000x128xf32, #tpu.memory_space<vmem_shared>>
        tpu.wait_indirect_dma semaphore(%run_scoped3A_911 : memref<!tpu.dma_semaphore, #tpu.memory_space<semaphore_mem>>) src(%arg11 : memref<128x128xf32, #tpu.memory_space<vmem>>) dst(%dma_wait3A_923 : memref<10000x128xf32, #tpu.memory_space<vmem_shared>>)
        tpu.yield
      }) : () -> ()
      %add3A_879 = arith.constant 2 : i32
      %add3A_880 = arith.addi %add3A_870, %add3A_879 : i32
      %dma_start3A_881 = arith.constant 0 : i32
      %dma_start3A_882 = arith.constant 0 : i32
      %dma_start3A_883 = tpu.memref_slice %arg10[%add3A_880, %dma_start3A_881, %dma_start3A_882] : memref<6x2x128xi32, #tpu.memory_space<vmem>> -> memref<1x1x128xi32, #tpu.memory_space<vmem>>
      %dma_start3A_884 = tpu.memref_squeeze %dma_start3A_883 : memref<1x1x128xi32, #tpu.memory_space<vmem>> -> memref<128xi32, #tpu.memory_space<vmem>>
      %dma_start3A_885 = arith.constant 0 : i32
      %dma_start3A_886 = arith.constant 0 : i32
      %dma_start3A_887 = tpu.memref_slice %arg2[%dma_start3A_885, %dma_start3A_886] : memref<10000x128xf32, #tpu.memory_space<hbm>> -> memref<10000x128xf32, #tpu.memory_space<hbm>>
      tpu.enqueue_indirect_dma source(%dma_start3A_887 : memref<10000x128xf32, #tpu.memory_space<hbm>>) target(%arg11 : memref<128x128xf32, #tpu.memory_space<vmem>>) offsets(%dma_start3A_884 : memref<128xi32, #tpu.memory_space<vmem>>) semaphore(%arg18 : memref<!tpu.dma_semaphore, #tpu.memory_space<semaphore_mem>>)
      %run_scoped3A_888 = arith.constant 1 : i32
      "tpu.region"() ({
        %run_scoped3A_911 = tpu.sem_alloc : memref<!tpu.dma_semaphore, #tpu.memory_space<semaphore_mem>>
        %dma_start3A_912 = arith.constant 0 : i32
        %dma_start3A_913 = tpu.memref_slice %arg10[%add3A_870, %run_scoped3A_888, %dma_start3A_912] : memref<6x2x128xi32, #tpu.memory_space<vmem>> -> memref<1x1x128xi32, #tpu.memory_space<vmem>>
        %dma_start3A_914 = tpu.memref_squeeze %dma_start3A_913 : memref<1x1x128xi32, #tpu.memory_space<vmem>> -> memref<128xi32, #tpu.memory_space<vmem>>
        %dma_start3A_915 = arith.constant 0 : i32
        %dma_start3A_916 = arith.constant 0 : i32
        %dma_start3A_917 = tpu.memref_slice %arg15[%dma_start3A_915, %dma_start3A_916] : memref<10000x8xf32, #tpu.memory_space<vmem_shared>> -> memref<10000x8xf32, #tpu.memory_space<vmem_shared>>
        tpu.enqueue_indirect_dma source(%arg13 : memref<128x8xf32, #tpu.memory_space<vmem>>) target(%dma_start3A_917 : memref<10000x8xf32, #tpu.memory_space<vmem_shared>>) offsets(%dma_start3A_914 : memref<128xi32, #tpu.memory_space<vmem>>) semaphore(%run_scoped3A_911 : memref<!tpu.dma_semaphore, #tpu.memory_space<semaphore_mem>>) {add = true}
        %dma_wait3A_918 = arith.constant 0 : i32
        %dma_wait3A_919 = tpu.memref_slice %arg10[%add3A_870, %run_scoped3A_888, %dma_wait3A_918] : memref<6x2x128xi32, #tpu.memory_space<vmem>> -> memref<1x1x128xi32, #tpu.memory_space<vmem>>
        %dma_wait3A_920 = tpu.memref_squeeze %dma_wait3A_919 : memref<1x1x128xi32, #tpu.memory_space<vmem>> -> memref<128xi32, #tpu.memory_space<vmem>>
        %dma_wait3A_921 = arith.constant 0 : i32
        %dma_wait3A_922 = arith.constant 0 : i32
        %dma_wait3A_923 = tpu.memref_slice %arg15[%dma_wait3A_921, %dma_wait3A_922] : memref<10000x8xf32, #tpu.memory_space<vmem_shared>> -> memref<10000x8xf32, #tpu.memory_space<vmem_shared>>
        tpu.wait_indirect_dma semaphore(%run_scoped3A_911 : memref<!tpu.dma_semaphore, #tpu.memory_space<semaphore_mem>>) src(%arg13 : memref<128x8xf32, #tpu.memory_space<vmem>>) dst(%dma_wait3A_923 : memref<10000x8xf32, #tpu.memory_space<vmem_shared>>)
        tpu.yield
      }) : () -> ()
      %mul3A_889 = arith.constant 2 : i32
      %mul3A_890 = arith.muli %mul3A_889, %scan3A_866 : i32
      %add3A_891 = arith.constant 1 : i32
      %add3A_892 = arith.addi %mul3A_890, %add3A_891 : i32
      %dma_wait3A_893 = arith.constant 0 : i32
      %dma_wait3A_894 = arith.constant 0 : i32
      %dma_wait3A_895 = tpu.memref_slice %arg10[%add3A_892, %dma_wait3A_893, %dma_wait3A_894] : memref<6x2x128xi32, #tpu.memory_space<vmem>> -> memref<1x1x128xi32, #tpu.memory_space<vmem>>
      %dma_wait3A_896 = tpu.memref_squeeze %dma_wait3A_895 : memref<1x1x128xi32, #tpu.memory_space<vmem>> -> memref<128xi32, #tpu.memory_space<vmem>>
      %dma_wait3A_897 = arith.constant 0 : i32
      %dma_wait3A_898 = arith.constant 0 : i32
      %dma_wait3A_899 = tpu.memref_slice %arg2[%dma_wait3A_897, %dma_wait3A_898] : memref<10000x128xf32, #tpu.memory_space<hbm>> -> memref<10000x128xf32, #tpu.memory_space<hbm>>
      tpu.wait_indirect_dma semaphore(%arg19 : memref<!tpu.dma_semaphore, #tpu.memory_space<semaphore_mem>>) src(%dma_wait3A_899 : memref<10000x128xf32, #tpu.memory_space<hbm>>) dst(%arg12 : memref<128x128xf32, #tpu.memory_space<vmem>>)
      %run_scoped3A_900 = arith.constant 1 : i32
      "tpu.region"() ({
        %run_scoped3A_911 = tpu.sem_alloc : memref<!tpu.dma_semaphore, #tpu.memory_space<semaphore_mem>>
        %dma_start3A_912 = arith.constant 0 : i32
        %dma_start3A_913 = tpu.memref_slice %arg10[%add3A_892, %run_scoped3A_900, %dma_start3A_912] : memref<6x2x128xi32, #tpu.memory_space<vmem>> -> memref<1x1x128xi32, #tpu.memory_space<vmem>>
        %dma_start3A_914 = tpu.memref_squeeze %dma_start3A_913 : memref<1x1x128xi32, #tpu.memory_space<vmem>> -> memref<128xi32, #tpu.memory_space<vmem>>
        %dma_start3A_915 = arith.constant 0 : i32
        %dma_start3A_916 = arith.constant 0 : i32
        %dma_start3A_917 = tpu.memref_slice %arg14[%dma_start3A_915, %dma_start3A_916] : memref<10000x128xf32, #tpu.memory_space<vmem_shared>> -> memref<10000x128xf32, #tpu.memory_space<vmem_shared>>
        tpu.enqueue_indirect_dma source(%arg12 : memref<128x128xf32, #tpu.memory_space<vmem>>) target(%dma_start3A_917 : memref<10000x128xf32, #tpu.memory_space<vmem_shared>>) offsets(%dma_start3A_914 : memref<128xi32, #tpu.memory_space<vmem>>) semaphore(%run_scoped3A_911 : memref<!tpu.dma_semaphore, #tpu.memory_space<semaphore_mem>>) {add = true}
        %dma_wait3A_918 = arith.constant 0 : i32
        %dma_wait3A_919 = tpu.memref_slice %arg10[%add3A_892, %run_scoped3A_900, %dma_wait3A_918] : memref<6x2x128xi32, #tpu.memory_space<vmem>> -> memref<1x1x128xi32, #tpu.memory_space<vmem>>
        %dma_wait3A_920 = tpu.memref_squeeze %dma_wait3A_919 : memref<1x1x128xi32, #tpu.memory_space<vmem>> -> memref<128xi32, #tpu.memory_space<vmem>>
        %dma_wait3A_921 = arith.constant 0 : i32
        %dma_wait3A_922 = arith.constant 0 : i32
        %dma_wait3A_923 = tpu.memref_slice %arg14[%dma_wait3A_921, %dma_wait3A_922] : memref<10000x128xf32, #tpu.memory_space<vmem_shared>> -> memref<10000x128xf32, #tpu.memory_space<vmem_shared>>
        tpu.wait_indirect_dma semaphore(%run_scoped3A_911 : memref<!tpu.dma_semaphore, #tpu.memory_space<semaphore_mem>>) src(%arg12 : memref<128x128xf32, #tpu.memory_space<vmem>>) dst(%dma_wait3A_923 : memref<10000x128xf32, #tpu.memory_space<vmem_shared>>)
        tpu.yield
      }) : () -> ()
      %add3A_901 = arith.constant 2 : i32
      %add3A_902 = arith.addi %add3A_892, %add3A_901 : i32
      %dma_start3A_903 = arith.constant 0 : i32
      %dma_start3A_904 = arith.constant 0 : i32
      %dma_start3A_905 = tpu.memref_slice %arg10[%add3A_902, %dma_start3A_903, %dma_start3A_904] : memref<6x2x128xi32, #tpu.memory_space<vmem>> -> memref<1x1x128xi32, #tpu.memory_space<vmem>>
      %dma_start3A_906 = tpu.memref_squeeze %dma_start3A_905 : memref<1x1x128xi32, #tpu.memory_space<vmem>> -> memref<128xi32, #tpu.memory_space<vmem>>
      %dma_start3A_907 = arith.constant 0 : i32
      %dma_start3A_908 = arith.constant 0 : i32
      %dma_start3A_909 = tpu.memref_slice %arg2[%dma_start3A_907, %dma_start3A_908] : memref<10000x128xf32, #tpu.memory_space<hbm>> -> memref<10000x128xf32, #tpu.memory_space<hbm>>
      tpu.enqueue_indirect_dma source(%dma_start3A_909 : memref<10000x128xf32, #tpu.memory_space<hbm>>) target(%arg12 : memref<128x128xf32, #tpu.memory_space<vmem>>) offsets(%dma_start3A_906 : memref<128xi32, #tpu.memory_space<vmem>>) semaphore(%arg19 : memref<!tpu.dma_semaphore, #tpu.memory_space<semaphore_mem>>)
      %run_scoped3A_910 = arith.constant 1 : i32
      "tpu.region"() ({
        %run_scoped3A_911 = tpu.sem_alloc : memref<!tpu.dma_semaphore, #tpu.memory_space<semaphore_mem>>
        %dma_start3A_912 = arith.constant 0 : i32
        %dma_start3A_913 = tpu.memref_slice %arg10[%add3A_892, %run_scoped3A_910, %dma_start3A_912] : memref<6x2x128xi32, #tpu.memory_space<vmem>> -> memref<1x1x128xi32, #tpu.memory_space<vmem>>
        %dma_start3A_914 = tpu.memref_squeeze %dma_start3A_913 : memref<1x1x128xi32, #tpu.memory_space<vmem>> -> memref<128xi32, #tpu.memory_space<vmem>>
        %dma_start3A_915 = arith.constant 0 : i32
        %dma_start3A_916 = arith.constant 0 : i32
        %dma_start3A_917 = tpu.memref_slice %arg15[%dma_start3A_915, %dma_start3A_916] : memref<10000x8xf32, #tpu.memory_space<vmem_shared>> -> memref<10000x8xf32, #tpu.memory_space<vmem_shared>>
        tpu.enqueue_indirect_dma source(%arg13 : memref<128x8xf32, #tpu.memory_space<vmem>>) target(%dma_start3A_917 : memref<10000x8xf32, #tpu.memory_space<vmem_shared>>) offsets(%dma_start3A_914 : memref<128xi32, #tpu.memory_space<vmem>>) semaphore(%run_scoped3A_911 : memref<!tpu.dma_semaphore, #tpu.memory_space<semaphore_mem>>) {add = true}
        %dma_wait3A_918 = arith.constant 0 : i32
        %dma_wait3A_919 = tpu.memref_slice %arg10[%add3A_892, %run_scoped3A_910, %dma_wait3A_918] : memref<6x2x128xi32, #tpu.memory_space<vmem>> -> memref<1x1x128xi32, #tpu.memory_space<vmem>>
        %dma_wait3A_920 = tpu.memref_squeeze %dma_wait3A_919 : memref<1x1x128xi32, #tpu.memory_space<vmem>> -> memref<128xi32, #tpu.memory_space<vmem>>
        %dma_wait3A_921 = arith.constant 0 : i32
        %dma_wait3A_922 = arith.constant 0 : i32
        %dma_wait3A_923 = tpu.memref_slice %arg15[%dma_wait3A_921, %dma_wait3A_922] : memref<10000x8xf32, #tpu.memory_space<vmem_shared>> -> memref<10000x8xf32, #tpu.memory_space<vmem_shared>>
        tpu.wait_indirect_dma semaphore(%run_scoped3A_911 : memref<!tpu.dma_semaphore, #tpu.memory_space<semaphore_mem>>) src(%arg13 : memref<128x8xf32, #tpu.memory_space<vmem>>) dst(%dma_wait3A_923 : memref<10000x8xf32, #tpu.memory_space<vmem_shared>>)
        tpu.yield
      }) : () -> ()
    }
    %scan3A_600 = arith.constant 2 : i32
    %dma_wait3A_601 = arith.constant 4 : i32
    %dma_wait3A_602 = arith.constant 0 : i32
    %dma_wait3A_603 = arith.constant 0 : i32
    %dma_wait3A_604 = tpu.memref_slice %arg10[%dma_wait3A_601, %dma_wait3A_602, %dma_wait3A_603] : memref<6x2x128xi32, #tpu.memory_space<vmem>> -> memref<1x1x128xi32, #tpu.memory_space<vmem>>
    %dma_wait3A_605 = tpu.memref_squeeze %dma_wait3A_604 : memref<1x1x128xi32, #tpu.memory_space<vmem>> -> memref<128xi32, #tpu.memory_space<vmem>>
    %dma_wait3A_606 = arith.constant 0 : i32
    %dma_wait3A_607 = arith.constant 0 : i32
    %dma_wait3A_608 = tpu.memref_slice %arg2[%dma_wait3A_606, %dma_wait3A_607] : memref<10000x128xf32, #tpu.memory_space<hbm>> -> memref<10000x128xf32, #tpu.memory_space<hbm>>
    tpu.wait_indirect_dma semaphore(%arg18 : memref<!tpu.dma_semaphore, #tpu.memory_space<semaphore_mem>>) src(%dma_wait3A_608 : memref<10000x128xf32, #tpu.memory_space<hbm>>) dst(%arg11 : memref<128x128xf32, #tpu.memory_space<vmem>>)
    %run_scoped3A_609 = arith.constant 4 : i32
    %run_scoped3A_610 = arith.constant 1 : i32
    "tpu.region"() ({
      %run_scoped3A_866 = tpu.sem_alloc : memref<!tpu.dma_semaphore, #tpu.memory_space<semaphore_mem>>
      %dma_start3A_867 = arith.constant 0 : i32
      %dma_start3A_868 = tpu.memref_slice %arg10[%run_scoped3A_609, %run_scoped3A_610, %dma_start3A_867] : memref<6x2x128xi32, #tpu.memory_space<vmem>> -> memref<1x1x128xi32, #tpu.memory_space<vmem>>
      %dma_start3A_869 = tpu.memref_squeeze %dma_start3A_868 : memref<1x1x128xi32, #tpu.memory_space<vmem>> -> memref<128xi32, #tpu.memory_space<vmem>>
      %dma_start3A_870 = arith.constant 0 : i32
      %dma_start3A_871 = arith.constant 0 : i32
      %dma_start3A_872 = tpu.memref_slice %arg14[%dma_start3A_870, %dma_start3A_871] : memref<10000x128xf32, #tpu.memory_space<vmem_shared>> -> memref<10000x128xf32, #tpu.memory_space<vmem_shared>>
      tpu.enqueue_indirect_dma source(%arg11 : memref<128x128xf32, #tpu.memory_space<vmem>>) target(%dma_start3A_872 : memref<10000x128xf32, #tpu.memory_space<vmem_shared>>) offsets(%dma_start3A_869 : memref<128xi32, #tpu.memory_space<vmem>>) semaphore(%run_scoped3A_866 : memref<!tpu.dma_semaphore, #tpu.memory_space<semaphore_mem>>) {add = true}
      %dma_wait3A_873 = arith.constant 0 : i32
      %dma_wait3A_874 = tpu.memref_slice %arg10[%run_scoped3A_609, %run_scoped3A_610, %dma_wait3A_873] : memref<6x2x128xi32, #tpu.memory_space<vmem>> -> memref<1x1x128xi32, #tpu.memory_space<vmem>>
      %dma_wait3A_875 = tpu.memref_squeeze %dma_wait3A_874 : memref<1x1x128xi32, #tpu.memory_space<vmem>> -> memref<128xi32, #tpu.memory_space<vmem>>
      %dma_wait3A_876 = arith.constant 0 : i32
      %dma_wait3A_877 = arith.constant 0 : i32
      %dma_wait3A_878 = tpu.memref_slice %arg14[%dma_wait3A_876, %dma_wait3A_877] : memref<10000x128xf32, #tpu.memory_space<vmem_shared>> -> memref<10000x128xf32, #tpu.memory_space<vmem_shared>>
      tpu.wait_indirect_dma semaphore(%run_scoped3A_866 : memref<!tpu.dma_semaphore, #tpu.memory_space<semaphore_mem>>) src(%arg11 : memref<128x128xf32, #tpu.memory_space<vmem>>) dst(%dma_wait3A_878 : memref<10000x128xf32, #tpu.memory_space<vmem_shared>>)
      tpu.yield
    }) : () -> ()
    %add3A_611 = arith.constant 60 : i32
    %add3A_612 = arith.addi %mul3A_2, %add3A_611 : i32
    %dma_wait3A_613 = arith.constant 0 : i32
    %dma_wait3A_614 = arith.constant 0 : i32
    %dma_wait3A_615 = tpu.memref_slice %arg3[%add3A_612, %dma_wait3A_613, %dma_wait3A_614] : memref<2500x2x128xi32, #tpu.memory_space<hbm>> -> memref<6x2x128xi32, #tpu.memory_space<hbm>>
    %dma_wait3A_616 = arith.constant 0 : i32
    %dma_wait3A_617 = arith.constant 0 : i32
    %dma_wait3A_618 = tpu.memref_slice %arg3[%add3A_612, %dma_wait3A_616, %dma_wait3A_617] : memref<2500x2x128xi32, #tpu.memory_space<hbm>> -> memref<6x2x128xi32, #tpu.memory_space<hbm>>
    tpu.wait_dma2 semaphore(%arg16 : memref<!tpu.dma_semaphore, #tpu.memory_space<semaphore_mem>>) src(%dma_wait3A_618 : memref<6x2x128xi32, #tpu.memory_space<hbm>>) dst(%arg9 : memref<6x2x128xi32, #tpu.memory_space<vmem>>)
    %dma_start3A_619 = arith.constant 0 : i32
    %dma_start3A_620 = arith.constant 0 : i32
    %dma_start3A_621 = arith.constant 0 : i32
    %dma_start3A_622 = tpu.memref_slice %arg9[%dma_start3A_619, %dma_start3A_620, %dma_start3A_621] : memref<6x2x128xi32, #tpu.memory_space<vmem>> -> memref<1x1x128xi32, #tpu.memory_space<vmem>>
    %dma_start3A_623 = tpu.memref_squeeze %dma_start3A_622 : memref<1x1x128xi32, #tpu.memory_space<vmem>> -> memref<128xi32, #tpu.memory_space<vmem>>
    %dma_start3A_624 = arith.constant 0 : i32
    %dma_start3A_625 = arith.constant 0 : i32
    %dma_start3A_626 = tpu.memref_slice %arg2[%dma_start3A_624, %dma_start3A_625] : memref<10000x128xf32, #tpu.memory_space<hbm>> -> memref<10000x128xf32, #tpu.memory_space<hbm>>
    tpu.enqueue_indirect_dma source(%dma_start3A_626 : memref<10000x128xf32, #tpu.memory_space<hbm>>) target(%arg11 : memref<128x128xf32, #tpu.memory_space<vmem>>) offsets(%dma_start3A_623 : memref<128xi32, #tpu.memory_space<vmem>>) semaphore(%arg18 : memref<!tpu.dma_semaphore, #tpu.memory_space<semaphore_mem>>)
    %run_scoped3A_627 = arith.constant 4 : i32
    %run_scoped3A_628 = arith.constant 1 : i32
    "tpu.region"() ({
      %run_scoped3A_866 = tpu.sem_alloc : memref<!tpu.dma_semaphore, #tpu.memory_space<semaphore_mem>>
      %dma_start3A_867 = arith.constant 0 : i32
      %dma_start3A_868 = tpu.memref_slice %arg10[%run_scoped3A_627, %run_scoped3A_628, %dma_start3A_867] : memref<6x2x128xi32, #tpu.memory_space<vmem>> -> memref<1x1x128xi32, #tpu.memory_space<vmem>>
      %dma_start3A_869 = tpu.memref_squeeze %dma_start3A_868 : memref<1x1x128xi32, #tpu.memory_space<vmem>> -> memref<128xi32, #tpu.memory_space<vmem>>
      %dma_start3A_870 = arith.constant 0 : i32
      %dma_start3A_871 = arith.constant 0 : i32
      %dma_start3A_872 = tpu.memref_slice %arg15[%dma_start3A_870, %dma_start3A_871] : memref<10000x8xf32, #tpu.memory_space<vmem_shared>> -> memref<10000x8xf32, #tpu.memory_space<vmem_shared>>
      tpu.enqueue_indirect_dma source(%arg13 : memref<128x8xf32, #tpu.memory_space<vmem>>) target(%dma_start3A_872 : memref<10000x8xf32, #tpu.memory_space<vmem_shared>>) offsets(%dma_start3A_869 : memref<128xi32, #tpu.memory_space<vmem>>) semaphore(%run_scoped3A_866 : memref<!tpu.dma_semaphore, #tpu.memory_space<semaphore_mem>>) {add = true}
      %dma_wait3A_873 = arith.constant 0 : i32
      %dma_wait3A_874 = tpu.memref_slice %arg10[%run_scoped3A_627, %run_scoped3A_628, %dma_wait3A_873] : memref<6x2x128xi32, #tpu.memory_space<vmem>> -> memref<1x1x128xi32, #tpu.memory_space<vmem>>
      %dma_wait3A_875 = tpu.memref_squeeze %dma_wait3A_874 : memref<1x1x128xi32, #tpu.memory_space<vmem>> -> memref<128xi32, #tpu.memory_space<vmem>>
      %dma_wait3A_876 = arith.constant 0 : i32
      %dma_wait3A_877 = arith.constant 0 : i32
      %dma_wait3A_878 = tpu.memref_slice %arg15[%dma_wait3A_876, %dma_wait3A_877] : memref<10000x8xf32, #tpu.memory_space<vmem_shared>> -> memref<10000x8xf32, #tpu.memory_space<vmem_shared>>
      tpu.wait_indirect_dma semaphore(%run_scoped3A_866 : memref<!tpu.dma_semaphore, #tpu.memory_space<semaphore_mem>>) src(%arg13 : memref<128x8xf32, #tpu.memory_space<vmem>>) dst(%dma_wait3A_878 : memref<10000x8xf32, #tpu.memory_space<vmem_shared>>)
      tpu.yield
    }) : () -> ()
    %dma_wait3A_629 = arith.constant 5 : i32
    %dma_wait3A_630 = arith.constant 0 : i32
    %dma_wait3A_631 = arith.constant 0 : i32
    %dma_wait3A_632 = tpu.memref_slice %arg10[%dma_wait3A_629, %dma_wait3A_630, %dma_wait3A_631] : memref<6x2x128xi32, #tpu.memory_space<vmem>> -> memref<1x1x128xi32, #tpu.memory_space<vmem>>
    %dma_wait3A_633 = tpu.memref_squeeze %dma_wait3A_632 : memref<1x1x128xi32, #tpu.memory_space<vmem>> -> memref<128xi32, #tpu.memory_space<vmem>>
    %dma_wait3A_634 = arith.constant 0 : i32
    %dma_wait3A_635 = arith.constant 0 : i32
    %dma_wait3A_636 = tpu.memref_slice %arg2[%dma_wait3A_634, %dma_wait3A_635] : memref<10000x128xf32, #tpu.memory_space<hbm>> -> memref<10000x128xf32, #tpu.memory_space<hbm>>
    tpu.wait_indirect_dma semaphore(%arg19 : memref<!tpu.dma_semaphore, #tpu.memory_space<semaphore_mem>>) src(%dma_wait3A_636 : memref<10000x128xf32, #tpu.memory_space<hbm>>) dst(%arg12 : memref<128x128xf32, #tpu.memory_space<vmem>>)
    %run_scoped3A_637 = arith.constant 5 : i32
    %run_scoped3A_638 = arith.constant 1 : i32
    "tpu.region"() ({
      %run_scoped3A_866 = tpu.sem_alloc : memref<!tpu.dma_semaphore, #tpu.memory_space<semaphore_mem>>
      %dma_start3A_867 = arith.constant 0 : i32
      %dma_start3A_868 = tpu.memref_slice %arg10[%run_scoped3A_637, %run_scoped3A_638, %dma_start3A_867] : memref<6x2x128xi32, #tpu.memory_space<vmem>> -> memref<1x1x128xi32, #tpu.memory_space<vmem>>
      %dma_start3A_869 = tpu.memref_squeeze %dma_start3A_868 : memref<1x1x128xi32, #tpu.memory_space<vmem>> -> memref<128xi32, #tpu.memory_space<vmem>>
      %dma_start3A_870 = arith.constant 0 : i32
      %dma_start3A_871 = arith.constant 0 : i32
      %dma_start3A_872 = tpu.memref_slice %arg14[%dma_start3A_870, %dma_start3A_871] : memref<10000x128xf32, #tpu.memory_space<vmem_shared>> -> memref<10000x128xf32, #tpu.memory_space<vmem_shared>>
      tpu.enqueue_indirect_dma source(%arg12 : memref<128x128xf32, #tpu.memory_space<vmem>>) target(%dma_start3A_872 : memref<10000x128xf32, #tpu.memory_space<vmem_shared>>) offsets(%dma_start3A_869 : memref<128xi32, #tpu.memory_space<vmem>>) semaphore(%run_scoped3A_866 : memref<!tpu.dma_semaphore, #tpu.memory_space<semaphore_mem>>) {add = true}
      %dma_wait3A_873 = arith.constant 0 : i32
      %dma_wait3A_874 = tpu.memref_slice %arg10[%run_scoped3A_637, %run_scoped3A_638, %dma_wait3A_873] : memref<6x2x128xi32, #tpu.memory_space<vmem>> -> memref<1x1x128xi32, #tpu.memory_space<vmem>>
      %dma_wait3A_875 = tpu.memref_squeeze %dma_wait3A_874 : memref<1x1x128xi32, #tpu.memory_space<vmem>> -> memref<128xi32, #tpu.memory_space<vmem>>
      %dma_wait3A_876 = arith.constant 0 : i32
      %dma_wait3A_877 = arith.constant 0 : i32
      %dma_wait3A_878 = tpu.memref_slice %arg14[%dma_wait3A_876, %dma_wait3A_877] : memref<10000x128xf32, #tpu.memory_space<vmem_shared>> -> memref<10000x128xf32, #tpu.memory_space<vmem_shared>>
      tpu.wait_indirect_dma semaphore(%run_scoped3A_866 : memref<!tpu.dma_semaphore, #tpu.memory_space<semaphore_mem>>) src(%arg12 : memref<128x128xf32, #tpu.memory_space<vmem>>) dst(%dma_wait3A_878 : memref<10000x128xf32, #tpu.memory_space<vmem_shared>>)
      tpu.yield
    }) : () -> ()
    %dma_start3A_639 = arith.constant 1 : i32
    %dma_start3A_640 = arith.constant 0 : i32
    %dma_start3A_641 = arith.constant 0 : i32
    %dma_start3A_642 = tpu.memref_slice %arg9[%dma_start3A_639, %dma_start3A_640, %dma_start3A_641] : memref<6x2x128xi32, #tpu.memory_space<vmem>> -> memref<1x1x128xi32, #tpu.memory_space<vmem>>
    %dma_start3A_643 = tpu.memref_squeeze %dma_start3A_642 : memref<1x1x128xi32, #tpu.memory_space<vmem>> -> memref<128xi32, #tpu.memory_space<vmem>>
    %dma_start3A_644 = arith.constant 0 : i32
    %dma_start3A_645 = arith.constant 0 : i32
    %dma_start3A_646 = tpu.memref_slice %arg2[%dma_start3A_644, %dma_start3A_645] : memref<10000x128xf32, #tpu.memory_space<hbm>> -> memref<10000x128xf32, #tpu.memory_space<hbm>>
    tpu.enqueue_indirect_dma source(%dma_start3A_646 : memref<10000x128xf32, #tpu.memory_space<hbm>>) target(%arg12 : memref<128x128xf32, #tpu.memory_space<vmem>>) offsets(%dma_start3A_643 : memref<128xi32, #tpu.memory_space<vmem>>) semaphore(%arg19 : memref<!tpu.dma_semaphore, #tpu.memory_space<semaphore_mem>>)
    %run_scoped3A_647 = arith.constant 5 : i32
    %run_scoped3A_648 = arith.constant 1 : i32
    "tpu.region"() ({
      %run_scoped3A_866 = tpu.sem_alloc : memref<!tpu.dma_semaphore, #tpu.memory_space<semaphore_mem>>
      %dma_start3A_867 = arith.constant 0 : i32
      %dma_start3A_868 = tpu.memref_slice %arg10[%run_scoped3A_647, %run_scoped3A_648, %dma_start3A_867] : memref<6x2x128xi32, #tpu.memory_space<vmem>> -> memref<1x1x128xi32, #tpu.memory_space<vmem>>
      %dma_start3A_869 = tpu.memref_squeeze %dma_start3A_868 : memref<1x1x128xi32, #tpu.memory_space<vmem>> -> memref<128xi32, #tpu.memory_space<vmem>>
      %dma_start3A_870 = arith.constant 0 : i32
      %dma_start3A_871 = arith.constant 0 : i32
      %dma_start3A_872 = tpu.memref_slice %arg15[%dma_start3A_870, %dma_start3A_871] : memref<10000x8xf32, #tpu.memory_space<vmem_shared>> -> memref<10000x8xf32, #tpu.memory_space<vmem_shared>>
      tpu.enqueue_indirect_dma source(%arg13 : memref<128x8xf32, #tpu.memory_space<vmem>>) target(%dma_start3A_872 : memref<10000x8xf32, #tpu.memory_space<vmem_shared>>) offsets(%dma_start3A_869 : memref<128xi32, #tpu.memory_space<vmem>>) semaphore(%run_scoped3A_866 : memref<!tpu.dma_semaphore, #tpu.memory_space<semaphore_mem>>) {add = true}
      %dma_wait3A_873 = arith.constant 0 : i32
      %dma_wait3A_874 = tpu.memref_slice %arg10[%run_scoped3A_647, %run_scoped3A_648, %dma_wait3A_873] : memref<6x2x128xi32, #tpu.memory_space<vmem>> -> memref<1x1x128xi32, #tpu.memory_space<vmem>>
      %dma_wait3A_875 = tpu.memref_squeeze %dma_wait3A_874 : memref<1x1x128xi32, #tpu.memory_space<vmem>> -> memref<128xi32, #tpu.memory_space<vmem>>
      %dma_wait3A_876 = arith.constant 0 : i32
      %dma_wait3A_877 = arith.constant 0 : i32
      %dma_wait3A_878 = tpu.memref_slice %arg15[%dma_wait3A_876, %dma_wait3A_877] : memref<10000x8xf32, #tpu.memory_space<vmem_shared>> -> memref<10000x8xf32, #tpu.memory_space<vmem_shared>>
      tpu.wait_indirect_dma semaphore(%run_scoped3A_866 : memref<!tpu.dma_semaphore, #tpu.memory_space<semaphore_mem>>) src(%arg13 : memref<128x8xf32, #tpu.memory_space<vmem>>) dst(%dma_wait3A_878 : memref<10000x8xf32, #tpu.memory_space<vmem_shared>>)
      tpu.yield
    }) : () -> ()
    %add3A_649 = arith.constant 66 : i32
    %add3A_650 = arith.addi %mul3A_2, %add3A_649 : i32
    %dma_start3A_651 = arith.constant 0 : i32
    %dma_start3A_652 = arith.constant 0 : i32
    %dma_start3A_653 = tpu.memref_slice %arg3[%add3A_650, %dma_start3A_651, %dma_start3A_652] : memref<2500x2x128xi32, #tpu.memory_space<hbm>> -> memref<6x2x128xi32, #tpu.memory_space<hbm>>
    %dma_start3A_654 = arith.constant 0 : i32
    %dma_start3A_655 = arith.constant 0 : i32
    %dma_start3A_656 = tpu.memref_slice %arg3[%add3A_650, %dma_start3A_654, %dma_start3A_655] : memref<2500x2x128xi32, #tpu.memory_space<hbm>> -> memref<6x2x128xi32, #tpu.memory_space<hbm>>
    tpu.enqueue_dma source(%dma_start3A_656 : memref<6x2x128xi32, #tpu.memory_space<hbm>>) target(%arg10 : memref<6x2x128xi32, #tpu.memory_space<vmem>>) target_semaphore(%arg17 : memref<!tpu.dma_semaphore, #tpu.memory_space<semaphore_mem>>)
    %scan3A_657 = arith.constant 0 : i32
    %scan3A_658 = arith.constant 0 : i32
    %scan3A_659 = arith.constant 2 : i32
    %scan3A_660 = arith.addi %scan3A_658, %scan3A_659 : i32
    %scan3A_661 = arith.constant 1 : i32
    scf.for %scan3A_866 = %scan3A_658 to %scan3A_660 step %scan3A_661  : i32 {
      %mul3A_867 = arith.constant 2 : i32
      %mul3A_868 = arith.muli %mul3A_867, %scan3A_866 : i32
      %add3A_869 = arith.constant 0 : i32
      %add3A_870 = arith.addi %mul3A_868, %add3A_869 : i32
      %dma_wait3A_871 = arith.constant 0 : i32
      %dma_wait3A_872 = arith.constant 0 : i32
      %dma_wait3A_873 = tpu.memref_slice %arg9[%add3A_870, %dma_wait3A_871, %dma_wait3A_872] : memref<6x2x128xi32, #tpu.memory_space<vmem>> -> memref<1x1x128xi32, #tpu.memory_space<vmem>>
      %dma_wait3A_874 = tpu.memref_squeeze %dma_wait3A_873 : memref<1x1x128xi32, #tpu.memory_space<vmem>> -> memref<128xi32, #tpu.memory_space<vmem>>
      %dma_wait3A_875 = arith.constant 0 : i32
      %dma_wait3A_876 = arith.constant 0 : i32
      %dma_wait3A_877 = tpu.memref_slice %arg2[%dma_wait3A_875, %dma_wait3A_876] : memref<10000x128xf32, #tpu.memory_space<hbm>> -> memref<10000x128xf32, #tpu.memory_space<hbm>>
      tpu.wait_indirect_dma semaphore(%arg18 : memref<!tpu.dma_semaphore, #tpu.memory_space<semaphore_mem>>) src(%dma_wait3A_877 : memref<10000x128xf32, #tpu.memory_space<hbm>>) dst(%arg11 : memref<128x128xf32, #tpu.memory_space<vmem>>)
      %run_scoped3A_878 = arith.constant 1 : i32
      "tpu.region"() ({
        %run_scoped3A_911 = tpu.sem_alloc : memref<!tpu.dma_semaphore, #tpu.memory_space<semaphore_mem>>
        %dma_start3A_912 = arith.constant 0 : i32
        %dma_start3A_913 = tpu.memref_slice %arg9[%add3A_870, %run_scoped3A_878, %dma_start3A_912] : memref<6x2x128xi32, #tpu.memory_space<vmem>> -> memref<1x1x128xi32, #tpu.memory_space<vmem>>
        %dma_start3A_914 = tpu.memref_squeeze %dma_start3A_913 : memref<1x1x128xi32, #tpu.memory_space<vmem>> -> memref<128xi32, #tpu.memory_space<vmem>>
        %dma_start3A_915 = arith.constant 0 : i32
        %dma_start3A_916 = arith.constant 0 : i32
        %dma_start3A_917 = tpu.memref_slice %arg14[%dma_start3A_915, %dma_start3A_916] : memref<10000x128xf32, #tpu.memory_space<vmem_shared>> -> memref<10000x128xf32, #tpu.memory_space<vmem_shared>>
        tpu.enqueue_indirect_dma source(%arg11 : memref<128x128xf32, #tpu.memory_space<vmem>>) target(%dma_start3A_917 : memref<10000x128xf32, #tpu.memory_space<vmem_shared>>) offsets(%dma_start3A_914 : memref<128xi32, #tpu.memory_space<vmem>>) semaphore(%run_scoped3A_911 : memref<!tpu.dma_semaphore, #tpu.memory_space<semaphore_mem>>) {add = true}
        %dma_wait3A_918 = arith.constant 0 : i32
        %dma_wait3A_919 = tpu.memref_slice %arg9[%add3A_870, %run_scoped3A_878, %dma_wait3A_918] : memref<6x2x128xi32, #tpu.memory_space<vmem>> -> memref<1x1x128xi32, #tpu.memory_space<vmem>>
        %dma_wait3A_920 = tpu.memref_squeeze %dma_wait3A_919 : memref<1x1x128xi32, #tpu.memory_space<vmem>> -> memref<128xi32, #tpu.memory_space<vmem>>
        %dma_wait3A_921 = arith.constant 0 : i32
        %dma_wait3A_922 = arith.constant 0 : i32
        %dma_wait3A_923 = tpu.memref_slice %arg14[%dma_wait3A_921, %dma_wait3A_922] : memref<10000x128xf32, #tpu.memory_space<vmem_shared>> -> memref<10000x128xf32, #tpu.memory_space<vmem_shared>>
        tpu.wait_indirect_dma semaphore(%run_scoped3A_911 : memref<!tpu.dma_semaphore, #tpu.memory_space<semaphore_mem>>) src(%arg11 : memref<128x128xf32, #tpu.memory_space<vmem>>) dst(%dma_wait3A_923 : memref<10000x128xf32, #tpu.memory_space<vmem_shared>>)
        tpu.yield
      }) : () -> ()
      %add3A_879 = arith.constant 2 : i32
      %add3A_880 = arith.addi %add3A_870, %add3A_879 : i32
      %dma_start3A_881 = arith.constant 0 : i32
      %dma_start3A_882 = arith.constant 0 : i32
      %dma_start3A_883 = tpu.memref_slice %arg9[%add3A_880, %dma_start3A_881, %dma_start3A_882] : memref<6x2x128xi32, #tpu.memory_space<vmem>> -> memref<1x1x128xi32, #tpu.memory_space<vmem>>
      %dma_start3A_884 = tpu.memref_squeeze %dma_start3A_883 : memref<1x1x128xi32, #tpu.memory_space<vmem>> -> memref<128xi32, #tpu.memory_space<vmem>>
      %dma_start3A_885 = arith.constant 0 : i32
      %dma_start3A_886 = arith.constant 0 : i32
      %dma_start3A_887 = tpu.memref_slice %arg2[%dma_start3A_885, %dma_start3A_886] : memref<10000x128xf32, #tpu.memory_space<hbm>> -> memref<10000x128xf32, #tpu.memory_space<hbm>>
      tpu.enqueue_indirect_dma source(%dma_start3A_887 : memref<10000x128xf32, #tpu.memory_space<hbm>>) target(%arg11 : memref<128x128xf32, #tpu.memory_space<vmem>>) offsets(%dma_start3A_884 : memref<128xi32, #tpu.memory_space<vmem>>) semaphore(%arg18 : memref<!tpu.dma_semaphore, #tpu.memory_space<semaphore_mem>>)
      %run_scoped3A_888 = arith.constant 1 : i32
      "tpu.region"() ({
        %run_scoped3A_911 = tpu.sem_alloc : memref<!tpu.dma_semaphore, #tpu.memory_space<semaphore_mem>>
        %dma_start3A_912 = arith.constant 0 : i32
        %dma_start3A_913 = tpu.memref_slice %arg9[%add3A_870, %run_scoped3A_888, %dma_start3A_912] : memref<6x2x128xi32, #tpu.memory_space<vmem>> -> memref<1x1x128xi32, #tpu.memory_space<vmem>>
        %dma_start3A_914 = tpu.memref_squeeze %dma_start3A_913 : memref<1x1x128xi32, #tpu.memory_space<vmem>> -> memref<128xi32, #tpu.memory_space<vmem>>
        %dma_start3A_915 = arith.constant 0 : i32
        %dma_start3A_916 = arith.constant 0 : i32
        %dma_start3A_917 = tpu.memref_slice %arg15[%dma_start3A_915, %dma_start3A_916] : memref<10000x8xf32, #tpu.memory_space<vmem_shared>> -> memref<10000x8xf32, #tpu.memory_space<vmem_shared>>
        tpu.enqueue_indirect_dma source(%arg13 : memref<128x8xf32, #tpu.memory_space<vmem>>) target(%dma_start3A_917 : memref<10000x8xf32, #tpu.memory_space<vmem_shared>>) offsets(%dma_start3A_914 : memref<128xi32, #tpu.memory_space<vmem>>) semaphore(%run_scoped3A_911 : memref<!tpu.dma_semaphore, #tpu.memory_space<semaphore_mem>>) {add = true}
        %dma_wait3A_918 = arith.constant 0 : i32
        %dma_wait3A_919 = tpu.memref_slice %arg9[%add3A_870, %run_scoped3A_888, %dma_wait3A_918] : memref<6x2x128xi32, #tpu.memory_space<vmem>> -> memref<1x1x128xi32, #tpu.memory_space<vmem>>
        %dma_wait3A_920 = tpu.memref_squeeze %dma_wait3A_919 : memref<1x1x128xi32, #tpu.memory_space<vmem>> -> memref<128xi32, #tpu.memory_space<vmem>>
        %dma_wait3A_921 = arith.constant 0 : i32
        %dma_wait3A_922 = arith.constant 0 : i32
        %dma_wait3A_923 = tpu.memref_slice %arg15[%dma_wait3A_921, %dma_wait3A_922] : memref<10000x8xf32, #tpu.memory_space<vmem_shared>> -> memref<10000x8xf32, #tpu.memory_space<vmem_shared>>
        tpu.wait_indirect_dma semaphore(%run_scoped3A_911 : memref<!tpu.dma_semaphore, #tpu.memory_space<semaphore_mem>>) src(%arg13 : memref<128x8xf32, #tpu.memory_space<vmem>>) dst(%dma_wait3A_923 : memref<10000x8xf32, #tpu.memory_space<vmem_shared>>)
        tpu.yield
      }) : () -> ()
      %mul3A_889 = arith.constant 2 : i32
      %mul3A_890 = arith.muli %mul3A_889, %scan3A_866 : i32
      %add3A_891 = arith.constant 1 : i32
      %add3A_892 = arith.addi %mul3A_890, %add3A_891 : i32
      %dma_wait3A_893 = arith.constant 0 : i32
      %dma_wait3A_894 = arith.constant 0 : i32
      %dma_wait3A_895 = tpu.memref_slice %arg9[%add3A_892, %dma_wait3A_893, %dma_wait3A_894] : memref<6x2x128xi32, #tpu.memory_space<vmem>> -> memref<1x1x128xi32, #tpu.memory_space<vmem>>
      %dma_wait3A_896 = tpu.memref_squeeze %dma_wait3A_895 : memref<1x1x128xi32, #tpu.memory_space<vmem>> -> memref<128xi32, #tpu.memory_space<vmem>>
      %dma_wait3A_897 = arith.constant 0 : i32
      %dma_wait3A_898 = arith.constant 0 : i32
      %dma_wait3A_899 = tpu.memref_slice %arg2[%dma_wait3A_897, %dma_wait3A_898] : memref<10000x128xf32, #tpu.memory_space<hbm>> -> memref<10000x128xf32, #tpu.memory_space<hbm>>
      tpu.wait_indirect_dma semaphore(%arg19 : memref<!tpu.dma_semaphore, #tpu.memory_space<semaphore_mem>>) src(%dma_wait3A_899 : memref<10000x128xf32, #tpu.memory_space<hbm>>) dst(%arg12 : memref<128x128xf32, #tpu.memory_space<vmem>>)
      %run_scoped3A_900 = arith.constant 1 : i32
      "tpu.region"() ({
        %run_scoped3A_911 = tpu.sem_alloc : memref<!tpu.dma_semaphore, #tpu.memory_space<semaphore_mem>>
        %dma_start3A_912 = arith.constant 0 : i32
        %dma_start3A_913 = tpu.memref_slice %arg9[%add3A_892, %run_scoped3A_900, %dma_start3A_912] : memref<6x2x128xi32, #tpu.memory_space<vmem>> -> memref<1x1x128xi32, #tpu.memory_space<vmem>>
        %dma_start3A_914 = tpu.memref_squeeze %dma_start3A_913 : memref<1x1x128xi32, #tpu.memory_space<vmem>> -> memref<128xi32, #tpu.memory_space<vmem>>
        %dma_start3A_915 = arith.constant 0 : i32
        %dma_start3A_916 = arith.constant 0 : i32
        %dma_start3A_917 = tpu.memref_slice %arg14[%dma_start3A_915, %dma_start3A_916] : memref<10000x128xf32, #tpu.memory_space<vmem_shared>> -> memref<10000x128xf32, #tpu.memory_space<vmem_shared>>
        tpu.enqueue_indirect_dma source(%arg12 : memref<128x128xf32, #tpu.memory_space<vmem>>) target(%dma_start3A_917 : memref<10000x128xf32, #tpu.memory_space<vmem_shared>>) offsets(%dma_start3A_914 : memref<128xi32, #tpu.memory_space<vmem>>) semaphore(%run_scoped3A_911 : memref<!tpu.dma_semaphore, #tpu.memory_space<semaphore_mem>>) {add = true}
        %dma_wait3A_918 = arith.constant 0 : i32
        %dma_wait3A_919 = tpu.memref_slice %arg9[%add3A_892, %run_scoped3A_900, %dma_wait3A_918] : memref<6x2x128xi32, #tpu.memory_space<vmem>> -> memref<1x1x128xi32, #tpu.memory_space<vmem>>
        %dma_wait3A_920 = tpu.memref_squeeze %dma_wait3A_919 : memref<1x1x128xi32, #tpu.memory_space<vmem>> -> memref<128xi32, #tpu.memory_space<vmem>>
        %dma_wait3A_921 = arith.constant 0 : i32
        %dma_wait3A_922 = arith.constant 0 : i32
        %dma_wait3A_923 = tpu.memref_slice %arg14[%dma_wait3A_921, %dma_wait3A_922] : memref<10000x128xf32, #tpu.memory_space<vmem_shared>> -> memref<10000x128xf32, #tpu.memory_space<vmem_shared>>
        tpu.wait_indirect_dma semaphore(%run_scoped3A_911 : memref<!tpu.dma_semaphore, #tpu.memory_space<semaphore_mem>>) src(%arg12 : memref<128x128xf32, #tpu.memory_space<vmem>>) dst(%dma_wait3A_923 : memref<10000x128xf32, #tpu.memory_space<vmem_shared>>)
        tpu.yield
      }) : () -> ()
      %add3A_901 = arith.constant 2 : i32
      %add3A_902 = arith.addi %add3A_892, %add3A_901 : i32
      %dma_start3A_903 = arith.constant 0 : i32
      %dma_start3A_904 = arith.constant 0 : i32
      %dma_start3A_905 = tpu.memref_slice %arg9[%add3A_902, %dma_start3A_903, %dma_start3A_904] : memref<6x2x128xi32, #tpu.memory_space<vmem>> -> memref<1x1x128xi32, #tpu.memory_space<vmem>>
      %dma_start3A_906 = tpu.memref_squeeze %dma_start3A_905 : memref<1x1x128xi32, #tpu.memory_space<vmem>> -> memref<128xi32, #tpu.memory_space<vmem>>
      %dma_start3A_907 = arith.constant 0 : i32
      %dma_start3A_908 = arith.constant 0 : i32
      %dma_start3A_909 = tpu.memref_slice %arg2[%dma_start3A_907, %dma_start3A_908] : memref<10000x128xf32, #tpu.memory_space<hbm>> -> memref<10000x128xf32, #tpu.memory_space<hbm>>
      tpu.enqueue_indirect_dma source(%dma_start3A_909 : memref<10000x128xf32, #tpu.memory_space<hbm>>) target(%arg12 : memref<128x128xf32, #tpu.memory_space<vmem>>) offsets(%dma_start3A_906 : memref<128xi32, #tpu.memory_space<vmem>>) semaphore(%arg19 : memref<!tpu.dma_semaphore, #tpu.memory_space<semaphore_mem>>)
      %run_scoped3A_910 = arith.constant 1 : i32
      "tpu.region"() ({
        %run_scoped3A_911 = tpu.sem_alloc : memref<!tpu.dma_semaphore, #tpu.memory_space<semaphore_mem>>
        %dma_start3A_912 = arith.constant 0 : i32
        %dma_start3A_913 = tpu.memref_slice %arg9[%add3A_892, %run_scoped3A_910, %dma_start3A_912] : memref<6x2x128xi32, #tpu.memory_space<vmem>> -> memref<1x1x128xi32, #tpu.memory_space<vmem>>
        %dma_start3A_914 = tpu.memref_squeeze %dma_start3A_913 : memref<1x1x128xi32, #tpu.memory_space<vmem>> -> memref<128xi32, #tpu.memory_space<vmem>>
        %dma_start3A_915 = arith.constant 0 : i32
        %dma_start3A_916 = arith.constant 0 : i32
        %dma_start3A_917 = tpu.memref_slice %arg15[%dma_start3A_915, %dma_start3A_916] : memref<10000x8xf32, #tpu.memory_space<vmem_shared>> -> memref<10000x8xf32, #tpu.memory_space<vmem_shared>>
        tpu.enqueue_indirect_dma source(%arg13 : memref<128x8xf32, #tpu.memory_space<vmem>>) target(%dma_start3A_917 : memref<10000x8xf32, #tpu.memory_space<vmem_shared>>) offsets(%dma_start3A_914 : memref<128xi32, #tpu.memory_space<vmem>>) semaphore(%run_scoped3A_911 : memref<!tpu.dma_semaphore, #tpu.memory_space<semaphore_mem>>) {add = true}
        %dma_wait3A_918 = arith.constant 0 : i32
        %dma_wait3A_919 = tpu.memref_slice %arg9[%add3A_892, %run_scoped3A_910, %dma_wait3A_918] : memref<6x2x128xi32, #tpu.memory_space<vmem>> -> memref<1x1x128xi32, #tpu.memory_space<vmem>>
        %dma_wait3A_920 = tpu.memref_squeeze %dma_wait3A_919 : memref<1x1x128xi32, #tpu.memory_space<vmem>> -> memref<128xi32, #tpu.memory_space<vmem>>
        %dma_wait3A_921 = arith.constant 0 : i32
        %dma_wait3A_922 = arith.constant 0 : i32
        %dma_wait3A_923 = tpu.memref_slice %arg15[%dma_wait3A_921, %dma_wait3A_922] : memref<10000x8xf32, #tpu.memory_space<vmem_shared>> -> memref<10000x8xf32, #tpu.memory_space<vmem_shared>>
        tpu.wait_indirect_dma semaphore(%run_scoped3A_911 : memref<!tpu.dma_semaphore, #tpu.memory_space<semaphore_mem>>) src(%arg13 : memref<128x8xf32, #tpu.memory_space<vmem>>) dst(%dma_wait3A_923 : memref<10000x8xf32, #tpu.memory_space<vmem_shared>>)
        tpu.yield
      }) : () -> ()
    }
    %scan3A_662 = arith.constant 2 : i32
    %dma_wait3A_663 = arith.constant 4 : i32
    %dma_wait3A_664 = arith.constant 0 : i32
    %dma_wait3A_665 = arith.constant 0 : i32
    %dma_wait3A_666 = tpu.memref_slice %arg9[%dma_wait3A_663, %dma_wait3A_664, %dma_wait3A_665] : memref<6x2x128xi32, #tpu.memory_space<vmem>> -> memref<1x1x128xi32, #tpu.memory_space<vmem>>
    %dma_wait3A_667 = tpu.memref_squeeze %dma_wait3A_666 : memref<1x1x128xi32, #tpu.memory_space<vmem>> -> memref<128xi32, #tpu.memory_space<vmem>>
    %dma_wait3A_668 = arith.constant 0 : i32
    %dma_wait3A_669 = arith.constant 0 : i32
    %dma_wait3A_670 = tpu.memref_slice %arg2[%dma_wait3A_668, %dma_wait3A_669] : memref<10000x128xf32, #tpu.memory_space<hbm>> -> memref<10000x128xf32, #tpu.memory_space<hbm>>
    tpu.wait_indirect_dma semaphore(%arg18 : memref<!tpu.dma_semaphore, #tpu.memory_space<semaphore_mem>>) src(%dma_wait3A_670 : memref<10000x128xf32, #tpu.memory_space<hbm>>) dst(%arg11 : memref<128x128xf32, #tpu.memory_space<vmem>>)
    %run_scoped3A_671 = arith.constant 4 : i32
    %run_scoped3A_672 = arith.constant 1 : i32
    "tpu.region"() ({
      %run_scoped3A_866 = tpu.sem_alloc : memref<!tpu.dma_semaphore, #tpu.memory_space<semaphore_mem>>
      %dma_start3A_867 = arith.constant 0 : i32
      %dma_start3A_868 = tpu.memref_slice %arg9[%run_scoped3A_671, %run_scoped3A_672, %dma_start3A_867] : memref<6x2x128xi32, #tpu.memory_space<vmem>> -> memref<1x1x128xi32, #tpu.memory_space<vmem>>
      %dma_start3A_869 = tpu.memref_squeeze %dma_start3A_868 : memref<1x1x128xi32, #tpu.memory_space<vmem>> -> memref<128xi32, #tpu.memory_space<vmem>>
      %dma_start3A_870 = arith.constant 0 : i32
      %dma_start3A_871 = arith.constant 0 : i32
      %dma_start3A_872 = tpu.memref_slice %arg14[%dma_start3A_870, %dma_start3A_871] : memref<10000x128xf32, #tpu.memory_space<vmem_shared>> -> memref<10000x128xf32, #tpu.memory_space<vmem_shared>>
      tpu.enqueue_indirect_dma source(%arg11 : memref<128x128xf32, #tpu.memory_space<vmem>>) target(%dma_start3A_872 : memref<10000x128xf32, #tpu.memory_space<vmem_shared>>) offsets(%dma_start3A_869 : memref<128xi32, #tpu.memory_space<vmem>>) semaphore(%run_scoped3A_866 : memref<!tpu.dma_semaphore, #tpu.memory_space<semaphore_mem>>) {add = true}
      %dma_wait3A_873 = arith.constant 0 : i32
      %dma_wait3A_874 = tpu.memref_slice %arg9[%run_scoped3A_671, %run_scoped3A_672, %dma_wait3A_873] : memref<6x2x128xi32, #tpu.memory_space<vmem>> -> memref<1x1x128xi32, #tpu.memory_space<vmem>>
      %dma_wait3A_875 = tpu.memref_squeeze %dma_wait3A_874 : memref<1x1x128xi32, #tpu.memory_space<vmem>> -> memref<128xi32, #tpu.memory_space<vmem>>
      %dma_wait3A_876 = arith.constant 0 : i32
      %dma_wait3A_877 = arith.constant 0 : i32
      %dma_wait3A_878 = tpu.memref_slice %arg14[%dma_wait3A_876, %dma_wait3A_877] : memref<10000x128xf32, #tpu.memory_space<vmem_shared>> -> memref<10000x128xf32, #tpu.memory_space<vmem_shared>>
      tpu.wait_indirect_dma semaphore(%run_scoped3A_866 : memref<!tpu.dma_semaphore, #tpu.memory_space<semaphore_mem>>) src(%arg11 : memref<128x128xf32, #tpu.memory_space<vmem>>) dst(%dma_wait3A_878 : memref<10000x128xf32, #tpu.memory_space<vmem_shared>>)
      tpu.yield
    }) : () -> ()
    %add3A_673 = arith.constant 66 : i32
    %add3A_674 = arith.addi %mul3A_2, %add3A_673 : i32
    %dma_wait3A_675 = arith.constant 0 : i32
    %dma_wait3A_676 = arith.constant 0 : i32
    %dma_wait3A_677 = tpu.memref_slice %arg3[%add3A_674, %dma_wait3A_675, %dma_wait3A_676] : memref<2500x2x128xi32, #tpu.memory_space<hbm>> -> memref<6x2x128xi32, #tpu.memory_space<hbm>>
    %dma_wait3A_678 = arith.constant 0 : i32
    %dma_wait3A_679 = arith.constant 0 : i32
    %dma_wait3A_680 = tpu.memref_slice %arg3[%add3A_674, %dma_wait3A_678, %dma_wait3A_679] : memref<2500x2x128xi32, #tpu.memory_space<hbm>> -> memref<6x2x128xi32, #tpu.memory_space<hbm>>
    tpu.wait_dma2 semaphore(%arg17 : memref<!tpu.dma_semaphore, #tpu.memory_space<semaphore_mem>>) src(%dma_wait3A_680 : memref<6x2x128xi32, #tpu.memory_space<hbm>>) dst(%arg10 : memref<6x2x128xi32, #tpu.memory_space<vmem>>)
    %dma_start3A_681 = arith.constant 0 : i32
    %dma_start3A_682 = arith.constant 0 : i32
    %dma_start3A_683 = arith.constant 0 : i32
    %dma_start3A_684 = tpu.memref_slice %arg10[%dma_start3A_681, %dma_start3A_682, %dma_start3A_683] : memref<6x2x128xi32, #tpu.memory_space<vmem>> -> memref<1x1x128xi32, #tpu.memory_space<vmem>>
    %dma_start3A_685 = tpu.memref_squeeze %dma_start3A_684 : memref<1x1x128xi32, #tpu.memory_space<vmem>> -> memref<128xi32, #tpu.memory_space<vmem>>
    %dma_start3A_686 = arith.constant 0 : i32
    %dma_start3A_687 = arith.constant 0 : i32
    %dma_start3A_688 = tpu.memref_slice %arg2[%dma_start3A_686, %dma_start3A_687] : memref<10000x128xf32, #tpu.memory_space<hbm>> -> memref<10000x128xf32, #tpu.memory_space<hbm>>
    tpu.enqueue_indirect_dma source(%dma_start3A_688 : memref<10000x128xf32, #tpu.memory_space<hbm>>) target(%arg11 : memref<128x128xf32, #tpu.memory_space<vmem>>) offsets(%dma_start3A_685 : memref<128xi32, #tpu.memory_space<vmem>>) semaphore(%arg18 : memref<!tpu.dma_semaphore, #tpu.memory_space<semaphore_mem>>)
    %run_scoped3A_689 = arith.constant 4 : i32
    %run_scoped3A_690 = arith.constant 1 : i32
    "tpu.region"() ({
      %run_scoped3A_866 = tpu.sem_alloc : memref<!tpu.dma_semaphore, #tpu.memory_space<semaphore_mem>>
      %dma_start3A_867 = arith.constant 0 : i32
      %dma_start3A_868 = tpu.memref_slice %arg9[%run_scoped3A_689, %run_scoped3A_690, %dma_start3A_867] : memref<6x2x128xi32, #tpu.memory_space<vmem>> -> memref<1x1x128xi32, #tpu.memory_space<vmem>>
      %dma_start3A_869 = tpu.memref_squeeze %dma_start3A_868 : memref<1x1x128xi32, #tpu.memory_space<vmem>> -> memref<128xi32, #tpu.memory_space<vmem>>
      %dma_start3A_870 = arith.constant 0 : i32
      %dma_start3A_871 = arith.constant 0 : i32
      %dma_start3A_872 = tpu.memref_slice %arg15[%dma_start3A_870, %dma_start3A_871] : memref<10000x8xf32, #tpu.memory_space<vmem_shared>> -> memref<10000x8xf32, #tpu.memory_space<vmem_shared>>
      tpu.enqueue_indirect_dma source(%arg13 : memref<128x8xf32, #tpu.memory_space<vmem>>) target(%dma_start3A_872 : memref<10000x8xf32, #tpu.memory_space<vmem_shared>>) offsets(%dma_start3A_869 : memref<128xi32, #tpu.memory_space<vmem>>) semaphore(%run_scoped3A_866 : memref<!tpu.dma_semaphore, #tpu.memory_space<semaphore_mem>>) {add = true}
      %dma_wait3A_873 = arith.constant 0 : i32
      %dma_wait3A_874 = tpu.memref_slice %arg9[%run_scoped3A_689, %run_scoped3A_690, %dma_wait3A_873] : memref<6x2x128xi32, #tpu.memory_space<vmem>> -> memref<1x1x128xi32, #tpu.memory_space<vmem>>
      %dma_wait3A_875 = tpu.memref_squeeze %dma_wait3A_874 : memref<1x1x128xi32, #tpu.memory_space<vmem>> -> memref<128xi32, #tpu.memory_space<vmem>>
      %dma_wait3A_876 = arith.constant 0 : i32
      %dma_wait3A_877 = arith.constant 0 : i32
      %dma_wait3A_878 = tpu.memref_slice %arg15[%dma_wait3A_876, %dma_wait3A_877] : memref<10000x8xf32, #tpu.memory_space<vmem_shared>> -> memref<10000x8xf32, #tpu.memory_space<vmem_shared>>
      tpu.wait_indirect_dma semaphore(%run_scoped3A_866 : memref<!tpu.dma_semaphore, #tpu.memory_space<semaphore_mem>>) src(%arg13 : memref<128x8xf32, #tpu.memory_space<vmem>>) dst(%dma_wait3A_878 : memref<10000x8xf32, #tpu.memory_space<vmem_shared>>)
      tpu.yield
    }) : () -> ()
    %dma_wait3A_691 = arith.constant 5 : i32
    %dma_wait3A_692 = arith.constant 0 : i32
    %dma_wait3A_693 = arith.constant 0 : i32
    %dma_wait3A_694 = tpu.memref_slice %arg9[%dma_wait3A_691, %dma_wait3A_692, %dma_wait3A_693] : memref<6x2x128xi32, #tpu.memory_space<vmem>> -> memref<1x1x128xi32, #tpu.memory_space<vmem>>
    %dma_wait3A_695 = tpu.memref_squeeze %dma_wait3A_694 : memref<1x1x128xi32, #tpu.memory_space<vmem>> -> memref<128xi32, #tpu.memory_space<vmem>>
    %dma_wait3A_696 = arith.constant 0 : i32
    %dma_wait3A_697 = arith.constant 0 : i32
    %dma_wait3A_698 = tpu.memref_slice %arg2[%dma_wait3A_696, %dma_wait3A_697] : memref<10000x128xf32, #tpu.memory_space<hbm>> -> memref<10000x128xf32, #tpu.memory_space<hbm>>
    tpu.wait_indirect_dma semaphore(%arg19 : memref<!tpu.dma_semaphore, #tpu.memory_space<semaphore_mem>>) src(%dma_wait3A_698 : memref<10000x128xf32, #tpu.memory_space<hbm>>) dst(%arg12 : memref<128x128xf32, #tpu.memory_space<vmem>>)
    %run_scoped3A_699 = arith.constant 5 : i32
    %run_scoped3A_700 = arith.constant 1 : i32
    "tpu.region"() ({
      %run_scoped3A_866 = tpu.sem_alloc : memref<!tpu.dma_semaphore, #tpu.memory_space<semaphore_mem>>
      %dma_start3A_867 = arith.constant 0 : i32
      %dma_start3A_868 = tpu.memref_slice %arg9[%run_scoped3A_699, %run_scoped3A_700, %dma_start3A_867] : memref<6x2x128xi32, #tpu.memory_space<vmem>> -> memref<1x1x128xi32, #tpu.memory_space<vmem>>
      %dma_start3A_869 = tpu.memref_squeeze %dma_start3A_868 : memref<1x1x128xi32, #tpu.memory_space<vmem>> -> memref<128xi32, #tpu.memory_space<vmem>>
      %dma_start3A_870 = arith.constant 0 : i32
      %dma_start3A_871 = arith.constant 0 : i32
      %dma_start3A_872 = tpu.memref_slice %arg14[%dma_start3A_870, %dma_start3A_871] : memref<10000x128xf32, #tpu.memory_space<vmem_shared>> -> memref<10000x128xf32, #tpu.memory_space<vmem_shared>>
      tpu.enqueue_indirect_dma source(%arg12 : memref<128x128xf32, #tpu.memory_space<vmem>>) target(%dma_start3A_872 : memref<10000x128xf32, #tpu.memory_space<vmem_shared>>) offsets(%dma_start3A_869 : memref<128xi32, #tpu.memory_space<vmem>>) semaphore(%run_scoped3A_866 : memref<!tpu.dma_semaphore, #tpu.memory_space<semaphore_mem>>) {add = true}
      %dma_wait3A_873 = arith.constant 0 : i32
      %dma_wait3A_874 = tpu.memref_slice %arg9[%run_scoped3A_699, %run_scoped3A_700, %dma_wait3A_873] : memref<6x2x128xi32, #tpu.memory_space<vmem>> -> memref<1x1x128xi32, #tpu.memory_space<vmem>>
      %dma_wait3A_875 = tpu.memref_squeeze %dma_wait3A_874 : memref<1x1x128xi32, #tpu.memory_space<vmem>> -> memref<128xi32, #tpu.memory_space<vmem>>
      %dma_wait3A_876 = arith.constant 0 : i32
      %dma_wait3A_877 = arith.constant 0 : i32
      %dma_wait3A_878 = tpu.memref_slice %arg14[%dma_wait3A_876, %dma_wait3A_877] : memref<10000x128xf32, #tpu.memory_space<vmem_shared>> -> memref<10000x128xf32, #tpu.memory_space<vmem_shared>>
      tpu.wait_indirect_dma semaphore(%run_scoped3A_866 : memref<!tpu.dma_semaphore, #tpu.memory_space<semaphore_mem>>) src(%arg12 : memref<128x128xf32, #tpu.memory_space<vmem>>) dst(%dma_wait3A_878 : memref<10000x128xf32, #tpu.memory_space<vmem_shared>>)
      tpu.yield
    }) : () -> ()
    %dma_start3A_701 = arith.constant 1 : i32
    %dma_start3A_702 = arith.constant 0 : i32
    %dma_start3A_703 = arith.constant 0 : i32
    %dma_start3A_704 = tpu.memref_slice %arg10[%dma_start3A_701, %dma_start3A_702, %dma_start3A_703] : memref<6x2x128xi32, #tpu.memory_space<vmem>> -> memref<1x1x128xi32, #tpu.memory_space<vmem>>
    %dma_start3A_705 = tpu.memref_squeeze %dma_start3A_704 : memref<1x1x128xi32, #tpu.memory_space<vmem>> -> memref<128xi32, #tpu.memory_space<vmem>>
    %dma_start3A_706 = arith.constant 0 : i32
    %dma_start3A_707 = arith.constant 0 : i32
    %dma_start3A_708 = tpu.memref_slice %arg2[%dma_start3A_706, %dma_start3A_707] : memref<10000x128xf32, #tpu.memory_space<hbm>> -> memref<10000x128xf32, #tpu.memory_space<hbm>>
    tpu.enqueue_indirect_dma source(%dma_start3A_708 : memref<10000x128xf32, #tpu.memory_space<hbm>>) target(%arg12 : memref<128x128xf32, #tpu.memory_space<vmem>>) offsets(%dma_start3A_705 : memref<128xi32, #tpu.memory_space<vmem>>) semaphore(%arg19 : memref<!tpu.dma_semaphore, #tpu.memory_space<semaphore_mem>>)
    %run_scoped3A_709 = arith.constant 5 : i32
    %run_scoped3A_710 = arith.constant 1 : i32
    "tpu.region"() ({
      %run_scoped3A_866 = tpu.sem_alloc : memref<!tpu.dma_semaphore, #tpu.memory_space<semaphore_mem>>
      %dma_start3A_867 = arith.constant 0 : i32
      %dma_start3A_868 = tpu.memref_slice %arg9[%run_scoped3A_709, %run_scoped3A_710, %dma_start3A_867] : memref<6x2x128xi32, #tpu.memory_space<vmem>> -> memref<1x1x128xi32, #tpu.memory_space<vmem>>
      %dma_start3A_869 = tpu.memref_squeeze %dma_start3A_868 : memref<1x1x128xi32, #tpu.memory_space<vmem>> -> memref<128xi32, #tpu.memory_space<vmem>>
      %dma_start3A_870 = arith.constant 0 : i32
      %dma_start3A_871 = arith.constant 0 : i32
      %dma_start3A_872 = tpu.memref_slice %arg15[%dma_start3A_870, %dma_start3A_871] : memref<10000x8xf32, #tpu.memory_space<vmem_shared>> -> memref<10000x8xf32, #tpu.memory_space<vmem_shared>>
      tpu.enqueue_indirect_dma source(%arg13 : memref<128x8xf32, #tpu.memory_space<vmem>>) target(%dma_start3A_872 : memref<10000x8xf32, #tpu.memory_space<vmem_shared>>) offsets(%dma_start3A_869 : memref<128xi32, #tpu.memory_space<vmem>>) semaphore(%run_scoped3A_866 : memref<!tpu.dma_semaphore, #tpu.memory_space<semaphore_mem>>) {add = true}
      %dma_wait3A_873 = arith.constant 0 : i32
      %dma_wait3A_874 = tpu.memref_slice %arg9[%run_scoped3A_709, %run_scoped3A_710, %dma_wait3A_873] : memref<6x2x128xi32, #tpu.memory_space<vmem>> -> memref<1x1x128xi32, #tpu.memory_space<vmem>>
      %dma_wait3A_875 = tpu.memref_squeeze %dma_wait3A_874 : memref<1x1x128xi32, #tpu.memory_space<vmem>> -> memref<128xi32, #tpu.memory_space<vmem>>
      %dma_wait3A_876 = arith.constant 0 : i32
      %dma_wait3A_877 = arith.constant 0 : i32
      %dma_wait3A_878 = tpu.memref_slice %arg15[%dma_wait3A_876, %dma_wait3A_877] : memref<10000x8xf32, #tpu.memory_space<vmem_shared>> -> memref<10000x8xf32, #tpu.memory_space<vmem_shared>>
      tpu.wait_indirect_dma semaphore(%run_scoped3A_866 : memref<!tpu.dma_semaphore, #tpu.memory_space<semaphore_mem>>) src(%arg13 : memref<128x8xf32, #tpu.memory_space<vmem>>) dst(%dma_wait3A_878 : memref<10000x8xf32, #tpu.memory_space<vmem_shared>>)
      tpu.yield
    }) : () -> ()
    %add3A_711 = arith.constant 72 : i32
    %add3A_712 = arith.addi %mul3A_2, %add3A_711 : i32
    %dma_start3A_713 = arith.constant 0 : i32
    %dma_start3A_714 = arith.constant 0 : i32
    %dma_start3A_715 = tpu.memref_slice %arg3[%add3A_712, %dma_start3A_713, %dma_start3A_714] : memref<2500x2x128xi32, #tpu.memory_space<hbm>> -> memref<6x2x128xi32, #tpu.memory_space<hbm>>
    %dma_start3A_716 = arith.constant 0 : i32
    %dma_start3A_717 = arith.constant 0 : i32
    %dma_start3A_718 = tpu.memref_slice %arg3[%add3A_712, %dma_start3A_716, %dma_start3A_717] : memref<2500x2x128xi32, #tpu.memory_space<hbm>> -> memref<6x2x128xi32, #tpu.memory_space<hbm>>
    tpu.enqueue_dma source(%dma_start3A_718 : memref<6x2x128xi32, #tpu.memory_space<hbm>>) target(%arg9 : memref<6x2x128xi32, #tpu.memory_space<vmem>>) target_semaphore(%arg16 : memref<!tpu.dma_semaphore, #tpu.memory_space<semaphore_mem>>)
    %scan3A_719 = arith.constant 0 : i32
    %scan3A_720 = arith.constant 0 : i32
    %scan3A_721 = arith.constant 2 : i32
    %scan3A_722 = arith.addi %scan3A_720, %scan3A_721 : i32
    %scan3A_723 = arith.constant 1 : i32
    scf.for %scan3A_866 = %scan3A_720 to %scan3A_722 step %scan3A_723  : i32 {
      %mul3A_867 = arith.constant 2 : i32
      %mul3A_868 = arith.muli %mul3A_867, %scan3A_866 : i32
      %add3A_869 = arith.constant 0 : i32
      %add3A_870 = arith.addi %mul3A_868, %add3A_869 : i32
      %dma_wait3A_871 = arith.constant 0 : i32
      %dma_wait3A_872 = arith.constant 0 : i32
      %dma_wait3A_873 = tpu.memref_slice %arg10[%add3A_870, %dma_wait3A_871, %dma_wait3A_872] : memref<6x2x128xi32, #tpu.memory_space<vmem>> -> memref<1x1x128xi32, #tpu.memory_space<vmem>>
      %dma_wait3A_874 = tpu.memref_squeeze %dma_wait3A_873 : memref<1x1x128xi32, #tpu.memory_space<vmem>> -> memref<128xi32, #tpu.memory_space<vmem>>
      %dma_wait3A_875 = arith.constant 0 : i32
      %dma_wait3A_876 = arith.constant 0 : i32
      %dma_wait3A_877 = tpu.memref_slice %arg2[%dma_wait3A_875, %dma_wait3A_876] : memref<10000x128xf32, #tpu.memory_space<hbm>> -> memref<10000x128xf32, #tpu.memory_space<hbm>>
      tpu.wait_indirect_dma semaphore(%arg18 : memref<!tpu.dma_semaphore, #tpu.memory_space<semaphore_mem>>) src(%dma_wait3A_877 : memref<10000x128xf32, #tpu.memory_space<hbm>>) dst(%arg11 : memref<128x128xf32, #tpu.memory_space<vmem>>)
      %run_scoped3A_878 = arith.constant 1 : i32
      "tpu.region"() ({
        %run_scoped3A_911 = tpu.sem_alloc : memref<!tpu.dma_semaphore, #tpu.memory_space<semaphore_mem>>
        %dma_start3A_912 = arith.constant 0 : i32
        %dma_start3A_913 = tpu.memref_slice %arg10[%add3A_870, %run_scoped3A_878, %dma_start3A_912] : memref<6x2x128xi32, #tpu.memory_space<vmem>> -> memref<1x1x128xi32, #tpu.memory_space<vmem>>
        %dma_start3A_914 = tpu.memref_squeeze %dma_start3A_913 : memref<1x1x128xi32, #tpu.memory_space<vmem>> -> memref<128xi32, #tpu.memory_space<vmem>>
        %dma_start3A_915 = arith.constant 0 : i32
        %dma_start3A_916 = arith.constant 0 : i32
        %dma_start3A_917 = tpu.memref_slice %arg14[%dma_start3A_915, %dma_start3A_916] : memref<10000x128xf32, #tpu.memory_space<vmem_shared>> -> memref<10000x128xf32, #tpu.memory_space<vmem_shared>>
        tpu.enqueue_indirect_dma source(%arg11 : memref<128x128xf32, #tpu.memory_space<vmem>>) target(%dma_start3A_917 : memref<10000x128xf32, #tpu.memory_space<vmem_shared>>) offsets(%dma_start3A_914 : memref<128xi32, #tpu.memory_space<vmem>>) semaphore(%run_scoped3A_911 : memref<!tpu.dma_semaphore, #tpu.memory_space<semaphore_mem>>) {add = true}
        %dma_wait3A_918 = arith.constant 0 : i32
        %dma_wait3A_919 = tpu.memref_slice %arg10[%add3A_870, %run_scoped3A_878, %dma_wait3A_918] : memref<6x2x128xi32, #tpu.memory_space<vmem>> -> memref<1x1x128xi32, #tpu.memory_space<vmem>>
        %dma_wait3A_920 = tpu.memref_squeeze %dma_wait3A_919 : memref<1x1x128xi32, #tpu.memory_space<vmem>> -> memref<128xi32, #tpu.memory_space<vmem>>
        %dma_wait3A_921 = arith.constant 0 : i32
        %dma_wait3A_922 = arith.constant 0 : i32
        %dma_wait3A_923 = tpu.memref_slice %arg14[%dma_wait3A_921, %dma_wait3A_922] : memref<10000x128xf32, #tpu.memory_space<vmem_shared>> -> memref<10000x128xf32, #tpu.memory_space<vmem_shared>>
        tpu.wait_indirect_dma semaphore(%run_scoped3A_911 : memref<!tpu.dma_semaphore, #tpu.memory_space<semaphore_mem>>) src(%arg11 : memref<128x128xf32, #tpu.memory_space<vmem>>) dst(%dma_wait3A_923 : memref<10000x128xf32, #tpu.memory_space<vmem_shared>>)
        tpu.yield
      }) : () -> ()
      %add3A_879 = arith.constant 2 : i32
      %add3A_880 = arith.addi %add3A_870, %add3A_879 : i32
      %dma_start3A_881 = arith.constant 0 : i32
      %dma_start3A_882 = arith.constant 0 : i32
      %dma_start3A_883 = tpu.memref_slice %arg10[%add3A_880, %dma_start3A_881, %dma_start3A_882] : memref<6x2x128xi32, #tpu.memory_space<vmem>> -> memref<1x1x128xi32, #tpu.memory_space<vmem>>
      %dma_start3A_884 = tpu.memref_squeeze %dma_start3A_883 : memref<1x1x128xi32, #tpu.memory_space<vmem>> -> memref<128xi32, #tpu.memory_space<vmem>>
      %dma_start3A_885 = arith.constant 0 : i32
      %dma_start3A_886 = arith.constant 0 : i32
      %dma_start3A_887 = tpu.memref_slice %arg2[%dma_start3A_885, %dma_start3A_886] : memref<10000x128xf32, #tpu.memory_space<hbm>> -> memref<10000x128xf32, #tpu.memory_space<hbm>>
      tpu.enqueue_indirect_dma source(%dma_start3A_887 : memref<10000x128xf32, #tpu.memory_space<hbm>>) target(%arg11 : memref<128x128xf32, #tpu.memory_space<vmem>>) offsets(%dma_start3A_884 : memref<128xi32, #tpu.memory_space<vmem>>) semaphore(%arg18 : memref<!tpu.dma_semaphore, #tpu.memory_space<semaphore_mem>>)
      %run_scoped3A_888 = arith.constant 1 : i32
      "tpu.region"() ({
        %run_scoped3A_911 = tpu.sem_alloc : memref<!tpu.dma_semaphore, #tpu.memory_space<semaphore_mem>>
        %dma_start3A_912 = arith.constant 0 : i32
        %dma_start3A_913 = tpu.memref_slice %arg10[%add3A_870, %run_scoped3A_888, %dma_start3A_912] : memref<6x2x128xi32, #tpu.memory_space<vmem>> -> memref<1x1x128xi32, #tpu.memory_space<vmem>>
        %dma_start3A_914 = tpu.memref_squeeze %dma_start3A_913 : memref<1x1x128xi32, #tpu.memory_space<vmem>> -> memref<128xi32, #tpu.memory_space<vmem>>
        %dma_start3A_915 = arith.constant 0 : i32
        %dma_start3A_916 = arith.constant 0 : i32
        %dma_start3A_917 = tpu.memref_slice %arg15[%dma_start3A_915, %dma_start3A_916] : memref<10000x8xf32, #tpu.memory_space<vmem_shared>> -> memref<10000x8xf32, #tpu.memory_space<vmem_shared>>
        tpu.enqueue_indirect_dma source(%arg13 : memref<128x8xf32, #tpu.memory_space<vmem>>) target(%dma_start3A_917 : memref<10000x8xf32, #tpu.memory_space<vmem_shared>>) offsets(%dma_start3A_914 : memref<128xi32, #tpu.memory_space<vmem>>) semaphore(%run_scoped3A_911 : memref<!tpu.dma_semaphore, #tpu.memory_space<semaphore_mem>>) {add = true}
        %dma_wait3A_918 = arith.constant 0 : i32
        %dma_wait3A_919 = tpu.memref_slice %arg10[%add3A_870, %run_scoped3A_888, %dma_wait3A_918] : memref<6x2x128xi32, #tpu.memory_space<vmem>> -> memref<1x1x128xi32, #tpu.memory_space<vmem>>
        %dma_wait3A_920 = tpu.memref_squeeze %dma_wait3A_919 : memref<1x1x128xi32, #tpu.memory_space<vmem>> -> memref<128xi32, #tpu.memory_space<vmem>>
        %dma_wait3A_921 = arith.constant 0 : i32
        %dma_wait3A_922 = arith.constant 0 : i32
        %dma_wait3A_923 = tpu.memref_slice %arg15[%dma_wait3A_921, %dma_wait3A_922] : memref<10000x8xf32, #tpu.memory_space<vmem_shared>> -> memref<10000x8xf32, #tpu.memory_space<vmem_shared>>
        tpu.wait_indirect_dma semaphore(%run_scoped3A_911 : memref<!tpu.dma_semaphore, #tpu.memory_space<semaphore_mem>>) src(%arg13 : memref<128x8xf32, #tpu.memory_space<vmem>>) dst(%dma_wait3A_923 : memref<10000x8xf32, #tpu.memory_space<vmem_shared>>)
        tpu.yield
      }) : () -> ()
      %mul3A_889 = arith.constant 2 : i32
      %mul3A_890 = arith.muli %mul3A_889, %scan3A_866 : i32
      %add3A_891 = arith.constant 1 : i32
      %add3A_892 = arith.addi %mul3A_890, %add3A_891 : i32
      %dma_wait3A_893 = arith.constant 0 : i32
      %dma_wait3A_894 = arith.constant 0 : i32
      %dma_wait3A_895 = tpu.memref_slice %arg10[%add3A_892, %dma_wait3A_893, %dma_wait3A_894] : memref<6x2x128xi32, #tpu.memory_space<vmem>> -> memref<1x1x128xi32, #tpu.memory_space<vmem>>
      %dma_wait3A_896 = tpu.memref_squeeze %dma_wait3A_895 : memref<1x1x128xi32, #tpu.memory_space<vmem>> -> memref<128xi32, #tpu.memory_space<vmem>>
      %dma_wait3A_897 = arith.constant 0 : i32
      %dma_wait3A_898 = arith.constant 0 : i32
      %dma_wait3A_899 = tpu.memref_slice %arg2[%dma_wait3A_897, %dma_wait3A_898] : memref<10000x128xf32, #tpu.memory_space<hbm>> -> memref<10000x128xf32, #tpu.memory_space<hbm>>
      tpu.wait_indirect_dma semaphore(%arg19 : memref<!tpu.dma_semaphore, #tpu.memory_space<semaphore_mem>>) src(%dma_wait3A_899 : memref<10000x128xf32, #tpu.memory_space<hbm>>) dst(%arg12 : memref<128x128xf32, #tpu.memory_space<vmem>>)
      %run_scoped3A_900 = arith.constant 1 : i32
      "tpu.region"() ({
        %run_scoped3A_911 = tpu.sem_alloc : memref<!tpu.dma_semaphore, #tpu.memory_space<semaphore_mem>>
        %dma_start3A_912 = arith.constant 0 : i32
        %dma_start3A_913 = tpu.memref_slice %arg10[%add3A_892, %run_scoped3A_900, %dma_start3A_912] : memref<6x2x128xi32, #tpu.memory_space<vmem>> -> memref<1x1x128xi32, #tpu.memory_space<vmem>>
        %dma_start3A_914 = tpu.memref_squeeze %dma_start3A_913 : memref<1x1x128xi32, #tpu.memory_space<vmem>> -> memref<128xi32, #tpu.memory_space<vmem>>
        %dma_start3A_915 = arith.constant 0 : i32
        %dma_start3A_916 = arith.constant 0 : i32
        %dma_start3A_917 = tpu.memref_slice %arg14[%dma_start3A_915, %dma_start3A_916] : memref<10000x128xf32, #tpu.memory_space<vmem_shared>> -> memref<10000x128xf32, #tpu.memory_space<vmem_shared>>
        tpu.enqueue_indirect_dma source(%arg12 : memref<128x128xf32, #tpu.memory_space<vmem>>) target(%dma_start3A_917 : memref<10000x128xf32, #tpu.memory_space<vmem_shared>>) offsets(%dma_start3A_914 : memref<128xi32, #tpu.memory_space<vmem>>) semaphore(%run_scoped3A_911 : memref<!tpu.dma_semaphore, #tpu.memory_space<semaphore_mem>>) {add = true}
        %dma_wait3A_918 = arith.constant 0 : i32
        %dma_wait3A_919 = tpu.memref_slice %arg10[%add3A_892, %run_scoped3A_900, %dma_wait3A_918] : memref<6x2x128xi32, #tpu.memory_space<vmem>> -> memref<1x1x128xi32, #tpu.memory_space<vmem>>
        %dma_wait3A_920 = tpu.memref_squeeze %dma_wait3A_919 : memref<1x1x128xi32, #tpu.memory_space<vmem>> -> memref<128xi32, #tpu.memory_space<vmem>>
        %dma_wait3A_921 = arith.constant 0 : i32
        %dma_wait3A_922 = arith.constant 0 : i32
        %dma_wait3A_923 = tpu.memref_slice %arg14[%dma_wait3A_921, %dma_wait3A_922] : memref<10000x128xf32, #tpu.memory_space<vmem_shared>> -> memref<10000x128xf32, #tpu.memory_space<vmem_shared>>
        tpu.wait_indirect_dma semaphore(%run_scoped3A_911 : memref<!tpu.dma_semaphore, #tpu.memory_space<semaphore_mem>>) src(%arg12 : memref<128x128xf32, #tpu.memory_space<vmem>>) dst(%dma_wait3A_923 : memref<10000x128xf32, #tpu.memory_space<vmem_shared>>)
        tpu.yield
      }) : () -> ()
      %add3A_901 = arith.constant 2 : i32
      %add3A_902 = arith.addi %add3A_892, %add3A_901 : i32
      %dma_start3A_903 = arith.constant 0 : i32
      %dma_start3A_904 = arith.constant 0 : i32
      %dma_start3A_905 = tpu.memref_slice %arg10[%add3A_902, %dma_start3A_903, %dma_start3A_904] : memref<6x2x128xi32, #tpu.memory_space<vmem>> -> memref<1x1x128xi32, #tpu.memory_space<vmem>>
      %dma_start3A_906 = tpu.memref_squeeze %dma_start3A_905 : memref<1x1x128xi32, #tpu.memory_space<vmem>> -> memref<128xi32, #tpu.memory_space<vmem>>
      %dma_start3A_907 = arith.constant 0 : i32
      %dma_start3A_908 = arith.constant 0 : i32
      %dma_start3A_909 = tpu.memref_slice %arg2[%dma_start3A_907, %dma_start3A_908] : memref<10000x128xf32, #tpu.memory_space<hbm>> -> memref<10000x128xf32, #tpu.memory_space<hbm>>
      tpu.enqueue_indirect_dma source(%dma_start3A_909 : memref<10000x128xf32, #tpu.memory_space<hbm>>) target(%arg12 : memref<128x128xf32, #tpu.memory_space<vmem>>) offsets(%dma_start3A_906 : memref<128xi32, #tpu.memory_space<vmem>>) semaphore(%arg19 : memref<!tpu.dma_semaphore, #tpu.memory_space<semaphore_mem>>)
      %run_scoped3A_910 = arith.constant 1 : i32
      "tpu.region"() ({
        %run_scoped3A_911 = tpu.sem_alloc : memref<!tpu.dma_semaphore, #tpu.memory_space<semaphore_mem>>
        %dma_start3A_912 = arith.constant 0 : i32
        %dma_start3A_913 = tpu.memref_slice %arg10[%add3A_892, %run_scoped3A_910, %dma_start3A_912] : memref<6x2x128xi32, #tpu.memory_space<vmem>> -> memref<1x1x128xi32, #tpu.memory_space<vmem>>
        %dma_start3A_914 = tpu.memref_squeeze %dma_start3A_913 : memref<1x1x128xi32, #tpu.memory_space<vmem>> -> memref<128xi32, #tpu.memory_space<vmem>>
        %dma_start3A_915 = arith.constant 0 : i32
        %dma_start3A_916 = arith.constant 0 : i32
        %dma_start3A_917 = tpu.memref_slice %arg15[%dma_start3A_915, %dma_start3A_916] : memref<10000x8xf32, #tpu.memory_space<vmem_shared>> -> memref<10000x8xf32, #tpu.memory_space<vmem_shared>>
        tpu.enqueue_indirect_dma source(%arg13 : memref<128x8xf32, #tpu.memory_space<vmem>>) target(%dma_start3A_917 : memref<10000x8xf32, #tpu.memory_space<vmem_shared>>) offsets(%dma_start3A_914 : memref<128xi32, #tpu.memory_space<vmem>>) semaphore(%run_scoped3A_911 : memref<!tpu.dma_semaphore, #tpu.memory_space<semaphore_mem>>) {add = true}
        %dma_wait3A_918 = arith.constant 0 : i32
        %dma_wait3A_919 = tpu.memref_slice %arg10[%add3A_892, %run_scoped3A_910, %dma_wait3A_918] : memref<6x2x128xi32, #tpu.memory_space<vmem>> -> memref<1x1x128xi32, #tpu.memory_space<vmem>>
        %dma_wait3A_920 = tpu.memref_squeeze %dma_wait3A_919 : memref<1x1x128xi32, #tpu.memory_space<vmem>> -> memref<128xi32, #tpu.memory_space<vmem>>
        %dma_wait3A_921 = arith.constant 0 : i32
        %dma_wait3A_922 = arith.constant 0 : i32
        %dma_wait3A_923 = tpu.memref_slice %arg15[%dma_wait3A_921, %dma_wait3A_922] : memref<10000x8xf32, #tpu.memory_space<vmem_shared>> -> memref<10000x8xf32, #tpu.memory_space<vmem_shared>>
        tpu.wait_indirect_dma semaphore(%run_scoped3A_911 : memref<!tpu.dma_semaphore, #tpu.memory_space<semaphore_mem>>) src(%arg13 : memref<128x8xf32, #tpu.memory_space<vmem>>) dst(%dma_wait3A_923 : memref<10000x8xf32, #tpu.memory_space<vmem_shared>>)
        tpu.yield
      }) : () -> ()
    }
    %scan3A_724 = arith.constant 2 : i32
    %dma_wait3A_725 = arith.constant 4 : i32
    %dma_wait3A_726 = arith.constant 0 : i32
    %dma_wait3A_727 = arith.constant 0 : i32
    %dma_wait3A_728 = tpu.memref_slice %arg10[%dma_wait3A_725, %dma_wait3A_726, %dma_wait3A_727] : memref<6x2x128xi32, #tpu.memory_space<vmem>> -> memref<1x1x128xi32, #tpu.memory_space<vmem>>
    %dma_wait3A_729 = tpu.memref_squeeze %dma_wait3A_728 : memref<1x1x128xi32, #tpu.memory_space<vmem>> -> memref<128xi32, #tpu.memory_space<vmem>>
    %dma_wait3A_730 = arith.constant 0 : i32
    %dma_wait3A_731 = arith.constant 0 : i32
    %dma_wait3A_732 = tpu.memref_slice %arg2[%dma_wait3A_730, %dma_wait3A_731] : memref<10000x128xf32, #tpu.memory_space<hbm>> -> memref<10000x128xf32, #tpu.memory_space<hbm>>
    tpu.wait_indirect_dma semaphore(%arg18 : memref<!tpu.dma_semaphore, #tpu.memory_space<semaphore_mem>>) src(%dma_wait3A_732 : memref<10000x128xf32, #tpu.memory_space<hbm>>) dst(%arg11 : memref<128x128xf32, #tpu.memory_space<vmem>>)
    %run_scoped3A_733 = arith.constant 4 : i32
    %run_scoped3A_734 = arith.constant 1 : i32
    "tpu.region"() ({
      %run_scoped3A_866 = tpu.sem_alloc : memref<!tpu.dma_semaphore, #tpu.memory_space<semaphore_mem>>
      %dma_start3A_867 = arith.constant 0 : i32
      %dma_start3A_868 = tpu.memref_slice %arg10[%run_scoped3A_733, %run_scoped3A_734, %dma_start3A_867] : memref<6x2x128xi32, #tpu.memory_space<vmem>> -> memref<1x1x128xi32, #tpu.memory_space<vmem>>
      %dma_start3A_869 = tpu.memref_squeeze %dma_start3A_868 : memref<1x1x128xi32, #tpu.memory_space<vmem>> -> memref<128xi32, #tpu.memory_space<vmem>>
      %dma_start3A_870 = arith.constant 0 : i32
      %dma_start3A_871 = arith.constant 0 : i32
      %dma_start3A_872 = tpu.memref_slice %arg14[%dma_start3A_870, %dma_start3A_871] : memref<10000x128xf32, #tpu.memory_space<vmem_shared>> -> memref<10000x128xf32, #tpu.memory_space<vmem_shared>>
      tpu.enqueue_indirect_dma source(%arg11 : memref<128x128xf32, #tpu.memory_space<vmem>>) target(%dma_start3A_872 : memref<10000x128xf32, #tpu.memory_space<vmem_shared>>) offsets(%dma_start3A_869 : memref<128xi32, #tpu.memory_space<vmem>>) semaphore(%run_scoped3A_866 : memref<!tpu.dma_semaphore, #tpu.memory_space<semaphore_mem>>) {add = true}
      %dma_wait3A_873 = arith.constant 0 : i32
      %dma_wait3A_874 = tpu.memref_slice %arg10[%run_scoped3A_733, %run_scoped3A_734, %dma_wait3A_873] : memref<6x2x128xi32, #tpu.memory_space<vmem>> -> memref<1x1x128xi32, #tpu.memory_space<vmem>>
      %dma_wait3A_875 = tpu.memref_squeeze %dma_wait3A_874 : memref<1x1x128xi32, #tpu.memory_space<vmem>> -> memref<128xi32, #tpu.memory_space<vmem>>
      %dma_wait3A_876 = arith.constant 0 : i32
      %dma_wait3A_877 = arith.constant 0 : i32
      %dma_wait3A_878 = tpu.memref_slice %arg14[%dma_wait3A_876, %dma_wait3A_877] : memref<10000x128xf32, #tpu.memory_space<vmem_shared>> -> memref<10000x128xf32, #tpu.memory_space<vmem_shared>>
      tpu.wait_indirect_dma semaphore(%run_scoped3A_866 : memref<!tpu.dma_semaphore, #tpu.memory_space<semaphore_mem>>) src(%arg11 : memref<128x128xf32, #tpu.memory_space<vmem>>) dst(%dma_wait3A_878 : memref<10000x128xf32, #tpu.memory_space<vmem_shared>>)
      tpu.yield
    }) : () -> ()
    %add3A_735 = arith.constant 72 : i32
    %add3A_736 = arith.addi %mul3A_2, %add3A_735 : i32
    %dma_wait3A_737 = arith.constant 0 : i32
    %dma_wait3A_738 = arith.constant 0 : i32
    %dma_wait3A_739 = tpu.memref_slice %arg3[%add3A_736, %dma_wait3A_737, %dma_wait3A_738] : memref<2500x2x128xi32, #tpu.memory_space<hbm>> -> memref<6x2x128xi32, #tpu.memory_space<hbm>>
    %dma_wait3A_740 = arith.constant 0 : i32
    %dma_wait3A_741 = arith.constant 0 : i32
    %dma_wait3A_742 = tpu.memref_slice %arg3[%add3A_736, %dma_wait3A_740, %dma_wait3A_741] : memref<2500x2x128xi32, #tpu.memory_space<hbm>> -> memref<6x2x128xi32, #tpu.memory_space<hbm>>
    tpu.wait_dma2 semaphore(%arg16 : memref<!tpu.dma_semaphore, #tpu.memory_space<semaphore_mem>>) src(%dma_wait3A_742 : memref<6x2x128xi32, #tpu.memory_space<hbm>>) dst(%arg9 : memref<6x2x128xi32, #tpu.memory_space<vmem>>)
    %dma_start3A_743 = arith.constant 0 : i32
    %dma_start3A_744 = arith.constant 0 : i32
    %dma_start3A_745 = arith.constant 0 : i32
    %dma_start3A_746 = tpu.memref_slice %arg9[%dma_start3A_743, %dma_start3A_744, %dma_start3A_745] : memref<6x2x128xi32, #tpu.memory_space<vmem>> -> memref<1x1x128xi32, #tpu.memory_space<vmem>>
    %dma_start3A_747 = tpu.memref_squeeze %dma_start3A_746 : memref<1x1x128xi32, #tpu.memory_space<vmem>> -> memref<128xi32, #tpu.memory_space<vmem>>
    %dma_start3A_748 = arith.constant 0 : i32
    %dma_start3A_749 = arith.constant 0 : i32
    %dma_start3A_750 = tpu.memref_slice %arg2[%dma_start3A_748, %dma_start3A_749] : memref<10000x128xf32, #tpu.memory_space<hbm>> -> memref<10000x128xf32, #tpu.memory_space<hbm>>
    tpu.enqueue_indirect_dma source(%dma_start3A_750 : memref<10000x128xf32, #tpu.memory_space<hbm>>) target(%arg11 : memref<128x128xf32, #tpu.memory_space<vmem>>) offsets(%dma_start3A_747 : memref<128xi32, #tpu.memory_space<vmem>>) semaphore(%arg18 : memref<!tpu.dma_semaphore, #tpu.memory_space<semaphore_mem>>)
    %run_scoped3A_751 = arith.constant 4 : i32
    %run_scoped3A_752 = arith.constant 1 : i32
    "tpu.region"() ({
      %run_scoped3A_866 = tpu.sem_alloc : memref<!tpu.dma_semaphore, #tpu.memory_space<semaphore_mem>>
      %dma_start3A_867 = arith.constant 0 : i32
      %dma_start3A_868 = tpu.memref_slice %arg10[%run_scoped3A_751, %run_scoped3A_752, %dma_start3A_867] : memref<6x2x128xi32, #tpu.memory_space<vmem>> -> memref<1x1x128xi32, #tpu.memory_space<vmem>>
      %dma_start3A_869 = tpu.memref_squeeze %dma_start3A_868 : memref<1x1x128xi32, #tpu.memory_space<vmem>> -> memref<128xi32, #tpu.memory_space<vmem>>
      %dma_start3A_870 = arith.constant 0 : i32
      %dma_start3A_871 = arith.constant 0 : i32
      %dma_start3A_872 = tpu.memref_slice %arg15[%dma_start3A_870, %dma_start3A_871] : memref<10000x8xf32, #tpu.memory_space<vmem_shared>> -> memref<10000x8xf32, #tpu.memory_space<vmem_shared>>
      tpu.enqueue_indirect_dma source(%arg13 : memref<128x8xf32, #tpu.memory_space<vmem>>) target(%dma_start3A_872 : memref<10000x8xf32, #tpu.memory_space<vmem_shared>>) offsets(%dma_start3A_869 : memref<128xi32, #tpu.memory_space<vmem>>) semaphore(%run_scoped3A_866 : memref<!tpu.dma_semaphore, #tpu.memory_space<semaphore_mem>>) {add = true}
      %dma_wait3A_873 = arith.constant 0 : i32
      %dma_wait3A_874 = tpu.memref_slice %arg10[%run_scoped3A_751, %run_scoped3A_752, %dma_wait3A_873] : memref<6x2x128xi32, #tpu.memory_space<vmem>> -> memref<1x1x128xi32, #tpu.memory_space<vmem>>
      %dma_wait3A_875 = tpu.memref_squeeze %dma_wait3A_874 : memref<1x1x128xi32, #tpu.memory_space<vmem>> -> memref<128xi32, #tpu.memory_space<vmem>>
      %dma_wait3A_876 = arith.constant 0 : i32
      %dma_wait3A_877 = arith.constant 0 : i32
      %dma_wait3A_878 = tpu.memref_slice %arg15[%dma_wait3A_876, %dma_wait3A_877] : memref<10000x8xf32, #tpu.memory_space<vmem_shared>> -> memref<10000x8xf32, #tpu.memory_space<vmem_shared>>
      tpu.wait_indirect_dma semaphore(%run_scoped3A_866 : memref<!tpu.dma_semaphore, #tpu.memory_space<semaphore_mem>>) src(%arg13 : memref<128x8xf32, #tpu.memory_space<vmem>>) dst(%dma_wait3A_878 : memref<10000x8xf32, #tpu.memory_space<vmem_shared>>)
      tpu.yield
    }) : () -> ()
    %dma_wait3A_753 = arith.constant 5 : i32
    %dma_wait3A_754 = arith.constant 0 : i32
    %dma_wait3A_755 = arith.constant 0 : i32
    %dma_wait3A_756 = tpu.memref_slice %arg10[%dma_wait3A_753, %dma_wait3A_754, %dma_wait3A_755] : memref<6x2x128xi32, #tpu.memory_space<vmem>> -> memref<1x1x128xi32, #tpu.memory_space<vmem>>
    %dma_wait3A_757 = tpu.memref_squeeze %dma_wait3A_756 : memref<1x1x128xi32, #tpu.memory_space<vmem>> -> memref<128xi32, #tpu.memory_space<vmem>>
    %dma_wait3A_758 = arith.constant 0 : i32
    %dma_wait3A_759 = arith.constant 0 : i32
    %dma_wait3A_760 = tpu.memref_slice %arg2[%dma_wait3A_758, %dma_wait3A_759] : memref<10000x128xf32, #tpu.memory_space<hbm>> -> memref<10000x128xf32, #tpu.memory_space<hbm>>
    tpu.wait_indirect_dma semaphore(%arg19 : memref<!tpu.dma_semaphore, #tpu.memory_space<semaphore_mem>>) src(%dma_wait3A_760 : memref<10000x128xf32, #tpu.memory_space<hbm>>) dst(%arg12 : memref<128x128xf32, #tpu.memory_space<vmem>>)
    %run_scoped3A_761 = arith.constant 5 : i32
    %run_scoped3A_762 = arith.constant 1 : i32
    "tpu.region"() ({
      %run_scoped3A_866 = tpu.sem_alloc : memref<!tpu.dma_semaphore, #tpu.memory_space<semaphore_mem>>
      %dma_start3A_867 = arith.constant 0 : i32
      %dma_start3A_868 = tpu.memref_slice %arg10[%run_scoped3A_761, %run_scoped3A_762, %dma_start3A_867] : memref<6x2x128xi32, #tpu.memory_space<vmem>> -> memref<1x1x128xi32, #tpu.memory_space<vmem>>
      %dma_start3A_869 = tpu.memref_squeeze %dma_start3A_868 : memref<1x1x128xi32, #tpu.memory_space<vmem>> -> memref<128xi32, #tpu.memory_space<vmem>>
      %dma_start3A_870 = arith.constant 0 : i32
      %dma_start3A_871 = arith.constant 0 : i32
      %dma_start3A_872 = tpu.memref_slice %arg14[%dma_start3A_870, %dma_start3A_871] : memref<10000x128xf32, #tpu.memory_space<vmem_shared>> -> memref<10000x128xf32, #tpu.memory_space<vmem_shared>>
      tpu.enqueue_indirect_dma source(%arg12 : memref<128x128xf32, #tpu.memory_space<vmem>>) target(%dma_start3A_872 : memref<10000x128xf32, #tpu.memory_space<vmem_shared>>) offsets(%dma_start3A_869 : memref<128xi32, #tpu.memory_space<vmem>>) semaphore(%run_scoped3A_866 : memref<!tpu.dma_semaphore, #tpu.memory_space<semaphore_mem>>) {add = true}
      %dma_wait3A_873 = arith.constant 0 : i32
      %dma_wait3A_874 = tpu.memref_slice %arg10[%run_scoped3A_761, %run_scoped3A_762, %dma_wait3A_873] : memref<6x2x128xi32, #tpu.memory_space<vmem>> -> memref<1x1x128xi32, #tpu.memory_space<vmem>>
      %dma_wait3A_875 = tpu.memref_squeeze %dma_wait3A_874 : memref<1x1x128xi32, #tpu.memory_space<vmem>> -> memref<128xi32, #tpu.memory_space<vmem>>
      %dma_wait3A_876 = arith.constant 0 : i32
      %dma_wait3A_877 = arith.constant 0 : i32
      %dma_wait3A_878 = tpu.memref_slice %arg14[%dma_wait3A_876, %dma_wait3A_877] : memref<10000x128xf32, #tpu.memory_space<vmem_shared>> -> memref<10000x128xf32, #tpu.memory_space<vmem_shared>>
      tpu.wait_indirect_dma semaphore(%run_scoped3A_866 : memref<!tpu.dma_semaphore, #tpu.memory_space<semaphore_mem>>) src(%arg12 : memref<128x128xf32, #tpu.memory_space<vmem>>) dst(%dma_wait3A_878 : memref<10000x128xf32, #tpu.memory_space<vmem_shared>>)
      tpu.yield
    }) : () -> ()
    %dma_start3A_763 = arith.constant 1 : i32
    %dma_start3A_764 = arith.constant 0 : i32
    %dma_start3A_765 = arith.constant 0 : i32
    %dma_start3A_766 = tpu.memref_slice %arg9[%dma_start3A_763, %dma_start3A_764, %dma_start3A_765] : memref<6x2x128xi32, #tpu.memory_space<vmem>> -> memref<1x1x128xi32, #tpu.memory_space<vmem>>
    %dma_start3A_767 = tpu.memref_squeeze %dma_start3A_766 : memref<1x1x128xi32, #tpu.memory_space<vmem>> -> memref<128xi32, #tpu.memory_space<vmem>>
    %dma_start3A_768 = arith.constant 0 : i32
    %dma_start3A_769 = arith.constant 0 : i32
    %dma_start3A_770 = tpu.memref_slice %arg2[%dma_start3A_768, %dma_start3A_769] : memref<10000x128xf32, #tpu.memory_space<hbm>> -> memref<10000x128xf32, #tpu.memory_space<hbm>>
    tpu.enqueue_indirect_dma source(%dma_start3A_770 : memref<10000x128xf32, #tpu.memory_space<hbm>>) target(%arg12 : memref<128x128xf32, #tpu.memory_space<vmem>>) offsets(%dma_start3A_767 : memref<128xi32, #tpu.memory_space<vmem>>) semaphore(%arg19 : memref<!tpu.dma_semaphore, #tpu.memory_space<semaphore_mem>>)
    %run_scoped3A_771 = arith.constant 5 : i32
    %run_scoped3A_772 = arith.constant 1 : i32
    "tpu.region"() ({
      %run_scoped3A_866 = tpu.sem_alloc : memref<!tpu.dma_semaphore, #tpu.memory_space<semaphore_mem>>
      %dma_start3A_867 = arith.constant 0 : i32
      %dma_start3A_868 = tpu.memref_slice %arg10[%run_scoped3A_771, %run_scoped3A_772, %dma_start3A_867] : memref<6x2x128xi32, #tpu.memory_space<vmem>> -> memref<1x1x128xi32, #tpu.memory_space<vmem>>
      %dma_start3A_869 = tpu.memref_squeeze %dma_start3A_868 : memref<1x1x128xi32, #tpu.memory_space<vmem>> -> memref<128xi32, #tpu.memory_space<vmem>>
      %dma_start3A_870 = arith.constant 0 : i32
      %dma_start3A_871 = arith.constant 0 : i32
      %dma_start3A_872 = tpu.memref_slice %arg15[%dma_start3A_870, %dma_start3A_871] : memref<10000x8xf32, #tpu.memory_space<vmem_shared>> -> memref<10000x8xf32, #tpu.memory_space<vmem_shared>>
      tpu.enqueue_indirect_dma source(%arg13 : memref<128x8xf32, #tpu.memory_space<vmem>>) target(%dma_start3A_872 : memref<10000x8xf32, #tpu.memory_space<vmem_shared>>) offsets(%dma_start3A_869 : memref<128xi32, #tpu.memory_space<vmem>>) semaphore(%run_scoped3A_866 : memref<!tpu.dma_semaphore, #tpu.memory_space<semaphore_mem>>) {add = true}
      %dma_wait3A_873 = arith.constant 0 : i32
      %dma_wait3A_874 = tpu.memref_slice %arg10[%run_scoped3A_771, %run_scoped3A_772, %dma_wait3A_873] : memref<6x2x128xi32, #tpu.memory_space<vmem>> -> memref<1x1x128xi32, #tpu.memory_space<vmem>>
      %dma_wait3A_875 = tpu.memref_squeeze %dma_wait3A_874 : memref<1x1x128xi32, #tpu.memory_space<vmem>> -> memref<128xi32, #tpu.memory_space<vmem>>
      %dma_wait3A_876 = arith.constant 0 : i32
      %dma_wait3A_877 = arith.constant 0 : i32
      %dma_wait3A_878 = tpu.memref_slice %arg15[%dma_wait3A_876, %dma_wait3A_877] : memref<10000x8xf32, #tpu.memory_space<vmem_shared>> -> memref<10000x8xf32, #tpu.memory_space<vmem_shared>>
      tpu.wait_indirect_dma semaphore(%run_scoped3A_866 : memref<!tpu.dma_semaphore, #tpu.memory_space<semaphore_mem>>) src(%arg13 : memref<128x8xf32, #tpu.memory_space<vmem>>) dst(%dma_wait3A_878 : memref<10000x8xf32, #tpu.memory_space<vmem_shared>>)
      tpu.yield
    }) : () -> ()
    %scan3A_773 = arith.constant 0 : i32
    %scan3A_774 = arith.constant 0 : i32
    %scan3A_775 = arith.constant 2 : i32
    %scan3A_776 = arith.addi %scan3A_774, %scan3A_775 : i32
    %scan3A_777 = arith.constant 1 : i32
    scf.for %scan3A_866 = %scan3A_774 to %scan3A_776 step %scan3A_777  : i32 {
      %mul3A_867 = arith.constant 2 : i32
      %mul3A_868 = arith.muli %mul3A_867, %scan3A_866 : i32
      %add3A_869 = arith.constant 0 : i32
      %add3A_870 = arith.addi %mul3A_868, %add3A_869 : i32
      %dma_wait3A_871 = arith.constant 0 : i32
      %dma_wait3A_872 = arith.constant 0 : i32
      %dma_wait3A_873 = tpu.memref_slice %arg9[%add3A_870, %dma_wait3A_871, %dma_wait3A_872] : memref<6x2x128xi32, #tpu.memory_space<vmem>> -> memref<1x1x128xi32, #tpu.memory_space<vmem>>
      %dma_wait3A_874 = tpu.memref_squeeze %dma_wait3A_873 : memref<1x1x128xi32, #tpu.memory_space<vmem>> -> memref<128xi32, #tpu.memory_space<vmem>>
      %dma_wait3A_875 = arith.constant 0 : i32
      %dma_wait3A_876 = arith.constant 0 : i32
      %dma_wait3A_877 = tpu.memref_slice %arg2[%dma_wait3A_875, %dma_wait3A_876] : memref<10000x128xf32, #tpu.memory_space<hbm>> -> memref<10000x128xf32, #tpu.memory_space<hbm>>
      tpu.wait_indirect_dma semaphore(%arg18 : memref<!tpu.dma_semaphore, #tpu.memory_space<semaphore_mem>>) src(%dma_wait3A_877 : memref<10000x128xf32, #tpu.memory_space<hbm>>) dst(%arg11 : memref<128x128xf32, #tpu.memory_space<vmem>>)
      %run_scoped3A_878 = arith.constant 1 : i32
      "tpu.region"() ({
        %run_scoped3A_911 = tpu.sem_alloc : memref<!tpu.dma_semaphore, #tpu.memory_space<semaphore_mem>>
        %dma_start3A_912 = arith.constant 0 : i32
        %dma_start3A_913 = tpu.memref_slice %arg9[%add3A_870, %run_scoped3A_878, %dma_start3A_912] : memref<6x2x128xi32, #tpu.memory_space<vmem>> -> memref<1x1x128xi32, #tpu.memory_space<vmem>>
        %dma_start3A_914 = tpu.memref_squeeze %dma_start3A_913 : memref<1x1x128xi32, #tpu.memory_space<vmem>> -> memref<128xi32, #tpu.memory_space<vmem>>
        %dma_start3A_915 = arith.constant 0 : i32
        %dma_start3A_916 = arith.constant 0 : i32
        %dma_start3A_917 = tpu.memref_slice %arg14[%dma_start3A_915, %dma_start3A_916] : memref<10000x128xf32, #tpu.memory_space<vmem_shared>> -> memref<10000x128xf32, #tpu.memory_space<vmem_shared>>
        tpu.enqueue_indirect_dma source(%arg11 : memref<128x128xf32, #tpu.memory_space<vmem>>) target(%dma_start3A_917 : memref<10000x128xf32, #tpu.memory_space<vmem_shared>>) offsets(%dma_start3A_914 : memref<128xi32, #tpu.memory_space<vmem>>) semaphore(%run_scoped3A_911 : memref<!tpu.dma_semaphore, #tpu.memory_space<semaphore_mem>>) {add = true}
        %dma_wait3A_918 = arith.constant 0 : i32
        %dma_wait3A_919 = tpu.memref_slice %arg9[%add3A_870, %run_scoped3A_878, %dma_wait3A_918] : memref<6x2x128xi32, #tpu.memory_space<vmem>> -> memref<1x1x128xi32, #tpu.memory_space<vmem>>
        %dma_wait3A_920 = tpu.memref_squeeze %dma_wait3A_919 : memref<1x1x128xi32, #tpu.memory_space<vmem>> -> memref<128xi32, #tpu.memory_space<vmem>>
        %dma_wait3A_921 = arith.constant 0 : i32
        %dma_wait3A_922 = arith.constant 0 : i32
        %dma_wait3A_923 = tpu.memref_slice %arg14[%dma_wait3A_921, %dma_wait3A_922] : memref<10000x128xf32, #tpu.memory_space<vmem_shared>> -> memref<10000x128xf32, #tpu.memory_space<vmem_shared>>
        tpu.wait_indirect_dma semaphore(%run_scoped3A_911 : memref<!tpu.dma_semaphore, #tpu.memory_space<semaphore_mem>>) src(%arg11 : memref<128x128xf32, #tpu.memory_space<vmem>>) dst(%dma_wait3A_923 : memref<10000x128xf32, #tpu.memory_space<vmem_shared>>)
        tpu.yield
      }) : () -> ()
      %add3A_879 = arith.constant 2 : i32
      %add3A_880 = arith.addi %add3A_870, %add3A_879 : i32
      %dma_start3A_881 = arith.constant 0 : i32
      %dma_start3A_882 = arith.constant 0 : i32
      %dma_start3A_883 = tpu.memref_slice %arg9[%add3A_880, %dma_start3A_881, %dma_start3A_882] : memref<6x2x128xi32, #tpu.memory_space<vmem>> -> memref<1x1x128xi32, #tpu.memory_space<vmem>>
      %dma_start3A_884 = tpu.memref_squeeze %dma_start3A_883 : memref<1x1x128xi32, #tpu.memory_space<vmem>> -> memref<128xi32, #tpu.memory_space<vmem>>
      %dma_start3A_885 = arith.constant 0 : i32
      %dma_start3A_886 = arith.constant 0 : i32
      %dma_start3A_887 = tpu.memref_slice %arg2[%dma_start3A_885, %dma_start3A_886] : memref<10000x128xf32, #tpu.memory_space<hbm>> -> memref<10000x128xf32, #tpu.memory_space<hbm>>
      tpu.enqueue_indirect_dma source(%dma_start3A_887 : memref<10000x128xf32, #tpu.memory_space<hbm>>) target(%arg11 : memref<128x128xf32, #tpu.memory_space<vmem>>) offsets(%dma_start3A_884 : memref<128xi32, #tpu.memory_space<vmem>>) semaphore(%arg18 : memref<!tpu.dma_semaphore, #tpu.memory_space<semaphore_mem>>)
      %run_scoped3A_888 = arith.constant 1 : i32
      "tpu.region"() ({
        %run_scoped3A_911 = tpu.sem_alloc : memref<!tpu.dma_semaphore, #tpu.memory_space<semaphore_mem>>
        %dma_start3A_912 = arith.constant 0 : i32
        %dma_start3A_913 = tpu.memref_slice %arg9[%add3A_870, %run_scoped3A_888, %dma_start3A_912] : memref<6x2x128xi32, #tpu.memory_space<vmem>> -> memref<1x1x128xi32, #tpu.memory_space<vmem>>
        %dma_start3A_914 = tpu.memref_squeeze %dma_start3A_913 : memref<1x1x128xi32, #tpu.memory_space<vmem>> -> memref<128xi32, #tpu.memory_space<vmem>>
        %dma_start3A_915 = arith.constant 0 : i32
        %dma_start3A_916 = arith.constant 0 : i32
        %dma_start3A_917 = tpu.memref_slice %arg15[%dma_start3A_915, %dma_start3A_916] : memref<10000x8xf32, #tpu.memory_space<vmem_shared>> -> memref<10000x8xf32, #tpu.memory_space<vmem_shared>>
        tpu.enqueue_indirect_dma source(%arg13 : memref<128x8xf32, #tpu.memory_space<vmem>>) target(%dma_start3A_917 : memref<10000x8xf32, #tpu.memory_space<vmem_shared>>) offsets(%dma_start3A_914 : memref<128xi32, #tpu.memory_space<vmem>>) semaphore(%run_scoped3A_911 : memref<!tpu.dma_semaphore, #tpu.memory_space<semaphore_mem>>) {add = true}
        %dma_wait3A_918 = arith.constant 0 : i32
        %dma_wait3A_919 = tpu.memref_slice %arg9[%add3A_870, %run_scoped3A_888, %dma_wait3A_918] : memref<6x2x128xi32, #tpu.memory_space<vmem>> -> memref<1x1x128xi32, #tpu.memory_space<vmem>>
        %dma_wait3A_920 = tpu.memref_squeeze %dma_wait3A_919 : memref<1x1x128xi32, #tpu.memory_space<vmem>> -> memref<128xi32, #tpu.memory_space<vmem>>
        %dma_wait3A_921 = arith.constant 0 : i32
        %dma_wait3A_922 = arith.constant 0 : i32
        %dma_wait3A_923 = tpu.memref_slice %arg15[%dma_wait3A_921, %dma_wait3A_922] : memref<10000x8xf32, #tpu.memory_space<vmem_shared>> -> memref<10000x8xf32, #tpu.memory_space<vmem_shared>>
        tpu.wait_indirect_dma semaphore(%run_scoped3A_911 : memref<!tpu.dma_semaphore, #tpu.memory_space<semaphore_mem>>) src(%arg13 : memref<128x8xf32, #tpu.memory_space<vmem>>) dst(%dma_wait3A_923 : memref<10000x8xf32, #tpu.memory_space<vmem_shared>>)
        tpu.yield
      }) : () -> ()
      %mul3A_889 = arith.constant 2 : i32
      %mul3A_890 = arith.muli %mul3A_889, %scan3A_866 : i32
      %add3A_891 = arith.constant 1 : i32
      %add3A_892 = arith.addi %mul3A_890, %add3A_891 : i32
      %dma_wait3A_893 = arith.constant 0 : i32
      %dma_wait3A_894 = arith.constant 0 : i32
      %dma_wait3A_895 = tpu.memref_slice %arg9[%add3A_892, %dma_wait3A_893, %dma_wait3A_894] : memref<6x2x128xi32, #tpu.memory_space<vmem>> -> memref<1x1x128xi32, #tpu.memory_space<vmem>>
      %dma_wait3A_896 = tpu.memref_squeeze %dma_wait3A_895 : memref<1x1x128xi32, #tpu.memory_space<vmem>> -> memref<128xi32, #tpu.memory_space<vmem>>
      %dma_wait3A_897 = arith.constant 0 : i32
      %dma_wait3A_898 = arith.constant 0 : i32
      %dma_wait3A_899 = tpu.memref_slice %arg2[%dma_wait3A_897, %dma_wait3A_898] : memref<10000x128xf32, #tpu.memory_space<hbm>> -> memref<10000x128xf32, #tpu.memory_space<hbm>>
      tpu.wait_indirect_dma semaphore(%arg19 : memref<!tpu.dma_semaphore, #tpu.memory_space<semaphore_mem>>) src(%dma_wait3A_899 : memref<10000x128xf32, #tpu.memory_space<hbm>>) dst(%arg12 : memref<128x128xf32, #tpu.memory_space<vmem>>)
      %run_scoped3A_900 = arith.constant 1 : i32
      "tpu.region"() ({
        %run_scoped3A_911 = tpu.sem_alloc : memref<!tpu.dma_semaphore, #tpu.memory_space<semaphore_mem>>
        %dma_start3A_912 = arith.constant 0 : i32
        %dma_start3A_913 = tpu.memref_slice %arg9[%add3A_892, %run_scoped3A_900, %dma_start3A_912] : memref<6x2x128xi32, #tpu.memory_space<vmem>> -> memref<1x1x128xi32, #tpu.memory_space<vmem>>
        %dma_start3A_914 = tpu.memref_squeeze %dma_start3A_913 : memref<1x1x128xi32, #tpu.memory_space<vmem>> -> memref<128xi32, #tpu.memory_space<vmem>>
        %dma_start3A_915 = arith.constant 0 : i32
        %dma_start3A_916 = arith.constant 0 : i32
        %dma_start3A_917 = tpu.memref_slice %arg14[%dma_start3A_915, %dma_start3A_916] : memref<10000x128xf32, #tpu.memory_space<vmem_shared>> -> memref<10000x128xf32, #tpu.memory_space<vmem_shared>>
        tpu.enqueue_indirect_dma source(%arg12 : memref<128x128xf32, #tpu.memory_space<vmem>>) target(%dma_start3A_917 : memref<10000x128xf32, #tpu.memory_space<vmem_shared>>) offsets(%dma_start3A_914 : memref<128xi32, #tpu.memory_space<vmem>>) semaphore(%run_scoped3A_911 : memref<!tpu.dma_semaphore, #tpu.memory_space<semaphore_mem>>) {add = true}
        %dma_wait3A_918 = arith.constant 0 : i32
        %dma_wait3A_919 = tpu.memref_slice %arg9[%add3A_892, %run_scoped3A_900, %dma_wait3A_918] : memref<6x2x128xi32, #tpu.memory_space<vmem>> -> memref<1x1x128xi32, #tpu.memory_space<vmem>>
        %dma_wait3A_920 = tpu.memref_squeeze %dma_wait3A_919 : memref<1x1x128xi32, #tpu.memory_space<vmem>> -> memref<128xi32, #tpu.memory_space<vmem>>
        %dma_wait3A_921 = arith.constant 0 : i32
        %dma_wait3A_922 = arith.constant 0 : i32
        %dma_wait3A_923 = tpu.memref_slice %arg14[%dma_wait3A_921, %dma_wait3A_922] : memref<10000x128xf32, #tpu.memory_space<vmem_shared>> -> memref<10000x128xf32, #tpu.memory_space<vmem_shared>>
        tpu.wait_indirect_dma semaphore(%run_scoped3A_911 : memref<!tpu.dma_semaphore, #tpu.memory_space<semaphore_mem>>) src(%arg12 : memref<128x128xf32, #tpu.memory_space<vmem>>) dst(%dma_wait3A_923 : memref<10000x128xf32, #tpu.memory_space<vmem_shared>>)
        tpu.yield
      }) : () -> ()
      %add3A_901 = arith.constant 2 : i32
      %add3A_902 = arith.addi %add3A_892, %add3A_901 : i32
      %dma_start3A_903 = arith.constant 0 : i32
      %dma_start3A_904 = arith.constant 0 : i32
      %dma_start3A_905 = tpu.memref_slice %arg9[%add3A_902, %dma_start3A_903, %dma_start3A_904] : memref<6x2x128xi32, #tpu.memory_space<vmem>> -> memref<1x1x128xi32, #tpu.memory_space<vmem>>
      %dma_start3A_906 = tpu.memref_squeeze %dma_start3A_905 : memref<1x1x128xi32, #tpu.memory_space<vmem>> -> memref<128xi32, #tpu.memory_space<vmem>>
      %dma_start3A_907 = arith.constant 0 : i32
      %dma_start3A_908 = arith.constant 0 : i32
      %dma_start3A_909 = tpu.memref_slice %arg2[%dma_start3A_907, %dma_start3A_908] : memref<10000x128xf32, #tpu.memory_space<hbm>> -> memref<10000x128xf32, #tpu.memory_space<hbm>>
      tpu.enqueue_indirect_dma source(%dma_start3A_909 : memref<10000x128xf32, #tpu.memory_space<hbm>>) target(%arg12 : memref<128x128xf32, #tpu.memory_space<vmem>>) offsets(%dma_start3A_906 : memref<128xi32, #tpu.memory_space<vmem>>) semaphore(%arg19 : memref<!tpu.dma_semaphore, #tpu.memory_space<semaphore_mem>>)
      %run_scoped3A_910 = arith.constant 1 : i32
      "tpu.region"() ({
        %run_scoped3A_911 = tpu.sem_alloc : memref<!tpu.dma_semaphore, #tpu.memory_space<semaphore_mem>>
        %dma_start3A_912 = arith.constant 0 : i32
        %dma_start3A_913 = tpu.memref_slice %arg9[%add3A_892, %run_scoped3A_910, %dma_start3A_912] : memref<6x2x128xi32, #tpu.memory_space<vmem>> -> memref<1x1x128xi32, #tpu.memory_space<vmem>>
        %dma_start3A_914 = tpu.memref_squeeze %dma_start3A_913 : memref<1x1x128xi32, #tpu.memory_space<vmem>> -> memref<128xi32, #tpu.memory_space<vmem>>
        %dma_start3A_915 = arith.constant 0 : i32
        %dma_start3A_916 = arith.constant 0 : i32
        %dma_start3A_917 = tpu.memref_slice %arg15[%dma_start3A_915, %dma_start3A_916] : memref<10000x8xf32, #tpu.memory_space<vmem_shared>> -> memref<10000x8xf32, #tpu.memory_space<vmem_shared>>
        tpu.enqueue_indirect_dma source(%arg13 : memref<128x8xf32, #tpu.memory_space<vmem>>) target(%dma_start3A_917 : memref<10000x8xf32, #tpu.memory_space<vmem_shared>>) offsets(%dma_start3A_914 : memref<128xi32, #tpu.memory_space<vmem>>) semaphore(%run_scoped3A_911 : memref<!tpu.dma_semaphore, #tpu.memory_space<semaphore_mem>>) {add = true}
        %dma_wait3A_918 = arith.constant 0 : i32
        %dma_wait3A_919 = tpu.memref_slice %arg9[%add3A_892, %run_scoped3A_910, %dma_wait3A_918] : memref<6x2x128xi32, #tpu.memory_space<vmem>> -> memref<1x1x128xi32, #tpu.memory_space<vmem>>
        %dma_wait3A_920 = tpu.memref_squeeze %dma_wait3A_919 : memref<1x1x128xi32, #tpu.memory_space<vmem>> -> memref<128xi32, #tpu.memory_space<vmem>>
        %dma_wait3A_921 = arith.constant 0 : i32
        %dma_wait3A_922 = arith.constant 0 : i32
        %dma_wait3A_923 = tpu.memref_slice %arg15[%dma_wait3A_921, %dma_wait3A_922] : memref<10000x8xf32, #tpu.memory_space<vmem_shared>> -> memref<10000x8xf32, #tpu.memory_space<vmem_shared>>
        tpu.wait_indirect_dma semaphore(%run_scoped3A_911 : memref<!tpu.dma_semaphore, #tpu.memory_space<semaphore_mem>>) src(%arg13 : memref<128x8xf32, #tpu.memory_space<vmem>>) dst(%dma_wait3A_923 : memref<10000x8xf32, #tpu.memory_space<vmem_shared>>)
        tpu.yield
      }) : () -> ()
    }
    %scan3A_778 = arith.constant 2 : i32
    %dma_wait3A_779 = arith.constant 4 : i32
    %dma_wait3A_780 = arith.constant 0 : i32
    %dma_wait3A_781 = arith.constant 0 : i32
    %dma_wait3A_782 = tpu.memref_slice %arg9[%dma_wait3A_779, %dma_wait3A_780, %dma_wait3A_781] : memref<6x2x128xi32, #tpu.memory_space<vmem>> -> memref<1x1x128xi32, #tpu.memory_space<vmem>>
    %dma_wait3A_783 = tpu.memref_squeeze %dma_wait3A_782 : memref<1x1x128xi32, #tpu.memory_space<vmem>> -> memref<128xi32, #tpu.memory_space<vmem>>
    %dma_wait3A_784 = arith.constant 0 : i32
    %dma_wait3A_785 = arith.constant 0 : i32
    %dma_wait3A_786 = tpu.memref_slice %arg2[%dma_wait3A_784, %dma_wait3A_785] : memref<10000x128xf32, #tpu.memory_space<hbm>> -> memref<10000x128xf32, #tpu.memory_space<hbm>>
    tpu.wait_indirect_dma semaphore(%arg18 : memref<!tpu.dma_semaphore, #tpu.memory_space<semaphore_mem>>) src(%dma_wait3A_786 : memref<10000x128xf32, #tpu.memory_space<hbm>>) dst(%arg11 : memref<128x128xf32, #tpu.memory_space<vmem>>)
    %run_scoped3A_787 = arith.constant 4 : i32
    %run_scoped3A_788 = arith.constant 1 : i32
    "tpu.region"() ({
      %run_scoped3A_866 = tpu.sem_alloc : memref<!tpu.dma_semaphore, #tpu.memory_space<semaphore_mem>>
      %dma_start3A_867 = arith.constant 0 : i32
      %dma_start3A_868 = tpu.memref_slice %arg9[%run_scoped3A_787, %run_scoped3A_788, %dma_start3A_867] : memref<6x2x128xi32, #tpu.memory_space<vmem>> -> memref<1x1x128xi32, #tpu.memory_space<vmem>>
      %dma_start3A_869 = tpu.memref_squeeze %dma_start3A_868 : memref<1x1x128xi32, #tpu.memory_space<vmem>> -> memref<128xi32, #tpu.memory_space<vmem>>
      %dma_start3A_870 = arith.constant 0 : i32
      %dma_start3A_871 = arith.constant 0 : i32
      %dma_start3A_872 = tpu.memref_slice %arg14[%dma_start3A_870, %dma_start3A_871] : memref<10000x128xf32, #tpu.memory_space<vmem_shared>> -> memref<10000x128xf32, #tpu.memory_space<vmem_shared>>
      tpu.enqueue_indirect_dma source(%arg11 : memref<128x128xf32, #tpu.memory_space<vmem>>) target(%dma_start3A_872 : memref<10000x128xf32, #tpu.memory_space<vmem_shared>>) offsets(%dma_start3A_869 : memref<128xi32, #tpu.memory_space<vmem>>) semaphore(%run_scoped3A_866 : memref<!tpu.dma_semaphore, #tpu.memory_space<semaphore_mem>>) {add = true}
      %dma_wait3A_873 = arith.constant 0 : i32
      %dma_wait3A_874 = tpu.memref_slice %arg9[%run_scoped3A_787, %run_scoped3A_788, %dma_wait3A_873] : memref<6x2x128xi32, #tpu.memory_space<vmem>> -> memref<1x1x128xi32, #tpu.memory_space<vmem>>
      %dma_wait3A_875 = tpu.memref_squeeze %dma_wait3A_874 : memref<1x1x128xi32, #tpu.memory_space<vmem>> -> memref<128xi32, #tpu.memory_space<vmem>>
      %dma_wait3A_876 = arith.constant 0 : i32
      %dma_wait3A_877 = arith.constant 0 : i32
      %dma_wait3A_878 = tpu.memref_slice %arg14[%dma_wait3A_876, %dma_wait3A_877] : memref<10000x128xf32, #tpu.memory_space<vmem_shared>> -> memref<10000x128xf32, #tpu.memory_space<vmem_shared>>
      tpu.wait_indirect_dma semaphore(%run_scoped3A_866 : memref<!tpu.dma_semaphore, #tpu.memory_space<semaphore_mem>>) src(%arg11 : memref<128x128xf32, #tpu.memory_space<vmem>>) dst(%dma_wait3A_878 : memref<10000x128xf32, #tpu.memory_space<vmem_shared>>)
      tpu.yield
    }) : () -> ()
    %run_scoped3A_789 = arith.constant 4 : i32
    %run_scoped3A_790 = arith.constant 1 : i32
    "tpu.region"() ({
      %run_scoped3A_866 = tpu.sem_alloc : memref<!tpu.dma_semaphore, #tpu.memory_space<semaphore_mem>>
      %dma_start3A_867 = arith.constant 0 : i32
      %dma_start3A_868 = tpu.memref_slice %arg9[%run_scoped3A_789, %run_scoped3A_790, %dma_start3A_867] : memref<6x2x128xi32, #tpu.memory_space<vmem>> -> memref<1x1x128xi32, #tpu.memory_space<vmem>>
      %dma_start3A_869 = tpu.memref_squeeze %dma_start3A_868 : memref<1x1x128xi32, #tpu.memory_space<vmem>> -> memref<128xi32, #tpu.memory_space<vmem>>
      %dma_start3A_870 = arith.constant 0 : i32
      %dma_start3A_871 = arith.constant 0 : i32
      %dma_start3A_872 = tpu.memref_slice %arg15[%dma_start3A_870, %dma_start3A_871] : memref<10000x8xf32, #tpu.memory_space<vmem_shared>> -> memref<10000x8xf32, #tpu.memory_space<vmem_shared>>
      tpu.enqueue_indirect_dma source(%arg13 : memref<128x8xf32, #tpu.memory_space<vmem>>) target(%dma_start3A_872 : memref<10000x8xf32, #tpu.memory_space<vmem_shared>>) offsets(%dma_start3A_869 : memref<128xi32, #tpu.memory_space<vmem>>) semaphore(%run_scoped3A_866 : memref<!tpu.dma_semaphore, #tpu.memory_space<semaphore_mem>>) {add = true}
      %dma_wait3A_873 = arith.constant 0 : i32
      %dma_wait3A_874 = tpu.memref_slice %arg9[%run_scoped3A_789, %run_scoped3A_790, %dma_wait3A_873] : memref<6x2x128xi32, #tpu.memory_space<vmem>> -> memref<1x1x128xi32, #tpu.memory_space<vmem>>
      %dma_wait3A_875 = tpu.memref_squeeze %dma_wait3A_874 : memref<1x1x128xi32, #tpu.memory_space<vmem>> -> memref<128xi32, #tpu.memory_space<vmem>>
      %dma_wait3A_876 = arith.constant 0 : i32
      %dma_wait3A_877 = arith.constant 0 : i32
      %dma_wait3A_878 = tpu.memref_slice %arg15[%dma_wait3A_876, %dma_wait3A_877] : memref<10000x8xf32, #tpu.memory_space<vmem_shared>> -> memref<10000x8xf32, #tpu.memory_space<vmem_shared>>
      tpu.wait_indirect_dma semaphore(%run_scoped3A_866 : memref<!tpu.dma_semaphore, #tpu.memory_space<semaphore_mem>>) src(%arg13 : memref<128x8xf32, #tpu.memory_space<vmem>>) dst(%dma_wait3A_878 : memref<10000x8xf32, #tpu.memory_space<vmem_shared>>)
      tpu.yield
    }) : () -> ()
    %dma_wait3A_791 = arith.constant 5 : i32
    %dma_wait3A_792 = arith.constant 0 : i32
    %dma_wait3A_793 = arith.constant 0 : i32
    %dma_wait3A_794 = tpu.memref_slice %arg9[%dma_wait3A_791, %dma_wait3A_792, %dma_wait3A_793] : memref<6x2x128xi32, #tpu.memory_space<vmem>> -> memref<1x1x128xi32, #tpu.memory_space<vmem>>
    %dma_wait3A_795 = tpu.memref_squeeze %dma_wait3A_794 : memref<1x1x128xi32, #tpu.memory_space<vmem>> -> memref<128xi32, #tpu.memory_space<vmem>>
    %dma_wait3A_796 = arith.constant 0 : i32
    %dma_wait3A_797 = arith.constant 0 : i32
    %dma_wait3A_798 = tpu.memref_slice %arg2[%dma_wait3A_796, %dma_wait3A_797] : memref<10000x128xf32, #tpu.memory_space<hbm>> -> memref<10000x128xf32, #tpu.memory_space<hbm>>
    tpu.wait_indirect_dma semaphore(%arg19 : memref<!tpu.dma_semaphore, #tpu.memory_space<semaphore_mem>>) src(%dma_wait3A_798 : memref<10000x128xf32, #tpu.memory_space<hbm>>) dst(%arg12 : memref<128x128xf32, #tpu.memory_space<vmem>>)
    %run_scoped3A_799 = arith.constant 5 : i32
    %run_scoped3A_800 = arith.constant 1 : i32
    "tpu.region"() ({
      %run_scoped3A_866 = tpu.sem_alloc : memref<!tpu.dma_semaphore, #tpu.memory_space<semaphore_mem>>
      %dma_start3A_867 = arith.constant 0 : i32
      %dma_start3A_868 = tpu.memref_slice %arg9[%run_scoped3A_799, %run_scoped3A_800, %dma_start3A_867] : memref<6x2x128xi32, #tpu.memory_space<vmem>> -> memref<1x1x128xi32, #tpu.memory_space<vmem>>
      %dma_start3A_869 = tpu.memref_squeeze %dma_start3A_868 : memref<1x1x128xi32, #tpu.memory_space<vmem>> -> memref<128xi32, #tpu.memory_space<vmem>>
      %dma_start3A_870 = arith.constant 0 : i32
      %dma_start3A_871 = arith.constant 0 : i32
      %dma_start3A_872 = tpu.memref_slice %arg14[%dma_start3A_870, %dma_start3A_871] : memref<10000x128xf32, #tpu.memory_space<vmem_shared>> -> memref<10000x128xf32, #tpu.memory_space<vmem_shared>>
      tpu.enqueue_indirect_dma source(%arg12 : memref<128x128xf32, #tpu.memory_space<vmem>>) target(%dma_start3A_872 : memref<10000x128xf32, #tpu.memory_space<vmem_shared>>) offsets(%dma_start3A_869 : memref<128xi32, #tpu.memory_space<vmem>>) semaphore(%run_scoped3A_866 : memref<!tpu.dma_semaphore, #tpu.memory_space<semaphore_mem>>) {add = true}
      %dma_wait3A_873 = arith.constant 0 : i32
      %dma_wait3A_874 = tpu.memref_slice %arg9[%run_scoped3A_799, %run_scoped3A_800, %dma_wait3A_873] : memref<6x2x128xi32, #tpu.memory_space<vmem>> -> memref<1x1x128xi32, #tpu.memory_space<vmem>>
      %dma_wait3A_875 = tpu.memref_squeeze %dma_wait3A_874 : memref<1x1x128xi32, #tpu.memory_space<vmem>> -> memref<128xi32, #tpu.memory_space<vmem>>
      %dma_wait3A_876 = arith.constant 0 : i32
      %dma_wait3A_877 = arith.constant 0 : i32
      %dma_wait3A_878 = tpu.memref_slice %arg14[%dma_wait3A_876, %dma_wait3A_877] : memref<10000x128xf32, #tpu.memory_space<vmem_shared>> -> memref<10000x128xf32, #tpu.memory_space<vmem_shared>>
      tpu.wait_indirect_dma semaphore(%run_scoped3A_866 : memref<!tpu.dma_semaphore, #tpu.memory_space<semaphore_mem>>) src(%arg12 : memref<128x128xf32, #tpu.memory_space<vmem>>) dst(%dma_wait3A_878 : memref<10000x128xf32, #tpu.memory_space<vmem_shared>>)
      tpu.yield
    }) : () -> ()
    %run_scoped3A_801 = arith.constant 5 : i32
    %run_scoped3A_802 = arith.constant 1 : i32
    "tpu.region"() ({
      %run_scoped3A_866 = tpu.sem_alloc : memref<!tpu.dma_semaphore, #tpu.memory_space<semaphore_mem>>
      %dma_start3A_867 = arith.constant 0 : i32
      %dma_start3A_868 = tpu.memref_slice %arg9[%run_scoped3A_801, %run_scoped3A_802, %dma_start3A_867] : memref<6x2x128xi32, #tpu.memory_space<vmem>> -> memref<1x1x128xi32, #tpu.memory_space<vmem>>
      %dma_start3A_869 = tpu.memref_squeeze %dma_start3A_868 : memref<1x1x128xi32, #tpu.memory_space<vmem>> -> memref<128xi32, #tpu.memory_space<vmem>>
      %dma_start3A_870 = arith.constant 0 : i32
      %dma_start3A_871 = arith.constant 0 : i32
      %dma_start3A_872 = tpu.memref_slice %arg15[%dma_start3A_870, %dma_start3A_871] : memref<10000x8xf32, #tpu.memory_space<vmem_shared>> -> memref<10000x8xf32, #tpu.memory_space<vmem_shared>>
      tpu.enqueue_indirect_dma source(%arg13 : memref<128x8xf32, #tpu.memory_space<vmem>>) target(%dma_start3A_872 : memref<10000x8xf32, #tpu.memory_space<vmem_shared>>) offsets(%dma_start3A_869 : memref<128xi32, #tpu.memory_space<vmem>>) semaphore(%run_scoped3A_866 : memref<!tpu.dma_semaphore, #tpu.memory_space<semaphore_mem>>) {add = true}
      %dma_wait3A_873 = arith.constant 0 : i32
      %dma_wait3A_874 = tpu.memref_slice %arg9[%run_scoped3A_801, %run_scoped3A_802, %dma_wait3A_873] : memref<6x2x128xi32, #tpu.memory_space<vmem>> -> memref<1x1x128xi32, #tpu.memory_space<vmem>>
      %dma_wait3A_875 = tpu.memref_squeeze %dma_wait3A_874 : memref<1x1x128xi32, #tpu.memory_space<vmem>> -> memref<128xi32, #tpu.memory_space<vmem>>
      %dma_wait3A_876 = arith.constant 0 : i32
      %dma_wait3A_877 = arith.constant 0 : i32
      %dma_wait3A_878 = tpu.memref_slice %arg15[%dma_wait3A_876, %dma_wait3A_877] : memref<10000x8xf32, #tpu.memory_space<vmem_shared>> -> memref<10000x8xf32, #tpu.memory_space<vmem_shared>>
      tpu.wait_indirect_dma semaphore(%run_scoped3A_866 : memref<!tpu.dma_semaphore, #tpu.memory_space<semaphore_mem>>) src(%arg13 : memref<128x8xf32, #tpu.memory_space<vmem>>) dst(%dma_wait3A_878 : memref<10000x8xf32, #tpu.memory_space<vmem_shared>>)
      tpu.yield
    }) : () -> ()
    "tpu.region"() ({
      %run_scoped3A_866 = tpu.sem_alloc : memref<!tpu.dma_semaphore, #tpu.memory_space<semaphore_mem>>
      %dma_start3A_867 = arith.constant 0 : i32
      %dma_start3A_868 = arith.constant 0 : i32
      %dma_start3A_869 = arith.constant 0 : i32
      %dma_start3A_870 = tpu.memref_slice %arg9[%dma_start3A_867, %dma_start3A_868, %dma_start3A_869] : memref<6x2x128xi32, #tpu.memory_space<vmem>> -> memref<4x2x128xi32, #tpu.memory_space<vmem>>
      %dma_start3A_871 = arith.constant 2496 : i32
      %dma_start3A_872 = arith.constant 0 : i32
      %dma_start3A_873 = arith.constant 0 : i32
      %dma_start3A_874 = tpu.memref_slice %arg3[%dma_start3A_871, %dma_start3A_872, %dma_start3A_873] : memref<2500x2x128xi32, #tpu.memory_space<hbm>> -> memref<4x2x128xi32, #tpu.memory_space<hbm>>
      %dma_start3A_875 = arith.constant 0 : i32
      %dma_start3A_876 = arith.constant 0 : i32
      %dma_start3A_877 = arith.constant 0 : i32
      %dma_start3A_878 = tpu.memref_slice %arg9[%dma_start3A_875, %dma_start3A_876, %dma_start3A_877] : memref<6x2x128xi32, #tpu.memory_space<vmem>> -> memref<4x2x128xi32, #tpu.memory_space<vmem>>
      %dma_start3A_879 = arith.constant 2496 : i32
      %dma_start3A_880 = arith.constant 0 : i32
      %dma_start3A_881 = arith.constant 0 : i32
      %dma_start3A_882 = tpu.memref_slice %arg3[%dma_start3A_879, %dma_start3A_880, %dma_start3A_881] : memref<2500x2x128xi32, #tpu.memory_space<hbm>> -> memref<4x2x128xi32, #tpu.memory_space<hbm>>
      tpu.enqueue_dma source(%dma_start3A_882 : memref<4x2x128xi32, #tpu.memory_space<hbm>>) target(%dma_start3A_878 : memref<4x2x128xi32, #tpu.memory_space<vmem>>) target_semaphore(%run_scoped3A_866 : memref<!tpu.dma_semaphore, #tpu.memory_space<semaphore_mem>>)
      %dma_wait3A_883 = arith.constant 0 : i32
      %dma_wait3A_884 = arith.constant 0 : i32
      %dma_wait3A_885 = arith.constant 0 : i32
      %dma_wait3A_886 = tpu.memref_slice %arg9[%dma_wait3A_883, %dma_wait3A_884, %dma_wait3A_885] : memref<6x2x128xi32, #tpu.memory_space<vmem>> -> memref<4x2x128xi32, #tpu.memory_space<vmem>>
      %dma_wait3A_887 = arith.constant 2496 : i32
      %dma_wait3A_888 = arith.constant 0 : i32
      %dma_wait3A_889 = arith.constant 0 : i32
      %dma_wait3A_890 = tpu.memref_slice %arg3[%dma_wait3A_887, %dma_wait3A_888, %dma_wait3A_889] : memref<2500x2x128xi32, #tpu.memory_space<hbm>> -> memref<4x2x128xi32, #tpu.memory_space<hbm>>
      %dma_wait3A_891 = arith.constant 0 : i32
      %dma_wait3A_892 = arith.constant 0 : i32
      %dma_wait3A_893 = arith.constant 0 : i32
      %dma_wait3A_894 = tpu.memref_slice %arg9[%dma_wait3A_891, %dma_wait3A_892, %dma_wait3A_893] : memref<6x2x128xi32, #tpu.memory_space<vmem>> -> memref<4x2x128xi32, #tpu.memory_space<vmem>>
      %dma_wait3A_895 = arith.constant 2496 : i32
      %dma_wait3A_896 = arith.constant 0 : i32
      %dma_wait3A_897 = arith.constant 0 : i32
      %dma_wait3A_898 = tpu.memref_slice %arg3[%dma_wait3A_895, %dma_wait3A_896, %dma_wait3A_897] : memref<2500x2x128xi32, #tpu.memory_space<hbm>> -> memref<4x2x128xi32, #tpu.memory_space<hbm>>
      tpu.wait_dma2 semaphore(%run_scoped3A_866 : memref<!tpu.dma_semaphore, #tpu.memory_space<semaphore_mem>>) src(%dma_wait3A_898 : memref<4x2x128xi32, #tpu.memory_space<hbm>>) dst(%dma_wait3A_894 : memref<4x2x128xi32, #tpu.memory_space<vmem>>)
      tpu.yield
    }) : () -> ()
    %jit3A = arith.constant 8 : i32
    %div3A = arith.divsi %add3A, %jit3A : i32
    %sign3A = arith.constant 0 : i32
    %sign3A_803 = arith.cmpi sgt, %add3A, %sign3A : i32
    %sign3A_804 = arith.extui %sign3A_803 : i1 to i32
    %sign3A_805 = arith.constant 0 : i32
    %sign3A_806 = arith.cmpi slt, %add3A, %sign3A_805 : i32
    %sign3A_807 = arith.extui %sign3A_806 : i1 to i32
    %sign3A_808 = arith.subi %sign3A_804, %sign3A_807 : i32
    %sign3A_809 = arith.constant 0 : i32
    %sign3A_810 = arith.cmpi sgt, %jit3A, %sign3A_809 : i32
    %sign3A_811 = arith.extui %sign3A_810 : i1 to i32
    %sign3A_812 = arith.constant 0 : i32
    %sign3A_813 = arith.cmpi slt, %jit3A, %sign3A_812 : i32
    %sign3A_814 = arith.extui %sign3A_813 : i1 to i32
    %sign3A_815 = arith.subi %sign3A_811, %sign3A_814 : i32
    %ne3A = arith.cmpi ne, %sign3A_808, %sign3A_815 : i32
    %rem3A = arith.remsi %add3A, %jit3A : i32
    %ne3A_816 = arith.constant 0 : i32
    %ne3A_817 = arith.cmpi ne, %rem3A, %ne3A_816 : i32
    %and3A = arith.andi %ne3A, %ne3A_817 : i1
    %sub3A = arith.constant 1 : i32
    %sub3A_818 = arith.subi %div3A, %sub3A : i32
    %select_n3A = arith.select %and3A, %sub3A_818, %div3A : i32
    %jit3A_819 = arith.constant 8 : i32
    %eq3A = arith.constant 0 : i32
    %eq3A_820 = arith.cmpi eq, %jit3A_819, %eq3A : i32
    %jit3A_821 = arith.constant 1 : i32
    %select_n3A_822 = arith.select %eq3A_820, %jit3A_821, %jit3A_819 : i32
    %rem3A_823 = arith.remsi %add3A, %select_n3A_822 : i32
    %ne3A_824 = arith.constant 0 : i32
    %ne3A_825 = arith.cmpi ne, %rem3A_823, %ne3A_824 : i32
    %lt3A = arith.constant 0 : i32
    %lt3A_826 = arith.cmpi slt, %rem3A_823, %lt3A : i32
    %lt3A_827 = arith.constant 0 : i32
    %lt3A_828 = arith.cmpi slt, %select_n3A_822, %lt3A_827 : i32
    %ne3A_829 = arith.xori %lt3A_826, %lt3A_828 : i1
    %and3A_830 = arith.andi %ne3A_829, %ne3A_825 : i1
    %add3A_831 = arith.addi %rem3A_823, %select_n3A_822 : i32
    %select_n3A_832 = arith.select %and3A_830, %add3A_831, %rem3A_823 : i32
    %mul3A_833 = arith.constant 16 : i32
    %mul3A_834 = arith.muli %select_n3A_832, %mul3A_833 : i32
    %multiple_of3A_835 = tpu.assume_multiple %mul3A_834, 8 : i32
    %dma_start3A_836 = arith.constant 0 : i32
    %dma_start3A_837 = arith.constant 0 : i32
    %dma_start3A_838 = arith.constant 0 : i32
    %dma_start3A_839 = tpu.memref_slice %arg11[%dma_start3A_837, %dma_start3A_838] : memref<128x128xf32, #tpu.memory_space<vmem>> -> memref<16x128xf32, #tpu.memory_space<vmem>>
    %dma_start3A_840 = tpu.memref_slice %arg9[%select_n3A, %dma_start3A_836, %multiple_of3A_835] : memref<6x2x128xi32, #tpu.memory_space<vmem>> -> memref<1x1x16xi32, #tpu.memory_space<vmem>>
    %dma_start3A_841 = tpu.memref_squeeze %dma_start3A_840 : memref<1x1x16xi32, #tpu.memory_space<vmem>> -> memref<16xi32, #tpu.memory_space<vmem>>
    %dma_start3A_842 = arith.constant 0 : i32
    %dma_start3A_843 = arith.constant 0 : i32
    %dma_start3A_844 = tpu.memref_slice %arg2[%dma_start3A_842, %dma_start3A_843] : memref<10000x128xf32, #tpu.memory_space<hbm>> -> memref<10000x128xf32, #tpu.memory_space<hbm>>
    tpu.enqueue_indirect_dma source(%dma_start3A_844 : memref<10000x128xf32, #tpu.memory_space<hbm>>) target(%dma_start3A_839 : memref<16x128xf32, #tpu.memory_space<vmem>>) offsets(%dma_start3A_841 : memref<16xi32, #tpu.memory_space<vmem>>) semaphore(%arg18 : memref<!tpu.dma_semaphore, #tpu.memory_space<semaphore_mem>>)
    %dma_wait3A_845 = arith.constant 0 : i32
    %dma_wait3A_846 = arith.constant 0 : i32
    %dma_wait3A_847 = arith.constant 0 : i32
    %dma_wait3A_848 = tpu.memref_slice %arg11[%dma_wait3A_846, %dma_wait3A_847] : memref<128x128xf32, #tpu.memory_space<vmem>> -> memref<16x128xf32, #tpu.memory_space<vmem>>
    %dma_wait3A_849 = tpu.memref_slice %arg9[%select_n3A, %dma_wait3A_845, %multiple_of3A_835] : memref<6x2x128xi32, #tpu.memory_space<vmem>> -> memref<1x1x16xi32, #tpu.memory_space<vmem>>
    %dma_wait3A_850 = tpu.memref_squeeze %dma_wait3A_849 : memref<1x1x16xi32, #tpu.memory_space<vmem>> -> memref<16xi32, #tpu.memory_space<vmem>>
    %dma_wait3A_851 = arith.constant 0 : i32
    %dma_wait3A_852 = arith.constant 0 : i32
    %dma_wait3A_853 = tpu.memref_slice %arg2[%dma_wait3A_851, %dma_wait3A_852] : memref<10000x128xf32, #tpu.memory_space<hbm>> -> memref<10000x128xf32, #tpu.memory_space<hbm>>
    tpu.wait_indirect_dma semaphore(%arg18 : memref<!tpu.dma_semaphore, #tpu.memory_space<semaphore_mem>>) src(%dma_wait3A_853 : memref<10000x128xf32, #tpu.memory_space<hbm>>) dst(%dma_wait3A_848 : memref<16x128xf32, #tpu.memory_space<vmem>>)
    %run_scoped3A_854 = arith.constant 1 : i32
    "tpu.region"() ({
      %run_scoped3A_866 = tpu.sem_alloc : memref<!tpu.dma_semaphore, #tpu.memory_space<semaphore_mem>>
      %dma_start3A_867 = arith.constant 0 : i32
      %dma_start3A_868 = arith.constant 0 : i32
      %dma_start3A_869 = tpu.memref_slice %arg11[%dma_start3A_867, %dma_start3A_868] : memref<128x128xf32, #tpu.memory_space<vmem>> -> memref<16x128xf32, #tpu.memory_space<vmem>>
      %dma_start3A_870 = tpu.memref_slice %arg9[%select_n3A, %run_scoped3A_854, %multiple_of3A_835] : memref<6x2x128xi32, #tpu.memory_space<vmem>> -> memref<1x1x16xi32, #tpu.memory_space<vmem>>
      %dma_start3A_871 = tpu.memref_squeeze %dma_start3A_870 : memref<1x1x16xi32, #tpu.memory_space<vmem>> -> memref<16xi32, #tpu.memory_space<vmem>>
      %dma_start3A_872 = arith.constant 0 : i32
      %dma_start3A_873 = arith.constant 0 : i32
      %dma_start3A_874 = tpu.memref_slice %arg14[%dma_start3A_872, %dma_start3A_873] : memref<10000x128xf32, #tpu.memory_space<vmem_shared>> -> memref<10000x128xf32, #tpu.memory_space<vmem_shared>>
      tpu.enqueue_indirect_dma source(%dma_start3A_869 : memref<16x128xf32, #tpu.memory_space<vmem>>) target(%dma_start3A_874 : memref<10000x128xf32, #tpu.memory_space<vmem_shared>>) offsets(%dma_start3A_871 : memref<16xi32, #tpu.memory_space<vmem>>) semaphore(%run_scoped3A_866 : memref<!tpu.dma_semaphore, #tpu.memory_space<semaphore_mem>>) {add = true}
      %dma_wait3A_875 = arith.constant 0 : i32
      %dma_wait3A_876 = arith.constant 0 : i32
      %dma_wait3A_877 = tpu.memref_slice %arg11[%dma_wait3A_875, %dma_wait3A_876] : memref<128x128xf32, #tpu.memory_space<vmem>> -> memref<16x128xf32, #tpu.memory_space<vmem>>
      %dma_wait3A_878 = tpu.memref_slice %arg9[%select_n3A, %run_scoped3A_854, %multiple_of3A_835] : memref<6x2x128xi32, #tpu.memory_space<vmem>> -> memref<1x1x16xi32, #tpu.memory_space<vmem>>
      %dma_wait3A_879 = tpu.memref_squeeze %dma_wait3A_878 : memref<1x1x16xi32, #tpu.memory_space<vmem>> -> memref<16xi32, #tpu.memory_space<vmem>>
      %dma_wait3A_880 = arith.constant 0 : i32
      %dma_wait3A_881 = arith.constant 0 : i32
      %dma_wait3A_882 = tpu.memref_slice %arg14[%dma_wait3A_880, %dma_wait3A_881] : memref<10000x128xf32, #tpu.memory_space<vmem_shared>> -> memref<10000x128xf32, #tpu.memory_space<vmem_shared>>
      tpu.wait_indirect_dma semaphore(%run_scoped3A_866 : memref<!tpu.dma_semaphore, #tpu.memory_space<semaphore_mem>>) src(%dma_wait3A_877 : memref<16x128xf32, #tpu.memory_space<vmem>>) dst(%dma_wait3A_882 : memref<10000x128xf32, #tpu.memory_space<vmem_shared>>)
      tpu.yield
    }) : () -> ()
    %run_scoped3A_855 = arith.constant 1 : i32
    "tpu.region"() ({
      %run_scoped3A_866 = tpu.sem_alloc : memref<!tpu.dma_semaphore, #tpu.memory_space<semaphore_mem>>
      %dma_start3A_867 = arith.constant 0 : i32
      %dma_start3A_868 = arith.constant 0 : i32
      %dma_start3A_869 = tpu.memref_slice %arg13[%dma_start3A_867, %dma_start3A_868] : memref<128x8xf32, #tpu.memory_space<vmem>> -> memref<16x8xf32, #tpu.memory_space<vmem>>
      %dma_start3A_870 = tpu.memref_slice %arg9[%select_n3A, %run_scoped3A_855, %multiple_of3A_835] : memref<6x2x128xi32, #tpu.memory_space<vmem>> -> memref<1x1x16xi32, #tpu.memory_space<vmem>>
      %dma_start3A_871 = tpu.memref_squeeze %dma_start3A_870 : memref<1x1x16xi32, #tpu.memory_space<vmem>> -> memref<16xi32, #tpu.memory_space<vmem>>
      %dma_start3A_872 = arith.constant 0 : i32
      %dma_start3A_873 = arith.constant 0 : i32
      %dma_start3A_874 = tpu.memref_slice %arg15[%dma_start3A_872, %dma_start3A_873] : memref<10000x8xf32, #tpu.memory_space<vmem_shared>> -> memref<10000x8xf32, #tpu.memory_space<vmem_shared>>
      tpu.enqueue_indirect_dma source(%dma_start3A_869 : memref<16x8xf32, #tpu.memory_space<vmem>>) target(%dma_start3A_874 : memref<10000x8xf32, #tpu.memory_space<vmem_shared>>) offsets(%dma_start3A_871 : memref<16xi32, #tpu.memory_space<vmem>>) semaphore(%run_scoped3A_866 : memref<!tpu.dma_semaphore, #tpu.memory_space<semaphore_mem>>) {add = true}
      %dma_wait3A_875 = arith.constant 0 : i32
      %dma_wait3A_876 = arith.constant 0 : i32
      %dma_wait3A_877 = tpu.memref_slice %arg13[%dma_wait3A_875, %dma_wait3A_876] : memref<128x8xf32, #tpu.memory_space<vmem>> -> memref<16x8xf32, #tpu.memory_space<vmem>>
      %dma_wait3A_878 = tpu.memref_slice %arg9[%select_n3A, %run_scoped3A_855, %multiple_of3A_835] : memref<6x2x128xi32, #tpu.memory_space<vmem>> -> memref<1x1x16xi32, #tpu.memory_space<vmem>>
      %dma_wait3A_879 = tpu.memref_squeeze %dma_wait3A_878 : memref<1x1x16xi32, #tpu.memory_space<vmem>> -> memref<16xi32, #tpu.memory_space<vmem>>
      %dma_wait3A_880 = arith.constant 0 : i32
      %dma_wait3A_881 = arith.constant 0 : i32
      %dma_wait3A_882 = tpu.memref_slice %arg15[%dma_wait3A_880, %dma_wait3A_881] : memref<10000x8xf32, #tpu.memory_space<vmem_shared>> -> memref<10000x8xf32, #tpu.memory_space<vmem_shared>>
      tpu.wait_indirect_dma semaphore(%run_scoped3A_866 : memref<!tpu.dma_semaphore, #tpu.memory_space<semaphore_mem>>) src(%dma_wait3A_877 : memref<16x8xf32, #tpu.memory_space<vmem>>) dst(%dma_wait3A_882 : memref<10000x8xf32, #tpu.memory_space<vmem_shared>>)
      tpu.yield
    }) : () -> ()
    %barrier3A_856 = arith.constant 0 : index
    tpu.barrier barrier_id(%barrier3A_856)
    %mul3A_857 = arith.constant 10000 : i32
    %mul3A_858 = arith.muli %arg0, %mul3A_857 : i32
    %mul3A_859 = arith.constant 625 : i32
    %mul3A_860 = arith.muli %arg1, %mul3A_859 : i32
    %add3A_861 = arith.addi %mul3A_858, %mul3A_860 : i32
    %multiple_of3A_862 = tpu.assume_multiple %add3A_861, 8 : i32
    "tpu.region"() ({
      %run_scoped3A_866 = tpu.sem_alloc : memref<!tpu.dma_semaphore, #tpu.memory_space<semaphore_mem>>
      %dma_start3A_867 = arith.constant 0 : i32
      %dma_start3A_868 = tpu.memref_slice %arg7[%multiple_of3A_862, %dma_start3A_867] : memref<20000x128xf32, #tpu.memory_space<hbm>> -> memref<625x128xf32, #tpu.memory_space<hbm>>
      %dma_start3A_869 = arith.constant 0 : i32
      %dma_start3A_870 = tpu.memref_slice %arg14[%multiple_of3A, %dma_start3A_869] : memref<10000x128xf32, #tpu.memory_space<vmem_shared>> -> memref<625x128xf32, #tpu.memory_space<vmem_shared>>
      tpu.enqueue_dma source(%dma_start3A_870 : memref<625x128xf32, #tpu.memory_space<vmem_shared>>) target(%dma_start3A_868 : memref<625x128xf32, #tpu.memory_space<hbm>>) target_semaphore(%run_scoped3A_866 : memref<!tpu.dma_semaphore, #tpu.memory_space<semaphore_mem>>)
      %dma_wait3A_871 = arith.constant 0 : i32
      %dma_wait3A_872 = tpu.memref_slice %arg7[%multiple_of3A_862, %dma_wait3A_871] : memref<20000x128xf32, #tpu.memory_space<hbm>> -> memref<625x128xf32, #tpu.memory_space<hbm>>
      %dma_wait3A_873 = arith.constant 0 : i32
      %dma_wait3A_874 = tpu.memref_slice %arg14[%multiple_of3A, %dma_wait3A_873] : memref<10000x128xf32, #tpu.memory_space<vmem_shared>> -> memref<625x128xf32, #tpu.memory_space<vmem_shared>>
      tpu.wait_dma2 semaphore(%run_scoped3A_866 : memref<!tpu.dma_semaphore, #tpu.memory_space<semaphore_mem>>) src(%dma_wait3A_874 : memref<625x128xf32, #tpu.memory_space<vmem_shared>>) dst(%dma_wait3A_872 : memref<625x128xf32, #tpu.memory_space<hbm>>)
      tpu.yield
    }) : () -> ()
    %mul3A_863 = arith.constant 8 : i32
    %mul3A_864 = arith.muli %arg0, %mul3A_863 : i32
    %multiple_of3A_865 = tpu.assume_multiple %mul3A_864, 8 : i32
    "tpu.region"() ({
      %run_scoped3A_866 = tpu.sem_alloc : memref<!tpu.dma_semaphore, #tpu.memory_space<semaphore_mem>>
      %dma_start3A_867 = tpu.memref_slice %arg8[%multiple_of3A, %multiple_of3A_865] : memref<10000x128xf32, #tpu.memory_space<hbm>> -> memref<625x8xf32, #tpu.memory_space<hbm>>
      %dma_start3A_868 = arith.constant 0 : i32
      %dma_start3A_869 = tpu.memref_slice %arg15[%multiple_of3A, %dma_start3A_868] : memref<10000x8xf32, #tpu.memory_space<vmem_shared>> -> memref<625x8xf32, #tpu.memory_space<vmem_shared>>
      tpu.enqueue_dma source(%dma_start3A_869 : memref<625x8xf32, #tpu.memory_space<vmem_shared>>) target(%dma_start3A_867 : memref<625x8xf32, #tpu.memory_space<hbm>>) target_semaphore(%run_scoped3A_866 : memref<!tpu.dma_semaphore, #tpu.memory_space<semaphore_mem>>)
      %dma_wait3A_870 = tpu.memref_slice %arg8[%multiple_of3A, %multiple_of3A_865] : memref<10000x128xf32, #tpu.memory_space<hbm>> -> memref<625x8xf32, #tpu.memory_space<hbm>>
      %dma_wait3A_871 = arith.constant 0 : i32
      %dma_wait3A_872 = tpu.memref_slice %arg15[%multiple_of3A, %dma_wait3A_871] : memref<10000x8xf32, #tpu.memory_space<vmem_shared>> -> memref<625x8xf32, #tpu.memory_space<vmem_shared>>
      tpu.wait_dma2 semaphore(%run_scoped3A_866 : memref<!tpu.dma_semaphore, #tpu.memory_space<semaphore_mem>>) src(%dma_wait3A_872 : memref<625x8xf32, #tpu.memory_space<vmem_shared>>) dst(%dma_wait3A_870 : memref<625x8xf32, #tpu.memory_space<hbm>>)
      tpu.yield
    }) : () -> ()
    return
  }
}

module attributes {stable_mosaic.version = 14 : i64} {
  func.func @_combine_body(%arg0: i32, %arg1: memref<2000x128xf32, #tpu.memory_space<vmem>>, %arg2: memref<2000x128xf32, #tpu.memory_space<vmem>>, %arg3: memref<2000x128xf32, #tpu.memory_space<vmem>>, %arg4: memref<2000x128xf32, #tpu.memory_space<vmem>>) attributes {dimension_semantics = [#tpu.dimension_semantics<arbitrary>], iteration_bounds = array<i64: 5>, scalar_prefetch = 0 : i64, scratch_operands = 0 : i64, tpu.core_type = #tpu.core_type<tc>, window_params = [{transform_indices = @transform_0, window_bounds = array<i64: 2000, 128>}, {transform_indices = @transform_1, window_bounds = array<i64: 2000, 128>}, {transform_indices = @transform_2, window_bounds = array<i64: 2000, 128>}, {transform_indices = @transform_3, window_bounds = array<i64: 2000, 128>}]} {
    %get3A = arith.constant 0 : index
    %get3A_0 = arith.constant 0 : index
    %get3A_1 = vector.load %arg1[%get3A, %get3A_0] : memref<2000x128xf32, #tpu.memory_space<vmem>>, vector<2000x128xf32>
    %get3A_2 = arith.constant 0 : index
    %get3A_3 = arith.constant 0 : index
    %get3A_4 = vector.load %arg2[%get3A_2, %get3A_3] : memref<2000x128xf32, #tpu.memory_space<vmem>>, vector<2000x128xf32>
    %add3A = arith.addf %get3A_1, %get3A_4 : vector<2000x128xf32>
    %get3A_5 = arith.constant 0 : index
    %get3A_6 = arith.constant 0 : index
    %get3A_7 = vector.load %arg3[%get3A_5, %get3A_6] : memref<2000x128xf32, #tpu.memory_space<vmem>>, vector<2000x1xf32>
    %get3A_8 = arith.constant 0 : index
    %get3A_9 = arith.constant 8 : index
    %get3A_10 = vector.load %arg3[%get3A_8, %get3A_9] : memref<2000x128xf32, #tpu.memory_space<vmem>>, vector<2000x1xf32>
    %add3A_11 = arith.addf %get3A_7, %get3A_10 : vector<2000x1xf32>
    %max3A = arith.constant 9.99999993E-9 : f32
    %max3A_12 = vector.broadcast %max3A : f32 to vector<2000x1xf32>
    %max3A_13 = arith.maximumf %add3A_11, %max3A_12 : vector<2000x1xf32>
    %div3A = vector.broadcast %max3A_13 : vector<2000x1xf32> to vector<2000x128xf32>
    %div3A_14 = arith.divf %add3A, %div3A : vector<2000x128xf32>
    %swap3A = arith.constant 0 : index
    %swap3A_15 = arith.constant 0 : index
    %swap3A_16 = vector.load %arg4[%swap3A, %swap3A_15] : memref<2000x128xf32, #tpu.memory_space<vmem>>, vector<2000x128xf32>
    tpu.vector_store %arg4[%swap3A, %swap3A_15], %div3A_14 {strides = array<i32>} : memref<2000x128xf32, #tpu.memory_space<vmem>>, vector<2000x128xf32>,
    return
  }
  func.func @transform_0(%arg0: i32) -> (i32, i32) {
    %c0_i32 = arith.constant 0 : i32
    %c0_i32_0 = arith.constant 0 : i32
    return %arg0, %c0_i32 : i32, i32
  }
  func.func @transform_1(%arg0: i32) -> (i32, i32) {
    %add3A = arith.constant 5 : i32
    %add3A_0 = arith.addi %arg0, %add3A : i32
    %c0_i32 = arith.constant 0 : i32
    %c0_i32_1 = arith.constant 0 : i32
    return %add3A_0, %c0_i32 : i32, i32
  }
  func.func @transform_2(%arg0: i32) -> (i32, i32) {
    %c0_i32 = arith.constant 0 : i32
    %c0_i32_0 = arith.constant 0 : i32
    return %arg0, %c0_i32 : i32, i32
  }
  func.func @transform_3(%arg0: i32) -> (i32, i32) {
    %c0_i32 = arith.constant 0 : i32
    %c0_i32_0 = arith.constant 0 : i32
    return %arg0, %c0_i32 : i32, i32
  }
}

</mosaic_0001>

<sc_bundles>
// kernel: kernel.4.cloned.1.call-start
scs
__scs_entry_jumppad:
0x0: {  	(pc) =	sbr.rel $0x88, $3  }
0x1: {  	(tag) =	ssettag $0x0;
	lr =	simm.s32 $0x1  }
0x2: {  	[smem:$0x3F9F] =	sst lr;
	_ =	strace $0xD0000000  }
0x3: {  	_ = 	snop  }
0x4: {  	_ = 	snop  }
0x5: {  	_ = 	snop  }
0x6: {  	_ = 	snop  }
0x7: {  	_ = 	snop  }
__scs_overlays_trampoline_lowered:
0x8: {  	[smem:$0x3FAE] =	sst s0  }
0x9: {  	[smem:$0x3FAF] =	sst s1  }
0xa: {  	[smem:$0x3FB0] =	sst s2  }
0xb: {  	[smem:$0x3FB1] =	sst s3  }
0xc: {  	[smem:$0x3FB2] =	sst s4  }
0xd: {  	[smem:$0x3FB3] =	sst s5  }
0xe: {  	[smem:$0x3FB4] =	sst s6  }
0xf: {  	[smem:$0x3FB5] =	sst s7  }
0x10: {  	[smem:$0x3FB6] =	sst s8  }
0x11: {  	[smem:$0x3FB7] =	sst s9;
	s0 =	simm.s32 @!p0 $0x0  }
0x12: {  	s1 =	sld [smem:$0x3F9D];
	s0 =	simm.s32 @p0 $0x1  }
0x13: {  	[smem:$0x3FB8] =	sst s0;
	s0 =	simm.s32 @!p1 $0x0  }
0x14: {  	s2 =	sld [smem:$0x3F9C];
	s0 =	simm.s32 @p1 $0x1  }
0x15: {  	[smem:$0x3FB9] =	sst s0;
	s0 =	simm.s32 @!p2 $0x0  }
0x16: {  	s3 =	sld [smem:$0x3FDB];
	s0 =	simm.s32 @p2 $0x1  }
0x17: {  	s4 =	simm.s32 $0x1BF5;
	[smem:$0x3FBB] =	sst s0  }
0x18: {  	s0 =	sld [smem:$0x3F9E];
	_ =	swait.ge [sflag:s4], $0x0  }
0x19: {  	s7 =	sld [smem:$0x3F9F]  }
0x1a: {  	s8 =	sadd.s32 $0xFFFFE003, lr  }
0x1b: {  	s9 =	sadd.s32 $0xFFFFFEF7, lr;
	s5 =	simm.s32 $0xFFFFFFFF;
	p2 =	slt.u32 s8, $0xFFFFF086  }
0x1c: {  	p1 =	slt.u32 s9, $0xF7A;
	s5 =	simm.s32 @!p2 $0x0  }
0x1d: {  	s5 =	simm.s32 @p1 $0x1;
	p0 =	seq.s32 s7, s2  }
0x1e: {  	s7 =	smul.u32 @!p0 $0xF7A, s2;
	p2 =	seq.s32 @!p0 s5, $0x0  }
0x1f: {  	s9 =	smul.u32 $0xF7A, s1;
	s8 =	simm.s32 @!p0 $0x1BF5;
	p2 =	por !p2, p0  }
0x20: {  	[sflag:s8] =	ssyncset.s32 @!p0 $0xFFFFF086;
	s6 =	sadd.s32 @!p0 s3, s7;
	s7 =	simm.s32 @!p0 $0x108  }
0x21: {  	s3 =	sadd.s32 s3, s9;
	s6 =	sadd.s32 @!p0 $0x88, s6;
	s7 =	simm.s32 @p2 $0x1082  }
0x22: {  	[simem:s7], [sflag:s8] =	dma.local @!p0 [hbm:s6], $0xF7A  }
0x23: {  	s9 =	sor.u32 $0xD0000000, s2;
	s6 =	simm.s32 $0x108;
	_ =	swait.ge @!p0 [sflag:s8], $0x0  }
0x24: {  	s3 =	sadd.s32 $0x88, s3;
	s6 =	simm.s32 @!p1 $0x1082;
	[sflag:s4] =	ssyncset.s32 $0xFFFFF086  }
0x25: {  	[simem:s6], [sflag:s4] =	dma.local [hbm:s3], $0xF7A  }
0x26: {  	[smem:$0x3F9F] =	sst s1;
	(tag) =	ssettag s2;
	_ =	strace s9  }
0x27: {  	s1 =	sld [smem:$0x3FAF]  }
0x28: {  	s2 =	sld [smem:$0x3FB0]  }
0x29: {  	s4 =	sld [smem:$0x3FB2]  }
0x2a: {  	p0 =	seq.s32 s5, $0x0;
	s5 =	sld [smem:$0x3FB3]  }
0x2b: {  	s6 =	sld [smem:$0x3FB4]  }
0x2c: {  	s7 =	sld [smem:$0x3FB5]  }
0x2d: {  	s3 =	simm.s32 $0x108;
	s8 =	sld [smem:$0x3FB6]  }
0x2e: {  	s3 =	simm.s32 @!p0 $0x1082;
	s9 =	sld [smem:$0x3FB7]  }
0x2f: {  	lr =	sadd.s32 s0, s3;
	s0 =	sld [smem:$0x3FAE]  }
0x30: {  	s3 =	sld [smem:$0x3FB1]  }
0x31: {  	[smem:$0x3FBA] =	sst s10  }
0x32: {  	s10 =	sld [smem:$0x3FB8];
	_ =	sdelay $0x3  }
0x33: {  	p0 =	seq.s32 s10, $0x1;
	s10 =	sld [smem:$0x3FBA];
	_ =	sdelay $0x3  }
0x34: {  	[smem:$0x3FBA] =	sst s10  }
0x35: {  	s10 =	sld [smem:$0x3FB9];
	_ =	sdelay $0x3  }
0x36: {  	p1 =	seq.s32 s10, $0x1;
	s10 =	sld [smem:$0x3FBA];
	_ =	sdelay $0x3  }
0x37: {  	[smem:$0x3FBA] =	sst s10  }
0x38: {  	s10 =	sld [smem:$0x3FBB]  }
0x39: {  	_ = 	snop;
	(pc) =	sbr.ind lr, $3  }
0x3a: {  	_ = 	snop  }
0x3b: {  	_ = 	snop  }
0x3c: {  	p2 =	seq.s32 s10, $0x1;
	s10 =	sld [smem:$0x3FBA]  }
0x3d: {  	_ =	shalt  }
0x3e: {  	_ =	shalt  }
0x3f: {  	_ =	shalt  }
0x40: {  	_ =	shalt  }
0x41: {  	_ =	shalt  }
0x42: {  	_ =	shalt  }
0x43: {  	_ =	shalt  }
0x44: {  	_ =	shalt  }
0x45: {  	_ =	shalt  }
0x46: {  	_ =	shalt  }
0x47: {  	_ =	shalt  }
0x48: {  	_ =	shalt  }
0x49: {  	_ =	shalt  }
0x4a: {  	_ =	shalt  }
0x4b: {  	_ =	shalt  }
0x4c: {  	_ =	shalt  }
0x4d: {  	_ =	shalt  }
0x4e: {  	_ =	shalt  }
0x4f: {  	_ =	shalt  }
0x50: {  	_ =	shalt  }
0x51: {  	_ =	shalt  }
0x52: {  	_ =	shalt  }
0x53: {  	_ =	shalt  }
0x54: {  	_ =	shalt  }
0x55: {  	_ =	shalt  }
0x56: {  	_ =	shalt  }
0x57: {  	_ =	shalt  }
0x58: {  	_ =	shalt  }
0x59: {  	_ =	shalt  }
0x5a: {  	_ =	shalt  }
0x5b: {  	_ =	shalt  }
0x5c: {  	_ =	shalt  }
0x5d: {  	_ =	shalt  }
0x5e: {  	_ =	shalt  }
0x5f: {  	_ =	shalt  }
0x60: {  	_ =	shalt  }
0x61: {  	_ =	shalt  }
0x62: {  	_ =	shalt  }
0x63: {  	_ =	shalt  }
0x64: {  	_ =	shalt  }
0x65: {  	_ =	shalt  }
0x66: {  	_ =	shalt  }
0x67: {  	_ =	shalt  }
0x68: {  	_ =	shalt  }
0x69: {  	_ =	shalt  }
0x6a: {  	_ =	shalt  }
0x6b: {  	_ =	shalt  }
0x6c: {  	_ =	shalt  }
0x6d: {  	_ =	shalt  }
0x6e: {  	_ =	shalt  }
0x6f: {  	_ =	shalt  }
0x70: {  	_ =	shalt  }
0x71: {  	_ =	shalt  }
0x72: {  	_ =	shalt  }
0x73: {  	_ =	shalt  }
0x74: {  	_ =	shalt  }
0x75: {  	_ =	shalt  }
0x76: {  	_ =	shalt  }
0x77: {  	_ =	shalt  }
0x78: {  	_ =	shalt  }
0x79: {  	_ =	shalt  }
0x7a: {  	_ =	shalt  }
0x7b: {  	_ =	shalt  }
0x7c: {  	_ =	shalt  }
0x7d: {  	_ =	shalt  }
0x7e: {  	_ =	shalt  }
0x7f: {  	_ =	shalt  }
0x80: {  	_ =	shalt  }
0x81: {  	_ =	shalt  }
0x82: {  	_ =	shalt  }
0x83: {  	_ =	shalt  }
0x84: {  	_ =	shalt  }
0x85: {  	_ =	shalt  }
0x86: {  	_ =	shalt  }
0x87: {  	_ =	shalt  }
.Lfunc_end0:
.L_simem_size_0:
called_computation_lowered:
.L_overlay_start_0:
0x88: {  	s2 =	sld [smem:$0x3FD9]  }
0x89: {  	s3 =	sld [smem:$0x3FFE];
	_ =	sdelay $0x1  }
0x8a: {  	s1 =	srdreg.scid  }
0x8b: {  	s0 =	sand.u32 $0x1, s1  }
0x8c: {  	s17 =	sshll.u32 s0, $0xA;
	s2 =	sadd.s32 s3, s2  }
0x8d: {  	s2 =	sadd.s32 s2, s17  }
0x8e: {  	[smem:$0x3FC6] =	sst s2  }
0x8f: {  	_ = 	snop  }
0x90: {  	s2 =	sld [smem:$0x3FC9]  }
0x91: {  	s18 =	sld [smem:$0x3FC8]  }
0x92: {  	s4 =	sld [smem:$0x3FD0];
	(tm) =	ssettm $0x1  }
0x93: {  	s5 =	sld [smem:$0x3FFB];
	_ =	sdelay $0x3  }
0x94: {  	_ =	strace s5  }
0x95: {  	s5 =	sld [smem:$0x3FFC];
	_ =	sdelay $0x3  }
0x96: {  	_ =	strace s5  }
0x97: {  	s5 =	sld [smem:$0x3FFD];
	_ =	sdelay $0x3  }
0x98: {  	_ =	strace s5  }
0x99: {  	_ =	strace $0x8FFFFFFF  }
0x9a: {  	s19 =	sld [smem:$0x3FDB];
	_ =	sdelay $0x1  }
0x9b: {  	s6 =	simm.s32 $_scs_section_size  }
0x9c: {  	s7 =	simm.s32 $_size__tile_overlayer_lowered;
	s8 =	simm.s32 $_tile_overlayer_lowered  }
0x9d: {  	s22 =	simm.s32 $0x1BFF;
	s21 =	sshll.u32 s8, $0x1;
	s5 =	sadd.s32 s6, s19  }
0x9e: {  	s9 =	simm.s32 $0x0;
	s20 =	sshll.u32 s7, $0x1;
	s7 =	sadd.s32 s21, s5  }
0x9f: {  	[timem:s9], [sflag:s22] =	dma.local [hbm:s7], s20  }
0xa0: {  	_ =	swait.ge [sflag:s22], s20  }
0xa1: {  	s6 =	ssub.s32 $0x0, s20;
	[sflag:s22] =	ssyncset.done $0x0  }
0xa2: {  	[sflag:s22] =	ssyncadd.s32 s6;
	_ =	sdelay $0x1  }
0xa3: {  	s23 =	simm.s32 $0x1B8B  }
0xa4: {  	_ =	swait.ge [sflag:s23], $0x1  }
0xa5: {  	[sflag:s23] =	ssyncset.done $0x0  }
0xa6: {  	s25 =	simm.s32 $0x1B8E;
	s24 =	sld [smem:$0x3FFE];
	[sflag:s23] =	ssyncadd.s32 $0xFFFFFFFF  }
0xa7: {  	s26 =	simm.s32 $execute0_lowered;
	[smem:$0x3FD2] =	sst s25  }
0xa8: {  	s7 =	sshll.u32 s26, $0x1;
	_ =	strace $0x80000046;
	[dreg:$0x1] =	wrdreg $0xFFFFFFFF  }
0xa9: {  	s28 =	simm.s32 $_size_execute0_lowered;
	s5 =	sadd.s32 s5, s7;
	[dreg:$0x0] =	wrdreg $0x0  }
0xaa: {  	s7 =	sshll.u32 s28, $0x1;
	[dreg:$0x2] =	wrdreg s5  }
0xab: {  	[dreg:$0x3] =	wrdreg s7  }
0xac: {  	[dreg:$0x4] =	wrdreg $0xC0  }
0xad: {  	_ =	task [dreg:s9], $0x5FFFF  }
0xae: {  	[dreg:$0x1] =	wrdreg $0xFFFFFFFF  }
0xaf: {  	[dreg:$0x0] =	wrdreg $0x60  }
0xb0: {  	[dreg:$0x2] =	wrdreg s2  }
0xb1: {  	[dreg:$0x3] =	wrdreg s18  }
0xb2: {  	[dreg:$0x4] =	wrdreg s24  }
0xb3: {  	[dreg:$0x5] =	wrdreg s4  }
0xb4: {  	[dreg:$0x6] =	wrdreg $0x90000  }
0xb5: {  	[dreg:$0x7] =	wrdreg $0x1C8800  }
0xb6: {  	[dreg:$0x8] =	wrdreg $0x9  }
0xb7: {  	_ =	task.clear_ibuf [dreg:s9], $0x9FFFF;
	_ =	strace $0x90000046  }
0xb8: {  	s29 =	simm.s32 $0x9;
	_ =	strace $0x80000048  }
0xb9: {  	_ =	swait.ge [sflag:s29], $0x1  }
0xba: {  	[sflag:s29] =	ssyncadd.s32 $0xFFFFFFFF  }
0xbb: {  	_ =	strace $0x90000048  }
0xbc: {  	_ =	sfence  }
0xbd: {  	s30 =	sld [smem:$0x0];
	_ =	sdelay $0x2  }
0xbe: {  	s31 =	sshll.u32 s1, $0xD;
	s1 =	sshrl.u32 s1, $0x2  }
0xbf: {  	s3 =	sand.u32 $0x4000, s31;
	s1 =	sadd.s32 s1, s30  }
0xc0: {  	s0 =	sor.u32 s3, s0;
	s1 =	sshll.u32 s1, $0x11  }
0xc1: {  	s0 =	sor.u32 s1, s0  }
0xc2: {  	s0 =	sadd.s32 $0x8F2B, s0  }
0xc3: {  	[sflag:s0] =	ssyncadd.remote.s32 $0x1  }
0xc4: {  	_ =	sfence.sel $0xFFFF  }
0xc5: {  	[dreg:$0x0] =	wrdreg $0xFFFFFFFF;
	(pc) =	sbr.abs _section_cstart, $3  }
0xc6: {  	[dreg:$0x1] =	wrdreg $0xFFFFFFFF  }
0xc7: {  	_ =	task.clear_ibuf [dreg:s9], $0x2FFFF;
	_ =	strace $0x9FFFFFFF  }
0xc8: {  	(tm) =	ssettm $0x7FFFFFFF  }
0xc9: {  	_ =	shalt  }
tec
execute0_lowered:
.L_overlay_start_1:
0x0: {  	(tag) =	ssettag $0x1  }
0x1: {  	s1 =	rddreg [dreg:$0x0]  }
0x2: {  	s6 =	rddreg [dreg:$0x1]  }
0x3: {  	s7 =	rddreg [dreg:$0x2]  }
0x4: {  	s0 =	rddreg [dreg:$0x3]  }
0x5: {  	s2 =	rddreg [dreg:$0x4]  }
0x6: {  	s3 =	rddreg [dreg:$0x5];
	s4 =	simm.s32 $0x0  }
0x7: {  	s5 =	srdreg.scid;
	s15 =	stileid.u32;
	s29 =	simm.s32 $0x480  }
0x8: {  	s30 =	simm.s32 $0x2;
	s31 =	simm.s32 $0x580;
	[smem:$0x7FF] =	sst s4  }
0x9: {  	s5 =	sand.u32 $0x1, s5;
	s9 =	sadd.s32 $0x1200, s7;
	s10 =	smul.u32 $0x271, s15  }
0xa: {  	s20 =	sadd.s32 $0xE00, s7;
	s12 =	sadd.s32 $0xC00, s7;
	s16 =	smul.u32 $0x13880, s15  }
0xb: {  	s18 =	smul.u32 $0x4E20, s15;
	_ =	strace $0x80000047;
	[dreg:$0x7] =	wrdreg s9  }
0xc: {  	s8 =	sshll.u32 s5, $0x4;
	[dreg:$0x8] =	wrdreg s20;
	s13 =	smul.u32 $0x2710, s5  }
0xd: {  	[dreg:$0x9] =	wrdreg s12;
	s25 =	ssub.s32 $0x2, s5;
	s8 =	sor.u32 s15, s8  }
0xe: {  	s0 =	sadd.s32 s0, s5;
	s12 =	simm.s32 $0xA80;
	s11 =	smul.u32 $0x4E00, s8  }
0xf: {  	s28 =	sshrl.u32 s25, $0x1;
	s21 =	smul.u32 $0x9C0, s8;
	s10 =	sadd.s32 s10, s13  }
0x10: {  	p0 =	seq.s32 s8, $0x0;
	s8 =	sshrl.u32 s8, $0x3;
	s10 =	sshll.u32 s10, $0x4  }
0x11: {  	s11 =	sshrl.u32 s11, $0x3;
	s9 =	sadd.s32 s6, s21;
	s7 =	sadd.s32 s10, s7  }
0x12: {  	s11 =	sadd.s32 s6, s11;
	[dreg:$0xa] =	wrdreg s9;
	s6 =	sadd.s32 $0x13800, s6  }
0x13: {  	s10 =	ssub.s32 s25, s28;
	s7 =	sadd.s32 $0x3A00, s7;
	[dreg:$0x17] =	wrdreg s6  }
0x14: {  	s21 =	sand.u32 $0x7, s15;
	s22 =	sadd.s32 $0xC0, s11;
	[dreg:$0x18] =	wrdreg s7  }
0x15: {  	s15 =	simm.s32 $0x1;
	s23 =	sadd.s32 $0x180, s11;
	[dreg:$0xb] =	wrdreg s22  }
0x16: {  	p1 =	sne.s32 s21, $0x0;
	s24 =	sadd.s32 $0x240, s11;
	[dreg:$0xc] =	wrdreg s23  }
0x17: {  	s9 =	sshll.u32 s21, $0x4;
	s26 =	sadd.s32 $0x300, s11;
	[dreg:$0xd] =	wrdreg s24  }
0x18: {  	s21 =	simm.s32 $0x4;
	s13 =	sadd.s32 $0x3C0, s11;
	[dreg:$0xe] =	wrdreg s26  }
0x19: {  	s14 =	sadd.s32 $0x480, s11;
	s17 =	sadd.s32 $0x540, s11;
	[dreg:$0xf] =	wrdreg s13  }
0x1a: {  	s19 =	sadd.s32 $0x600, s11;
	s20 =	sadd.s32 $0x6C0, s11;
	[dreg:$0x10] =	wrdreg s14  }
0x1b: {  	p0 =	por !p1, !p0;
	s6 =	simm.s32 $0x1;
	[dreg:$0x11] =	wrdreg s17  }
0x1c: {  	s14 =	sadd.s32 s16, s2;
	[dreg:$0x12] =	wrdreg s19;
	s13 =	sshrl.u32 s18, $0x2  }
0x1d: {  	[dreg:$0x13] =	wrdreg s20;
	s22 =	sadd.s32 $0x780, s11;
	s23 =	sadd.s32 $0x840, s11  }
0x1e: {  	p0 =	por !p0, !p0;
	s11 =	sadd.s32 $0x900, s11;
	[dreg:$0x14] =	wrdreg s22  }
0x1f: {  	s24 =	sshrl.u32 s16, $0x3;
	s17 =	simm.s32 $0x4C00;
	[dreg:$0x15] =	wrdreg s23  }
0x20: {  	s19 =	simm.s32 $0x3;
	s15 =	simm.s32 @!p0 $0x0;
	[dreg:$0x16] =	wrdreg s11  }
0x21: {  	s13 =	sadd.s32 s13, s3;
	s0 =	sadd.s32 s24, s0;
	s11 =	simm.s32 $0x5  }
0x22: {  	s26 =	sshrl.u32 s14, $0x3;
	s8 =	ssub.s32 s8, s15;
	[dreg:$0x19] =	wrdreg s0  }
0x23: {  	s14 =	simm.s32 $0x80;
	[dreg:$0x1c] =	wrdreg s26;
	s8 =	sshll.u32 s8, $0xA  }
0x24: {  	s28 =	sshrl.u32 s13, $0x3;
	s15 =	simm.s32 $0xC00;
	s8 =	sshra.s32 s8, $0x2  }
0x25: {  	s26 =	simm.s32 $0x380;
	[dreg:$0x1d] =	wrdreg s28;
	s25 =	sor.u32 s9, s8  }
0x26: {  	s13 =	simm.s32 $0x780;
	[dreg:$0x1a] =	wrdreg s25;
	s5 =	sor.u32 $0x80, s25  }
0x27: {  	[dreg:$0x1b] =	wrdreg s5;
	s5 =	smax.u32 s10, $0x1;
	s10 =	simm.s32 $0x8C00  }
.LBB2_1:
0x28: {  	s16 =	rddreg [dreg:$0xa];
	s22 =	stileid.u32  }
0x29: {  	[tilespmem:s4], [sflag:$0x1] =	stream.linear.gather [hbm4b:s16+s4], $0x600, $0x38;
	[tilespmem:$0x1DC08] =	vst v63  }
0x2a: {  	[dreg:$0x1f] =	wrdreg s5;
	s16 =	sshll.u32 s22, $0x6  }
0x2b: {  	s20 =	rddreg [dreg:$0x9];
	s0 =	sor.u32 $0x1C05, s16  }
0x2c: {  	[tilespmem:s10], [sflag:$0x5] =	stream.linear.gather [hbm4b:s20+s4], $0x400, $0x38;
	[tilespmem:$0x1DC08] =	vst v63  }
0x2d: {  	_ =	swait.ge [sflag:s11], $0x400;
	[dreg:$0x1e] =	wrdreg s0  }
0x2e: {  	s18 =	rddreg [dreg:$0x7];
	[sflag:s11] =	ssyncset.done $0x0  }
0x2f: {  	s23 =	rddreg [dreg:$0x1c];
	[sflag:s11] =	ssyncadd.s32 $0xFFFFFC00  }
0x30: {  	[spmem:s23], [sflag:s0] =	dma.local [hbm:s18], $0x2710  }
0x31: {  	_ =	swait.ge [sflag:s11], $0x2710  }
0x32: {  	s23 =	rddreg [dreg:$0x8];
	[sflag:s11] =	ssyncset.done $0x0  }
0x33: {  	s24 =	rddreg [dreg:$0x1d];
	[sflag:s11] =	ssyncadd.s32 $0xFFFFD8F0  }
0x34: {  	[spmem:s24], [sflag:s0] =	dma.local [hbm:s23], $0x271  }
0x35: {  	_ =	swait.ge [sflag:s11], $0x271  }
0x36: {  	[sflag:s11] =	ssyncset.done $0x0  }
0x37: {  	[sflag:s11] =	ssyncadd.s32 $0xFFFFFD8F  }
0x38: {  	[bflag:$0x0] =	sbarrier.arrive $0xFFFF  }
0x39: {  	_ =	swait.ge [sflag:s6], $0x600  }
0x3a: {  	[sflag:s6] =	ssyncset.done $0x0  }
0x3b: {  	[sflag:s6] =	ssyncadd.s32 $0xFFFFFA00  }
0x3c: {  	[tilespmem:s15], [sflag:$0x3] =	stream.indirect.gather [hbm4b:s1+s14], $0x80, s4, s14, $0xb8;
	[tilespmem:$0x1DC08] =	vst v63  }
0x3d: {  	s28 =	simm.s32 $0x100  }
0x3e: {  	[tilespmem:s17], [sflag:$0x4] =	stream.indirect.gather [hbm4b:s1+s14], $0x80, s28, s14, $0xb8;
	[tilespmem:$0x1DC08] =	vst v63  }
0x3f: {  	s5 =	simm.s32 $0x600;
	s25 =	rddreg [dreg:$0xb]  }
0x40: {  	[tilespmem:s5], [sflag:$0x2] =	stream.linear.gather [hbm4b:s25+s4], $0x600, $0x38;
	[tilespmem:$0x1DC08] =	vst v63  }
0x41: {  	_ =	swait.ge [sflag:s19], $0x4000  }
0x42: {  	[sflag:s19] =	ssyncset.done $0x0  }
0x43: {  	[sflag:s19] =	ssyncadd.s32 $0xFFFFC000  }
0x44: {  	[spmem:s2] =	stream.indirect.scatter.add.f32 [tilespmem:s15], [sflag:$0x5], $0x80, s14, s14, $0xb8;
	[tilespmem:$0x1DC08] =	vst v63  }
0x45: {  	_ =	swait.ge [sflag:s11], $0x4000  }
0x46: {  	[sflag:s11] =	ssyncset.done $0x0  }
0x47: {  	s0 =	simm.s32 $0x200;
	[sflag:s11] =	ssyncadd.s32 $0xFFFFC000  }
0x48: {  	[tilespmem:s15], [sflag:$0x3] =	stream.indirect.gather [hbm4b:s1+s14], $0x80, s0, s14, $0xb8;
	[tilespmem:$0x1DC08] =	vst v63  }
0x49: {  	_ = 	snop  }
0x4a: {  	[spmem:s3] =	stream.indirect.scatter.add.f32 [tilespmem:s10], [sflag:$0x5], $0x8, s14, s14, $0xb8;
	[tilespmem:$0x1DC08] =	vst v63  }
0x4b: {  	_ =	swait.ge [sflag:s11], $0x400  }
0x4c: {  	[sflag:s11] =	ssyncset.done $0x0  }
0x4d: {  	[sflag:s11] =	ssyncadd.s32 $0xFFFFFC00  }
0x4e: {  	_ =	swait.ge [sflag:s21], $0x4000  }
0x4f: {  	[sflag:s21] =	ssyncset.done $0x0  }
0x50: {  	s16 =	simm.s32 $0x180;
	[sflag:s21] =	ssyncadd.s32 $0xFFFFC000  }
0x51: {  	[spmem:s2] =	stream.indirect.scatter.add.f32 [tilespmem:s17], [sflag:$0x5], $0x80, s16, s14, $0xb8;
	[tilespmem:$0x1DC08] =	vst v63  }
0x52: {  	_ =	swait.ge [sflag:s11], $0x4000  }
0x53: {  	[sflag:s11] =	ssyncset.done $0x0  }
0x54: {  	s7 =	simm.s32 $0x300;
	[sflag:s11] =	ssyncadd.s32 $0xFFFFC000  }
0x55: {  	[tilespmem:s17], [sflag:$0x4] =	stream.indirect.gather [hbm4b:s1+s14], $0x80, s7, s14, $0xb8;
	[tilespmem:$0x1DC08] =	vst v63  }
0x56: {  	_ = 	snop  }
0x57: {  	[spmem:s3] =	stream.indirect.scatter.add.f32 [tilespmem:s10], [sflag:$0x5], $0x8, s16, s14, $0xb8;
	[tilespmem:$0x1DC08] =	vst v63  }
0x58: {  	_ =	swait.ge [sflag:s11], $0x400  }
0x59: {  	[sflag:s11] =	ssyncset.done $0x0  }
0x5a: {  	[sflag:s11] =	ssyncadd.s32 $0xFFFFFC00  }
0x5b: {  	_ =	swait.ge [sflag:s19], $0x4000  }
0x5c: {  	[sflag:s19] =	ssyncset.done $0x0  }
0x5d: {  	s23 =	simm.s32 $0x280;
	[sflag:s19] =	ssyncadd.s32 $0xFFFFC000  }
0x5e: {  	[spmem:s2] =	stream.indirect.scatter.add.f32 [tilespmem:s15], [sflag:$0x5], $0x80, s23, s14, $0xb8;
	[tilespmem:$0x1DC08] =	vst v63  }
0x5f: {  	_ =	swait.ge [sflag:s11], $0x4000  }
0x60: {  	[sflag:s11] =	ssyncset.done $0x0  }
0x61: {  	s8 =	simm.s32 $0x400;
	[sflag:s11] =	ssyncadd.s32 $0xFFFFC000  }
0x62: {  	[tilespmem:s15], [sflag:$0x3] =	stream.indirect.gather [hbm4b:s1+s14], $0x80, s8, s14, $0xb8;
	[tilespmem:$0x1DC08] =	vst v63  }
0x63: {  	_ = 	snop  }
0x64: {  	[spmem:s3] =	stream.indirect.scatter.add.f32 [tilespmem:s10], [sflag:$0x5], $0x8, s23, s14, $0xb8;
	[tilespmem:$0x1DC08] =	vst v63  }
0x65: {  	_ =	swait.ge [sflag:s11], $0x400  }
0x66: {  	[sflag:s11] =	ssyncset.done $0x0  }
0x67: {  	[sflag:s11] =	ssyncadd.s32 $0xFFFFFC00  }
0x68: {  	_ =	swait.ge [sflag:s21], $0x4000  }
0x69: {  	[sflag:s21] =	ssyncset.done $0x0  }
0x6a: {  	[sflag:s21] =	ssyncadd.s32 $0xFFFFC000  }
0x6b: {  	[spmem:s2] =	stream.indirect.scatter.add.f32 [tilespmem:s17], [sflag:$0x5], $0x80, s26, s14, $0xb8;
	[tilespmem:$0x1DC08] =	vst v63  }
0x6c: {  	_ =	swait.ge [sflag:s11], $0x4000  }
0x6d: {  	[sflag:s11] =	ssyncset.done $0x0  }
0x6e: {  	s9 =	simm.s32 $0x500;
	[sflag:s11] =	ssyncadd.s32 $0xFFFFC000  }
0x6f: {  	[tilespmem:s17], [sflag:$0x4] =	stream.indirect.gather [hbm4b:s1+s14], $0x80, s9, s14, $0xb8;
	[tilespmem:$0x1DC08] =	vst v63  }
0x70: {  	_ = 	snop  }
0x71: {  	[spmem:s3] =	stream.indirect.scatter.add.f32 [tilespmem:s10], [sflag:$0x5], $0x8, s26, s14, $0xb8;
	[tilespmem:$0x1DC08] =	vst v63  }
0x72: {  	_ =	swait.ge [sflag:s11], $0x400  }
0x73: {  	[sflag:s11] =	ssyncset.done $0x0  }
0x74: {  	[sflag:s11] =	ssyncadd.s32 $0xFFFFFC00  }
0x75: {  	_ =	swait.ge [sflag:s19], $0x4000  }
0x76: {  	[sflag:s19] =	ssyncset.done $0x0  }
0x77: {  	[sflag:s19] =	ssyncadd.s32 $0xFFFFC000  }
0x78: {  	[spmem:s2] =	stream.indirect.scatter.add.f32 [tilespmem:s15], [sflag:$0x5], $0x80, s29, s14, $0xb8;
	[tilespmem:$0x1DC08] =	vst v63  }
0x79: {  	_ =	swait.ge [sflag:s11], $0x4000  }
0x7a: {  	[sflag:s11] =	ssyncset.done $0x0  }
0x7b: {  	[sflag:s11] =	ssyncadd.s32 $0xFFFFC000  }
0x7c: {  	_ =	swait.ge [sflag:s30], $0x600  }
0x7d: {  	[sflag:s30] =	ssyncset.done $0x0  }
0x7e: {  	[sflag:s30] =	ssyncadd.s32 $0xFFFFFA00  }
0x7f: {  	[tilespmem:s15], [sflag:$0x3] =	stream.indirect.gather [hbm4b:s1+s14], $0x80, s5, s14, $0xb8;
	[tilespmem:$0x1DC08] =	vst v63  }
0x80: {  	_ = 	snop  }
0x81: {  	[spmem:s3] =	stream.indirect.scatter.add.f32 [tilespmem:s10], [sflag:$0x5], $0x8, s29, s14, $0xb8;
	[tilespmem:$0x1DC08] =	vst v63  }
0x82: {  	_ =	swait.ge [sflag:s11], $0x400  }
0x83: {  	[sflag:s11] =	ssyncset.done $0x0  }
0x84: {  	[sflag:s11] =	ssyncadd.s32 $0xFFFFFC00  }
0x85: {  	_ =	swait.ge [sflag:s21], $0x4000  }
0x86: {  	[sflag:s21] =	ssyncset.done $0x0  }
0x87: {  	[sflag:s21] =	ssyncadd.s32 $0xFFFFC000  }
0x88: {  	[spmem:s2] =	stream.indirect.scatter.add.f32 [tilespmem:s17], [sflag:$0x5], $0x80, s31, s14, $0xb8;
	[tilespmem:$0x1DC08] =	vst v63  }
0x89: {  	_ =	swait.ge [sflag:s11], $0x4000  }
0x8a: {  	[sflag:s11] =	ssyncset.done $0x0  }
0x8b: {  	s20 =	simm.s32 $0x700;
	[sflag:s11] =	ssyncadd.s32 $0xFFFFC000  }
0x8c: {  	[tilespmem:s17], [sflag:$0x4] =	stream.indirect.gather [hbm4b:s1+s14], $0x80, s20, s14, $0xb8;
	[tilespmem:$0x1DC08] =	vst v63  }
0x8d: {  	_ = 	snop  }
0x8e: {  	[spmem:s3] =	stream.indirect.scatter.add.f32 [tilespmem:s10], [sflag:$0x5], $0x8, s31, s14, $0xb8;
	[tilespmem:$0x1DC08] =	vst v63  }
0x8f: {  	_ =	swait.ge [sflag:s11], $0x400  }
0x90: {  	[sflag:s11] =	ssyncset.done $0x0  }
0x91: {  	s0 =	rddreg [dreg:$0xc];
	[sflag:s11] =	ssyncadd.s32 $0xFFFFFC00  }
0x92: {  	[tilespmem:s4], [sflag:$0x1] =	stream.linear.gather [hbm4b:s0+s4], $0x600, $0x38;
	[tilespmem:$0x1DC08] =	vst v63  }
0x93: {  	_ =	swait.ge [sflag:s19], $0x4000  }
0x94: {  	[sflag:s19] =	ssyncset.done $0x0  }
0x95: {  	s8 =	simm.s32 $0x680;
	[sflag:s19] =	ssyncadd.s32 $0xFFFFC000  }
0x96: {  	[spmem:s2] =	stream.indirect.scatter.add.f32 [tilespmem:s15], [sflag:$0x5], $0x80, s8, s14, $0xb8;
	[tilespmem:$0x1DC08] =	vst v63  }
0x97: {  	_ =	swait.ge [sflag:s11], $0x4000  }
0x98: {  	[sflag:s11] =	ssyncset.done $0x0  }
0x99: {  	s7 =	simm.s32 $0x800;
	[sflag:s11] =	ssyncadd.s32 $0xFFFFC000  }
0x9a: {  	[tilespmem:s15], [sflag:$0x3] =	stream.indirect.gather [hbm4b:s1+s14], $0x80, s7, s14, $0xb8;
	[tilespmem:$0x1DC08] =	vst v63  }
0x9b: {  	_ = 	snop  }
0x9c: {  	[spmem:s3] =	stream.indirect.scatter.add.f32 [tilespmem:s10], [sflag:$0x5], $0x8, s8, s14, $0xb8;
	[tilespmem:$0x1DC08] =	vst v63  }
0x9d: {  	_ =	swait.ge [sflag:s11], $0x400  }
0x9e: {  	[sflag:s11] =	ssyncset.done $0x0  }
0x9f: {  	[sflag:s11] =	ssyncadd.s32 $0xFFFFFC00  }
0xa0: {  	_ =	swait.ge [sflag:s21], $0x4000  }
0xa1: {  	[sflag:s21] =	ssyncset.done $0x0  }
0xa2: {  	[sflag:s21] =	ssyncadd.s32 $0xFFFFC000  }
0xa3: {  	[spmem:s2] =	stream.indirect.scatter.add.f32 [tilespmem:s17], [sflag:$0x5], $0x80, s13, s14, $0xb8;
	[tilespmem:$0x1DC08] =	vst v63  }
0xa4: {  	_ =	swait.ge [sflag:s11], $0x4000  }
0xa5: {  	[sflag:s11] =	ssyncset.done $0x0  }
0xa6: {  	s9 =	simm.s32 $0x900;
	[sflag:s11] =	ssyncadd.s32 $0xFFFFC000  }
0xa7: {  	[tilespmem:s17], [sflag:$0x4] =	stream.indirect.gather [hbm4b:s1+s14], $0x80, s9, s14, $0xb8;
	[tilespmem:$0x1DC08] =	vst v63  }
0xa8: {  	_ = 	snop  }
0xa9: {  	[spmem:s3] =	stream.indirect.scatter.add.f32 [tilespmem:s10], [sflag:$0x5], $0x8, s13, s14, $0xb8;
	[tilespmem:$0x1DC08] =	vst v63  }
0xaa: {  	_ =	swait.ge [sflag:s11], $0x400  }
0xab: {  	[sflag:s11] =	ssyncset.done $0x0  }
0xac: {  	[sflag:s11] =	ssyncadd.s32 $0xFFFFFC00  }
0xad: {  	_ =	swait.ge [sflag:s19], $0x4000  }
0xae: {  	[sflag:s19] =	ssyncset.done $0x0  }
0xaf: {  	s7 =	simm.s32 $0x880;
	[sflag:s19] =	ssyncadd.s32 $0xFFFFC000  }
0xb0: {  	[spmem:s2] =	stream.indirect.scatter.add.f32 [tilespmem:s15], [sflag:$0x5], $0x80, s7, s14, $0xb8;
	[tilespmem:$0x1DC08] =	vst v63  }
0xb1: {  	_ =	swait.ge [sflag:s11], $0x4000  }
0xb2: {  	[sflag:s11] =	ssyncset.done $0x0  }
0xb3: {  	s20 =	simm.s32 $0xA00;
	[sflag:s11] =	ssyncadd.s32 $0xFFFFC000  }
0xb4: {  	[tilespmem:s15], [sflag:$0x3] =	stream.indirect.gather [hbm4b:s1+s14], $0x80, s20, s14, $0xb8;
	[tilespmem:$0x1DC08] =	vst v63  }
0xb5: {  	_ = 	snop  }
0xb6: {  	[spmem:s3] =	stream.indirect.scatter.add.f32 [tilespmem:s10], [sflag:$0x5], $0x8, s7, s14, $0xb8;
	[tilespmem:$0x1DC08] =	vst v63  }
0xb7: {  	_ =	swait.ge [sflag:s11], $0x400  }
0xb8: {  	[sflag:s11] =	ssyncset.done $0x0  }
0xb9: {  	[sflag:s11] =	ssyncadd.s32 $0xFFFFFC00  }
0xba: {  	_ =	swait.ge [sflag:s21], $0x4000  }
0xbb: {  	[sflag:s21] =	ssyncset.done $0x0  }
0xbc: {  	s0 =	simm.s32 $0x980;
	[sflag:s21] =	ssyncadd.s32 $0xFFFFC000  }
0xbd: {  	[spmem:s2] =	stream.indirect.scatter.add.f32 [tilespmem:s17], [sflag:$0x5], $0x80, s0, s14, $0xb8;
	[tilespmem:$0x1DC08] =	vst v63  }
0xbe: {  	_ =	swait.ge [sflag:s11], $0x4000  }
0xbf: {  	[sflag:s11] =	ssyncset.done $0x0  }
0xc0: {  	s9 =	simm.s32 $0xB00;
	[sflag:s11] =	ssyncadd.s32 $0xFFFFC000  }
0xc1: {  	[tilespmem:s17], [sflag:$0x4] =	stream.indirect.gather [hbm4b:s1+s14], $0x80, s9, s14, $0xb8;
	[tilespmem:$0x1DC08] =	vst v63  }
0xc2: {  	_ = 	snop  }
0xc3: {  	[spmem:s3] =	stream.indirect.scatter.add.f32 [tilespmem:s10], [sflag:$0x5], $0x8, s0, s14, $0xb8;
	[tilespmem:$0x1DC08] =	vst v63  }
0xc4: {  	_ =	swait.ge [sflag:s11], $0x400  }
0xc5: {  	[sflag:s11] =	ssyncset.done $0x0  }
0xc6: {  	[sflag:s11] =	ssyncadd.s32 $0xFFFFFC00  }
0xc7: {  	_ =	swait.ge [sflag:s19], $0x4000  }
0xc8: {  	[sflag:s19] =	ssyncset.done $0x0  }
0xc9: {  	[sflag:s19] =	ssyncadd.s32 $0xFFFFC000  }
0xca: {  	[spmem:s2] =	stream.indirect.scatter.add.f32 [tilespmem:s15], [sflag:$0x5], $0x80, s12, s14, $0xb8;
	[tilespmem:$0x1DC08] =	vst v63  }
0xcb: {  	_ =	swait.ge [sflag:s11], $0x4000  }
0xcc: {  	[sflag:s11] =	ssyncset.done $0x0  }
0xcd: {  	[sflag:s11] =	ssyncadd.s32 $0xFFFFC000  }
0xce: {  	_ =	swait.ge [sflag:s6], $0x600  }
0xcf: {  	[sflag:s6] =	ssyncset.done $0x0  }
0xd0: {  	[sflag:s6] =	ssyncadd.s32 $0xFFFFFA00  }
0xd1: {  	[tilespmem:s15], [sflag:$0x3] =	stream.indirect.gather [hbm4b:s1+s14], $0x80, s4, s14, $0xb8;
	[tilespmem:$0x1DC08] =	vst v63  }
0xd2: {  	_ = 	snop  }
0xd3: {  	[spmem:s3] =	stream.indirect.scatter.add.f32 [tilespmem:s10], [sflag:$0x5], $0x8, s12, s14, $0xb8;
	[tilespmem:$0x1DC08] =	vst v63  }
0xd4: {  	_ =	swait.ge [sflag:s11], $0x400  }
0xd5: {  	[sflag:s11] =	ssyncset.done $0x0  }
0xd6: {  	[sflag:s11] =	ssyncadd.s32 $0xFFFFFC00  }
0xd7: {  	_ =	swait.ge [sflag:s21], $0x4000  }
0xd8: {  	[sflag:s21] =	ssyncset.done $0x0  }
0xd9: {  	s9 =	simm.s32 $0xB80;
	[sflag:s21] =	ssyncadd.s32 $0xFFFFC000  }
0xda: {  	[spmem:s2] =	stream.indirect.scatter.add.f32 [tilespmem:s17], [sflag:$0x5], $0x80, s9, s14, $0xb8;
	[tilespmem:$0x1DC08] =	vst v63  }
0xdb: {  	_ =	swait.ge [sflag:s11], $0x4000  }
0xdc: {  	[sflag:s11] =	ssyncset.done $0x0  }
0xdd: {  	s22 =	simm.s32 $0x100;
	[sflag:s11] =	ssyncadd.s32 $0xFFFFC000  }
0xde: {  	[tilespmem:s17], [sflag:$0x4] =	stream.indirect.gather [hbm4b:s1+s14], $0x80, s22, s14, $0xb8;
	[tilespmem:$0x1DC08] =	vst v63  }
0xdf: {  	_ = 	snop  }
0xe0: {  	[spmem:s3] =	stream.indirect.scatter.add.f32 [tilespmem:s10], [sflag:$0x5], $0x8, s9, s14, $0xb8;
	[tilespmem:$0x1DC08] =	vst v63  }
0xe1: {  	_ =	swait.ge [sflag:s11], $0x400  }
0xe2: {  	[sflag:s11] =	ssyncset.done $0x0  }
0xe3: {  	s22 =	rddreg [dreg:$0xd];
	[sflag:s11] =	ssyncadd.s32 $0xFFFFFC00  }
0xe4: {  	[tilespmem:s5], [sflag:$0x2] =	stream.linear.gather [hbm4b:s22+s4], $0x600, $0x38;
	[tilespmem:$0x1DC08] =	vst v63  }
0xe5: {  	_ =	swait.ge [sflag:s19], $0x4000  }
0xe6: {  	[sflag:s19] =	ssyncset.done $0x0  }
0xe7: {  	[sflag:s19] =	ssyncadd.s32 $0xFFFFC000  }
0xe8: {  	[spmem:s2] =	stream.indirect.scatter.add.f32 [tilespmem:s15], [sflag:$0x5], $0x80, s14, s14, $0xb8;
	[tilespmem:$0x1DC08] =	vst v63  }
0xe9: {  	_ =	swait.ge [sflag:s11], $0x4000  }
0xea: {  	[sflag:s11] =	ssyncset.done $0x0  }
0xeb: {  	s28 =	simm.s32 $0x200;
	[sflag:s11] =	ssyncadd.s32 $0xFFFFC000  }
0xec: {  	[tilespmem:s15], [sflag:$0x3] =	stream.indirect.gather [hbm4b:s1+s14], $0x80, s28, s14, $0xb8;
	[tilespmem:$0x1DC08] =	vst v63  }
0xed: {  	_ = 	snop  }
0xee: {  	[spmem:s3] =	stream.indirect.scatter.add.f32 [tilespmem:s10], [sflag:$0x5], $0x8, s14, s14, $0xb8;
	[tilespmem:$0x1DC08] =	vst v63  }
0xef: {  	_ =	swait.ge [sflag:s11], $0x400  }
0xf0: {  	[sflag:s11] =	ssyncset.done $0x0  }
0xf1: {  	[sflag:s11] =	ssyncadd.s32 $0xFFFFFC00  }
0xf2: {  	_ =	swait.ge [sflag:s21], $0x4000  }
0xf3: {  	[sflag:s21] =	ssyncset.done $0x0  }
0xf4: {  	[sflag:s21] =	ssyncadd.s32 $0xFFFFC000  }
0xf5: {  	[spmem:s2] =	stream.indirect.scatter.add.f32 [tilespmem:s17], [sflag:$0x5], $0x80, s16, s14, $0xb8;
	[tilespmem:$0x1DC08] =	vst v63  }
0xf6: {  	_ =	swait.ge [sflag:s11], $0x4000  }
0xf7: {  	[sflag:s11] =	ssyncset.done $0x0  }
0xf8: {  	s18 =	simm.s32 $0x300;
	[sflag:s11] =	ssyncadd.s32 $0xFFFFC000  }
0xf9: {  	[tilespmem:s17], [sflag:$0x4] =	stream.indirect.gather [hbm4b:s1+s14], $0x80, s18, s14, $0xb8;
	[tilespmem:$0x1DC08] =	vst v63  }
0xfa: {  	_ = 	snop  }
0xfb: {  	[spmem:s3] =	stream.indirect.scatter.add.f32 [tilespmem:s10], [sflag:$0x5], $0x8, s16, s14, $0xb8;
	[tilespmem:$0x1DC08] =	vst v63  }
0xfc: {  	_ =	swait.ge [sflag:s11], $0x400  }
0xfd: {  	[sflag:s11] =	ssyncset.done $0x0  }
0xfe: {  	[sflag:s11] =	ssyncadd.s32 $0xFFFFFC00  }
0xff: {  	_ =	swait.ge [sflag:s19], $0x4000  }
0x100: {  	[sflag:s19] =	ssyncset.done $0x0  }
0x101: {  	[sflag:s19] =	ssyncadd.s32 $0xFFFFC000  }
0x102: {  	[spmem:s2] =	stream.indirect.scatter.add.f32 [tilespmem:s15], [sflag:$0x5], $0x80, s23, s14, $0xb8;
	[tilespmem:$0x1DC08] =	vst v63  }
0x103: {  	_ =	swait.ge [sflag:s11], $0x4000  }
0x104: {  	[sflag:s11] =	ssyncset.done $0x0  }
0x105: {  	s24 =	simm.s32 $0x400;
	[sflag:s11] =	ssyncadd.s32 $0xFFFFC000  }
0x106: {  	[tilespmem:s15], [sflag:$0x3] =	stream.indirect.gather [hbm4b:s1+s14], $0x80, s24, s14, $0xb8;
	[tilespmem:$0x1DC08] =	vst v63  }
0x107: {  	_ = 	snop  }
0x108: {  	[spmem:s3] =	stream.indirect.scatter.add.f32 [tilespmem:s10], [sflag:$0x5], $0x8, s23, s14, $0xb8;
	[tilespmem:$0x1DC08] =	vst v63  }
0x109: {  	_ =	swait.ge [sflag:s11], $0x400  }
0x10a: {  	[sflag:s11] =	ssyncset.done $0x0  }
0x10b: {  	[sflag:s11] =	ssyncadd.s32 $0xFFFFFC00  }
0x10c: {  	_ =	swait.ge [sflag:s21], $0x4000  }
0x10d: {  	[sflag:s21] =	ssyncset.done $0x0  }
0x10e: {  	[sflag:s21] =	ssyncadd.s32 $0xFFFFC000  }
0x10f: {  	[spmem:s2] =	stream.indirect.scatter.add.f32 [tilespmem:s17], [sflag:$0x5], $0x80, s26, s14, $0xb8;
	[tilespmem:$0x1DC08] =	vst v63  }
0x110: {  	_ =	swait.ge [sflag:s11], $0x4000  }
0x111: {  	[sflag:s11] =	ssyncset.done $0x0  }
0x112: {  	s25 =	simm.s32 $0x500;
	[sflag:s11] =	ssyncadd.s32 $0xFFFFC000  }
0x113: {  	[tilespmem:s17], [sflag:$0x4] =	stream.indirect.gather [hbm4b:s1+s14], $0x80, s25, s14, $0xb8;
	[tilespmem:$0x1DC08] =	vst v63  }
0x114: {  	_ = 	snop  }
0x115: {  	[spmem:s3] =	stream.indirect.scatter.add.f32 [tilespmem:s10], [sflag:$0x5], $0x8, s26, s14, $0xb8;
	[tilespmem:$0x1DC08] =	vst v63  }
0x116: {  	_ =	swait.ge [sflag:s11], $0x400  }
0x117: {  	[sflag:s11] =	ssyncset.done $0x0  }
0x118: {  	[sflag:s11] =	ssyncadd.s32 $0xFFFFFC00  }
0x119: {  	_ =	swait.ge [sflag:s19], $0x4000  }
0x11a: {  	[sflag:s19] =	ssyncset.done $0x0  }
0x11b: {  	[sflag:s19] =	ssyncadd.s32 $0xFFFFC000  }
0x11c: {  	[spmem:s2] =	stream.indirect.scatter.add.f32 [tilespmem:s15], [sflag:$0x5], $0x80, s29, s14, $0xb8;
	[tilespmem:$0x1DC08] =	vst v63  }
0x11d: {  	_ =	swait.ge [sflag:s11], $0x4000  }
0x11e: {  	[sflag:s11] =	ssyncset.done $0x0  }
0x11f: {  	[sflag:s11] =	ssyncadd.s32 $0xFFFFC000  }
0x120: {  	_ =	swait.ge [sflag:s30], $0x600  }
0x121: {  	[sflag:s30] =	ssyncset.done $0x0  }
0x122: {  	[sflag:s30] =	ssyncadd.s32 $0xFFFFFA00  }
0x123: {  	[tilespmem:s15], [sflag:$0x3] =	stream.indirect.gather [hbm4b:s1+s14], $0x80, s5, s14, $0xb8;
	[tilespmem:$0x1DC08] =	vst v63  }
0x124: {  	_ = 	snop  }
0x125: {  	[spmem:s3] =	stream.indirect.scatter.add.f32 [tilespmem:s10], [sflag:$0x5], $0x8, s29, s14, $0xb8;
	[tilespmem:$0x1DC08] =	vst v63  }
0x126: {  	_ =	swait.ge [sflag:s11], $0x400  }
0x127: {  	[sflag:s11] =	ssyncset.done $0x0  }
0x128: {  	[sflag:s11] =	ssyncadd.s32 $0xFFFFFC00  }
0x129: {  	_ =	swait.ge [sflag:s21], $0x4000  }
0x12a: {  	[sflag:s21] =	ssyncset.done $0x0  }
0x12b: {  	[sflag:s21] =	ssyncadd.s32 $0xFFFFC000  }
0x12c: {  	[spmem:s2] =	stream.indirect.scatter.add.f32 [tilespmem:s17], [sflag:$0x5], $0x80, s31, s14, $0xb8;
	[tilespmem:$0x1DC08] =	vst v63  }
0x12d: {  	_ =	swait.ge [sflag:s11], $0x4000  }
0x12e: {  	[sflag:s11] =	ssyncset.done $0x0  }
0x12f: {  	s18 =	simm.s32 $0x700;
	[sflag:s11] =	ssyncadd.s32 $0xFFFFC000  }
0x130: {  	[tilespmem:s17], [sflag:$0x4] =	stream.indirect.gather [hbm4b:s1+s14], $0x80, s18, s14, $0xb8;
	[tilespmem:$0x1DC08] =	vst v63  }
0x131: {  	_ = 	snop  }
0x132: {  	[spmem:s3] =	stream.indirect.scatter.add.f32 [tilespmem:s10], [sflag:$0x5], $0x8, s31, s14, $0xb8;
	[tilespmem:$0x1DC08] =	vst v63  }
0x133: {  	_ =	swait.ge [sflag:s11], $0x400  }
0x134: {  	[sflag:s11] =	ssyncset.done $0x0  }
0x135: {  	s28 =	rddreg [dreg:$0xe];
	[sflag:s11] =	ssyncadd.s32 $0xFFFFFC00  }
0x136: {  	[tilespmem:s4], [sflag:$0x1] =	stream.linear.gather [hbm4b:s28+s4], $0x600, $0x38;
	[tilespmem:$0x1DC08] =	vst v63  }
0x137: {  	_ =	swait.ge [sflag:s19], $0x4000  }
0x138: {  	[sflag:s19] =	ssyncset.done $0x0  }
0x139: {  	[sflag:s19] =	ssyncadd.s32 $0xFFFFC000  }
0x13a: {  	[spmem:s2] =	stream.indirect.scatter.add.f32 [tilespmem:s15], [sflag:$0x5], $0x80, s8, s14, $0xb8;
	[tilespmem:$0x1DC08] =	vst v63  }
0x13b: {  	_ =	swait.ge [sflag:s11], $0x4000  }
0x13c: {  	[sflag:s11] =	ssyncset.done $0x0  }
0x13d: {  	s28 =	simm.s32 $0x800;
	[sflag:s11] =	ssyncadd.s32 $0xFFFFC000  }
0x13e: {  	[tilespmem:s15], [sflag:$0x3] =	stream.indirect.gather [hbm4b:s1+s14], $0x80, s28, s14, $0xb8;
	[tilespmem:$0x1DC08] =	vst v63  }
0x13f: {  	_ = 	snop  }
0x140: {  	[spmem:s3] =	stream.indirect.scatter.add.f32 [tilespmem:s10], [sflag:$0x5], $0x8, s8, s14, $0xb8;
	[tilespmem:$0x1DC08] =	vst v63  }
0x141: {  	_ =	swait.ge [sflag:s11], $0x400  }
0x142: {  	[sflag:s11] =	ssyncset.done $0x0  }
0x143: {  	[sflag:s11] =	ssyncadd.s32 $0xFFFFFC00  }
0x144: {  	_ =	swait.ge [sflag:s21], $0x4000  }
0x145: {  	[sflag:s21] =	ssyncset.done $0x0  }
0x146: {  	[sflag:s21] =	ssyncadd.s32 $0xFFFFC000  }
0x147: {  	[spmem:s2] =	stream.indirect.scatter.add.f32 [tilespmem:s17], [sflag:$0x5], $0x80, s13, s14, $0xb8;
	[tilespmem:$0x1DC08] =	vst v63  }
0x148: {  	_ =	swait.ge [sflag:s11], $0x4000  }
0x149: {  	[sflag:s11] =	ssyncset.done $0x0  }
0x14a: {  	s22 =	simm.s32 $0x900;
	[sflag:s11] =	ssyncadd.s32 $0xFFFFC000  }
0x14b: {  	[tilespmem:s17], [sflag:$0x4] =	stream.indirect.gather [hbm4b:s1+s14], $0x80, s22, s14, $0xb8;
	[tilespmem:$0x1DC08] =	vst v63  }
0x14c: {  	_ = 	snop  }
0x14d: {  	[spmem:s3] =	stream.indirect.scatter.add.f32 [tilespmem:s10], [sflag:$0x5], $0x8, s13, s14, $0xb8;
	[tilespmem:$0x1DC08] =	vst v63  }
0x14e: {  	_ =	swait.ge [sflag:s11], $0x400  }
0x14f: {  	[sflag:s11] =	ssyncset.done $0x0  }
0x150: {  	[sflag:s11] =	ssyncadd.s32 $0xFFFFFC00  }
0x151: {  	_ =	swait.ge [sflag:s19], $0x4000  }
0x152: {  	[sflag:s19] =	ssyncset.done $0x0  }
0x153: {  	[sflag:s19] =	ssyncadd.s32 $0xFFFFC000  }
0x154: {  	[spmem:s2] =	stream.indirect.scatter.add.f32 [tilespmem:s15], [sflag:$0x5], $0x80, s7, s14, $0xb8;
	[tilespmem:$0x1DC08] =	vst v63  }
0x155: {  	_ =	swait.ge [sflag:s11], $0x4000  }
0x156: {  	[sflag:s11] =	ssyncset.done $0x0  }
0x157: {  	s24 =	simm.s32 $0xA00;
	[sflag:s11] =	ssyncadd.s32 $0xFFFFC000  }
0x158: {  	[tilespmem:s15], [sflag:$0x3] =	stream.indirect.gather [hbm4b:s1+s14], $0x80, s24, s14, $0xb8;
	[tilespmem:$0x1DC08] =	vst v63  }
0x159: {  	_ = 	snop  }
0x15a: {  	[spmem:s3] =	stream.indirect.scatter.add.f32 [tilespmem:s10], [sflag:$0x5], $0x8, s7, s14, $0xb8;
	[tilespmem:$0x1DC08] =	vst v63  }
0x15b: {  	_ =	swait.ge [sflag:s11], $0x400  }
0x15c: {  	[sflag:s11] =	ssyncset.done $0x0  }
0x15d: {  	[sflag:s11] =	ssyncadd.s32 $0xFFFFFC00  }
0x15e: {  	_ =	swait.ge [sflag:s21], $0x4000  }
0x15f: {  	[sflag:s21] =	ssyncset.done $0x0  }
0x160: {  	[sflag:s21] =	ssyncadd.s32 $0xFFFFC000  }
0x161: {  	[spmem:s2] =	stream.indirect.scatter.add.f32 [tilespmem:s17], [sflag:$0x5], $0x80, s0, s14, $0xb8;
	[tilespmem:$0x1DC08] =	vst v63  }
0x162: {  	_ =	swait.ge [sflag:s11], $0x4000  }
0x163: {  	[sflag:s11] =	ssyncset.done $0x0  }
0x164: {  	s20 =	simm.s32 $0xB00;
	[sflag:s11] =	ssyncadd.s32 $0xFFFFC000  }
0x165: {  	[tilespmem:s17], [sflag:$0x4] =	stream.indirect.gather [hbm4b:s1+s14], $0x80, s20, s14, $0xb8;
	[tilespmem:$0x1DC08] =	vst v63  }
0x166: {  	_ = 	snop  }
0x167: {  	[spmem:s3] =	stream.indirect.scatter.add.f32 [tilespmem:s10], [sflag:$0x5], $0x8, s0, s14, $0xb8;
	[tilespmem:$0x1DC08] =	vst v63  }
0x168: {  	_ =	swait.ge [sflag:s11], $0x400  }
0x169: {  	[sflag:s11] =	ssyncset.done $0x0  }
0x16a: {  	[sflag:s11] =	ssyncadd.s32 $0xFFFFFC00  }
0x16b: {  	_ =	swait.ge [sflag:s19], $0x4000  }
0x16c: {  	[sflag:s19] =	ssyncset.done $0x0  }
0x16d: {  	[sflag:s19] =	ssyncadd.s32 $0xFFFFC000  }
0x16e: {  	[spmem:s2] =	stream.indirect.scatter.add.f32 [tilespmem:s15], [sflag:$0x5], $0x80, s12, s14, $0xb8;
	[tilespmem:$0x1DC08] =	vst v63  }
0x16f: {  	_ =	swait.ge [sflag:s11], $0x4000  }
0x170: {  	[sflag:s11] =	ssyncset.done $0x0  }
0x171: {  	[sflag:s11] =	ssyncadd.s32 $0xFFFFC000  }
0x172: {  	_ =	swait.ge [sflag:s6], $0x600  }
0x173: {  	[sflag:s6] =	ssyncset.done $0x0  }
0x174: {  	[sflag:s6] =	ssyncadd.s32 $0xFFFFFA00  }
0x175: {  	[tilespmem:s15], [sflag:$0x3] =	stream.indirect.gather [hbm4b:s1+s14], $0x80, s4, s14, $0xb8;
	[tilespmem:$0x1DC08] =	vst v63  }
0x176: {  	_ = 	snop  }
0x177: {  	[spmem:s3] =	stream.indirect.scatter.add.f32 [tilespmem:s10], [sflag:$0x5], $0x8, s12, s14, $0xb8;
	[tilespmem:$0x1DC08] =	vst v63  }
0x178: {  	_ =	swait.ge [sflag:s11], $0x400  }
0x179: {  	[sflag:s11] =	ssyncset.done $0x0  }
0x17a: {  	[sflag:s11] =	ssyncadd.s32 $0xFFFFFC00  }
0x17b: {  	_ =	swait.ge [sflag:s21], $0x4000  }
0x17c: {  	[sflag:s21] =	ssyncset.done $0x0  }
0x17d: {  	[sflag:s21] =	ssyncadd.s32 $0xFFFFC000  }
0x17e: {  	[spmem:s2] =	stream.indirect.scatter.add.f32 [tilespmem:s17], [sflag:$0x5], $0x80, s9, s14, $0xb8;
	[tilespmem:$0x1DC08] =	vst v63  }
0x17f: {  	_ =	swait.ge [sflag:s11], $0x4000  }
0x180: {  	[sflag:s11] =	ssyncset.done $0x0  }
0x181: {  	s20 =	simm.s32 $0x100;
	[sflag:s11] =	ssyncadd.s32 $0xFFFFC000  }
0x182: {  	[tilespmem:s17], [sflag:$0x4] =	stream.indirect.gather [hbm4b:s1+s14], $0x80, s20, s14, $0xb8;
	[tilespmem:$0x1DC08] =	vst v63  }
0x183: {  	_ = 	snop  }
0x184: {  	[spmem:s3] =	stream.indirect.scatter.add.f32 [tilespmem:s10], [sflag:$0x5], $0x8, s9, s14, $0xb8;
	[tilespmem:$0x1DC08] =	vst v63  }
0x185: {  	_ =	swait.ge [sflag:s11], $0x400  }
0x186: {  	[sflag:s11] =	ssyncset.done $0x0  }
0x187: {  	s20 =	rddreg [dreg:$0xf];
	[sflag:s11] =	ssyncadd.s32 $0xFFFFFC00  }
0x188: {  	[tilespmem:s5], [sflag:$0x2] =	stream.linear.gather [hbm4b:s20+s4], $0x600, $0x38;
	[tilespmem:$0x1DC08] =	vst v63  }
0x189: {  	_ =	swait.ge [sflag:s19], $0x4000  }
0x18a: {  	[sflag:s19] =	ssyncset.done $0x0  }
0x18b: {  	[sflag:s19] =	ssyncadd.s32 $0xFFFFC000  }
0x18c: {  	[spmem:s2] =	stream.indirect.scatter.add.f32 [tilespmem:s15], [sflag:$0x5], $0x80, s14, s14, $0xb8;
	[tilespmem:$0x1DC08] =	vst v63  }
0x18d: {  	_ =	swait.ge [sflag:s11], $0x4000  }
0x18e: {  	[sflag:s11] =	ssyncset.done $0x0  }
0x18f: {  	s20 =	simm.s32 $0x200;
	[sflag:s11] =	ssyncadd.s32 $0xFFFFC000  }
0x190: {  	[tilespmem:s15], [sflag:$0x3] =	stream.indirect.gather [hbm4b:s1+s14], $0x80, s20, s14, $0xb8;
	[tilespmem:$0x1DC08] =	vst v63  }
0x191: {  	_ = 	snop  }
0x192: {  	[spmem:s3] =	stream.indirect.scatter.add.f32 [tilespmem:s10], [sflag:$0x5], $0x8, s14, s14, $0xb8;
	[tilespmem:$0x1DC08] =	vst v63  }
0x193: {  	_ =	swait.ge [sflag:s11], $0x400  }
0x194: {  	[sflag:s11] =	ssyncset.done $0x0  }
0x195: {  	[sflag:s11] =	ssyncadd.s32 $0xFFFFFC00  }
0x196: {  	_ =	swait.ge [sflag:s21], $0x4000  }
0x197: {  	[sflag:s21] =	ssyncset.done $0x0  }
0x198: {  	[sflag:s21] =	ssyncadd.s32 $0xFFFFC000  }
0x199: {  	[spmem:s2] =	stream.indirect.scatter.add.f32 [tilespmem:s17], [sflag:$0x5], $0x80, s16, s14, $0xb8;
	[tilespmem:$0x1DC08] =	vst v63  }
0x19a: {  	_ =	swait.ge [sflag:s11], $0x4000  }
0x19b: {  	[sflag:s11] =	ssyncset.done $0x0  }
0x19c: {  	s20 =	simm.s32 $0x300;
	[sflag:s11] =	ssyncadd.s32 $0xFFFFC000  }
0x19d: {  	[tilespmem:s17], [sflag:$0x4] =	stream.indirect.gather [hbm4b:s1+s14], $0x80, s20, s14, $0xb8;
	[tilespmem:$0x1DC08] =	vst v63  }
0x19e: {  	_ = 	snop  }
0x19f: {  	[spmem:s3] =	stream.indirect.scatter.add.f32 [tilespmem:s10], [sflag:$0x5], $0x8, s16, s14, $0xb8;
	[tilespmem:$0x1DC08] =	vst v63  }
0x1a0: {  	_ =	swait.ge [sflag:s11], $0x400  }
0x1a1: {  	[sflag:s11] =	ssyncset.done $0x0  }
0x1a2: {  	[sflag:s11] =	ssyncadd.s32 $0xFFFFFC00  }
0x1a3: {  	_ =	swait.ge [sflag:s19], $0x4000  }
0x1a4: {  	[sflag:s19] =	ssyncset.done $0x0  }
0x1a5: {  	[sflag:s19] =	ssyncadd.s32 $0xFFFFC000  }
0x1a6: {  	[spmem:s2] =	stream.indirect.scatter.add.f32 [tilespmem:s15], [sflag:$0x5], $0x80, s23, s14, $0xb8;
	[tilespmem:$0x1DC08] =	vst v63  }
0x1a7: {  	_ =	swait.ge [sflag:s11], $0x4000  }
0x1a8: {  	[sflag:s11] =	ssyncset.done $0x0  }
0x1a9: {  	s20 =	simm.s32 $0x400;
	[sflag:s11] =	ssyncadd.s32 $0xFFFFC000  }
0x1aa: {  	[tilespmem:s15], [sflag:$0x3] =	stream.indirect.gather [hbm4b:s1+s14], $0x80, s20, s14, $0xb8;
	[tilespmem:$0x1DC08] =	vst v63  }
0x1ab: {  	_ = 	snop  }
0x1ac: {  	[spmem:s3] =	stream.indirect.scatter.add.f32 [tilespmem:s10], [sflag:$0x5], $0x8, s23, s14, $0xb8;
	[tilespmem:$0x1DC08] =	vst v63  }
0x1ad: {  	_ =	swait.ge [sflag:s11], $0x400  }
0x1ae: {  	[sflag:s11] =	ssyncset.done $0x0  }
0x1af: {  	[sflag:s11] =	ssyncadd.s32 $0xFFFFFC00  }
0x1b0: {  	_ =	swait.ge [sflag:s21], $0x4000  }
0x1b1: {  	[sflag:s21] =	ssyncset.done $0x0  }
0x1b2: {  	[sflag:s21] =	ssyncadd.s32 $0xFFFFC000  }
0x1b3: {  	[spmem:s2] =	stream.indirect.scatter.add.f32 [tilespmem:s17], [sflag:$0x5], $0x80, s26, s14, $0xb8;
	[tilespmem:$0x1DC08] =	vst v63  }
0x1b4: {  	_ =	swait.ge [sflag:s11], $0x4000  }
0x1b5: {  	[sflag:s11] =	ssyncset.done $0x0  }
0x1b6: {  	s25 =	simm.s32 $0x500;
	[sflag:s11] =	ssyncadd.s32 $0xFFFFC000  }
0x1b7: {  	[tilespmem:s17], [sflag:$0x4] =	stream.indirect.gather [hbm4b:s1+s14], $0x80, s25, s14, $0xb8;
	[tilespmem:$0x1DC08] =	vst v63  }
0x1b8: {  	_ = 	snop  }
0x1b9: {  	[spmem:s3] =	stream.indirect.scatter.add.f32 [tilespmem:s10], [sflag:$0x5], $0x8, s26, s14, $0xb8;
	[tilespmem:$0x1DC08] =	vst v63  }
0x1ba: {  	_ =	swait.ge [sflag:s11], $0x400  }
0x1bb: {  	[sflag:s11] =	ssyncset.done $0x0  }
0x1bc: {  	[sflag:s11] =	ssyncadd.s32 $0xFFFFFC00  }
0x1bd: {  	_ =	swait.ge [sflag:s19], $0x4000  }
0x1be: {  	[sflag:s19] =	ssyncset.done $0x0  }
0x1bf: {  	[sflag:s19] =	ssyncadd.s32 $0xFFFFC000  }
0x1c0: {  	[spmem:s2] =	stream.indirect.scatter.add.f32 [tilespmem:s15], [sflag:$0x5], $0x80, s29, s14, $0xb8;
	[tilespmem:$0x1DC08] =	vst v63  }
0x1c1: {  	_ =	swait.ge [sflag:s11], $0x4000  }
0x1c2: {  	[sflag:s11] =	ssyncset.done $0x0  }
0x1c3: {  	[sflag:s11] =	ssyncadd.s32 $0xFFFFC000  }
0x1c4: {  	_ =	swait.ge [sflag:s30], $0x600  }
0x1c5: {  	[sflag:s30] =	ssyncset.done $0x0  }
0x1c6: {  	[sflag:s30] =	ssyncadd.s32 $0xFFFFFA00  }
0x1c7: {  	[tilespmem:s15], [sflag:$0x3] =	stream.indirect.gather [hbm4b:s1+s14], $0x80, s5, s14, $0xb8;
	[tilespmem:$0x1DC08] =	vst v63  }
0x1c8: {  	_ = 	snop  }
0x1c9: {  	[spmem:s3] =	stream.indirect.scatter.add.f32 [tilespmem:s10], [sflag:$0x5], $0x8, s29, s14, $0xb8;
	[tilespmem:$0x1DC08] =	vst v63  }
0x1ca: {  	_ =	swait.ge [sflag:s11], $0x400  }
0x1cb: {  	[sflag:s11] =	ssyncset.done $0x0  }
0x1cc: {  	[sflag:s11] =	ssyncadd.s32 $0xFFFFFC00  }
0x1cd: {  	_ =	swait.ge [sflag:s21], $0x4000  }
0x1ce: {  	[sflag:s21] =	ssyncset.done $0x0  }
0x1cf: {  	[sflag:s21] =	ssyncadd.s32 $0xFFFFC000  }
0x1d0: {  	[spmem:s2] =	stream.indirect.scatter.add.f32 [tilespmem:s17], [sflag:$0x5], $0x80, s31, s14, $0xb8;
	[tilespmem:$0x1DC08] =	vst v63  }
0x1d1: {  	_ =	swait.ge [sflag:s11], $0x4000  }
0x1d2: {  	[sflag:s11] =	ssyncset.done $0x0  }
0x1d3: {  	[sflag:s11] =	ssyncadd.s32 $0xFFFFC000  }
0x1d4: {  	[tilespmem:s17], [sflag:$0x4] =	stream.indirect.gather [hbm4b:s1+s14], $0x80, s18, s14, $0xb8;
	[tilespmem:$0x1DC08] =	vst v63  }
0x1d5: {  	_ = 	snop  }
0x1d6: {  	[spmem:s3] =	stream.indirect.scatter.add.f32 [tilespmem:s10], [sflag:$0x5], $0x8, s31, s14, $0xb8;
	[tilespmem:$0x1DC08] =	vst v63  }
0x1d7: {  	_ =	swait.ge [sflag:s11], $0x400  }
0x1d8: {  	[sflag:s11] =	ssyncset.done $0x0  }
0x1d9: {  	s20 =	rddreg [dreg:$0x10];
	[sflag:s11] =	ssyncadd.s32 $0xFFFFFC00  }
0x1da: {  	[tilespmem:s4], [sflag:$0x1] =	stream.linear.gather [hbm4b:s20+s4], $0x600, $0x38;
	[tilespmem:$0x1DC08] =	vst v63  }
0x1db: {  	_ =	swait.ge [sflag:s19], $0x4000  }
0x1dc: {  	[sflag:s19] =	ssyncset.done $0x0  }
0x1dd: {  	[sflag:s19] =	ssyncadd.s32 $0xFFFFC000  }
0x1de: {  	[spmem:s2] =	stream.indirect.scatter.add.f32 [tilespmem:s15], [sflag:$0x5], $0x80, s8, s14, $0xb8;
	[tilespmem:$0x1DC08] =	vst v63  }
0x1df: {  	_ =	swait.ge [sflag:s11], $0x4000  }
0x1e0: {  	[sflag:s11] =	ssyncset.done $0x0  }
0x1e1: {  	[sflag:s11] =	ssyncadd.s32 $0xFFFFC000  }
0x1e2: {  	[tilespmem:s15], [sflag:$0x3] =	stream.indirect.gather [hbm4b:s1+s14], $0x80, s28, s14, $0xb8;
	[tilespmem:$0x1DC08] =	vst v63  }
0x1e3: {  	_ = 	snop  }
0x1e4: {  	[spmem:s3] =	stream.indirect.scatter.add.f32 [tilespmem:s10], [sflag:$0x5], $0x8, s8, s14, $0xb8;
	[tilespmem:$0x1DC08] =	vst v63  }
0x1e5: {  	_ =	swait.ge [sflag:s11], $0x400  }
0x1e6: {  	[sflag:s11] =	ssyncset.done $0x0  }
0x1e7: {  	[sflag:s11] =	ssyncadd.s32 $0xFFFFFC00  }
0x1e8: {  	_ =	swait.ge [sflag:s21], $0x4000  }
0x1e9: {  	[sflag:s21] =	ssyncset.done $0x0  }
0x1ea: {  	[sflag:s21] =	ssyncadd.s32 $0xFFFFC000  }
0x1eb: {  	[spmem:s2] =	stream.indirect.scatter.add.f32 [tilespmem:s17], [sflag:$0x5], $0x80, s13, s14, $0xb8;
	[tilespmem:$0x1DC08] =	vst v63  }
0x1ec: {  	_ =	swait.ge [sflag:s11], $0x4000  }
0x1ed: {  	[sflag:s11] =	ssyncset.done $0x0  }
0x1ee: {  	[sflag:s11] =	ssyncadd.s32 $0xFFFFC000  }
0x1ef: {  	[tilespmem:s17], [sflag:$0x4] =	stream.indirect.gather [hbm4b:s1+s14], $0x80, s22, s14, $0xb8;
	[tilespmem:$0x1DC08] =	vst v63  }
0x1f0: {  	_ = 	snop  }
0x1f1: {  	[spmem:s3] =	stream.indirect.scatter.add.f32 [tilespmem:s10], [sflag:$0x5], $0x8, s13, s14, $0xb8;
	[tilespmem:$0x1DC08] =	vst v63  }
0x1f2: {  	_ =	swait.ge [sflag:s11], $0x400  }
0x1f3: {  	[sflag:s11] =	ssyncset.done $0x0  }
0x1f4: {  	[sflag:s11] =	ssyncadd.s32 $0xFFFFFC00  }
0x1f5: {  	_ =	swait.ge [sflag:s19], $0x4000  }
0x1f6: {  	[sflag:s19] =	ssyncset.done $0x0  }
0x1f7: {  	[sflag:s19] =	ssyncadd.s32 $0xFFFFC000  }
0x1f8: {  	[spmem:s2] =	stream.indirect.scatter.add.f32 [tilespmem:s15], [sflag:$0x5], $0x80, s7, s14, $0xb8;
	[tilespmem:$0x1DC08] =	vst v63  }
0x1f9: {  	_ =	swait.ge [sflag:s11], $0x4000  }
0x1fa: {  	[sflag:s11] =	ssyncset.done $0x0  }
0x1fb: {  	[sflag:s11] =	ssyncadd.s32 $0xFFFFC000  }
0x1fc: {  	[tilespmem:s15], [sflag:$0x3] =	stream.indirect.gather [hbm4b:s1+s14], $0x80, s24, s14, $0xb8;
	[tilespmem:$0x1DC08] =	vst v63  }
0x1fd: {  	_ = 	snop  }
0x1fe: {  	[spmem:s3] =	stream.indirect.scatter.add.f32 [tilespmem:s10], [sflag:$0x5], $0x8, s7, s14, $0xb8;
	[tilespmem:$0x1DC08] =	vst v63  }
0x1ff: {  	_ =	swait.ge [sflag:s11], $0x400  }
0x200: {  	[sflag:s11] =	ssyncset.done $0x0  }
0x201: {  	[sflag:s11] =	ssyncadd.s32 $0xFFFFFC00  }
0x202: {  	_ =	swait.ge [sflag:s21], $0x4000  }
0x203: {  	[sflag:s21] =	ssyncset.done $0x0  }
0x204: {  	[sflag:s21] =	ssyncadd.s32 $0xFFFFC000  }
0x205: {  	[spmem:s2] =	stream.indirect.scatter.add.f32 [tilespmem:s17], [sflag:$0x5], $0x80, s0, s14, $0xb8;
	[tilespmem:$0x1DC08] =	vst v63  }
0x206: {  	_ =	swait.ge [sflag:s11], $0x4000  }
0x207: {  	[sflag:s11] =	ssyncset.done $0x0  }
0x208: {  	s20 =	simm.s32 $0xB00;
	[sflag:s11] =	ssyncadd.s32 $0xFFFFC000  }
0x209: {  	[tilespmem:s17], [sflag:$0x4] =	stream.indirect.gather [hbm4b:s1+s14], $0x80, s20, s14, $0xb8;
	[tilespmem:$0x1DC08] =	vst v63  }
0x20a: {  	_ = 	snop  }
0x20b: {  	[spmem:s3] =	stream.indirect.scatter.add.f32 [tilespmem:s10], [sflag:$0x5], $0x8, s0, s14, $0xb8;
	[tilespmem:$0x1DC08] =	vst v63  }
0x20c: {  	_ =	swait.ge [sflag:s11], $0x400  }
0x20d: {  	[sflag:s11] =	ssyncset.done $0x0  }
0x20e: {  	[sflag:s11] =	ssyncadd.s32 $0xFFFFFC00  }
0x20f: {  	_ =	swait.ge [sflag:s19], $0x4000  }
0x210: {  	[sflag:s19] =	ssyncset.done $0x0  }
0x211: {  	[sflag:s19] =	ssyncadd.s32 $0xFFFFC000  }
0x212: {  	[spmem:s2] =	stream.indirect.scatter.add.f32 [tilespmem:s15], [sflag:$0x5], $0x80, s12, s14, $0xb8;
	[tilespmem:$0x1DC08] =	vst v63  }
0x213: {  	_ =	swait.ge [sflag:s11], $0x4000  }
0x214: {  	[sflag:s11] =	ssyncset.done $0x0  }
0x215: {  	[sflag:s11] =	ssyncadd.s32 $0xFFFFC000  }
0x216: {  	_ =	swait.ge [sflag:s6], $0x600  }
0x217: {  	[sflag:s6] =	ssyncset.done $0x0  }
0x218: {  	[sflag:s6] =	ssyncadd.s32 $0xFFFFFA00  }
0x219: {  	[tilespmem:s15], [sflag:$0x3] =	stream.indirect.gather [hbm4b:s1+s14], $0x80, s4, s14, $0xb8;
	[tilespmem:$0x1DC08] =	vst v63  }
0x21a: {  	_ = 	snop  }
0x21b: {  	[spmem:s3] =	stream.indirect.scatter.add.f32 [tilespmem:s10], [sflag:$0x5], $0x8, s12, s14, $0xb8;
	[tilespmem:$0x1DC08] =	vst v63  }
0x21c: {  	_ =	swait.ge [sflag:s11], $0x400  }
0x21d: {  	[sflag:s11] =	ssyncset.done $0x0  }
0x21e: {  	[sflag:s11] =	ssyncadd.s32 $0xFFFFFC00  }
0x21f: {  	_ =	swait.ge [sflag:s21], $0x4000  }
0x220: {  	[sflag:s21] =	ssyncset.done $0x0  }
0x221: {  	[sflag:s21] =	ssyncadd.s32 $0xFFFFC000  }
0x222: {  	[spmem:s2] =	stream.indirect.scatter.add.f32 [tilespmem:s17], [sflag:$0x5], $0x80, s9, s14, $0xb8;
	[tilespmem:$0x1DC08] =	vst v63  }
0x223: {  	_ =	swait.ge [sflag:s11], $0x4000  }
0x224: {  	[sflag:s11] =	ssyncset.done $0x0  }
0x225: {  	s20 =	simm.s32 $0x100;
	[sflag:s11] =	ssyncadd.s32 $0xFFFFC000  }
0x226: {  	[tilespmem:s17], [sflag:$0x4] =	stream.indirect.gather [hbm4b:s1+s14], $0x80, s20, s14, $0xb8;
	[tilespmem:$0x1DC08] =	vst v63  }
0x227: {  	_ = 	snop  }
0x228: {  	[spmem:s3] =	stream.indirect.scatter.add.f32 [tilespmem:s10], [sflag:$0x5], $0x8, s9, s14, $0xb8;
	[tilespmem:$0x1DC08] =	vst v63  }
0x229: {  	_ =	swait.ge [sflag:s11], $0x400  }
0x22a: {  	[sflag:s11] =	ssyncset.done $0x0  }
0x22b: {  	s20 =	rddreg [dreg:$0x11];
	[sflag:s11] =	ssyncadd.s32 $0xFFFFFC00  }
0x22c: {  	[tilespmem:s5], [sflag:$0x2] =	stream.linear.gather [hbm4b:s20+s4], $0x600, $0x38;
	[tilespmem:$0x1DC08] =	vst v63  }
0x22d: {  	_ =	swait.ge [sflag:s19], $0x4000  }
0x22e: {  	[sflag:s19] =	ssyncset.done $0x0  }
0x22f: {  	[sflag:s19] =	ssyncadd.s32 $0xFFFFC000  }
0x230: {  	[spmem:s2] =	stream.indirect.scatter.add.f32 [tilespmem:s15], [sflag:$0x5], $0x80, s14, s14, $0xb8;
	[tilespmem:$0x1DC08] =	vst v63  }
0x231: {  	_ =	swait.ge [sflag:s11], $0x4000  }
0x232: {  	[sflag:s11] =	ssyncset.done $0x0  }
0x233: {  	s20 =	simm.s32 $0x200;
	[sflag:s11] =	ssyncadd.s32 $0xFFFFC000  }
0x234: {  	[tilespmem:s15], [sflag:$0x3] =	stream.indirect.gather [hbm4b:s1+s14], $0x80, s20, s14, $0xb8;
	[tilespmem:$0x1DC08] =	vst v63  }
0x235: {  	_ = 	snop  }
0x236: {  	[spmem:s3] =	stream.indirect.scatter.add.f32 [tilespmem:s10], [sflag:$0x5], $0x8, s14, s14, $0xb8;
	[tilespmem:$0x1DC08] =	vst v63  }
0x237: {  	_ =	swait.ge [sflag:s11], $0x400  }
0x238: {  	[sflag:s11] =	ssyncset.done $0x0  }
0x239: {  	[sflag:s11] =	ssyncadd.s32 $0xFFFFFC00  }
0x23a: {  	_ =	swait.ge [sflag:s21], $0x4000  }
0x23b: {  	[sflag:s21] =	ssyncset.done $0x0  }
0x23c: {  	[sflag:s21] =	ssyncadd.s32 $0xFFFFC000  }
0x23d: {  	[spmem:s2] =	stream.indirect.scatter.add.f32 [tilespmem:s17], [sflag:$0x5], $0x80, s16, s14, $0xb8;
	[tilespmem:$0x1DC08] =	vst v63  }
0x23e: {  	_ =	swait.ge [sflag:s11], $0x4000  }
0x23f: {  	[sflag:s11] =	ssyncset.done $0x0  }
0x240: {  	s20 =	simm.s32 $0x300;
	[sflag:s11] =	ssyncadd.s32 $0xFFFFC000  }
0x241: {  	[tilespmem:s17], [sflag:$0x4] =	stream.indirect.gather [hbm4b:s1+s14], $0x80, s20, s14, $0xb8;
	[tilespmem:$0x1DC08] =	vst v63  }
0x242: {  	_ = 	snop  }
0x243: {  	[spmem:s3] =	stream.indirect.scatter.add.f32 [tilespmem:s10], [sflag:$0x5], $0x8, s16, s14, $0xb8;
	[tilespmem:$0x1DC08] =	vst v63  }
0x244: {  	_ =	swait.ge [sflag:s11], $0x400  }
0x245: {  	[sflag:s11] =	ssyncset.done $0x0  }
0x246: {  	[sflag:s11] =	ssyncadd.s32 $0xFFFFFC00  }
0x247: {  	_ =	swait.ge [sflag:s19], $0x4000  }
0x248: {  	[sflag:s19] =	ssyncset.done $0x0  }
0x249: {  	[sflag:s19] =	ssyncadd.s32 $0xFFFFC000  }
0x24a: {  	[spmem:s2] =	stream.indirect.scatter.add.f32 [tilespmem:s15], [sflag:$0x5], $0x80, s23, s14, $0xb8;
	[tilespmem:$0x1DC08] =	vst v63  }
0x24b: {  	_ =	swait.ge [sflag:s11], $0x4000  }
0x24c: {  	[sflag:s11] =	ssyncset.done $0x0  }
0x24d: {  	s20 =	simm.s32 $0x400;
	[sflag:s11] =	ssyncadd.s32 $0xFFFFC000  }
0x24e: {  	[tilespmem:s15], [sflag:$0x3] =	stream.indirect.gather [hbm4b:s1+s14], $0x80, s20, s14, $0xb8;
	[tilespmem:$0x1DC08] =	vst v63  }
0x24f: {  	_ = 	snop  }
0x250: {  	[spmem:s3] =	stream.indirect.scatter.add.f32 [tilespmem:s10], [sflag:$0x5], $0x8, s23, s14, $0xb8;
	[tilespmem:$0x1DC08] =	vst v63  }
0x251: {  	_ =	swait.ge [sflag:s11], $0x400  }
0x252: {  	[sflag:s11] =	ssyncset.done $0x0  }
0x253: {  	[sflag:s11] =	ssyncadd.s32 $0xFFFFFC00  }
0x254: {  	_ =	swait.ge [sflag:s21], $0x4000  }
0x255: {  	[sflag:s21] =	ssyncset.done $0x0  }
0x256: {  	[sflag:s21] =	ssyncadd.s32 $0xFFFFC000  }
0x257: {  	[spmem:s2] =	stream.indirect.scatter.add.f32 [tilespmem:s17], [sflag:$0x5], $0x80, s26, s14, $0xb8;
	[tilespmem:$0x1DC08] =	vst v63  }
0x258: {  	_ =	swait.ge [sflag:s11], $0x4000  }
0x259: {  	[sflag:s11] =	ssyncset.done $0x0  }
0x25a: {  	s25 =	simm.s32 $0x500;
	[sflag:s11] =	ssyncadd.s32 $0xFFFFC000  }
0x25b: {  	[tilespmem:s17], [sflag:$0x4] =	stream.indirect.gather [hbm4b:s1+s14], $0x80, s25, s14, $0xb8;
	[tilespmem:$0x1DC08] =	vst v63  }
0x25c: {  	_ = 	snop  }
0x25d: {  	[spmem:s3] =	stream.indirect.scatter.add.f32 [tilespmem:s10], [sflag:$0x5], $0x8, s26, s14, $0xb8;
	[tilespmem:$0x1DC08] =	vst v63  }
0x25e: {  	_ =	swait.ge [sflag:s11], $0x400  }
0x25f: {  	[sflag:s11] =	ssyncset.done $0x0  }
0x260: {  	[sflag:s11] =	ssyncadd.s32 $0xFFFFFC00  }
0x261: {  	_ =	swait.ge [sflag:s19], $0x4000  }
0x262: {  	[sflag:s19] =	ssyncset.done $0x0  }
0x263: {  	[sflag:s19] =	ssyncadd.s32 $0xFFFFC000  }
0x264: {  	[spmem:s2] =	stream.indirect.scatter.add.f32 [tilespmem:s15], [sflag:$0x5], $0x80, s29, s14, $0xb8;
	[tilespmem:$0x1DC08] =	vst v63  }
0x265: {  	_ =	swait.ge [sflag:s11], $0x4000  }
0x266: {  	[sflag:s11] =	ssyncset.done $0x0  }
0x267: {  	[sflag:s11] =	ssyncadd.s32 $0xFFFFC000  }
0x268: {  	_ =	swait.ge [sflag:s30], $0x600  }
0x269: {  	[sflag:s30] =	ssyncset.done $0x0  }
0x26a: {  	[sflag:s30] =	ssyncadd.s32 $0xFFFFFA00  }
0x26b: {  	[tilespmem:s15], [sflag:$0x3] =	stream.indirect.gather [hbm4b:s1+s14], $0x80, s5, s14, $0xb8;
	[tilespmem:$0x1DC08] =	vst v63  }
0x26c: {  	_ = 	snop  }
0x26d: {  	[spmem:s3] =	stream.indirect.scatter.add.f32 [tilespmem:s10], [sflag:$0x5], $0x8, s29, s14, $0xb8;
	[tilespmem:$0x1DC08] =	vst v63  }
0x26e: {  	_ =	swait.ge [sflag:s11], $0x400  }
0x26f: {  	[sflag:s11] =	ssyncset.done $0x0  }
0x270: {  	[sflag:s11] =	ssyncadd.s32 $0xFFFFFC00  }
0x271: {  	_ =	swait.ge [sflag:s21], $0x4000  }
0x272: {  	[sflag:s21] =	ssyncset.done $0x0  }
0x273: {  	[sflag:s21] =	ssyncadd.s32 $0xFFFFC000  }
0x274: {  	[spmem:s2] =	stream.indirect.scatter.add.f32 [tilespmem:s17], [sflag:$0x5], $0x80, s31, s14, $0xb8;
	[tilespmem:$0x1DC08] =	vst v63  }
0x275: {  	_ =	swait.ge [sflag:s11], $0x4000  }
0x276: {  	[sflag:s11] =	ssyncset.done $0x0  }
0x277: {  	s18 =	simm.s32 $0x700;
	[sflag:s11] =	ssyncadd.s32 $0xFFFFC000  }
0x278: {  	[tilespmem:s17], [sflag:$0x4] =	stream.indirect.gather [hbm4b:s1+s14], $0x80, s18, s14, $0xb8;
	[tilespmem:$0x1DC08] =	vst v63  }
0x279: {  	_ = 	snop  }
0x27a: {  	[spmem:s3] =	stream.indirect.scatter.add.f32 [tilespmem:s10], [sflag:$0x5], $0x8, s31, s14, $0xb8;
	[tilespmem:$0x1DC08] =	vst v63  }
0x27b: {  	_ =	swait.ge [sflag:s11], $0x400  }
0x27c: {  	[sflag:s11] =	ssyncset.done $0x0  }
0x27d: {  	s20 =	rddreg [dreg:$0x12];
	[sflag:s11] =	ssyncadd.s32 $0xFFFFFC00  }
0x27e: {  	[tilespmem:s4], [sflag:$0x1] =	stream.linear.gather [hbm4b:s20+s4], $0x600, $0x38;
	[tilespmem:$0x1DC08] =	vst v63  }
0x27f: {  	_ =	swait.ge [sflag:s19], $0x4000  }
0x280: {  	[sflag:s19] =	ssyncset.done $0x0  }
0x281: {  	[sflag:s19] =	ssyncadd.s32 $0xFFFFC000  }
0x282: {  	[spmem:s2] =	stream.indirect.scatter.add.f32 [tilespmem:s15], [sflag:$0x5], $0x80, s8, s14, $0xb8;
	[tilespmem:$0x1DC08] =	vst v63  }
0x283: {  	_ =	swait.ge [sflag:s11], $0x4000  }
0x284: {  	[sflag:s11] =	ssyncset.done $0x0  }
0x285: {  	s28 =	simm.s32 $0x800;
	[sflag:s11] =	ssyncadd.s32 $0xFFFFC000  }
0x286: {  	[tilespmem:s15], [sflag:$0x3] =	stream.indirect.gather [hbm4b:s1+s14], $0x80, s28, s14, $0xb8;
	[tilespmem:$0x1DC08] =	vst v63  }
0x287: {  	_ = 	snop  }
0x288: {  	[spmem:s3] =	stream.indirect.scatter.add.f32 [tilespmem:s10], [sflag:$0x5], $0x8, s8, s14, $0xb8;
	[tilespmem:$0x1DC08] =	vst v63  }
0x289: {  	_ =	swait.ge [sflag:s11], $0x400  }
0x28a: {  	[sflag:s11] =	ssyncset.done $0x0  }
0x28b: {  	[sflag:s11] =	ssyncadd.s32 $0xFFFFFC00  }
0x28c: {  	_ =	swait.ge [sflag:s21], $0x4000  }
0x28d: {  	[sflag:s21] =	ssyncset.done $0x0  }
0x28e: {  	[sflag:s21] =	ssyncadd.s32 $0xFFFFC000  }
0x28f: {  	[spmem:s2] =	stream.indirect.scatter.add.f32 [tilespmem:s17], [sflag:$0x5], $0x80, s13, s14, $0xb8;
	[tilespmem:$0x1DC08] =	vst v63  }
0x290: {  	_ =	swait.ge [sflag:s11], $0x4000  }
0x291: {  	[sflag:s11] =	ssyncset.done $0x0  }
0x292: {  	s22 =	simm.s32 $0x900;
	[sflag:s11] =	ssyncadd.s32 $0xFFFFC000  }
0x293: {  	[tilespmem:s17], [sflag:$0x4] =	stream.indirect.gather [hbm4b:s1+s14], $0x80, s22, s14, $0xb8;
	[tilespmem:$0x1DC08] =	vst v63  }
0x294: {  	_ = 	snop  }
0x295: {  	[spmem:s3] =	stream.indirect.scatter.add.f32 [tilespmem:s10], [sflag:$0x5], $0x8, s13, s14, $0xb8;
	[tilespmem:$0x1DC08] =	vst v63  }
0x296: {  	_ =	swait.ge [sflag:s11], $0x400  }
0x297: {  	[sflag:s11] =	ssyncset.done $0x0  }
0x298: {  	[sflag:s11] =	ssyncadd.s32 $0xFFFFFC00  }
0x299: {  	_ =	swait.ge [sflag:s19], $0x4000  }
0x29a: {  	[sflag:s19] =	ssyncset.done $0x0  }
0x29b: {  	[sflag:s19] =	ssyncadd.s32 $0xFFFFC000  }
0x29c: {  	[spmem:s2] =	stream.indirect.scatter.add.f32 [tilespmem:s15], [sflag:$0x5], $0x80, s7, s14, $0xb8;
	[tilespmem:$0x1DC08] =	vst v63  }
0x29d: {  	_ =	swait.ge [sflag:s11], $0x4000  }
0x29e: {  	[sflag:s11] =	ssyncset.done $0x0  }
0x29f: {  	s24 =	simm.s32 $0xA00;
	[sflag:s11] =	ssyncadd.s32 $0xFFFFC000  }
0x2a0: {  	[tilespmem:s15], [sflag:$0x3] =	stream.indirect.gather [hbm4b:s1+s14], $0x80, s24, s14, $0xb8;
	[tilespmem:$0x1DC08] =	vst v63  }
0x2a1: {  	_ = 	snop  }
0x2a2: {  	[spmem:s3] =	stream.indirect.scatter.add.f32 [tilespmem:s10], [sflag:$0x5], $0x8, s7, s14, $0xb8;
	[tilespmem:$0x1DC08] =	vst v63  }
0x2a3: {  	_ =	swait.ge [sflag:s11], $0x400  }
0x2a4: {  	[sflag:s11] =	ssyncset.done $0x0  }
0x2a5: {  	[sflag:s11] =	ssyncadd.s32 $0xFFFFFC00  }
0x2a6: {  	_ =	swait.ge [sflag:s21], $0x4000  }
0x2a7: {  	[sflag:s21] =	ssyncset.done $0x0  }
0x2a8: {  	[sflag:s21] =	ssyncadd.s32 $0xFFFFC000  }
0x2a9: {  	[spmem:s2] =	stream.indirect.scatter.add.f32 [tilespmem:s17], [sflag:$0x5], $0x80, s0, s14, $0xb8;
	[tilespmem:$0x1DC08] =	vst v63  }
0x2aa: {  	_ =	swait.ge [sflag:s11], $0x4000  }
0x2ab: {  	[sflag:s11] =	ssyncset.done $0x0  }
0x2ac: {  	s22 =	simm.s32 $0xB00;
	[sflag:s11] =	ssyncadd.s32 $0xFFFFC000  }
0x2ad: {  	[tilespmem:s17], [sflag:$0x4] =	stream.indirect.gather [hbm4b:s1+s14], $0x80, s22, s14, $0xb8;
	[tilespmem:$0x1DC08] =	vst v63  }
0x2ae: {  	_ = 	snop  }
0x2af: {  	[spmem:s3] =	stream.indirect.scatter.add.f32 [tilespmem:s10], [sflag:$0x5], $0x8, s0, s14, $0xb8;
	[tilespmem:$0x1DC08] =	vst v63  }
0x2b0: {  	_ =	swait.ge [sflag:s11], $0x400  }
0x2b1: {  	[sflag:s11] =	ssyncset.done $0x0  }
0x2b2: {  	[sflag:s11] =	ssyncadd.s32 $0xFFFFFC00  }
0x2b3: {  	_ =	swait.ge [sflag:s19], $0x4000  }
0x2b4: {  	[sflag:s19] =	ssyncset.done $0x0  }
0x2b5: {  	[sflag:s19] =	ssyncadd.s32 $0xFFFFC000  }
0x2b6: {  	[spmem:s2] =	stream.indirect.scatter.add.f32 [tilespmem:s15], [sflag:$0x5], $0x80, s12, s14, $0xb8;
	[tilespmem:$0x1DC08] =	vst v63  }
0x2b7: {  	_ =	swait.ge [sflag:s11], $0x4000  }
0x2b8: {  	[sflag:s11] =	ssyncset.done $0x0  }
0x2b9: {  	[sflag:s11] =	ssyncadd.s32 $0xFFFFC000  }
0x2ba: {  	_ =	swait.ge [sflag:s6], $0x600  }
0x2bb: {  	[sflag:s6] =	ssyncset.done $0x0  }
0x2bc: {  	[sflag:s6] =	ssyncadd.s32 $0xFFFFFA00  }
0x2bd: {  	[tilespmem:s15], [sflag:$0x3] =	stream.indirect.gather [hbm4b:s1+s14], $0x80, s4, s14, $0xb8;
	[tilespmem:$0x1DC08] =	vst v63  }
0x2be: {  	_ = 	snop  }
0x2bf: {  	[spmem:s3] =	stream.indirect.scatter.add.f32 [tilespmem:s10], [sflag:$0x5], $0x8, s12, s14, $0xb8;
	[tilespmem:$0x1DC08] =	vst v63  }
0x2c0: {  	_ =	swait.ge [sflag:s11], $0x400  }
0x2c1: {  	[sflag:s11] =	ssyncset.done $0x0  }
0x2c2: {  	[sflag:s11] =	ssyncadd.s32 $0xFFFFFC00  }
0x2c3: {  	_ =	swait.ge [sflag:s21], $0x4000  }
0x2c4: {  	[sflag:s21] =	ssyncset.done $0x0  }
0x2c5: {  	[sflag:s21] =	ssyncadd.s32 $0xFFFFC000  }
0x2c6: {  	[spmem:s2] =	stream.indirect.scatter.add.f32 [tilespmem:s17], [sflag:$0x5], $0x80, s9, s14, $0xb8;
	[tilespmem:$0x1DC08] =	vst v63  }
0x2c7: {  	_ =	swait.ge [sflag:s11], $0x4000  }
0x2c8: {  	[sflag:s11] =	ssyncset.done $0x0  }
0x2c9: {  	s22 =	simm.s32 $0x100;
	[sflag:s11] =	ssyncadd.s32 $0xFFFFC000  }
0x2ca: {  	[tilespmem:s17], [sflag:$0x4] =	stream.indirect.gather [hbm4b:s1+s14], $0x80, s22, s14, $0xb8;
	[tilespmem:$0x1DC08] =	vst v63  }
0x2cb: {  	_ = 	snop  }
0x2cc: {  	[spmem:s3] =	stream.indirect.scatter.add.f32 [tilespmem:s10], [sflag:$0x5], $0x8, s9, s14, $0xb8;
	[tilespmem:$0x1DC08] =	vst v63  }
0x2cd: {  	_ =	swait.ge [sflag:s11], $0x400  }
0x2ce: {  	[sflag:s11] =	ssyncset.done $0x0  }
0x2cf: {  	s22 =	rddreg [dreg:$0x13];
	[sflag:s11] =	ssyncadd.s32 $0xFFFFFC00  }
0x2d0: {  	[tilespmem:s5], [sflag:$0x2] =	stream.linear.gather [hbm4b:s22+s4], $0x600, $0x38;
	[tilespmem:$0x1DC08] =	vst v63  }
0x2d1: {  	_ =	swait.ge [sflag:s19], $0x4000  }
0x2d2: {  	[sflag:s19] =	ssyncset.done $0x0  }
0x2d3: {  	[sflag:s19] =	ssyncadd.s32 $0xFFFFC000  }
0x2d4: {  	[spmem:s2] =	stream.indirect.scatter.add.f32 [tilespmem:s15], [sflag:$0x5], $0x80, s14, s14, $0xb8;
	[tilespmem:$0x1DC08] =	vst v63  }
0x2d5: {  	_ =	swait.ge [sflag:s11], $0x4000  }
0x2d6: {  	[sflag:s11] =	ssyncset.done $0x0  }
0x2d7: {  	s22 =	simm.s32 $0x200;
	[sflag:s11] =	ssyncadd.s32 $0xFFFFC000  }
0x2d8: {  	[tilespmem:s15], [sflag:$0x3] =	stream.indirect.gather [hbm4b:s1+s14], $0x80, s22, s14, $0xb8;
	[tilespmem:$0x1DC08] =	vst v63  }
0x2d9: {  	_ = 	snop  }
0x2da: {  	[spmem:s3] =	stream.indirect.scatter.add.f32 [tilespmem:s10], [sflag:$0x5], $0x8, s14, s14, $0xb8;
	[tilespmem:$0x1DC08] =	vst v63  }
0x2db: {  	_ =	swait.ge [sflag:s11], $0x400  }
0x2dc: {  	[sflag:s11] =	ssyncset.done $0x0  }
0x2dd: {  	[sflag:s11] =	ssyncadd.s32 $0xFFFFFC00  }
0x2de: {  	_ =	swait.ge [sflag:s21], $0x4000  }
0x2df: {  	[sflag:s21] =	ssyncset.done $0x0  }
0x2e0: {  	[sflag:s21] =	ssyncadd.s32 $0xFFFFC000  }
0x2e1: {  	[spmem:s2] =	stream.indirect.scatter.add.f32 [tilespmem:s17], [sflag:$0x5], $0x80, s16, s14, $0xb8;
	[tilespmem:$0x1DC08] =	vst v63  }
0x2e2: {  	_ =	swait.ge [sflag:s11], $0x4000  }
0x2e3: {  	[sflag:s11] =	ssyncset.done $0x0  }
0x2e4: {  	s22 =	simm.s32 $0x300;
	[sflag:s11] =	ssyncadd.s32 $0xFFFFC000  }
0x2e5: {  	[tilespmem:s17], [sflag:$0x4] =	stream.indirect.gather [hbm4b:s1+s14], $0x80, s22, s14, $0xb8;
	[tilespmem:$0x1DC08] =	vst v63  }
0x2e6: {  	_ = 	snop  }
0x2e7: {  	[spmem:s3] =	stream.indirect.scatter.add.f32 [tilespmem:s10], [sflag:$0x5], $0x8, s16, s14, $0xb8;
	[tilespmem:$0x1DC08] =	vst v63  }
0x2e8: {  	_ =	swait.ge [sflag:s11], $0x400  }
0x2e9: {  	[sflag:s11] =	ssyncset.done $0x0  }
0x2ea: {  	[sflag:s11] =	ssyncadd.s32 $0xFFFFFC00  }
0x2eb: {  	_ =	swait.ge [sflag:s19], $0x4000  }
0x2ec: {  	[sflag:s19] =	ssyncset.done $0x0  }
0x2ed: {  	[sflag:s19] =	ssyncadd.s32 $0xFFFFC000  }
0x2ee: {  	[spmem:s2] =	stream.indirect.scatter.add.f32 [tilespmem:s15], [sflag:$0x5], $0x80, s23, s14, $0xb8;
	[tilespmem:$0x1DC08] =	vst v63  }
0x2ef: {  	_ =	swait.ge [sflag:s11], $0x4000  }
0x2f0: {  	[sflag:s11] =	ssyncset.done $0x0  }
0x2f1: {  	s22 =	simm.s32 $0x400;
	[sflag:s11] =	ssyncadd.s32 $0xFFFFC000  }
0x2f2: {  	[tilespmem:s15], [sflag:$0x3] =	stream.indirect.gather [hbm4b:s1+s14], $0x80, s22, s14, $0xb8;
	[tilespmem:$0x1DC08] =	vst v63  }
0x2f3: {  	_ = 	snop  }
0x2f4: {  	[spmem:s3] =	stream.indirect.scatter.add.f32 [tilespmem:s10], [sflag:$0x5], $0x8, s23, s14, $0xb8;
	[tilespmem:$0x1DC08] =	vst v63  }
0x2f5: {  	_ =	swait.ge [sflag:s11], $0x400  }
0x2f6: {  	[sflag:s11] =	ssyncset.done $0x0  }
0x2f7: {  	[sflag:s11] =	ssyncadd.s32 $0xFFFFFC00  }
0x2f8: {  	_ =	swait.ge [sflag:s21], $0x4000  }
0x2f9: {  	[sflag:s21] =	ssyncset.done $0x0  }
0x2fa: {  	[sflag:s21] =	ssyncadd.s32 $0xFFFFC000  }
0x2fb: {  	[spmem:s2] =	stream.indirect.scatter.add.f32 [tilespmem:s17], [sflag:$0x5], $0x80, s26, s14, $0xb8;
	[tilespmem:$0x1DC08] =	vst v63  }
0x2fc: {  	_ =	swait.ge [sflag:s11], $0x4000  }
0x2fd: {  	[sflag:s11] =	ssyncset.done $0x0  }
0x2fe: {  	s25 =	simm.s32 $0x500;
	[sflag:s11] =	ssyncadd.s32 $0xFFFFC000  }
0x2ff: {  	[tilespmem:s17], [sflag:$0x4] =	stream.indirect.gather [hbm4b:s1+s14], $0x80, s25, s14, $0xb8;
	[tilespmem:$0x1DC08] =	vst v63  }
0x300: {  	_ = 	snop  }
0x301: {  	[spmem:s3] =	stream.indirect.scatter.add.f32 [tilespmem:s10], [sflag:$0x5], $0x8, s26, s14, $0xb8;
	[tilespmem:$0x1DC08] =	vst v63  }
0x302: {  	_ =	swait.ge [sflag:s11], $0x400  }
0x303: {  	[sflag:s11] =	ssyncset.done $0x0  }
0x304: {  	[sflag:s11] =	ssyncadd.s32 $0xFFFFFC00  }
0x305: {  	_ =	swait.ge [sflag:s19], $0x4000  }
0x306: {  	[sflag:s19] =	ssyncset.done $0x0  }
0x307: {  	[sflag:s19] =	ssyncadd.s32 $0xFFFFC000  }
0x308: {  	[spmem:s2] =	stream.indirect.scatter.add.f32 [tilespmem:s15], [sflag:$0x5], $0x80, s29, s14, $0xb8;
	[tilespmem:$0x1DC08] =	vst v63  }
0x309: {  	_ =	swait.ge [sflag:s11], $0x4000  }
0x30a: {  	[sflag:s11] =	ssyncset.done $0x0  }
0x30b: {  	[sflag:s11] =	ssyncadd.s32 $0xFFFFC000  }
0x30c: {  	_ =	swait.ge [sflag:s30], $0x600  }
0x30d: {  	[sflag:s30] =	ssyncset.done $0x0  }
0x30e: {  	[sflag:s30] =	ssyncadd.s32 $0xFFFFFA00  }
0x30f: {  	[tilespmem:s15], [sflag:$0x3] =	stream.indirect.gather [hbm4b:s1+s14], $0x80, s5, s14, $0xb8;
	[tilespmem:$0x1DC08] =	vst v63  }
0x310: {  	_ = 	snop  }
0x311: {  	[spmem:s3] =	stream.indirect.scatter.add.f32 [tilespmem:s10], [sflag:$0x5], $0x8, s29, s14, $0xb8;
	[tilespmem:$0x1DC08] =	vst v63  }
0x312: {  	_ =	swait.ge [sflag:s11], $0x400  }
0x313: {  	[sflag:s11] =	ssyncset.done $0x0  }
0x314: {  	[sflag:s11] =	ssyncadd.s32 $0xFFFFFC00  }
0x315: {  	_ =	swait.ge [sflag:s21], $0x4000  }
0x316: {  	[sflag:s21] =	ssyncset.done $0x0  }
0x317: {  	[sflag:s21] =	ssyncadd.s32 $0xFFFFC000  }
0x318: {  	[spmem:s2] =	stream.indirect.scatter.add.f32 [tilespmem:s17], [sflag:$0x5], $0x80, s31, s14, $0xb8;
	[tilespmem:$0x1DC08] =	vst v63  }
0x319: {  	_ =	swait.ge [sflag:s11], $0x4000  }
0x31a: {  	[sflag:s11] =	ssyncset.done $0x0  }
0x31b: {  	s18 =	simm.s32 $0x700;
	[sflag:s11] =	ssyncadd.s32 $0xFFFFC000  }
0x31c: {  	[tilespmem:s17], [sflag:$0x4] =	stream.indirect.gather [hbm4b:s1+s14], $0x80, s18, s14, $0xb8;
	[tilespmem:$0x1DC08] =	vst v63  }
0x31d: {  	_ = 	snop  }
0x31e: {  	[spmem:s3] =	stream.indirect.scatter.add.f32 [tilespmem:s10], [sflag:$0x5], $0x8, s31, s14, $0xb8;
	[tilespmem:$0x1DC08] =	vst v63  }
0x31f: {  	_ =	swait.ge [sflag:s11], $0x400  }
0x320: {  	[sflag:s11] =	ssyncset.done $0x0  }
0x321: {  	s18 =	rddreg [dreg:$0x14];
	[sflag:s11] =	ssyncadd.s32 $0xFFFFFC00  }
0x322: {  	[tilespmem:s4], [sflag:$0x1] =	stream.linear.gather [hbm4b:s18+s4], $0x600, $0x38;
	[tilespmem:$0x1DC08] =	vst v63  }
0x323: {  	_ =	swait.ge [sflag:s19], $0x4000  }
0x324: {  	[sflag:s19] =	ssyncset.done $0x0  }
0x325: {  	[sflag:s19] =	ssyncadd.s32 $0xFFFFC000  }
0x326: {  	[spmem:s2] =	stream.indirect.scatter.add.f32 [tilespmem:s15], [sflag:$0x5], $0x80, s8, s14, $0xb8;
	[tilespmem:$0x1DC08] =	vst v63  }
0x327: {  	_ =	swait.ge [sflag:s11], $0x4000  }
0x328: {  	[sflag:s11] =	ssyncset.done $0x0  }
0x329: {  	s28 =	simm.s32 $0x800;
	[sflag:s11] =	ssyncadd.s32 $0xFFFFC000  }
0x32a: {  	[tilespmem:s15], [sflag:$0x3] =	stream.indirect.gather [hbm4b:s1+s14], $0x80, s28, s14, $0xb8;
	[tilespmem:$0x1DC08] =	vst v63  }
0x32b: {  	_ = 	snop  }
0x32c: {  	[spmem:s3] =	stream.indirect.scatter.add.f32 [tilespmem:s10], [sflag:$0x5], $0x8, s8, s14, $0xb8;
	[tilespmem:$0x1DC08] =	vst v63  }
0x32d: {  	_ =	swait.ge [sflag:s11], $0x400  }
0x32e: {  	[sflag:s11] =	ssyncset.done $0x0  }
0x32f: {  	[sflag:s11] =	ssyncadd.s32 $0xFFFFFC00  }
0x330: {  	_ =	swait.ge [sflag:s21], $0x4000  }
0x331: {  	[sflag:s21] =	ssyncset.done $0x0  }
0x332: {  	[sflag:s21] =	ssyncadd.s32 $0xFFFFC000  }
0x333: {  	[spmem:s2] =	stream.indirect.scatter.add.f32 [tilespmem:s17], [sflag:$0x5], $0x80, s13, s14, $0xb8;
	[tilespmem:$0x1DC08] =	vst v63  }
0x334: {  	_ =	swait.ge [sflag:s11], $0x4000  }
0x335: {  	[sflag:s11] =	ssyncset.done $0x0  }
0x336: {  	s22 =	simm.s32 $0x900;
	[sflag:s11] =	ssyncadd.s32 $0xFFFFC000  }
0x337: {  	[tilespmem:s17], [sflag:$0x4] =	stream.indirect.gather [hbm4b:s1+s14], $0x80, s22, s14, $0xb8;
	[tilespmem:$0x1DC08] =	vst v63  }
0x338: {  	_ = 	snop  }
0x339: {  	[spmem:s3] =	stream.indirect.scatter.add.f32 [tilespmem:s10], [sflag:$0x5], $0x8, s13, s14, $0xb8;
	[tilespmem:$0x1DC08] =	vst v63  }
0x33a: {  	_ =	swait.ge [sflag:s11], $0x400  }
0x33b: {  	[sflag:s11] =	ssyncset.done $0x0  }
0x33c: {  	[sflag:s11] =	ssyncadd.s32 $0xFFFFFC00  }
0x33d: {  	_ =	swait.ge [sflag:s19], $0x4000  }
0x33e: {  	[sflag:s19] =	ssyncset.done $0x0  }
0x33f: {  	[sflag:s19] =	ssyncadd.s32 $0xFFFFC000  }
0x340: {  	[spmem:s2] =	stream.indirect.scatter.add.f32 [tilespmem:s15], [sflag:$0x5], $0x80, s7, s14, $0xb8;
	[tilespmem:$0x1DC08] =	vst v63  }
0x341: {  	_ =	swait.ge [sflag:s11], $0x4000  }
0x342: {  	[sflag:s11] =	ssyncset.done $0x0  }
0x343: {  	s24 =	simm.s32 $0xA00;
	[sflag:s11] =	ssyncadd.s32 $0xFFFFC000  }
0x344: {  	[tilespmem:s15], [sflag:$0x3] =	stream.indirect.gather [hbm4b:s1+s14], $0x80, s24, s14, $0xb8;
	[tilespmem:$0x1DC08] =	vst v63  }
0x345: {  	_ = 	snop  }
0x346: {  	[spmem:s3] =	stream.indirect.scatter.add.f32 [tilespmem:s10], [sflag:$0x5], $0x8, s7, s14, $0xb8;
	[tilespmem:$0x1DC08] =	vst v63  }
0x347: {  	_ =	swait.ge [sflag:s11], $0x400  }
0x348: {  	[sflag:s11] =	ssyncset.done $0x0  }
0x349: {  	[sflag:s11] =	ssyncadd.s32 $0xFFFFFC00  }
0x34a: {  	_ =	swait.ge [sflag:s21], $0x4000  }
0x34b: {  	[sflag:s21] =	ssyncset.done $0x0  }
0x34c: {  	[sflag:s21] =	ssyncadd.s32 $0xFFFFC000  }
0x34d: {  	[spmem:s2] =	stream.indirect.scatter.add.f32 [tilespmem:s17], [sflag:$0x5], $0x80, s0, s14, $0xb8;
	[tilespmem:$0x1DC08] =	vst v63  }
0x34e: {  	_ =	swait.ge [sflag:s11], $0x4000  }
0x34f: {  	[sflag:s11] =	ssyncset.done $0x0  }
0x350: {  	s24 =	simm.s32 $0xB00;
	[sflag:s11] =	ssyncadd.s32 $0xFFFFC000  }
0x351: {  	[tilespmem:s17], [sflag:$0x4] =	stream.indirect.gather [hbm4b:s1+s14], $0x80, s24, s14, $0xb8;
	[tilespmem:$0x1DC08] =	vst v63  }
0x352: {  	_ = 	snop  }
0x353: {  	[spmem:s3] =	stream.indirect.scatter.add.f32 [tilespmem:s10], [sflag:$0x5], $0x8, s0, s14, $0xb8;
	[tilespmem:$0x1DC08] =	vst v63  }
0x354: {  	_ =	swait.ge [sflag:s11], $0x400  }
0x355: {  	[sflag:s11] =	ssyncset.done $0x0  }
0x356: {  	[sflag:s11] =	ssyncadd.s32 $0xFFFFFC00  }
0x357: {  	_ =	swait.ge [sflag:s19], $0x4000  }
0x358: {  	[sflag:s19] =	ssyncset.done $0x0  }
0x359: {  	[sflag:s19] =	ssyncadd.s32 $0xFFFFC000  }
0x35a: {  	[spmem:s2] =	stream.indirect.scatter.add.f32 [tilespmem:s15], [sflag:$0x5], $0x80, s12, s14, $0xb8;
	[tilespmem:$0x1DC08] =	vst v63  }
0x35b: {  	_ =	swait.ge [sflag:s11], $0x4000  }
0x35c: {  	[sflag:s11] =	ssyncset.done $0x0  }
0x35d: {  	[sflag:s11] =	ssyncadd.s32 $0xFFFFC000  }
0x35e: {  	_ =	swait.ge [sflag:s6], $0x600  }
0x35f: {  	[sflag:s6] =	ssyncset.done $0x0  }
0x360: {  	[sflag:s6] =	ssyncadd.s32 $0xFFFFFA00  }
0x361: {  	[tilespmem:s15], [sflag:$0x3] =	stream.indirect.gather [hbm4b:s1+s14], $0x80, s4, s14, $0xb8;
	[tilespmem:$0x1DC08] =	vst v63  }
0x362: {  	_ = 	snop  }
0x363: {  	[spmem:s3] =	stream.indirect.scatter.add.f32 [tilespmem:s10], [sflag:$0x5], $0x8, s12, s14, $0xb8;
	[tilespmem:$0x1DC08] =	vst v63  }
0x364: {  	_ =	swait.ge [sflag:s11], $0x400  }
0x365: {  	[sflag:s11] =	ssyncset.done $0x0  }
0x366: {  	[sflag:s11] =	ssyncadd.s32 $0xFFFFFC00  }
0x367: {  	_ =	swait.ge [sflag:s21], $0x4000  }
0x368: {  	[sflag:s21] =	ssyncset.done $0x0  }
0x369: {  	[sflag:s21] =	ssyncadd.s32 $0xFFFFC000  }
0x36a: {  	[spmem:s2] =	stream.indirect.scatter.add.f32 [tilespmem:s17], [sflag:$0x5], $0x80, s9, s14, $0xb8;
	[tilespmem:$0x1DC08] =	vst v63  }
0x36b: {  	_ =	swait.ge [sflag:s11], $0x4000  }
0x36c: {  	[sflag:s11] =	ssyncset.done $0x0  }
0x36d: {  	s25 =	simm.s32 $0x100;
	[sflag:s11] =	ssyncadd.s32 $0xFFFFC000  }
0x36e: {  	[tilespmem:s17], [sflag:$0x4] =	stream.indirect.gather [hbm4b:s1+s14], $0x80, s25, s14, $0xb8;
	[tilespmem:$0x1DC08] =	vst v63  }
0x36f: {  	_ = 	snop  }
0x370: {  	[spmem:s3] =	stream.indirect.scatter.add.f32 [tilespmem:s10], [sflag:$0x5], $0x8, s9, s14, $0xb8;
	[tilespmem:$0x1DC08] =	vst v63  }
0x371: {  	_ =	swait.ge [sflag:s11], $0x400  }
0x372: {  	[sflag:s11] =	ssyncset.done $0x0  }
0x373: {  	s18 =	rddreg [dreg:$0x15];
	[sflag:s11] =	ssyncadd.s32 $0xFFFFFC00  }
0x374: {  	[tilespmem:s5], [sflag:$0x2] =	stream.linear.gather [hbm4b:s18+s4], $0x600, $0x38;
	[tilespmem:$0x1DC08] =	vst v63  }
0x375: {  	_ =	swait.ge [sflag:s19], $0x4000  }
0x376: {  	[sflag:s19] =	ssyncset.done $0x0  }
0x377: {  	[sflag:s19] =	ssyncadd.s32 $0xFFFFC000  }
0x378: {  	[spmem:s2] =	stream.indirect.scatter.add.f32 [tilespmem:s15], [sflag:$0x5], $0x80, s14, s14, $0xb8;
	[tilespmem:$0x1DC08] =	vst v63  }
0x379: {  	_ =	swait.ge [sflag:s11], $0x4000  }
0x37a: {  	[sflag:s11] =	ssyncset.done $0x0  }
0x37b: {  	s20 =	simm.s32 $0x200;
	[sflag:s11] =	ssyncadd.s32 $0xFFFFC000  }
0x37c: {  	[tilespmem:s15], [sflag:$0x3] =	stream.indirect.gather [hbm4b:s1+s14], $0x80, s20, s14, $0xb8;
	[tilespmem:$0x1DC08] =	vst v63  }
0x37d: {  	_ = 	snop  }
0x37e: {  	[spmem:s3] =	stream.indirect.scatter.add.f32 [tilespmem:s10], [sflag:$0x5], $0x8, s14, s14, $0xb8;
	[tilespmem:$0x1DC08] =	vst v63  }
0x37f: {  	_ =	swait.ge [sflag:s11], $0x400  }
0x380: {  	[sflag:s11] =	ssyncset.done $0x0  }
0x381: {  	[sflag:s11] =	ssyncadd.s32 $0xFFFFFC00  }
0x382: {  	_ =	swait.ge [sflag:s21], $0x4000  }
0x383: {  	[sflag:s21] =	ssyncset.done $0x0  }
0x384: {  	[sflag:s21] =	ssyncadd.s32 $0xFFFFC000  }
0x385: {  	[spmem:s2] =	stream.indirect.scatter.add.f32 [tilespmem:s17], [sflag:$0x5], $0x80, s16, s14, $0xb8;
	[tilespmem:$0x1DC08] =	vst v63  }
0x386: {  	_ =	swait.ge [sflag:s11], $0x4000  }
0x387: {  	[sflag:s11] =	ssyncset.done $0x0  }
0x388: {  	s22 =	simm.s32 $0x300;
	[sflag:s11] =	ssyncadd.s32 $0xFFFFC000  }
0x389: {  	[tilespmem:s17], [sflag:$0x4] =	stream.indirect.gather [hbm4b:s1+s14], $0x80, s22, s14, $0xb8;
	[tilespmem:$0x1DC08] =	vst v63  }
0x38a: {  	_ = 	snop  }
0x38b: {  	[spmem:s3] =	stream.indirect.scatter.add.f32 [tilespmem:s10], [sflag:$0x5], $0x8, s16, s14, $0xb8;
	[tilespmem:$0x1DC08] =	vst v63  }
0x38c: {  	_ =	swait.ge [sflag:s11], $0x400  }
0x38d: {  	[sflag:s11] =	ssyncset.done $0x0  }
0x38e: {  	[sflag:s11] =	ssyncadd.s32 $0xFFFFFC00  }
0x38f: {  	_ =	swait.ge [sflag:s19], $0x4000  }
0x390: {  	[sflag:s19] =	ssyncset.done $0x0  }
0x391: {  	[sflag:s19] =	ssyncadd.s32 $0xFFFFC000  }
0x392: {  	[spmem:s2] =	stream.indirect.scatter.add.f32 [tilespmem:s15], [sflag:$0x5], $0x80, s23, s14, $0xb8;
	[tilespmem:$0x1DC08] =	vst v63  }
0x393: {  	_ =	swait.ge [sflag:s11], $0x4000  }
0x394: {  	[sflag:s11] =	ssyncset.done $0x0  }
0x395: {  	s24 =	simm.s32 $0x400;
	[sflag:s11] =	ssyncadd.s32 $0xFFFFC000  }
0x396: {  	[tilespmem:s15], [sflag:$0x3] =	stream.indirect.gather [hbm4b:s1+s14], $0x80, s24, s14, $0xb8;
	[tilespmem:$0x1DC08] =	vst v63  }
0x397: {  	_ = 	snop  }
0x398: {  	[spmem:s3] =	stream.indirect.scatter.add.f32 [tilespmem:s10], [sflag:$0x5], $0x8, s23, s14, $0xb8;
	[tilespmem:$0x1DC08] =	vst v63  }
0x399: {  	_ =	swait.ge [sflag:s11], $0x400  }
0x39a: {  	[sflag:s11] =	ssyncset.done $0x0  }
0x39b: {  	[sflag:s11] =	ssyncadd.s32 $0xFFFFFC00  }
0x39c: {  	_ =	swait.ge [sflag:s21], $0x4000  }
0x39d: {  	[sflag:s21] =	ssyncset.done $0x0  }
0x39e: {  	[sflag:s21] =	ssyncadd.s32 $0xFFFFC000  }
0x39f: {  	[spmem:s2] =	stream.indirect.scatter.add.f32 [tilespmem:s17], [sflag:$0x5], $0x80, s26, s14, $0xb8;
	[tilespmem:$0x1DC08] =	vst v63  }
0x3a0: {  	_ =	swait.ge [sflag:s11], $0x4000  }
0x3a1: {  	[sflag:s11] =	ssyncset.done $0x0  }
0x3a2: {  	s25 =	simm.s32 $0x500;
	[sflag:s11] =	ssyncadd.s32 $0xFFFFC000  }
0x3a3: {  	[tilespmem:s17], [sflag:$0x4] =	stream.indirect.gather [hbm4b:s1+s14], $0x80, s25, s14, $0xb8;
	[tilespmem:$0x1DC08] =	vst v63  }
0x3a4: {  	_ = 	snop  }
0x3a5: {  	[spmem:s3] =	stream.indirect.scatter.add.f32 [tilespmem:s10], [sflag:$0x5], $0x8, s26, s14, $0xb8;
	[tilespmem:$0x1DC08] =	vst v63  }
0x3a6: {  	_ =	swait.ge [sflag:s11], $0x400  }
0x3a7: {  	[sflag:s11] =	ssyncset.done $0x0  }
0x3a8: {  	[sflag:s11] =	ssyncadd.s32 $0xFFFFFC00  }
0x3a9: {  	_ =	swait.ge [sflag:s19], $0x4000  }
0x3aa: {  	[sflag:s19] =	ssyncset.done $0x0  }
0x3ab: {  	[sflag:s19] =	ssyncadd.s32 $0xFFFFC000  }
0x3ac: {  	[spmem:s2] =	stream.indirect.scatter.add.f32 [tilespmem:s15], [sflag:$0x5], $0x80, s29, s14, $0xb8;
	[tilespmem:$0x1DC08] =	vst v63  }
0x3ad: {  	_ =	swait.ge [sflag:s11], $0x4000  }
0x3ae: {  	[sflag:s11] =	ssyncset.done $0x0  }
0x3af: {  	[sflag:s11] =	ssyncadd.s32 $0xFFFFC000  }
0x3b0: {  	_ =	swait.ge [sflag:s30], $0x600  }
0x3b1: {  	[sflag:s30] =	ssyncset.done $0x0  }
0x3b2: {  	[sflag:s30] =	ssyncadd.s32 $0xFFFFFA00  }
0x3b3: {  	[tilespmem:s15], [sflag:$0x3] =	stream.indirect.gather [hbm4b:s1+s14], $0x80, s5, s14, $0xb8;
	[tilespmem:$0x1DC08] =	vst v63  }
0x3b4: {  	_ = 	snop  }
0x3b5: {  	[spmem:s3] =	stream.indirect.scatter.add.f32 [tilespmem:s10], [sflag:$0x5], $0x8, s29, s14, $0xb8;
	[tilespmem:$0x1DC08] =	vst v63  }
0x3b6: {  	s5 =	rddreg [dreg:$0x1f];
	_ =	swait.ge [sflag:s11], $0x400  }
0x3b7: {  	[sflag:s11] =	ssyncset.done $0x0  }
0x3b8: {  	[sflag:s11] =	ssyncadd.s32 $0xFFFFFC00  }
0x3b9: {  	_ =	swait.ge [sflag:s21], $0x4000  }
0x3ba: {  	[sflag:s21] =	ssyncset.done $0x0  }
0x3bb: {  	[sflag:s21] =	ssyncadd.s32 $0xFFFFC000  }
0x3bc: {  	[spmem:s2] =	stream.indirect.scatter.add.f32 [tilespmem:s17], [sflag:$0x5], $0x80, s31, s14, $0xb8;
	[tilespmem:$0x1DC08] =	vst v63  }
0x3bd: {  	_ =	swait.ge [sflag:s11], $0x4000  }
0x3be: {  	[sflag:s11] =	ssyncset.done $0x0  }
0x3bf: {  	s20 =	simm.s32 $0x700;
	[sflag:s11] =	ssyncadd.s32 $0xFFFFC000  }
0x3c0: {  	[tilespmem:s17], [sflag:$0x4] =	stream.indirect.gather [hbm4b:s1+s14], $0x80, s20, s14, $0xb8;
	[tilespmem:$0x1DC08] =	vst v63  }
0x3c1: {  	_ = 	snop  }
0x3c2: {  	[spmem:s3] =	stream.indirect.scatter.add.f32 [tilespmem:s10], [sflag:$0x5], $0x8, s31, s14, $0xb8;
	[tilespmem:$0x1DC08] =	vst v63  }
0x3c3: {  	_ =	swait.ge [sflag:s11], $0x400  }
0x3c4: {  	[sflag:s11] =	ssyncset.done $0x0  }
0x3c5: {  	s20 =	rddreg [dreg:$0x16];
	[sflag:s11] =	ssyncadd.s32 $0xFFFFFC00  }
0x3c6: {  	[tilespmem:s4], [sflag:$0x1] =	stream.linear.gather [hbm4b:s20+s4], $0x600, $0x38;
	[tilespmem:$0x1DC08] =	vst v63  }
0x3c7: {  	_ =	swait.ge [sflag:s19], $0x4000  }
0x3c8: {  	[sflag:s19] =	ssyncset.done $0x0  }
0x3c9: {  	[sflag:s19] =	ssyncadd.s32 $0xFFFFC000  }
0x3ca: {  	[spmem:s2] =	stream.indirect.scatter.add.f32 [tilespmem:s15], [sflag:$0x5], $0x80, s8, s14, $0xb8;
	[tilespmem:$0x1DC08] =	vst v63  }
0x3cb: {  	_ =	swait.ge [sflag:s11], $0x4000  }
0x3cc: {  	[sflag:s11] =	ssyncset.done $0x0  }
0x3cd: {  	s20 =	simm.s32 $0x800;
	[sflag:s11] =	ssyncadd.s32 $0xFFFFC000  }
0x3ce: {  	[tilespmem:s15], [sflag:$0x3] =	stream.indirect.gather [hbm4b:s1+s14], $0x80, s20, s14, $0xb8;
	[tilespmem:$0x1DC08] =	vst v63  }
0x3cf: {  	_ = 	snop  }
0x3d0: {  	[spmem:s3] =	stream.indirect.scatter.add.f32 [tilespmem:s10], [sflag:$0x5], $0x8, s8, s14, $0xb8;
	[tilespmem:$0x1DC08] =	vst v63  }
0x3d1: {  	_ =	swait.ge [sflag:s11], $0x400  }
0x3d2: {  	[sflag:s11] =	ssyncset.done $0x0  }
0x3d3: {  	[sflag:s11] =	ssyncadd.s32 $0xFFFFFC00  }
0x3d4: {  	_ =	swait.ge [sflag:s21], $0x4000  }
0x3d5: {  	[sflag:s21] =	ssyncset.done $0x0  }
0x3d6: {  	[sflag:s21] =	ssyncadd.s32 $0xFFFFC000  }
0x3d7: {  	[spmem:s2] =	stream.indirect.scatter.add.f32 [tilespmem:s17], [sflag:$0x5], $0x80, s13, s14, $0xb8;
	[tilespmem:$0x1DC08] =	vst v63  }
0x3d8: {  	_ =	swait.ge [sflag:s11], $0x4000  }
0x3d9: {  	[sflag:s11] =	ssyncset.done $0x0  }
0x3da: {  	s28 =	simm.s32 $0x900;
	[sflag:s11] =	ssyncadd.s32 $0xFFFFC000  }
0x3db: {  	[tilespmem:s17], [sflag:$0x4] =	stream.indirect.gather [hbm4b:s1+s14], $0x80, s28, s14, $0xb8;
	[tilespmem:$0x1DC08] =	vst v63  }
0x3dc: {  	_ = 	snop  }
0x3dd: {  	[spmem:s3] =	stream.indirect.scatter.add.f32 [tilespmem:s10], [sflag:$0x5], $0x8, s13, s14, $0xb8;
	[tilespmem:$0x1DC08] =	vst v63  }
0x3de: {  	_ =	swait.ge [sflag:s11], $0x400  }
0x3df: {  	[sflag:s11] =	ssyncset.done $0x0  }
0x3e0: {  	[sflag:s11] =	ssyncadd.s32 $0xFFFFFC00  }
0x3e1: {  	_ =	swait.ge [sflag:s19], $0x4000  }
0x3e2: {  	[sflag:s19] =	ssyncset.done $0x0  }
0x3e3: {  	[sflag:s19] =	ssyncadd.s32 $0xFFFFC000  }
0x3e4: {  	[spmem:s2] =	stream.indirect.scatter.add.f32 [tilespmem:s15], [sflag:$0x5], $0x80, s7, s14, $0xb8;
	[tilespmem:$0x1DC08] =	vst v63  }
0x3e5: {  	_ =	swait.ge [sflag:s11], $0x4000  }
0x3e6: {  	[sflag:s11] =	ssyncset.done $0x0  }
0x3e7: {  	s28 =	simm.s32 $0xA00;
	[sflag:s11] =	ssyncadd.s32 $0xFFFFC000  }
0x3e8: {  	[tilespmem:s15], [sflag:$0x3] =	stream.indirect.gather [hbm4b:s1+s14], $0x80, s28, s14, $0xb8;
	[tilespmem:$0x1DC08] =	vst v63  }
0x3e9: {  	_ = 	snop  }
0x3ea: {  	[spmem:s3] =	stream.indirect.scatter.add.f32 [tilespmem:s10], [sflag:$0x5], $0x8, s7, s14, $0xb8;
	[tilespmem:$0x1DC08] =	vst v63  }
0x3eb: {  	_ =	swait.ge [sflag:s11], $0x400  }
0x3ec: {  	[sflag:s11] =	ssyncset.done $0x0  }
0x3ed: {  	[sflag:s11] =	ssyncadd.s32 $0xFFFFFC00  }
0x3ee: {  	_ =	swait.ge [sflag:s21], $0x4000  }
0x3ef: {  	[sflag:s21] =	ssyncset.done $0x0  }
0x3f0: {  	[sflag:s21] =	ssyncadd.s32 $0xFFFFC000  }
0x3f1: {  	[spmem:s2] =	stream.indirect.scatter.add.f32 [tilespmem:s17], [sflag:$0x5], $0x80, s0, s14, $0xb8;
	[tilespmem:$0x1DC08] =	vst v63  }
0x3f2: {  	_ =	swait.ge [sflag:s11], $0x4000  }
0x3f3: {  	[sflag:s11] =	ssyncset.done $0x0  }
0x3f4: {  	s20 =	simm.s32 $0xB00;
	[sflag:s11] =	ssyncadd.s32 $0xFFFFC000  }
0x3f5: {  	[tilespmem:s17], [sflag:$0x4] =	stream.indirect.gather [hbm4b:s1+s14], $0x80, s20, s14, $0xb8;
	[tilespmem:$0x1DC08] =	vst v63  }
0x3f6: {  	_ = 	snop  }
0x3f7: {  	[spmem:s3] =	stream.indirect.scatter.add.f32 [tilespmem:s10], [sflag:$0x5], $0x8, s0, s14, $0xb8;
	[tilespmem:$0x1DC08] =	vst v63  }
0x3f8: {  	_ =	swait.ge [sflag:s11], $0x400  }
0x3f9: {  	[sflag:s11] =	ssyncset.done $0x0  }
0x3fa: {  	[sflag:s11] =	ssyncadd.s32 $0xFFFFFC00  }
0x3fb: {  	_ =	swait.ge [sflag:s19], $0x4000  }
0x3fc: {  	[sflag:s19] =	ssyncset.done $0x0  }
0x3fd: {  	[sflag:s19] =	ssyncadd.s32 $0xFFFFC000  }
0x3fe: {  	[spmem:s2] =	stream.indirect.scatter.add.f32 [tilespmem:s15], [sflag:$0x5], $0x80, s12, s14, $0xb8;
	[tilespmem:$0x1DC08] =	vst v63  }
0x3ff: {  	_ =	swait.ge [sflag:s11], $0x4000  }
0x400: {  	[sflag:s11] =	ssyncset.done $0x0  }
0x401: {  	[sflag:s11] =	ssyncadd.s32 $0xFFFFC000  }
0x402: {  	_ =	swait.ge [sflag:s6], $0x600  }
0x403: {  	[sflag:s6] =	ssyncset.done $0x0  }
0x404: {  	[sflag:s6] =	ssyncadd.s32 $0xFFFFFA00  }
0x405: {  	[tilespmem:s15], [sflag:$0x3] =	stream.indirect.gather [hbm4b:s1+s14], $0x80, s4, s14, $0xb8;
	[tilespmem:$0x1DC08] =	vst v63  }
0x406: {  	_ = 	snop  }
0x407: {  	[spmem:s3] =	stream.indirect.scatter.add.f32 [tilespmem:s10], [sflag:$0x5], $0x8, s12, s14, $0xb8;
	[tilespmem:$0x1DC08] =	vst v63  }
0x408: {  	_ =	swait.ge [sflag:s11], $0x400  }
0x409: {  	[sflag:s11] =	ssyncset.done $0x0  }
0x40a: {  	[sflag:s11] =	ssyncadd.s32 $0xFFFFFC00  }
0x40b: {  	_ =	swait.ge [sflag:s21], $0x4000  }
0x40c: {  	[sflag:s21] =	ssyncset.done $0x0  }
0x40d: {  	[sflag:s21] =	ssyncadd.s32 $0xFFFFC000  }
0x40e: {  	[spmem:s2] =	stream.indirect.scatter.add.f32 [tilespmem:s17], [sflag:$0x5], $0x80, s9, s14, $0xb8;
	[tilespmem:$0x1DC08] =	vst v63  }
0x40f: {  	_ =	swait.ge [sflag:s11], $0x4000  }
0x410: {  	[sflag:s11] =	ssyncset.done $0x0  }
0x411: {  	s28 =	simm.s32 $0x100;
	[sflag:s11] =	ssyncadd.s32 $0xFFFFC000  }
0x412: {  	[tilespmem:s17], [sflag:$0x4] =	stream.indirect.gather [hbm4b:s1+s14], $0x80, s28, s14, $0xb8;
	[tilespmem:$0x1DC08] =	vst v63  }
0x413: {  	_ = 	snop  }
0x414: {  	[spmem:s3] =	stream.indirect.scatter.add.f32 [tilespmem:s10], [sflag:$0x5], $0x8, s9, s14, $0xb8;
	[tilespmem:$0x1DC08] =	vst v63  }
0x415: {  	_ =	swait.ge [sflag:s11], $0x400  }
0x416: {  	[sflag:s11] =	ssyncset.done $0x0  }
0x417: {  	[sflag:s11] =	ssyncadd.s32 $0xFFFFFC00  }
0x418: {  	_ =	swait.ge [sflag:s19], $0x4000  }
0x419: {  	[sflag:s19] =	ssyncset.done $0x0  }
0x41a: {  	[sflag:s19] =	ssyncadd.s32 $0xFFFFC000  }
0x41b: {  	[spmem:s2] =	stream.indirect.scatter.add.f32 [tilespmem:s15], [sflag:$0x5], $0x80, s14, s14, $0xb8;
	[tilespmem:$0x1DC08] =	vst v63  }
0x41c: {  	_ =	swait.ge [sflag:s11], $0x4000  }
0x41d: {  	[sflag:s11] =	ssyncset.done $0x0  }
0x41e: {  	s18 =	simm.s32 $0x200;
	[sflag:s11] =	ssyncadd.s32 $0xFFFFC000  }
0x41f: {  	[tilespmem:s15], [sflag:$0x3] =	stream.indirect.gather [hbm4b:s1+s14], $0x80, s18, s14, $0xb8;
	[tilespmem:$0x1DC08] =	vst v63  }
0x420: {  	_ = 	snop  }
0x421: {  	[spmem:s3] =	stream.indirect.scatter.add.f32 [tilespmem:s10], [sflag:$0x5], $0x8, s14, s14, $0xb8;
	[tilespmem:$0x1DC08] =	vst v63  }
0x422: {  	_ =	swait.ge [sflag:s11], $0x400  }
0x423: {  	[sflag:s11] =	ssyncset.done $0x0  }
0x424: {  	[sflag:s11] =	ssyncadd.s32 $0xFFFFFC00  }
0x425: {  	_ =	swait.ge [sflag:s21], $0x4000  }
0x426: {  	[sflag:s21] =	ssyncset.done $0x0  }
0x427: {  	[sflag:s21] =	ssyncadd.s32 $0xFFFFC000  }
0x428: {  	[spmem:s2] =	stream.indirect.scatter.add.f32 [tilespmem:s17], [sflag:$0x5], $0x80, s16, s14, $0xb8;
	[tilespmem:$0x1DC08] =	vst v63  }
0x429: {  	_ =	swait.ge [sflag:s11], $0x4000  }
0x42a: {  	[sflag:s11] =	ssyncset.done $0x0  }
0x42b: {  	s22 =	simm.s32 $0x300;
	[sflag:s11] =	ssyncadd.s32 $0xFFFFC000  }
0x42c: {  	[tilespmem:s17], [sflag:$0x4] =	stream.indirect.gather [hbm4b:s1+s14], $0x80, s22, s14, $0xb8;
	[tilespmem:$0x1DC08] =	vst v63  }
0x42d: {  	_ = 	snop  }
0x42e: {  	[spmem:s3] =	stream.indirect.scatter.add.f32 [tilespmem:s10], [sflag:$0x5], $0x8, s16, s14, $0xb8;
	[tilespmem:$0x1DC08] =	vst v63  }
0x42f: {  	_ =	swait.ge [sflag:s11], $0x400  }
0x430: {  	[sflag:s11] =	ssyncset.done $0x0  }
0x431: {  	[sflag:s11] =	ssyncadd.s32 $0xFFFFFC00  }
0x432: {  	_ =	swait.ge [sflag:s19], $0x4000  }
0x433: {  	[sflag:s19] =	ssyncset.done $0x0  }
0x434: {  	[sflag:s19] =	ssyncadd.s32 $0xFFFFC000  }
0x435: {  	[spmem:s2] =	stream.indirect.scatter.add.f32 [tilespmem:s15], [sflag:$0x5], $0x80, s23, s14, $0xb8;
	[tilespmem:$0x1DC08] =	vst v63  }
0x436: {  	_ =	swait.ge [sflag:s11], $0x4000  }
0x437: {  	[sflag:s11] =	ssyncset.done $0x0  }
0x438: {  	s24 =	simm.s32 $0x400;
	[sflag:s11] =	ssyncadd.s32 $0xFFFFC000  }
0x439: {  	[tilespmem:s15], [sflag:$0x3] =	stream.indirect.gather [hbm4b:s1+s14], $0x80, s24, s14, $0xb8;
	[tilespmem:$0x1DC08] =	vst v63  }
0x43a: {  	_ = 	snop  }
0x43b: {  	[spmem:s3] =	stream.indirect.scatter.add.f32 [tilespmem:s10], [sflag:$0x5], $0x8, s23, s14, $0xb8;
	[tilespmem:$0x1DC08] =	vst v63  }
0x43c: {  	_ =	swait.ge [sflag:s11], $0x400  }
0x43d: {  	[sflag:s11] =	ssyncset.done $0x0  }
0x43e: {  	[sflag:s11] =	ssyncadd.s32 $0xFFFFFC00  }
0x43f: {  	_ =	swait.ge [sflag:s21], $0x4000  }
0x440: {  	[sflag:s21] =	ssyncset.done $0x0  }
0x441: {  	[sflag:s21] =	ssyncadd.s32 $0xFFFFC000  }
0x442: {  	[spmem:s2] =	stream.indirect.scatter.add.f32 [tilespmem:s17], [sflag:$0x5], $0x80, s26, s14, $0xb8;
	[tilespmem:$0x1DC08] =	vst v63  }
0x443: {  	_ =	swait.ge [sflag:s11], $0x4000  }
0x444: {  	[sflag:s11] =	ssyncset.done $0x0  }
0x445: {  	s25 =	simm.s32 $0x500;
	[sflag:s11] =	ssyncadd.s32 $0xFFFFC000  }
0x446: {  	[tilespmem:s17], [sflag:$0x4] =	stream.indirect.gather [hbm4b:s1+s14], $0x80, s25, s14, $0xb8;
	[tilespmem:$0x1DC08] =	vst v63  }
0x447: {  	_ = 	snop  }
0x448: {  	[spmem:s3] =	stream.indirect.scatter.add.f32 [tilespmem:s10], [sflag:$0x5], $0x8, s26, s14, $0xb8;
	[tilespmem:$0x1DC08] =	vst v63  }
0x449: {  	_ =	swait.ge [sflag:s11], $0x400  }
0x44a: {  	[sflag:s11] =	ssyncset.done $0x0  }
0x44b: {  	[sflag:s11] =	ssyncadd.s32 $0xFFFFFC00  }
0x44c: {  	_ =	swait.ge [sflag:s19], $0x4000  }
0x44d: {  	[sflag:s19] =	ssyncset.done $0x0  }
0x44e: {  	[sflag:s19] =	ssyncadd.s32 $0xFFFFC000  }
0x44f: {  	[spmem:s2] =	stream.indirect.scatter.add.f32 [tilespmem:s15], [sflag:$0x5], $0x80, s29, s14, $0xb8;
	[tilespmem:$0x1DC08] =	vst v63  }
0x450: {  	_ =	swait.ge [sflag:s11], $0x4000  }
0x451: {  	[sflag:s11] =	ssyncset.done $0x0  }
0x452: {  	[sflag:s11] =	ssyncadd.s32 $0xFFFFC000  }
0x453: {  	[spmem:s3] =	stream.indirect.scatter.add.f32 [tilespmem:s10], [sflag:$0x5], $0x8, s29, s14, $0xb8;
	[tilespmem:$0x1DC08] =	vst v63  }
0x454: {  	_ =	swait.ge [sflag:s11], $0x400  }
0x455: {  	[sflag:s11] =	ssyncset.done $0x0  }
0x456: {  	[sflag:s11] =	ssyncadd.s32 $0xFFFFFC00  }
0x457: {  	_ =	swait.ge [sflag:s21], $0x4000  }
0x458: {  	[sflag:s21] =	ssyncset.done $0x0  }
0x459: {  	[sflag:s21] =	ssyncadd.s32 $0xFFFFC000  }
0x45a: {  	[spmem:s2] =	stream.indirect.scatter.add.f32 [tilespmem:s17], [sflag:$0x5], $0x80, s31, s14, $0xb8;
	[tilespmem:$0x1DC08] =	vst v63  }
0x45b: {  	_ =	swait.ge [sflag:s11], $0x4000  }
0x45c: {  	[sflag:s11] =	ssyncset.done $0x0  }
0x45d: {  	[sflag:s11] =	ssyncadd.s32 $0xFFFFC000  }
0x45e: {  	[spmem:s3] =	stream.indirect.scatter.add.f32 [tilespmem:s10], [sflag:$0x5], $0x8, s31, s14, $0xb8;
	[tilespmem:$0x1DC08] =	vst v63  }
0x45f: {  	_ =	swait.ge [sflag:s11], $0x400  }
0x460: {  	[sflag:s11] =	ssyncset.done $0x0  }
0x461: {  	s7 =	rddreg [dreg:$0x17];
	[sflag:s11] =	ssyncadd.s32 $0xFFFFFC00  }
0x462: {  	[tilespmem:s4], [sflag:$0x5] =	stream.linear.gather [hbm4b:s7+s4], $0x400, $0x38;
	[tilespmem:$0x1DC08] =	vst v63  }
0x463: {  	_ =	swait.ge [sflag:s11], $0x400  }
0x464: {  	[sflag:s11] =	ssyncset.done $0x0  }
0x465: {  	s9 =	simm.s32 $0x10;
	s8 =	rddreg [dreg:$0x1a];
	[sflag:s11] =	ssyncadd.s32 $0xFFFFFC00  }
0x466: {  	[tilespmem:s15], [sflag:$0x3] =	stream.indirect.gather [hbm4b:s1+s9], $0x80, s8, s9, $0xb8;
	[tilespmem:$0x1DC08] =	vst v63  }
0x467: {  	_ =	swait.ge [sflag:s19], $0x800  }
0x468: {  	[sflag:s19] =	ssyncset.done $0x0  }
0x469: {  	s16 =	rddreg [dreg:$0x1b];
	[sflag:s19] =	ssyncadd.s32 $0xFFFFF800  }
0x46a: {  	[spmem:s2] =	stream.indirect.scatter.add.f32 [tilespmem:s15], [sflag:$0x5], $0x80, s16, s9, $0xb8;
	[tilespmem:$0x1DC08] =	vst v63  }
0x46b: {  	_ =	swait.ge [sflag:s11], $0x800  }
0x46c: {  	[sflag:s11] =	ssyncset.done $0x0  }
0x46d: {  	[sflag:s11] =	ssyncadd.s32 $0xFFFFF800  }
0x46e: {  	[spmem:s3] =	stream.indirect.scatter.add.f32 [tilespmem:s10], [sflag:$0x5], $0x8, s16, s9, $0xb8;
	[tilespmem:$0x1DC08] =	vst v63  }
0x46f: {  	_ =	swait.ge [sflag:s11], $0x80  }
0x470: {  	[sflag:s11] =	ssyncset.done $0x0  }
0x471: {  	[sflag:s11] =	ssyncadd.s32 $0xFFFFFF80  }
0x472: {  	[bflag:$0x0] =	sbarrier.arrive $0xFFFF  }
0x473: {  	s18 =	rddreg [dreg:$0x18]  }
0x474: {  	s22 =	rddreg [dreg:$0x1c]  }
0x475: {  	s24 =	rddreg [dreg:$0x1e]  }
0x476: {  	[hbm:s18], [sflag:s24] =	dma.local [spmem:s22], $0x2710  }
0x477: {  	_ =	swait.ge [sflag:s11], $0x2710  }
0x478: {  	p0 =	sne.s32 s5, $0x1;
	s25 =	rddreg [dreg:$0x19];
	[sflag:s11] =	ssyncset.done $0x0  }
.Ltmp0:
0x479: {  	s28 =	rddreg [dreg:$0x1d];
	[sflag:s11] =	ssyncadd.s32 $0xFFFFD8F0;
	(pc) =	sbr.rel @p0 .LBB2_1-.Ltmp0, $4  }
0x47a: {  	[hbm:s25@s9], [sflag:s24] =	dma.strided [spmem:s28@s6], $0x271, s6, $0x1   }
0x47b: {  	_ =	swait.ge [sflag:s11], $0x271  }
0x47c: {  	[sflag:s11] =	ssyncset.done $0x0  }
0x47d: {  	s5 =	sadd.s32 $0xFFFFFFFF, s5;
	[sflag:s11] =	ssyncadd.s32 $0xFFFFFD8F  }
0x47e: {  	_ =	sfence.sel $0x180000  }
0x47f: {  	[bflag:$0x0] =	sbarrier.arrive $0xFFFF  }
0x480: {  	_ =	strace $0x90000047  }
0x481: {  	s0 =	stileid.u32;
	[bflag:$0x2] =	sbarrier.arrive $0xFFFF  }
0x482: {  	p0 =	sne.s32 s0, $0x0;
	s0 =	rddreg [dreg:$0x6]  }
0x483: {  	s0 =	sadd.s32 @!p0 $0x100000, s0  }
0x484: {  	[sflag:s0] =	ssyncadd.tile.s32 @!p0 $0x1;
	_ =	shalt  }
.Lfunc_end2:
_tile_overlayer_lowered:
.L_overlay_start_2:
0x485: {  	(tag) =	ssettag $0x2  }
0x486: {  	s0 =	rddreg [dreg:$0x0];
	s2 =	stileid.u32  }
0x487: {  	s1 =	rddreg [dreg:$0x1];
	p0 =	sne.s32 s2, $0x0  }
0x488: {  	s3 =	rddreg [dreg:$0x2];
	[bflag:$0x3] =	sbarrier.arrive $0xFFFF;
	s2 =	simm.s32 @!p0 $0x1C05  }
0x489: {  	[timem:s3], [sflag:s2] =	dma.local @!p0 [hbm:s0], s1  }
0x48a: {  	s0 =	simm.s32 @!p0 $0x5  }
0x48b: {  	_ =	swait.ge @!p0 [sflag:s0], s1  }
0x48c: {  	s1 =	ssub.s32 @!p0 $0x0, s1;
	[sflag:s0] =	ssyncset.done @!p0 $0x0  }
0x48d: {  	[sflag:s0] =	ssyncadd.s32 @!p0 s1  }
0x48e: {  	[bflag:$0x3] =	sbarrier.arrive $0xFFFF  }
0x48f: {  	_ =	shalt  }

</sc_bundles>
